<compile_context>
chip_gen: v7x
topology: tpu7x:2x2x1
jax: 0.10.2.dev20260603
libtpu: 0.0.44.dev20260713+nightly
codegen_flags: <defaults>
</compile_context>

<pallas_src>
import functools

import jax
import jax.numpy as jnp
from jax import lax
from jax.experimental import pallas as pl
from jax.experimental.pallas import tpu as pltpu
from jax.experimental.pallas import tpu_sc as plsc

N_NODES = 10000
N_PAD = 10240
FSL = 128
N_EDGES = 160000
EDGE_K = 80


def _make_segsum(n_slabs, fsl):
  passes = n_slabs // 2
  e_tile = N_EDGES // 16
  chunks = e_tile // EDGE_K
  rows_t = N_PAD // 16
  nbuf = 2
  groups = chunks // nbuf

  mesh = plsc.VectorSubcoreMesh(core_axis_name="c", subcore_axis_name="s")

  @functools.partial(
      pl.kernel,
      out_type=jax.ShapeDtypeStruct((n_slabs, N_PAD, fsl), jnp.float32),
      mesh=mesh,
      scratch_types=[
          pltpu.VMEM((e_tile,), jnp.int32),
          pltpu.VMEM((chunks, EDGE_K), jnp.int32),
          pltpu.VMEM((nbuf, EDGE_K, fsl), jnp.float32),
          pltpu.VMEM_SHARED((N_PAD, fsl), jnp.float32),
      ] + [pltpu.SemaphoreType.DMA] * (2 * nbuf),
  )
  def seg(table_hbm, src_hbm, dst_hbm, out_hbm, src_v, dst_v, stg_v,
          acc_sh, *sems):
    gsem = sems[:nbuf]
    ssem = sems[nbuf:]
    c = lax.axis_index("c")
    s = lax.axis_index("s")
    pltpu.sync_copy(src_hbm.at[s], src_v)
    pltpu.sync_copy(dst_hbm.at[s], dst_v)
    def gather(slab, k, b, issue):
      d = pltpu.make_async_copy(
          table_hbm.at[slab].at[src_v.at[pl.ds(k * EDGE_K, EDGE_K)]],
          stg_v.at[b], gsem[b])
      d.start() if issue else d.wait()

    def scatter(k, b, issue):
      if issue:
        pltpu.async_copy(stg_v.at[b], acc_sh.at[dst_v.at[k]], ssem[b],
                         add=True)
      else:
        pltpu.make_async_copy(stg_v.at[b], acc_sh.at[dst_v.at[k]],
                              ssem[b]).wait()

    for p in range(passes):
      slab = c * passes + p
      zval = jnp.zeros((16,), jnp.float32)
      for r in range(16):
        for f in range(0, fsl, 16):
          stg_v[0, r, pl.ds(f, 16)] = zval

      @pl.loop(0, rows_t, step=16)
      def _(r0):
        pltpu.sync_copy(stg_v.at[0].at[pl.ds(0, 16)],
                        acc_sh.at[pl.ds(s * rows_t + r0, 16)])
      plsc.subcore_barrier()

      for b in range(nbuf):
        gather(slab, b, b, issue=True)

      @pl.loop(0, groups)
      def _(g):
        for b in range(nbuf):
          k = g * nbuf + b
          gather(slab, k, b, issue=False)
          scatter(k, b, issue=True)
          scatter(k, b, issue=False)
          @pl.when(k + nbuf < chunks)
          def _():
            gather(slab, k + nbuf, b, issue=True)
      for j in range(groups * nbuf, chunks):
        b = j % nbuf
        gather(slab, j, b, issue=False)
        scatter(j, b, issue=True)
        scatter(j, b, issue=False)
      plsc.subcore_barrier()

      pltpu.sync_copy(
          acc_sh.at[pl.ds(s * rows_t, rows_t)],
          out_hbm.at[slab].at[pl.ds(s * rows_t, rows_t)])
      if p + 1 < passes:
        plsc.subcore_barrier()

  return seg


_segsum2 = _make_segsum(2, 128)
_segsum4 = _make_segsum(4, 128)


def _mlp1(x, agg_s, W1a, b1a, W1b, b1b):
  tn = 1000

  def body(x_ref, a_ref, wa, ba, wb, bb, h_ref):
    a = x_ref[...] + jnp.concatenate([a_ref[0], a_ref[1]], axis=1)
    t = jnp.dot(a, wa[...], preferred_element_type=jnp.float32) + ba[...]
    t = jnp.maximum(t, 0.0)
    h = jnp.dot(t, wb[...], preferred_element_type=jnp.float32) + bb[...]
    h = jnp.maximum(h, 0.0)
    for j in range(4):
      h_ref[j] = h[:, j * FSL:(j + 1) * FSL]

  return pl.pallas_call(
      body,
      grid=(N_NODES // tn,),
      in_specs=[
          pl.BlockSpec((tn, 256), lambda i: (i, 0)),
          pl.BlockSpec((2, tn, FSL), lambda i: (0, i, 0)),
          pl.BlockSpec((256, 512), lambda i: (0, 0)),
          pl.BlockSpec((1, 512), lambda i: (0, 0)),
          pl.BlockSpec((512, 512), lambda i: (0, 0)),
          pl.BlockSpec((1, 512), lambda i: (0, 0)),
      ],
      out_specs=pl.BlockSpec((4, tn, FSL), lambda i: (0, i, 0)),
      out_shape=jax.ShapeDtypeStruct((4, N_NODES, FSL), jnp.float32),
  )(x, agg_s, W1a, b1a.reshape(1, -1), W1b, b1b.reshape(1, -1))


def _mlp2_pool(h, agg_s, W2a, b2a, W2b, b2b, fcW, fcb):
  tn = 1000
  nsteps = N_NODES // tn

  def body(h_ref, a_ref, wa, ba, wb, bb, fw, fb, o_ref, acc):
    i = pl.program_id(0)
    a = (jnp.concatenate([h_ref[j] for j in range(4)], axis=1)
         + jnp.concatenate([a_ref[j] for j in range(4)], axis=1))
    t = jnp.dot(a, wa[...], preferred_element_type=jnp.float32) + ba[...]
    t = jnp.maximum(t, 0.0)
    h2 = jnp.dot(t, wb[...], preferred_element_type=jnp.float32) + bb[...]
    h2 = jnp.maximum(h2, 0.0)
    part = jnp.sum(h2, axis=0, keepdims=True)

    @pl.when(i == 0)
    def _():
      acc[...] = part

    @pl.when(i > 0)
    def _():
      acc[...] = acc[...] + part

    @pl.when(i == nsteps - 1)
    def _():
      o_ref[...] = jnp.dot(
          acc[...], fw[...], preferred_element_type=jnp.float32) + fb[...]

  return pl.pallas_call(
      body,
      grid=(nsteps,),
      in_specs=[
          pl.BlockSpec((4, tn, FSL), lambda i: (0, i, 0)),
          pl.BlockSpec((4, tn, FSL), lambda i: (0, i, 0)),
          pl.BlockSpec((512, 512), lambda i: (0, 0)),
          pl.BlockSpec((1, 512), lambda i: (0, 0)),
          pl.BlockSpec((512, 512), lambda i: (0, 0)),
          pl.BlockSpec((1, 512), lambda i: (0, 0)),
          pl.BlockSpec((512, 256), lambda i: (0, 0)),
          pl.BlockSpec((1, 256), lambda i: (0, 0)),
      ],
      out_specs=pl.BlockSpec((1, 256), lambda i: (0, 0)),
      out_shape=jax.ShapeDtypeStruct((1, 256), jnp.float32),
      scratch_shapes=[pltpu.VMEM((1, 512), jnp.float32)],
  )(h, agg_s, W2a, b2a.reshape(1, -1), W2b, b2b.reshape(1, -1), fcW,
    fcb.reshape(1, -1))


def kernel(x, edge_index, W1a, b1a, W1b, b1b, W2a, b2a, W2b, b2b, fcW, fcb):
  src = edge_index[0].astype(jnp.int32).reshape(16, N_EDGES // 16)
  dst2 = edge_index[1].astype(jnp.int32).reshape(16, N_EDGES // 16 // EDGE_K,
                                                 EDGE_K)

  xs = x.reshape(N_NODES, 2, FSL).transpose(1, 0, 2)
  agg1 = _segsum2(xs, src, dst2)
  hs = _mlp1(x, agg1, W1a, b1a, W1b, b1b)
  agg2 = _segsum4(hs, src, dst2)
  emb = _mlp2_pool(hs, agg2, W2a, b2a, W2b, b2b, fcW, fcb)
  return emb.reshape(256)

# --- scband reference (transcript-rebuilt; emitter-appended) ---
"""Pipeline reference for scband-ginmodel-72593537237103 (READ-ONLY COPY).

The authoritative reference and input builder live on the scoring server;
editing this copy changes nothing except your own understanding.
"""

import jax, jax.numpy as jnp
import numpy as np

N_NODES = 10000
D_IN = 256
D_HID = 512
D_OUT = 256
N_EDGES = 160000


def setup_inputs(seed: int = 0) -> dict:
    key = jax.random.key(seed)
    ks = jax.random.split(key, 12)
    x = jax.random.normal(ks[0], (N_NODES, D_IN), dtype=jnp.float32)
    edge_index = jax.random.randint(ks[1], (2, N_EDGES), 0, N_NODES, dtype=jnp.int64 if jax.config.jax_enable_x64 else jnp.int32)
    def lin(k, fan_in, fan_out):
        bound = 1.0 / np.sqrt(fan_in)
        kw, kb = jax.random.split(k)
        W = jax.random.uniform(kw, (fan_in, fan_out), minval=-bound, maxval=bound, dtype=jnp.float32)
        b = jax.random.uniform(kb, (fan_out,), minval=-bound, maxval=bound, dtype=jnp.float32)
        return W, b
    W1a, b1a = lin(ks[2], D_IN, D_HID)
    W1b, b1b = lin(ks[3], D_HID, D_HID)
    W2a, b2a = lin(ks[4], D_HID, D_HID)
    W2b, b2b = lin(ks[5], D_HID, D_HID)
    fcW, fcb = lin(ks[6], D_HID, D_OUT)
    return {"x": x, "edge_index": edge_index,
            "W1a": W1a, "b1a": b1a, "W1b": W1b, "b1b": b1b,
            "W2a": W2a, "b2a": b2a, "W2b": W2b, "b2b": b2b,
            "fcW": fcW, "fcb": fcb}


def reference(x, edge_index, W1a, b1a, W1b, b1b, W2a, b2a, W2b, b2b, fcW, fcb):
    N = x.shape[0]
    src = edge_index[0]
    dst = edge_index[1]
    # GINConv 1: out = MLP((1+eps)*x + sum_{j in N(i)} x_j), eps=0 (PyG default)
    agg1 = jax.ops.segment_sum(jnp.take(x, src, axis=0), dst, num_segments=N)
    h = x + agg1
    h = jax.nn.relu(h @ W1a + b1a)
    h = jax.nn.relu(h @ W1b + b1b)
    # GINConv 2
    agg2 = jax.ops.segment_sum(jnp.take(h, src, axis=0), dst, num_segments=N)
    h2 = h + agg2
    h2 = jax.nn.relu(h2 @ W2a + b2a)
    h2 = jax.nn.relu(h2 @ W2b + b2b)
    # global sum pooling over nodes then final linear
    pooled = jnp.sum(h2, axis=0)
    embedding = pooled @ fcW + fcb
    return embedding

if __name__ == "__main__":
    import jax
    _d = setup_inputs()
    print(jax.jit(kernel)(*tuple(_d.values())))

</pallas_src>

<mosaic_0001>
#map = affine_map<(d0, d1) -> (0, 0, 0)>
#map1 = affine_map<(d0, d1) -> (0, 0)>
module attributes {stable_mosaic.version = 14 : i64} {
  func.func @seg(%arg0: i32, %arg1: i32, %arg2: memref<2x10000x128xf32, #tpu.memory_space<hbm>>, %arg3: memref<16x10000xi32, #tpu.memory_space<hbm>>, %arg4: memref<16x125x80xi32, #tpu.memory_space<hbm>>, %arg5: memref<2x10240x128xf32, #tpu.memory_space<hbm>>, %arg6: memref<10000xi32, #tpu.memory_space<vmem>>, %arg7: memref<125x80xi32, #tpu.memory_space<vmem>>, %arg8: memref<2x80x128xf32, #tpu.memory_space<vmem>>, %arg9: memref<10240x128xf32, #tpu.memory_space<vmem_shared>>, %arg10: memref<!tpu.dma_semaphore, #tpu.memory_space<semaphore_mem>>, %arg11: memref<!tpu.dma_semaphore, #tpu.memory_space<semaphore_mem>>, %arg12: memref<!tpu.dma_semaphore, #tpu.memory_space<semaphore_mem>>, %arg13: memref<!tpu.dma_semaphore, #tpu.memory_space<semaphore_mem>>) attributes {dimension_semantics = [#tpu.dimension_semantics<core_parallel>, #tpu.dimension_semantics<subcore_parallel>], iteration_bounds = array<i64: 2, 16>, scalar_prefetch = 0 : i64, scratch_operands = 8 : i64, tpu.core_type = #tpu.core_type<sc_vector_subcore>, window_params = [{transform_indices = #map}, {transform_indices = #map1}, {transform_indices = #map}, {transform_indices = #map}]} {
    "tpu.region"() ({
      %run_scoped3A = tpu.sem_alloc : memref<!tpu.dma_semaphore, #tpu.memory_space<semaphore_mem>>
      %dma_start3A_1104 = arith.constant 0 : i32
      %dma_start3A_1105 = tpu.memref_slice %arg3[%arg1, %dma_start3A_1104] : memref<16x10000xi32, #tpu.memory_space<hbm>> -> memref<1x10000xi32, #tpu.memory_space<hbm>>
      %dma_start3A_1106 = tpu.memref_squeeze %dma_start3A_1105 : memref<1x10000xi32, #tpu.memory_space<hbm>> -> memref<10000xi32, #tpu.memory_space<hbm>>
      %dma_start3A_1107 = arith.constant 0 : i32
      %dma_start3A_1108 = tpu.memref_slice %arg3[%arg1, %dma_start3A_1107] : memref<16x10000xi32, #tpu.memory_space<hbm>> -> memref<1x10000xi32, #tpu.memory_space<hbm>>
      %dma_start3A_1109 = tpu.memref_squeeze %dma_start3A_1108 : memref<1x10000xi32, #tpu.memory_space<hbm>> -> memref<10000xi32, #tpu.memory_space<hbm>>
      tpu.enqueue_dma source(%dma_start3A_1109 : memref<10000xi32, #tpu.memory_space<hbm>>) target(%arg6 : memref<10000xi32, #tpu.memory_space<vmem>>) target_semaphore(%run_scoped3A : memref<!tpu.dma_semaphore, #tpu.memory_space<semaphore_mem>>)
      %dma_wait3A_1110 = arith.constant 0 : i32
      %dma_wait3A_1111 = tpu.memref_slice %arg3[%arg1, %dma_wait3A_1110] : memref<16x10000xi32, #tpu.memory_space<hbm>> -> memref<1x10000xi32, #tpu.memory_space<hbm>>
      %dma_wait3A_1112 = tpu.memref_squeeze %dma_wait3A_1111 : memref<1x10000xi32, #tpu.memory_space<hbm>> -> memref<10000xi32, #tpu.memory_space<hbm>>
      %dma_wait3A_1113 = arith.constant 0 : i32
      %dma_wait3A_1114 = tpu.memref_slice %arg3[%arg1, %dma_wait3A_1113] : memref<16x10000xi32, #tpu.memory_space<hbm>> -> memref<1x10000xi32, #tpu.memory_space<hbm>>
      %dma_wait3A_1115 = tpu.memref_squeeze %dma_wait3A_1114 : memref<1x10000xi32, #tpu.memory_space<hbm>> -> memref<10000xi32, #tpu.memory_space<hbm>>
      tpu.wait_dma2 semaphore(%run_scoped3A : memref<!tpu.dma_semaphore, #tpu.memory_space<semaphore_mem>>) src(%dma_wait3A_1115 : memref<10000xi32, #tpu.memory_space<hbm>>) dst(%arg6 : memref<10000xi32, #tpu.memory_space<vmem>>)
      tpu.yield
    }) : () -> ()
    "tpu.region"() ({
      %run_scoped3A = tpu.sem_alloc : memref<!tpu.dma_semaphore, #tpu.memory_space<semaphore_mem>>
      %dma_start3A_1104 = arith.constant 0 : i32
      %dma_start3A_1105 = arith.constant 0 : i32
      %dma_start3A_1106 = tpu.memref_slice %arg4[%arg1, %dma_start3A_1104, %dma_start3A_1105] : memref<16x125x80xi32, #tpu.memory_space<hbm>> -> memref<1x125x80xi32, #tpu.memory_space<hbm>>
      %dma_start3A_1107 = tpu.memref_squeeze %dma_start3A_1106 : memref<1x125x80xi32, #tpu.memory_space<hbm>> -> memref<125x80xi32, #tpu.memory_space<hbm>>
      %dma_start3A_1108 = arith.constant 0 : i32
      %dma_start3A_1109 = arith.constant 0 : i32
      %dma_start3A_1110 = tpu.memref_slice %arg4[%arg1, %dma_start3A_1108, %dma_start3A_1109] : memref<16x125x80xi32, #tpu.memory_space<hbm>> -> memref<1x125x80xi32, #tpu.memory_space<hbm>>
      %dma_start3A_1111 = tpu.memref_squeeze %dma_start3A_1110 : memref<1x125x80xi32, #tpu.memory_space<hbm>> -> memref<125x80xi32, #tpu.memory_space<hbm>>
      tpu.enqueue_dma source(%dma_start3A_1111 : memref<125x80xi32, #tpu.memory_space<hbm>>) target(%arg7 : memref<125x80xi32, #tpu.memory_space<vmem>>) target_semaphore(%run_scoped3A : memref<!tpu.dma_semaphore, #tpu.memory_space<semaphore_mem>>)
      %dma_wait3A_1112 = arith.constant 0 : i32
      %dma_wait3A_1113 = arith.constant 0 : i32
      %dma_wait3A_1114 = tpu.memref_slice %arg4[%arg1, %dma_wait3A_1112, %dma_wait3A_1113] : memref<16x125x80xi32, #tpu.memory_space<hbm>> -> memref<1x125x80xi32, #tpu.memory_space<hbm>>
      %dma_wait3A_1115 = tpu.memref_squeeze %dma_wait3A_1114 : memref<1x125x80xi32, #tpu.memory_space<hbm>> -> memref<125x80xi32, #tpu.memory_space<hbm>>
      %dma_wait3A_1116 = arith.constant 0 : i32
      %dma_wait3A_1117 = arith.constant 0 : i32
      %dma_wait3A_1118 = tpu.memref_slice %arg4[%arg1, %dma_wait3A_1116, %dma_wait3A_1117] : memref<16x125x80xi32, #tpu.memory_space<hbm>> -> memref<1x125x80xi32, #tpu.memory_space<hbm>>
      %dma_wait3A_1119 = tpu.memref_squeeze %dma_wait3A_1118 : memref<1x125x80xi32, #tpu.memory_space<hbm>> -> memref<125x80xi32, #tpu.memory_space<hbm>>
      tpu.wait_dma2 semaphore(%run_scoped3A : memref<!tpu.dma_semaphore, #tpu.memory_space<semaphore_mem>>) src(%dma_wait3A_1119 : memref<125x80xi32, #tpu.memory_space<hbm>>) dst(%arg7 : memref<125x80xi32, #tpu.memory_space<vmem>>)
      tpu.yield
    }) : () -> ()
    %mul3A = arith.constant 1 : i32
    %mul3A_0 = arith.muli %arg0, %mul3A : i32
    %add3A = arith.constant 0 : i32
    %add3A_1 = arith.addi %mul3A_0, %add3A : i32
    %broadcast_in_dim3A = arith.constant 0.000000e+00 : f32
    %broadcast_in_dim3A_2 = vector.broadcast %broadcast_in_dim3A : f32 to vector<16xf32>
    %swap3A = arith.constant 0 : i32
    %swap3A_3 = arith.constant 0 : i32
    %swap3A_4 = arith.index_cast %swap3A : i32 to index
    %swap3A_5 = arith.index_cast %swap3A_3 : i32 to index
    %swap3A_6 = arith.constant 0 : index
    %swap3A_7 = tpu.vector_load %arg8[%swap3A_4, %swap3A_5, %swap3A_6] {strides = array<i32>} : memref<2x80x128xf32, #tpu.memory_space<vmem>>, vector<1x1x16xf32>,
    %swap3A_8 = vector.shape_cast %swap3A_7 : vector<1x1x16xf32> to vector<16xf32>
    %swap3A_9 = vector.shape_cast %broadcast_in_dim3A_2 : vector<16xf32> to vector<1x1x16xf32>
    tpu.vector_store %arg8[%swap3A_4, %swap3A_5, %swap3A_6], %swap3A_9 {strides = array<i32>} : memref<2x80x128xf32, #tpu.memory_space<vmem>>, vector<1x1x16xf32>,
    %swap3A_10 = arith.constant 0 : i32
    %swap3A_11 = arith.constant 0 : i32
    %swap3A_12 = arith.index_cast %swap3A_10 : i32 to index
    %swap3A_13 = arith.index_cast %swap3A_11 : i32 to index
    %swap3A_14 = arith.constant 16 : index
    %swap3A_15 = tpu.vector_load %arg8[%swap3A_12, %swap3A_13, %swap3A_14] {strides = array<i32>} : memref<2x80x128xf32, #tpu.memory_space<vmem>>, vector<1x1x16xf32>,
    %swap3A_16 = vector.shape_cast %swap3A_15 : vector<1x1x16xf32> to vector<16xf32>
    %swap3A_17 = vector.shape_cast %broadcast_in_dim3A_2 : vector<16xf32> to vector<1x1x16xf32>
    tpu.vector_store %arg8[%swap3A_12, %swap3A_13, %swap3A_14], %swap3A_17 {strides = array<i32>} : memref<2x80x128xf32, #tpu.memory_space<vmem>>, vector<1x1x16xf32>,
    %swap3A_18 = arith.constant 0 : i32
    %swap3A_19 = arith.constant 0 : i32
    %swap3A_20 = arith.index_cast %swap3A_18 : i32 to index
    %swap3A_21 = arith.index_cast %swap3A_19 : i32 to index
    %swap3A_22 = arith.constant 32 : index
    %swap3A_23 = tpu.vector_load %arg8[%swap3A_20, %swap3A_21, %swap3A_22] {strides = array<i32>} : memref<2x80x128xf32, #tpu.memory_space<vmem>>, vector<1x1x16xf32>,
    %swap3A_24 = vector.shape_cast %swap3A_23 : vector<1x1x16xf32> to vector<16xf32>
    %swap3A_25 = vector.shape_cast %broadcast_in_dim3A_2 : vector<16xf32> to vector<1x1x16xf32>
    tpu.vector_store %arg8[%swap3A_20, %swap3A_21, %swap3A_22], %swap3A_25 {strides = array<i32>} : memref<2x80x128xf32, #tpu.memory_space<vmem>>, vector<1x1x16xf32>,
    %swap3A_26 = arith.constant 0 : i32
    %swap3A_27 = arith.constant 0 : i32
    %swap3A_28 = arith.index_cast %swap3A_26 : i32 to index
    %swap3A_29 = arith.index_cast %swap3A_27 : i32 to index
    %swap3A_30 = arith.constant 48 : index
    %swap3A_31 = tpu.vector_load %arg8[%swap3A_28, %swap3A_29, %swap3A_30] {strides = array<i32>} : memref<2x80x128xf32, #tpu.memory_space<vmem>>, vector<1x1x16xf32>,
    %swap3A_32 = vector.shape_cast %swap3A_31 : vector<1x1x16xf32> to vector<16xf32>
    %swap3A_33 = vector.shape_cast %broadcast_in_dim3A_2 : vector<16xf32> to vector<1x1x16xf32>
    tpu.vector_store %arg8[%swap3A_28, %swap3A_29, %swap3A_30], %swap3A_33 {strides = array<i32>} : memref<2x80x128xf32, #tpu.memory_space<vmem>>, vector<1x1x16xf32>,
    %swap3A_34 = arith.constant 0 : i32
    %swap3A_35 = arith.constant 0 : i32
    %swap3A_36 = arith.index_cast %swap3A_34 : i32 to index
    %swap3A_37 = arith.index_cast %swap3A_35 : i32 to index
    %swap3A_38 = arith.constant 64 : index
    %swap3A_39 = tpu.vector_load %arg8[%swap3A_36, %swap3A_37, %swap3A_38] {strides = array<i32>} : memref<2x80x128xf32, #tpu.memory_space<vmem>>, vector<1x1x16xf32>,
    %swap3A_40 = vector.shape_cast %swap3A_39 : vector<1x1x16xf32> to vector<16xf32>
    %swap3A_41 = vector.shape_cast %broadcast_in_dim3A_2 : vector<16xf32> to vector<1x1x16xf32>
    tpu.vector_store %arg8[%swap3A_36, %swap3A_37, %swap3A_38], %swap3A_41 {strides = array<i32>} : memref<2x80x128xf32, #tpu.memory_space<vmem>>, vector<1x1x16xf32>,
    %swap3A_42 = arith.constant 0 : i32
    %swap3A_43 = arith.constant 0 : i32
    %swap3A_44 = arith.index_cast %swap3A_42 : i32 to index
    %swap3A_45 = arith.index_cast %swap3A_43 : i32 to index
    %swap3A_46 = arith.constant 80 : index
    %swap3A_47 = tpu.vector_load %arg8[%swap3A_44, %swap3A_45, %swap3A_46] {strides = array<i32>} : memref<2x80x128xf32, #tpu.memory_space<vmem>>, vector<1x1x16xf32>,
    %swap3A_48 = vector.shape_cast %swap3A_47 : vector<1x1x16xf32> to vector<16xf32>
    %swap3A_49 = vector.shape_cast %broadcast_in_dim3A_2 : vector<16xf32> to vector<1x1x16xf32>
    tpu.vector_store %arg8[%swap3A_44, %swap3A_45, %swap3A_46], %swap3A_49 {strides = array<i32>} : memref<2x80x128xf32, #tpu.memory_space<vmem>>, vector<1x1x16xf32>,
    %swap3A_50 = arith.constant 0 : i32
    %swap3A_51 = arith.constant 0 : i32
    %swap3A_52 = arith.index_cast %swap3A_50 : i32 to index
    %swap3A_53 = arith.index_cast %swap3A_51 : i32 to index
    %swap3A_54 = arith.constant 96 : index
    %swap3A_55 = tpu.vector_load %arg8[%swap3A_52, %swap3A_53, %swap3A_54] {strides = array<i32>} : memref<2x80x128xf32, #tpu.memory_space<vmem>>, vector<1x1x16xf32>,
    %swap3A_56 = vector.shape_cast %swap3A_55 : vector<1x1x16xf32> to vector<16xf32>
    %swap3A_57 = vector.shape_cast %broadcast_in_dim3A_2 : vector<16xf32> to vector<1x1x16xf32>
    tpu.vector_store %arg8[%swap3A_52, %swap3A_53, %swap3A_54], %swap3A_57 {strides = array<i32>} : memref<2x80x128xf32, #tpu.memory_space<vmem>>, vector<1x1x16xf32>,
    %swap3A_58 = arith.constant 0 : i32
    %swap3A_59 = arith.constant 0 : i32
    %swap3A_60 = arith.index_cast %swap3A_58 : i32 to index
    %swap3A_61 = arith.index_cast %swap3A_59 : i32 to index
    %swap3A_62 = arith.constant 112 : index
    %swap3A_63 = tpu.vector_load %arg8[%swap3A_60, %swap3A_61, %swap3A_62] {strides = array<i32>} : memref<2x80x128xf32, #tpu.memory_space<vmem>>, vector<1x1x16xf32>,
    %swap3A_64 = vector.shape_cast %swap3A_63 : vector<1x1x16xf32> to vector<16xf32>
    %swap3A_65 = vector.shape_cast %broadcast_in_dim3A_2 : vector<16xf32> to vector<1x1x16xf32>
    tpu.vector_store %arg8[%swap3A_60, %swap3A_61, %swap3A_62], %swap3A_65 {strides = array<i32>} : memref<2x80x128xf32, #tpu.memory_space<vmem>>, vector<1x1x16xf32>,
    %swap3A_66 = arith.constant 0 : i32
    %swap3A_67 = arith.constant 1 : i32
    %swap3A_68 = arith.index_cast %swap3A_66 : i32 to index
    %swap3A_69 = arith.index_cast %swap3A_67 : i32 to index
    %swap3A_70 = arith.constant 0 : index
    %swap3A_71 = tpu.vector_load %arg8[%swap3A_68, %swap3A_69, %swap3A_70] {strides = array<i32>} : memref<2x80x128xf32, #tpu.memory_space<vmem>>, vector<1x1x16xf32>,
    %swap3A_72 = vector.shape_cast %swap3A_71 : vector<1x1x16xf32> to vector<16xf32>
    %swap3A_73 = vector.shape_cast %broadcast_in_dim3A_2 : vector<16xf32> to vector<1x1x16xf32>
    tpu.vector_store %arg8[%swap3A_68, %swap3A_69, %swap3A_70], %swap3A_73 {strides = array<i32>} : memref<2x80x128xf32, #tpu.memory_space<vmem>>, vector<1x1x16xf32>,
    %swap3A_74 = arith.constant 0 : i32
    %swap3A_75 = arith.constant 1 : i32
    %swap3A_76 = arith.index_cast %swap3A_74 : i32 to index
    %swap3A_77 = arith.index_cast %swap3A_75 : i32 to index
    %swap3A_78 = arith.constant 16 : index
    %swap3A_79 = tpu.vector_load %arg8[%swap3A_76, %swap3A_77, %swap3A_78] {strides = array<i32>} : memref<2x80x128xf32, #tpu.memory_space<vmem>>, vector<1x1x16xf32>,
    %swap3A_80 = vector.shape_cast %swap3A_79 : vector<1x1x16xf32> to vector<16xf32>
    %swap3A_81 = vector.shape_cast %broadcast_in_dim3A_2 : vector<16xf32> to vector<1x1x16xf32>
    tpu.vector_store %arg8[%swap3A_76, %swap3A_77, %swap3A_78], %swap3A_81 {strides = array<i32>} : memref<2x80x128xf32, #tpu.memory_space<vmem>>, vector<1x1x16xf32>,
    %swap3A_82 = arith.constant 0 : i32
    %swap3A_83 = arith.constant 1 : i32
    %swap3A_84 = arith.index_cast %swap3A_82 : i32 to index
    %swap3A_85 = arith.index_cast %swap3A_83 : i32 to index
    %swap3A_86 = arith.constant 32 : index
    %swap3A_87 = tpu.vector_load %arg8[%swap3A_84, %swap3A_85, %swap3A_86] {strides = array<i32>} : memref<2x80x128xf32, #tpu.memory_space<vmem>>, vector<1x1x16xf32>,
    %swap3A_88 = vector.shape_cast %swap3A_87 : vector<1x1x16xf32> to vector<16xf32>
    %swap3A_89 = vector.shape_cast %broadcast_in_dim3A_2 : vector<16xf32> to vector<1x1x16xf32>
    tpu.vector_store %arg8[%swap3A_84, %swap3A_85, %swap3A_86], %swap3A_89 {strides = array<i32>} : memref<2x80x128xf32, #tpu.memory_space<vmem>>, vector<1x1x16xf32>,
    %swap3A_90 = arith.constant 0 : i32
    %swap3A_91 = arith.constant 1 : i32
    %swap3A_92 = arith.index_cast %swap3A_90 : i32 to index
    %swap3A_93 = arith.index_cast %swap3A_91 : i32 to index
    %swap3A_94 = arith.constant 48 : index
    %swap3A_95 = tpu.vector_load %arg8[%swap3A_92, %swap3A_93, %swap3A_94] {strides = array<i32>} : memref<2x80x128xf32, #tpu.memory_space<vmem>>, vector<1x1x16xf32>,
    %swap3A_96 = vector.shape_cast %swap3A_95 : vector<1x1x16xf32> to vector<16xf32>
    %swap3A_97 = vector.shape_cast %broadcast_in_dim3A_2 : vector<16xf32> to vector<1x1x16xf32>
    tpu.vector_store %arg8[%swap3A_92, %swap3A_93, %swap3A_94], %swap3A_97 {strides = array<i32>} : memref<2x80x128xf32, #tpu.memory_space<vmem>>, vector<1x1x16xf32>,
    %swap3A_98 = arith.constant 0 : i32
    %swap3A_99 = arith.constant 1 : i32
    %swap3A_100 = arith.index_cast %swap3A_98 : i32 to index
    %swap3A_101 = arith.index_cast %swap3A_99 : i32 to index
    %swap3A_102 = arith.constant 64 : index
    %swap3A_103 = tpu.vector_load %arg8[%swap3A_100, %swap3A_101, %swap3A_102] {strides = array<i32>} : memref<2x80x128xf32, #tpu.memory_space<vmem>>, vector<1x1x16xf32>,
    %swap3A_104 = vector.shape_cast %swap3A_103 : vector<1x1x16xf32> to vector<16xf32>
    %swap3A_105 = vector.shape_cast %broadcast_in_dim3A_2 : vector<16xf32> to vector<1x1x16xf32>
    tpu.vector_store %arg8[%swap3A_100, %swap3A_101, %swap3A_102], %swap3A_105 {strides = array<i32>} : memref<2x80x128xf32, #tpu.memory_space<vmem>>, vector<1x1x16xf32>,
    %swap3A_106 = arith.constant 0 : i32
    %swap3A_107 = arith.constant 1 : i32
    %swap3A_108 = arith.index_cast %swap3A_106 : i32 to index
    %swap3A_109 = arith.index_cast %swap3A_107 : i32 to index
    %swap3A_110 = arith.constant 80 : index
    %swap3A_111 = tpu.vector_load %arg8[%swap3A_108, %swap3A_109, %swap3A_110] {strides = array<i32>} : memref<2x80x128xf32, #tpu.memory_space<vmem>>, vector<1x1x16xf32>,
    %swap3A_112 = vector.shape_cast %swap3A_111 : vector<1x1x16xf32> to vector<16xf32>
    %swap3A_113 = vector.shape_cast %broadcast_in_dim3A_2 : vector<16xf32> to vector<1x1x16xf32>
    tpu.vector_store %arg8[%swap3A_108, %swap3A_109, %swap3A_110], %swap3A_113 {strides = array<i32>} : memref<2x80x128xf32, #tpu.memory_space<vmem>>, vector<1x1x16xf32>,
    %swap3A_114 = arith.constant 0 : i32
    %swap3A_115 = arith.constant 1 : i32
    %swap3A_116 = arith.index_cast %swap3A_114 : i32 to index
    %swap3A_117 = arith.index_cast %swap3A_115 : i32 to index
    %swap3A_118 = arith.constant 96 : index
    %swap3A_119 = tpu.vector_load %arg8[%swap3A_116, %swap3A_117, %swap3A_118] {strides = array<i32>} : memref<2x80x128xf32, #tpu.memory_space<vmem>>, vector<1x1x16xf32>,
    %swap3A_120 = vector.shape_cast %swap3A_119 : vector<1x1x16xf32> to vector<16xf32>
    %swap3A_121 = vector.shape_cast %broadcast_in_dim3A_2 : vector<16xf32> to vector<1x1x16xf32>
    tpu.vector_store %arg8[%swap3A_116, %swap3A_117, %swap3A_118], %swap3A_121 {strides = array<i32>} : memref<2x80x128xf32, #tpu.memory_space<vmem>>, vector<1x1x16xf32>,
    %swap3A_122 = arith.constant 0 : i32
    %swap3A_123 = arith.constant 1 : i32
    %swap3A_124 = arith.index_cast %swap3A_122 : i32 to index
    %swap3A_125 = arith.index_cast %swap3A_123 : i32 to index
    %swap3A_126 = arith.constant 112 : index
    %swap3A_127 = tpu.vector_load %arg8[%swap3A_124, %swap3A_125, %swap3A_126] {strides = array<i32>} : memref<2x80x128xf32, #tpu.memory_space<vmem>>, vector<1x1x16xf32>,
    %swap3A_128 = vector.shape_cast %swap3A_127 : vector<1x1x16xf32> to vector<16xf32>
    %swap3A_129 = vector.shape_cast %broadcast_in_dim3A_2 : vector<16xf32> to vector<1x1x16xf32>
    tpu.vector_store %arg8[%swap3A_124, %swap3A_125, %swap3A_126], %swap3A_129 {strides = array<i32>} : memref<2x80x128xf32, #tpu.memory_space<vmem>>, vector<1x1x16xf32>,
    %swap3A_130 = arith.constant 0 : i32
    %swap3A_131 = arith.constant 2 : i32
    %swap3A_132 = arith.index_cast %swap3A_130 : i32 to index
    %swap3A_133 = arith.index_cast %swap3A_131 : i32 to index
    %swap3A_134 = arith.constant 0 : index
    %swap3A_135 = tpu.vector_load %arg8[%swap3A_132, %swap3A_133, %swap3A_134] {strides = array<i32>} : memref<2x80x128xf32, #tpu.memory_space<vmem>>, vector<1x1x16xf32>,
    %swap3A_136 = vector.shape_cast %swap3A_135 : vector<1x1x16xf32> to vector<16xf32>
    %swap3A_137 = vector.shape_cast %broadcast_in_dim3A_2 : vector<16xf32> to vector<1x1x16xf32>
    tpu.vector_store %arg8[%swap3A_132, %swap3A_133, %swap3A_134], %swap3A_137 {strides = array<i32>} : memref<2x80x128xf32, #tpu.memory_space<vmem>>, vector<1x1x16xf32>,
    %swap3A_138 = arith.constant 0 : i32
    %swap3A_139 = arith.constant 2 : i32
    %swap3A_140 = arith.index_cast %swap3A_138 : i32 to index
    %swap3A_141 = arith.index_cast %swap3A_139 : i32 to index
    %swap3A_142 = arith.constant 16 : index
    %swap3A_143 = tpu.vector_load %arg8[%swap3A_140, %swap3A_141, %swap3A_142] {strides = array<i32>} : memref<2x80x128xf32, #tpu.memory_space<vmem>>, vector<1x1x16xf32>,
    %swap3A_144 = vector.shape_cast %swap3A_143 : vector<1x1x16xf32> to vector<16xf32>
    %swap3A_145 = vector.shape_cast %broadcast_in_dim3A_2 : vector<16xf32> to vector<1x1x16xf32>
    tpu.vector_store %arg8[%swap3A_140, %swap3A_141, %swap3A_142], %swap3A_145 {strides = array<i32>} : memref<2x80x128xf32, #tpu.memory_space<vmem>>, vector<1x1x16xf32>,
    %swap3A_146 = arith.constant 0 : i32
    %swap3A_147 = arith.constant 2 : i32
    %swap3A_148 = arith.index_cast %swap3A_146 : i32 to index
    %swap3A_149 = arith.index_cast %swap3A_147 : i32 to index
    %swap3A_150 = arith.constant 32 : index
    %swap3A_151 = tpu.vector_load %arg8[%swap3A_148, %swap3A_149, %swap3A_150] {strides = array<i32>} : memref<2x80x128xf32, #tpu.memory_space<vmem>>, vector<1x1x16xf32>,
    %swap3A_152 = vector.shape_cast %swap3A_151 : vector<1x1x16xf32> to vector<16xf32>
    %swap3A_153 = vector.shape_cast %broadcast_in_dim3A_2 : vector<16xf32> to vector<1x1x16xf32>
    tpu.vector_store %arg8[%swap3A_148, %swap3A_149, %swap3A_150], %swap3A_153 {strides = array<i32>} : memref<2x80x128xf32, #tpu.memory_space<vmem>>, vector<1x1x16xf32>,
    %swap3A_154 = arith.constant 0 : i32
    %swap3A_155 = arith.constant 2 : i32
    %swap3A_156 = arith.index_cast %swap3A_154 : i32 to index
    %swap3A_157 = arith.index_cast %swap3A_155 : i32 to index
    %swap3A_158 = arith.constant 48 : index
    %swap3A_159 = tpu.vector_load %arg8[%swap3A_156, %swap3A_157, %swap3A_158] {strides = array<i32>} : memref<2x80x128xf32, #tpu.memory_space<vmem>>, vector<1x1x16xf32>,
    %swap3A_160 = vector.shape_cast %swap3A_159 : vector<1x1x16xf32> to vector<16xf32>
    %swap3A_161 = vector.shape_cast %broadcast_in_dim3A_2 : vector<16xf32> to vector<1x1x16xf32>
    tpu.vector_store %arg8[%swap3A_156, %swap3A_157, %swap3A_158], %swap3A_161 {strides = array<i32>} : memref<2x80x128xf32, #tpu.memory_space<vmem>>, vector<1x1x16xf32>,
    %swap3A_162 = arith.constant 0 : i32
    %swap3A_163 = arith.constant 2 : i32
    %swap3A_164 = arith.index_cast %swap3A_162 : i32 to index
    %swap3A_165 = arith.index_cast %swap3A_163 : i32 to index
    %swap3A_166 = arith.constant 64 : index
    %swap3A_167 = tpu.vector_load %arg8[%swap3A_164, %swap3A_165, %swap3A_166] {strides = array<i32>} : memref<2x80x128xf32, #tpu.memory_space<vmem>>, vector<1x1x16xf32>,
    %swap3A_168 = vector.shape_cast %swap3A_167 : vector<1x1x16xf32> to vector<16xf32>
    %swap3A_169 = vector.shape_cast %broadcast_in_dim3A_2 : vector<16xf32> to vector<1x1x16xf32>
    tpu.vector_store %arg8[%swap3A_164, %swap3A_165, %swap3A_166], %swap3A_169 {strides = array<i32>} : memref<2x80x128xf32, #tpu.memory_space<vmem>>, vector<1x1x16xf32>,
    %swap3A_170 = arith.constant 0 : i32
    %swap3A_171 = arith.constant 2 : i32
    %swap3A_172 = arith.index_cast %swap3A_170 : i32 to index
    %swap3A_173 = arith.index_cast %swap3A_171 : i32 to index
    %swap3A_174 = arith.constant 80 : index
    %swap3A_175 = tpu.vector_load %arg8[%swap3A_172, %swap3A_173, %swap3A_174] {strides = array<i32>} : memref<2x80x128xf32, #tpu.memory_space<vmem>>, vector<1x1x16xf32>,
    %swap3A_176 = vector.shape_cast %swap3A_175 : vector<1x1x16xf32> to vector<16xf32>
    %swap3A_177 = vector.shape_cast %broadcast_in_dim3A_2 : vector<16xf32> to vector<1x1x16xf32>
    tpu.vector_store %arg8[%swap3A_172, %swap3A_173, %swap3A_174], %swap3A_177 {strides = array<i32>} : memref<2x80x128xf32, #tpu.memory_space<vmem>>, vector<1x1x16xf32>,
    %swap3A_178 = arith.constant 0 : i32
    %swap3A_179 = arith.constant 2 : i32
    %swap3A_180 = arith.index_cast %swap3A_178 : i32 to index
    %swap3A_181 = arith.index_cast %swap3A_179 : i32 to index
    %swap3A_182 = arith.constant 96 : index
    %swap3A_183 = tpu.vector_load %arg8[%swap3A_180, %swap3A_181, %swap3A_182] {strides = array<i32>} : memref<2x80x128xf32, #tpu.memory_space<vmem>>, vector<1x1x16xf32>,
    %swap3A_184 = vector.shape_cast %swap3A_183 : vector<1x1x16xf32> to vector<16xf32>
    %swap3A_185 = vector.shape_cast %broadcast_in_dim3A_2 : vector<16xf32> to vector<1x1x16xf32>
    tpu.vector_store %arg8[%swap3A_180, %swap3A_181, %swap3A_182], %swap3A_185 {strides = array<i32>} : memref<2x80x128xf32, #tpu.memory_space<vmem>>, vector<1x1x16xf32>,
    %swap3A_186 = arith.constant 0 : i32
    %swap3A_187 = arith.constant 2 : i32
    %swap3A_188 = arith.index_cast %swap3A_186 : i32 to index
    %swap3A_189 = arith.index_cast %swap3A_187 : i32 to index
    %swap3A_190 = arith.constant 112 : index
    %swap3A_191 = tpu.vector_load %arg8[%swap3A_188, %swap3A_189, %swap3A_190] {strides = array<i32>} : memref<2x80x128xf32, #tpu.memory_space<vmem>>, vector<1x1x16xf32>,
    %swap3A_192 = vector.shape_cast %swap3A_191 : vector<1x1x16xf32> to vector<16xf32>
    %swap3A_193 = vector.shape_cast %broadcast_in_dim3A_2 : vector<16xf32> to vector<1x1x16xf32>
    tpu.vector_store %arg8[%swap3A_188, %swap3A_189, %swap3A_190], %swap3A_193 {strides = array<i32>} : memref<2x80x128xf32, #tpu.memory_space<vmem>>, vector<1x1x16xf32>,
    %swap3A_194 = arith.constant 0 : i32
    %swap3A_195 = arith.constant 3 : i32
    %swap3A_196 = arith.index_cast %swap3A_194 : i32 to index
    %swap3A_197 = arith.index_cast %swap3A_195 : i32 to index
    %swap3A_198 = arith.constant 0 : index
    %swap3A_199 = tpu.vector_load %arg8[%swap3A_196, %swap3A_197, %swap3A_198] {strides = array<i32>} : memref<2x80x128xf32, #tpu.memory_space<vmem>>, vector<1x1x16xf32>,
    %swap3A_200 = vector.shape_cast %swap3A_199 : vector<1x1x16xf32> to vector<16xf32>
    %swap3A_201 = vector.shape_cast %broadcast_in_dim3A_2 : vector<16xf32> to vector<1x1x16xf32>
    tpu.vector_store %arg8[%swap3A_196, %swap3A_197, %swap3A_198], %swap3A_201 {strides = array<i32>} : memref<2x80x128xf32, #tpu.memory_space<vmem>>, vector<1x1x16xf32>,
    %swap3A_202 = arith.constant 0 : i32
    %swap3A_203 = arith.constant 3 : i32
    %swap3A_204 = arith.index_cast %swap3A_202 : i32 to index
    %swap3A_205 = arith.index_cast %swap3A_203 : i32 to index
    %swap3A_206 = arith.constant 16 : index
    %swap3A_207 = tpu.vector_load %arg8[%swap3A_204, %swap3A_205, %swap3A_206] {strides = array<i32>} : memref<2x80x128xf32, #tpu.memory_space<vmem>>, vector<1x1x16xf32>,
    %swap3A_208 = vector.shape_cast %swap3A_207 : vector<1x1x16xf32> to vector<16xf32>
    %swap3A_209 = vector.shape_cast %broadcast_in_dim3A_2 : vector<16xf32> to vector<1x1x16xf32>
    tpu.vector_store %arg8[%swap3A_204, %swap3A_205, %swap3A_206], %swap3A_209 {strides = array<i32>} : memref<2x80x128xf32, #tpu.memory_space<vmem>>, vector<1x1x16xf32>,
    %swap3A_210 = arith.constant 0 : i32
    %swap3A_211 = arith.constant 3 : i32
    %swap3A_212 = arith.index_cast %swap3A_210 : i32 to index
    %swap3A_213 = arith.index_cast %swap3A_211 : i32 to index
    %swap3A_214 = arith.constant 32 : index
    %swap3A_215 = tpu.vector_load %arg8[%swap3A_212, %swap3A_213, %swap3A_214] {strides = array<i32>} : memref<2x80x128xf32, #tpu.memory_space<vmem>>, vector<1x1x16xf32>,
    %swap3A_216 = vector.shape_cast %swap3A_215 : vector<1x1x16xf32> to vector<16xf32>
    %swap3A_217 = vector.shape_cast %broadcast_in_dim3A_2 : vector<16xf32> to vector<1x1x16xf32>
    tpu.vector_store %arg8[%swap3A_212, %swap3A_213, %swap3A_214], %swap3A_217 {strides = array<i32>} : memref<2x80x128xf32, #tpu.memory_space<vmem>>, vector<1x1x16xf32>,
    %swap3A_218 = arith.constant 0 : i32
    %swap3A_219 = arith.constant 3 : i32
    %swap3A_220 = arith.index_cast %swap3A_218 : i32 to index
    %swap3A_221 = arith.index_cast %swap3A_219 : i32 to index
    %swap3A_222 = arith.constant 48 : index
    %swap3A_223 = tpu.vector_load %arg8[%swap3A_220, %swap3A_221, %swap3A_222] {strides = array<i32>} : memref<2x80x128xf32, #tpu.memory_space<vmem>>, vector<1x1x16xf32>,
    %swap3A_224 = vector.shape_cast %swap3A_223 : vector<1x1x16xf32> to vector<16xf32>
    %swap3A_225 = vector.shape_cast %broadcast_in_dim3A_2 : vector<16xf32> to vector<1x1x16xf32>
    tpu.vector_store %arg8[%swap3A_220, %swap3A_221, %swap3A_222], %swap3A_225 {strides = array<i32>} : memref<2x80x128xf32, #tpu.memory_space<vmem>>, vector<1x1x16xf32>,
    %swap3A_226 = arith.constant 0 : i32
    %swap3A_227 = arith.constant 3 : i32
    %swap3A_228 = arith.index_cast %swap3A_226 : i32 to index
    %swap3A_229 = arith.index_cast %swap3A_227 : i32 to index
    %swap3A_230 = arith.constant 64 : index
    %swap3A_231 = tpu.vector_load %arg8[%swap3A_228, %swap3A_229, %swap3A_230] {strides = array<i32>} : memref<2x80x128xf32, #tpu.memory_space<vmem>>, vector<1x1x16xf32>,
    %swap3A_232 = vector.shape_cast %swap3A_231 : vector<1x1x16xf32> to vector<16xf32>
    %swap3A_233 = vector.shape_cast %broadcast_in_dim3A_2 : vector<16xf32> to vector<1x1x16xf32>
    tpu.vector_store %arg8[%swap3A_228, %swap3A_229, %swap3A_230], %swap3A_233 {strides = array<i32>} : memref<2x80x128xf32, #tpu.memory_space<vmem>>, vector<1x1x16xf32>,
    %swap3A_234 = arith.constant 0 : i32
    %swap3A_235 = arith.constant 3 : i32
    %swap3A_236 = arith.index_cast %swap3A_234 : i32 to index
    %swap3A_237 = arith.index_cast %swap3A_235 : i32 to index
    %swap3A_238 = arith.constant 80 : index
    %swap3A_239 = tpu.vector_load %arg8[%swap3A_236, %swap3A_237, %swap3A_238] {strides = array<i32>} : memref<2x80x128xf32, #tpu.memory_space<vmem>>, vector<1x1x16xf32>,
    %swap3A_240 = vector.shape_cast %swap3A_239 : vector<1x1x16xf32> to vector<16xf32>
    %swap3A_241 = vector.shape_cast %broadcast_in_dim3A_2 : vector<16xf32> to vector<1x1x16xf32>
    tpu.vector_store %arg8[%swap3A_236, %swap3A_237, %swap3A_238], %swap3A_241 {strides = array<i32>} : memref<2x80x128xf32, #tpu.memory_space<vmem>>, vector<1x1x16xf32>,
    %swap3A_242 = arith.constant 0 : i32
    %swap3A_243 = arith.constant 3 : i32
    %swap3A_244 = arith.index_cast %swap3A_242 : i32 to index
    %swap3A_245 = arith.index_cast %swap3A_243 : i32 to index
    %swap3A_246 = arith.constant 96 : index
    %swap3A_247 = tpu.vector_load %arg8[%swap3A_244, %swap3A_245, %swap3A_246] {strides = array<i32>} : memref<2x80x128xf32, #tpu.memory_space<vmem>>, vector<1x1x16xf32>,
    %swap3A_248 = vector.shape_cast %swap3A_247 : vector<1x1x16xf32> to vector<16xf32>
    %swap3A_249 = vector.shape_cast %broadcast_in_dim3A_2 : vector<16xf32> to vector<1x1x16xf32>
    tpu.vector_store %arg8[%swap3A_244, %swap3A_245, %swap3A_246], %swap3A_249 {strides = array<i32>} : memref<2x80x128xf32, #tpu.memory_space<vmem>>, vector<1x1x16xf32>,
    %swap3A_250 = arith.constant 0 : i32
    %swap3A_251 = arith.constant 3 : i32
    %swap3A_252 = arith.index_cast %swap3A_250 : i32 to index
    %swap3A_253 = arith.index_cast %swap3A_251 : i32 to index
    %swap3A_254 = arith.constant 112 : index
    %swap3A_255 = tpu.vector_load %arg8[%swap3A_252, %swap3A_253, %swap3A_254] {strides = array<i32>} : memref<2x80x128xf32, #tpu.memory_space<vmem>>, vector<1x1x16xf32>,
    %swap3A_256 = vector.shape_cast %swap3A_255 : vector<1x1x16xf32> to vector<16xf32>
    %swap3A_257 = vector.shape_cast %broadcast_in_dim3A_2 : vector<16xf32> to vector<1x1x16xf32>
    tpu.vector_store %arg8[%swap3A_252, %swap3A_253, %swap3A_254], %swap3A_257 {strides = array<i32>} : memref<2x80x128xf32, #tpu.memory_space<vmem>>, vector<1x1x16xf32>,
    %swap3A_258 = arith.constant 0 : i32
    %swap3A_259 = arith.constant 4 : i32
    %swap3A_260 = arith.index_cast %swap3A_258 : i32 to index
    %swap3A_261 = arith.index_cast %swap3A_259 : i32 to index
    %swap3A_262 = arith.constant 0 : index
    %swap3A_263 = tpu.vector_load %arg8[%swap3A_260, %swap3A_261, %swap3A_262] {strides = array<i32>} : memref<2x80x128xf32, #tpu.memory_space<vmem>>, vector<1x1x16xf32>,
    %swap3A_264 = vector.shape_cast %swap3A_263 : vector<1x1x16xf32> to vector<16xf32>
    %swap3A_265 = vector.shape_cast %broadcast_in_dim3A_2 : vector<16xf32> to vector<1x1x16xf32>
    tpu.vector_store %arg8[%swap3A_260, %swap3A_261, %swap3A_262], %swap3A_265 {strides = array<i32>} : memref<2x80x128xf32, #tpu.memory_space<vmem>>, vector<1x1x16xf32>,
    %swap3A_266 = arith.constant 0 : i32
    %swap3A_267 = arith.constant 4 : i32
    %swap3A_268 = arith.index_cast %swap3A_266 : i32 to index
    %swap3A_269 = arith.index_cast %swap3A_267 : i32 to index
    %swap3A_270 = arith.constant 16 : index
    %swap3A_271 = tpu.vector_load %arg8[%swap3A_268, %swap3A_269, %swap3A_270] {strides = array<i32>} : memref<2x80x128xf32, #tpu.memory_space<vmem>>, vector<1x1x16xf32>,
    %swap3A_272 = vector.shape_cast %swap3A_271 : vector<1x1x16xf32> to vector<16xf32>
    %swap3A_273 = vector.shape_cast %broadcast_in_dim3A_2 : vector<16xf32> to vector<1x1x16xf32>
    tpu.vector_store %arg8[%swap3A_268, %swap3A_269, %swap3A_270], %swap3A_273 {strides = array<i32>} : memref<2x80x128xf32, #tpu.memory_space<vmem>>, vector<1x1x16xf32>,
    %swap3A_274 = arith.constant 0 : i32
    %swap3A_275 = arith.constant 4 : i32
    %swap3A_276 = arith.index_cast %swap3A_274 : i32 to index
    %swap3A_277 = arith.index_cast %swap3A_275 : i32 to index
    %swap3A_278 = arith.constant 32 : index
    %swap3A_279 = tpu.vector_load %arg8[%swap3A_276, %swap3A_277, %swap3A_278] {strides = array<i32>} : memref<2x80x128xf32, #tpu.memory_space<vmem>>, vector<1x1x16xf32>,
    %swap3A_280 = vector.shape_cast %swap3A_279 : vector<1x1x16xf32> to vector<16xf32>
    %swap3A_281 = vector.shape_cast %broadcast_in_dim3A_2 : vector<16xf32> to vector<1x1x16xf32>
    tpu.vector_store %arg8[%swap3A_276, %swap3A_277, %swap3A_278], %swap3A_281 {strides = array<i32>} : memref<2x80x128xf32, #tpu.memory_space<vmem>>, vector<1x1x16xf32>,
    %swap3A_282 = arith.constant 0 : i32
    %swap3A_283 = arith.constant 4 : i32
    %swap3A_284 = arith.index_cast %swap3A_282 : i32 to index
    %swap3A_285 = arith.index_cast %swap3A_283 : i32 to index
    %swap3A_286 = arith.constant 48 : index
    %swap3A_287 = tpu.vector_load %arg8[%swap3A_284, %swap3A_285, %swap3A_286] {strides = array<i32>} : memref<2x80x128xf32, #tpu.memory_space<vmem>>, vector<1x1x16xf32>,
    %swap3A_288 = vector.shape_cast %swap3A_287 : vector<1x1x16xf32> to vector<16xf32>
    %swap3A_289 = vector.shape_cast %broadcast_in_dim3A_2 : vector<16xf32> to vector<1x1x16xf32>
    tpu.vector_store %arg8[%swap3A_284, %swap3A_285, %swap3A_286], %swap3A_289 {strides = array<i32>} : memref<2x80x128xf32, #tpu.memory_space<vmem>>, vector<1x1x16xf32>,
    %swap3A_290 = arith.constant 0 : i32
    %swap3A_291 = arith.constant 4 : i32
    %swap3A_292 = arith.index_cast %swap3A_290 : i32 to index
    %swap3A_293 = arith.index_cast %swap3A_291 : i32 to index
    %swap3A_294 = arith.constant 64 : index
    %swap3A_295 = tpu.vector_load %arg8[%swap3A_292, %swap3A_293, %swap3A_294] {strides = array<i32>} : memref<2x80x128xf32, #tpu.memory_space<vmem>>, vector<1x1x16xf32>,
    %swap3A_296 = vector.shape_cast %swap3A_295 : vector<1x1x16xf32> to vector<16xf32>
    %swap3A_297 = vector.shape_cast %broadcast_in_dim3A_2 : vector<16xf32> to vector<1x1x16xf32>
    tpu.vector_store %arg8[%swap3A_292, %swap3A_293, %swap3A_294], %swap3A_297 {strides = array<i32>} : memref<2x80x128xf32, #tpu.memory_space<vmem>>, vector<1x1x16xf32>,
    %swap3A_298 = arith.constant 0 : i32
    %swap3A_299 = arith.constant 4 : i32
    %swap3A_300 = arith.index_cast %swap3A_298 : i32 to index
    %swap3A_301 = arith.index_cast %swap3A_299 : i32 to index
    %swap3A_302 = arith.constant 80 : index
    %swap3A_303 = tpu.vector_load %arg8[%swap3A_300, %swap3A_301, %swap3A_302] {strides = array<i32>} : memref<2x80x128xf32, #tpu.memory_space<vmem>>, vector<1x1x16xf32>,
    %swap3A_304 = vector.shape_cast %swap3A_303 : vector<1x1x16xf32> to vector<16xf32>
    %swap3A_305 = vector.shape_cast %broadcast_in_dim3A_2 : vector<16xf32> to vector<1x1x16xf32>
    tpu.vector_store %arg8[%swap3A_300, %swap3A_301, %swap3A_302], %swap3A_305 {strides = array<i32>} : memref<2x80x128xf32, #tpu.memory_space<vmem>>, vector<1x1x16xf32>,
    %swap3A_306 = arith.constant 0 : i32
    %swap3A_307 = arith.constant 4 : i32
    %swap3A_308 = arith.index_cast %swap3A_306 : i32 to index
    %swap3A_309 = arith.index_cast %swap3A_307 : i32 to index
    %swap3A_310 = arith.constant 96 : index
    %swap3A_311 = tpu.vector_load %arg8[%swap3A_308, %swap3A_309, %swap3A_310] {strides = array<i32>} : memref<2x80x128xf32, #tpu.memory_space<vmem>>, vector<1x1x16xf32>,
    %swap3A_312 = vector.shape_cast %swap3A_311 : vector<1x1x16xf32> to vector<16xf32>
    %swap3A_313 = vector.shape_cast %broadcast_in_dim3A_2 : vector<16xf32> to vector<1x1x16xf32>
    tpu.vector_store %arg8[%swap3A_308, %swap3A_309, %swap3A_310], %swap3A_313 {strides = array<i32>} : memref<2x80x128xf32, #tpu.memory_space<vmem>>, vector<1x1x16xf32>,
    %swap3A_314 = arith.constant 0 : i32
    %swap3A_315 = arith.constant 4 : i32
    %swap3A_316 = arith.index_cast %swap3A_314 : i32 to index
    %swap3A_317 = arith.index_cast %swap3A_315 : i32 to index
    %swap3A_318 = arith.constant 112 : index
    %swap3A_319 = tpu.vector_load %arg8[%swap3A_316, %swap3A_317, %swap3A_318] {strides = array<i32>} : memref<2x80x128xf32, #tpu.memory_space<vmem>>, vector<1x1x16xf32>,
    %swap3A_320 = vector.shape_cast %swap3A_319 : vector<1x1x16xf32> to vector<16xf32>
    %swap3A_321 = vector.shape_cast %broadcast_in_dim3A_2 : vector<16xf32> to vector<1x1x16xf32>
    tpu.vector_store %arg8[%swap3A_316, %swap3A_317, %swap3A_318], %swap3A_321 {strides = array<i32>} : memref<2x80x128xf32, #tpu.memory_space<vmem>>, vector<1x1x16xf32>,
    %swap3A_322 = arith.constant 0 : i32
    %swap3A_323 = arith.constant 5 : i32
    %swap3A_324 = arith.index_cast %swap3A_322 : i32 to index
    %swap3A_325 = arith.index_cast %swap3A_323 : i32 to index
    %swap3A_326 = arith.constant 0 : index
    %swap3A_327 = tpu.vector_load %arg8[%swap3A_324, %swap3A_325, %swap3A_326] {strides = array<i32>} : memref<2x80x128xf32, #tpu.memory_space<vmem>>, vector<1x1x16xf32>,
    %swap3A_328 = vector.shape_cast %swap3A_327 : vector<1x1x16xf32> to vector<16xf32>
    %swap3A_329 = vector.shape_cast %broadcast_in_dim3A_2 : vector<16xf32> to vector<1x1x16xf32>
    tpu.vector_store %arg8[%swap3A_324, %swap3A_325, %swap3A_326], %swap3A_329 {strides = array<i32>} : memref<2x80x128xf32, #tpu.memory_space<vmem>>, vector<1x1x16xf32>,
    %swap3A_330 = arith.constant 0 : i32
    %swap3A_331 = arith.constant 5 : i32
    %swap3A_332 = arith.index_cast %swap3A_330 : i32 to index
    %swap3A_333 = arith.index_cast %swap3A_331 : i32 to index
    %swap3A_334 = arith.constant 16 : index
    %swap3A_335 = tpu.vector_load %arg8[%swap3A_332, %swap3A_333, %swap3A_334] {strides = array<i32>} : memref<2x80x128xf32, #tpu.memory_space<vmem>>, vector<1x1x16xf32>,
    %swap3A_336 = vector.shape_cast %swap3A_335 : vector<1x1x16xf32> to vector<16xf32>
    %swap3A_337 = vector.shape_cast %broadcast_in_dim3A_2 : vector<16xf32> to vector<1x1x16xf32>
    tpu.vector_store %arg8[%swap3A_332, %swap3A_333, %swap3A_334], %swap3A_337 {strides = array<i32>} : memref<2x80x128xf32, #tpu.memory_space<vmem>>, vector<1x1x16xf32>,
    %swap3A_338 = arith.constant 0 : i32
    %swap3A_339 = arith.constant 5 : i32
    %swap3A_340 = arith.index_cast %swap3A_338 : i32 to index
    %swap3A_341 = arith.index_cast %swap3A_339 : i32 to index
    %swap3A_342 = arith.constant 32 : index
    %swap3A_343 = tpu.vector_load %arg8[%swap3A_340, %swap3A_341, %swap3A_342] {strides = array<i32>} : memref<2x80x128xf32, #tpu.memory_space<vmem>>, vector<1x1x16xf32>,
    %swap3A_344 = vector.shape_cast %swap3A_343 : vector<1x1x16xf32> to vector<16xf32>
    %swap3A_345 = vector.shape_cast %broadcast_in_dim3A_2 : vector<16xf32> to vector<1x1x16xf32>
    tpu.vector_store %arg8[%swap3A_340, %swap3A_341, %swap3A_342], %swap3A_345 {strides = array<i32>} : memref<2x80x128xf32, #tpu.memory_space<vmem>>, vector<1x1x16xf32>,
    %swap3A_346 = arith.constant 0 : i32
    %swap3A_347 = arith.constant 5 : i32
    %swap3A_348 = arith.index_cast %swap3A_346 : i32 to index
    %swap3A_349 = arith.index_cast %swap3A_347 : i32 to index
    %swap3A_350 = arith.constant 48 : index
    %swap3A_351 = tpu.vector_load %arg8[%swap3A_348, %swap3A_349, %swap3A_350] {strides = array<i32>} : memref<2x80x128xf32, #tpu.memory_space<vmem>>, vector<1x1x16xf32>,
    %swap3A_352 = vector.shape_cast %swap3A_351 : vector<1x1x16xf32> to vector<16xf32>
    %swap3A_353 = vector.shape_cast %broadcast_in_dim3A_2 : vector<16xf32> to vector<1x1x16xf32>
    tpu.vector_store %arg8[%swap3A_348, %swap3A_349, %swap3A_350], %swap3A_353 {strides = array<i32>} : memref<2x80x128xf32, #tpu.memory_space<vmem>>, vector<1x1x16xf32>,
    %swap3A_354 = arith.constant 0 : i32
    %swap3A_355 = arith.constant 5 : i32
    %swap3A_356 = arith.index_cast %swap3A_354 : i32 to index
    %swap3A_357 = arith.index_cast %swap3A_355 : i32 to index
    %swap3A_358 = arith.constant 64 : index
    %swap3A_359 = tpu.vector_load %arg8[%swap3A_356, %swap3A_357, %swap3A_358] {strides = array<i32>} : memref<2x80x128xf32, #tpu.memory_space<vmem>>, vector<1x1x16xf32>,
    %swap3A_360 = vector.shape_cast %swap3A_359 : vector<1x1x16xf32> to vector<16xf32>
    %swap3A_361 = vector.shape_cast %broadcast_in_dim3A_2 : vector<16xf32> to vector<1x1x16xf32>
    tpu.vector_store %arg8[%swap3A_356, %swap3A_357, %swap3A_358], %swap3A_361 {strides = array<i32>} : memref<2x80x128xf32, #tpu.memory_space<vmem>>, vector<1x1x16xf32>,
    %swap3A_362 = arith.constant 0 : i32
    %swap3A_363 = arith.constant 5 : i32
    %swap3A_364 = arith.index_cast %swap3A_362 : i32 to index
    %swap3A_365 = arith.index_cast %swap3A_363 : i32 to index
    %swap3A_366 = arith.constant 80 : index
    %swap3A_367 = tpu.vector_load %arg8[%swap3A_364, %swap3A_365, %swap3A_366] {strides = array<i32>} : memref<2x80x128xf32, #tpu.memory_space<vmem>>, vector<1x1x16xf32>,
    %swap3A_368 = vector.shape_cast %swap3A_367 : vector<1x1x16xf32> to vector<16xf32>
    %swap3A_369 = vector.shape_cast %broadcast_in_dim3A_2 : vector<16xf32> to vector<1x1x16xf32>
    tpu.vector_store %arg8[%swap3A_364, %swap3A_365, %swap3A_366], %swap3A_369 {strides = array<i32>} : memref<2x80x128xf32, #tpu.memory_space<vmem>>, vector<1x1x16xf32>,
    %swap3A_370 = arith.constant 0 : i32
    %swap3A_371 = arith.constant 5 : i32
    %swap3A_372 = arith.index_cast %swap3A_370 : i32 to index
    %swap3A_373 = arith.index_cast %swap3A_371 : i32 to index
    %swap3A_374 = arith.constant 96 : index
    %swap3A_375 = tpu.vector_load %arg8[%swap3A_372, %swap3A_373, %swap3A_374] {strides = array<i32>} : memref<2x80x128xf32, #tpu.memory_space<vmem>>, vector<1x1x16xf32>,
    %swap3A_376 = vector.shape_cast %swap3A_375 : vector<1x1x16xf32> to vector<16xf32>
    %swap3A_377 = vector.shape_cast %broadcast_in_dim3A_2 : vector<16xf32> to vector<1x1x16xf32>
    tpu.vector_store %arg8[%swap3A_372, %swap3A_373, %swap3A_374], %swap3A_377 {strides = array<i32>} : memref<2x80x128xf32, #tpu.memory_space<vmem>>, vector<1x1x16xf32>,
    %swap3A_378 = arith.constant 0 : i32
    %swap3A_379 = arith.constant 5 : i32
    %swap3A_380 = arith.index_cast %swap3A_378 : i32 to index
    %swap3A_381 = arith.index_cast %swap3A_379 : i32 to index
    %swap3A_382 = arith.constant 112 : index
    %swap3A_383 = tpu.vector_load %arg8[%swap3A_380, %swap3A_381, %swap3A_382] {strides = array<i32>} : memref<2x80x128xf32, #tpu.memory_space<vmem>>, vector<1x1x16xf32>,
    %swap3A_384 = vector.shape_cast %swap3A_383 : vector<1x1x16xf32> to vector<16xf32>
    %swap3A_385 = vector.shape_cast %broadcast_in_dim3A_2 : vector<16xf32> to vector<1x1x16xf32>
    tpu.vector_store %arg8[%swap3A_380, %swap3A_381, %swap3A_382], %swap3A_385 {strides = array<i32>} : memref<2x80x128xf32, #tpu.memory_space<vmem>>, vector<1x1x16xf32>,
    %swap3A_386 = arith.constant 0 : i32
    %swap3A_387 = arith.constant 6 : i32
    %swap3A_388 = arith.index_cast %swap3A_386 : i32 to index
    %swap3A_389 = arith.index_cast %swap3A_387 : i32 to index
    %swap3A_390 = arith.constant 0 : index
    %swap3A_391 = tpu.vector_load %arg8[%swap3A_388, %swap3A_389, %swap3A_390] {strides = array<i32>} : memref<2x80x128xf32, #tpu.memory_space<vmem>>, vector<1x1x16xf32>,
    %swap3A_392 = vector.shape_cast %swap3A_391 : vector<1x1x16xf32> to vector<16xf32>
    %swap3A_393 = vector.shape_cast %broadcast_in_dim3A_2 : vector<16xf32> to vector<1x1x16xf32>
    tpu.vector_store %arg8[%swap3A_388, %swap3A_389, %swap3A_390], %swap3A_393 {strides = array<i32>} : memref<2x80x128xf32, #tpu.memory_space<vmem>>, vector<1x1x16xf32>,
    %swap3A_394 = arith.constant 0 : i32
    %swap3A_395 = arith.constant 6 : i32
    %swap3A_396 = arith.index_cast %swap3A_394 : i32 to index
    %swap3A_397 = arith.index_cast %swap3A_395 : i32 to index
    %swap3A_398 = arith.constant 16 : index
    %swap3A_399 = tpu.vector_load %arg8[%swap3A_396, %swap3A_397, %swap3A_398] {strides = array<i32>} : memref<2x80x128xf32, #tpu.memory_space<vmem>>, vector<1x1x16xf32>,
    %swap3A_400 = vector.shape_cast %swap3A_399 : vector<1x1x16xf32> to vector<16xf32>
    %swap3A_401 = vector.shape_cast %broadcast_in_dim3A_2 : vector<16xf32> to vector<1x1x16xf32>
    tpu.vector_store %arg8[%swap3A_396, %swap3A_397, %swap3A_398], %swap3A_401 {strides = array<i32>} : memref<2x80x128xf32, #tpu.memory_space<vmem>>, vector<1x1x16xf32>,
    %swap3A_402 = arith.constant 0 : i32
    %swap3A_403 = arith.constant 6 : i32
    %swap3A_404 = arith.index_cast %swap3A_402 : i32 to index
    %swap3A_405 = arith.index_cast %swap3A_403 : i32 to index
    %swap3A_406 = arith.constant 32 : index
    %swap3A_407 = tpu.vector_load %arg8[%swap3A_404, %swap3A_405, %swap3A_406] {strides = array<i32>} : memref<2x80x128xf32, #tpu.memory_space<vmem>>, vector<1x1x16xf32>,
    %swap3A_408 = vector.shape_cast %swap3A_407 : vector<1x1x16xf32> to vector<16xf32>
    %swap3A_409 = vector.shape_cast %broadcast_in_dim3A_2 : vector<16xf32> to vector<1x1x16xf32>
    tpu.vector_store %arg8[%swap3A_404, %swap3A_405, %swap3A_406], %swap3A_409 {strides = array<i32>} : memref<2x80x128xf32, #tpu.memory_space<vmem>>, vector<1x1x16xf32>,
    %swap3A_410 = arith.constant 0 : i32
    %swap3A_411 = arith.constant 6 : i32
    %swap3A_412 = arith.index_cast %swap3A_410 : i32 to index
    %swap3A_413 = arith.index_cast %swap3A_411 : i32 to index
    %swap3A_414 = arith.constant 48 : index
    %swap3A_415 = tpu.vector_load %arg8[%swap3A_412, %swap3A_413, %swap3A_414] {strides = array<i32>} : memref<2x80x128xf32, #tpu.memory_space<vmem>>, vector<1x1x16xf32>,
    %swap3A_416 = vector.shape_cast %swap3A_415 : vector<1x1x16xf32> to vector<16xf32>
    %swap3A_417 = vector.shape_cast %broadcast_in_dim3A_2 : vector<16xf32> to vector<1x1x16xf32>
    tpu.vector_store %arg8[%swap3A_412, %swap3A_413, %swap3A_414], %swap3A_417 {strides = array<i32>} : memref<2x80x128xf32, #tpu.memory_space<vmem>>, vector<1x1x16xf32>,
    %swap3A_418 = arith.constant 0 : i32
    %swap3A_419 = arith.constant 6 : i32
    %swap3A_420 = arith.index_cast %swap3A_418 : i32 to index
    %swap3A_421 = arith.index_cast %swap3A_419 : i32 to index
    %swap3A_422 = arith.constant 64 : index
    %swap3A_423 = tpu.vector_load %arg8[%swap3A_420, %swap3A_421, %swap3A_422] {strides = array<i32>} : memref<2x80x128xf32, #tpu.memory_space<vmem>>, vector<1x1x16xf32>,
    %swap3A_424 = vector.shape_cast %swap3A_423 : vector<1x1x16xf32> to vector<16xf32>
    %swap3A_425 = vector.shape_cast %broadcast_in_dim3A_2 : vector<16xf32> to vector<1x1x16xf32>
    tpu.vector_store %arg8[%swap3A_420, %swap3A_421, %swap3A_422], %swap3A_425 {strides = array<i32>} : memref<2x80x128xf32, #tpu.memory_space<vmem>>, vector<1x1x16xf32>,
    %swap3A_426 = arith.constant 0 : i32
    %swap3A_427 = arith.constant 6 : i32
    %swap3A_428 = arith.index_cast %swap3A_426 : i32 to index
    %swap3A_429 = arith.index_cast %swap3A_427 : i32 to index
    %swap3A_430 = arith.constant 80 : index
    %swap3A_431 = tpu.vector_load %arg8[%swap3A_428, %swap3A_429, %swap3A_430] {strides = array<i32>} : memref<2x80x128xf32, #tpu.memory_space<vmem>>, vector<1x1x16xf32>,
    %swap3A_432 = vector.shape_cast %swap3A_431 : vector<1x1x16xf32> to vector<16xf32>
    %swap3A_433 = vector.shape_cast %broadcast_in_dim3A_2 : vector<16xf32> to vector<1x1x16xf32>
    tpu.vector_store %arg8[%swap3A_428, %swap3A_429, %swap3A_430], %swap3A_433 {strides = array<i32>} : memref<2x80x128xf32, #tpu.memory_space<vmem>>, vector<1x1x16xf32>,
    %swap3A_434 = arith.constant 0 : i32
    %swap3A_435 = arith.constant 6 : i32
    %swap3A_436 = arith.index_cast %swap3A_434 : i32 to index
    %swap3A_437 = arith.index_cast %swap3A_435 : i32 to index
    %swap3A_438 = arith.constant 96 : index
    %swap3A_439 = tpu.vector_load %arg8[%swap3A_436, %swap3A_437, %swap3A_438] {strides = array<i32>} : memref<2x80x128xf32, #tpu.memory_space<vmem>>, vector<1x1x16xf32>,
    %swap3A_440 = vector.shape_cast %swap3A_439 : vector<1x1x16xf32> to vector<16xf32>
    %swap3A_441 = vector.shape_cast %broadcast_in_dim3A_2 : vector<16xf32> to vector<1x1x16xf32>
    tpu.vector_store %arg8[%swap3A_436, %swap3A_437, %swap3A_438], %swap3A_441 {strides = array<i32>} : memref<2x80x128xf32, #tpu.memory_space<vmem>>, vector<1x1x16xf32>,
    %swap3A_442 = arith.constant 0 : i32
    %swap3A_443 = arith.constant 6 : i32
    %swap3A_444 = arith.index_cast %swap3A_442 : i32 to index
    %swap3A_445 = arith.index_cast %swap3A_443 : i32 to index
    %swap3A_446 = arith.constant 112 : index
    %swap3A_447 = tpu.vector_load %arg8[%swap3A_444, %swap3A_445, %swap3A_446] {strides = array<i32>} : memref<2x80x128xf32, #tpu.memory_space<vmem>>, vector<1x1x16xf32>,
    %swap3A_448 = vector.shape_cast %swap3A_447 : vector<1x1x16xf32> to vector<16xf32>
    %swap3A_449 = vector.shape_cast %broadcast_in_dim3A_2 : vector<16xf32> to vector<1x1x16xf32>
    tpu.vector_store %arg8[%swap3A_444, %swap3A_445, %swap3A_446], %swap3A_449 {strides = array<i32>} : memref<2x80x128xf32, #tpu.memory_space<vmem>>, vector<1x1x16xf32>,
    %swap3A_450 = arith.constant 0 : i32
    %swap3A_451 = arith.constant 7 : i32
    %swap3A_452 = arith.index_cast %swap3A_450 : i32 to index
    %swap3A_453 = arith.index_cast %swap3A_451 : i32 to index
    %swap3A_454 = arith.constant 0 : index
    %swap3A_455 = tpu.vector_load %arg8[%swap3A_452, %swap3A_453, %swap3A_454] {strides = array<i32>} : memref<2x80x128xf32, #tpu.memory_space<vmem>>, vector<1x1x16xf32>,
    %swap3A_456 = vector.shape_cast %swap3A_455 : vector<1x1x16xf32> to vector<16xf32>
    %swap3A_457 = vector.shape_cast %broadcast_in_dim3A_2 : vector<16xf32> to vector<1x1x16xf32>
    tpu.vector_store %arg8[%swap3A_452, %swap3A_453, %swap3A_454], %swap3A_457 {strides = array<i32>} : memref<2x80x128xf32, #tpu.memory_space<vmem>>, vector<1x1x16xf32>,
    %swap3A_458 = arith.constant 0 : i32
    %swap3A_459 = arith.constant 7 : i32
    %swap3A_460 = arith.index_cast %swap3A_458 : i32 to index
    %swap3A_461 = arith.index_cast %swap3A_459 : i32 to index
    %swap3A_462 = arith.constant 16 : index
    %swap3A_463 = tpu.vector_load %arg8[%swap3A_460, %swap3A_461, %swap3A_462] {strides = array<i32>} : memref<2x80x128xf32, #tpu.memory_space<vmem>>, vector<1x1x16xf32>,
    %swap3A_464 = vector.shape_cast %swap3A_463 : vector<1x1x16xf32> to vector<16xf32>
    %swap3A_465 = vector.shape_cast %broadcast_in_dim3A_2 : vector<16xf32> to vector<1x1x16xf32>
    tpu.vector_store %arg8[%swap3A_460, %swap3A_461, %swap3A_462], %swap3A_465 {strides = array<i32>} : memref<2x80x128xf32, #tpu.memory_space<vmem>>, vector<1x1x16xf32>,
    %swap3A_466 = arith.constant 0 : i32
    %swap3A_467 = arith.constant 7 : i32
    %swap3A_468 = arith.index_cast %swap3A_466 : i32 to index
    %swap3A_469 = arith.index_cast %swap3A_467 : i32 to index
    %swap3A_470 = arith.constant 32 : index
    %swap3A_471 = tpu.vector_load %arg8[%swap3A_468, %swap3A_469, %swap3A_470] {strides = array<i32>} : memref<2x80x128xf32, #tpu.memory_space<vmem>>, vector<1x1x16xf32>,
    %swap3A_472 = vector.shape_cast %swap3A_471 : vector<1x1x16xf32> to vector<16xf32>
    %swap3A_473 = vector.shape_cast %broadcast_in_dim3A_2 : vector<16xf32> to vector<1x1x16xf32>
    tpu.vector_store %arg8[%swap3A_468, %swap3A_469, %swap3A_470], %swap3A_473 {strides = array<i32>} : memref<2x80x128xf32, #tpu.memory_space<vmem>>, vector<1x1x16xf32>,
    %swap3A_474 = arith.constant 0 : i32
    %swap3A_475 = arith.constant 7 : i32
    %swap3A_476 = arith.index_cast %swap3A_474 : i32 to index
    %swap3A_477 = arith.index_cast %swap3A_475 : i32 to index
    %swap3A_478 = arith.constant 48 : index
    %swap3A_479 = tpu.vector_load %arg8[%swap3A_476, %swap3A_477, %swap3A_478] {strides = array<i32>} : memref<2x80x128xf32, #tpu.memory_space<vmem>>, vector<1x1x16xf32>,
    %swap3A_480 = vector.shape_cast %swap3A_479 : vector<1x1x16xf32> to vector<16xf32>
    %swap3A_481 = vector.shape_cast %broadcast_in_dim3A_2 : vector<16xf32> to vector<1x1x16xf32>
    tpu.vector_store %arg8[%swap3A_476, %swap3A_477, %swap3A_478], %swap3A_481 {strides = array<i32>} : memref<2x80x128xf32, #tpu.memory_space<vmem>>, vector<1x1x16xf32>,
    %swap3A_482 = arith.constant 0 : i32
    %swap3A_483 = arith.constant 7 : i32
    %swap3A_484 = arith.index_cast %swap3A_482 : i32 to index
    %swap3A_485 = arith.index_cast %swap3A_483 : i32 to index
    %swap3A_486 = arith.constant 64 : index
    %swap3A_487 = tpu.vector_load %arg8[%swap3A_484, %swap3A_485, %swap3A_486] {strides = array<i32>} : memref<2x80x128xf32, #tpu.memory_space<vmem>>, vector<1x1x16xf32>,
    %swap3A_488 = vector.shape_cast %swap3A_487 : vector<1x1x16xf32> to vector<16xf32>
    %swap3A_489 = vector.shape_cast %broadcast_in_dim3A_2 : vector<16xf32> to vector<1x1x16xf32>
    tpu.vector_store %arg8[%swap3A_484, %swap3A_485, %swap3A_486], %swap3A_489 {strides = array<i32>} : memref<2x80x128xf32, #tpu.memory_space<vmem>>, vector<1x1x16xf32>,
    %swap3A_490 = arith.constant 0 : i32
    %swap3A_491 = arith.constant 7 : i32
    %swap3A_492 = arith.index_cast %swap3A_490 : i32 to index
    %swap3A_493 = arith.index_cast %swap3A_491 : i32 to index
    %swap3A_494 = arith.constant 80 : index
    %swap3A_495 = tpu.vector_load %arg8[%swap3A_492, %swap3A_493, %swap3A_494] {strides = array<i32>} : memref<2x80x128xf32, #tpu.memory_space<vmem>>, vector<1x1x16xf32>,
    %swap3A_496 = vector.shape_cast %swap3A_495 : vector<1x1x16xf32> to vector<16xf32>
    %swap3A_497 = vector.shape_cast %broadcast_in_dim3A_2 : vector<16xf32> to vector<1x1x16xf32>
    tpu.vector_store %arg8[%swap3A_492, %swap3A_493, %swap3A_494], %swap3A_497 {strides = array<i32>} : memref<2x80x128xf32, #tpu.memory_space<vmem>>, vector<1x1x16xf32>,
    %swap3A_498 = arith.constant 0 : i32
    %swap3A_499 = arith.constant 7 : i32
    %swap3A_500 = arith.index_cast %swap3A_498 : i32 to index
    %swap3A_501 = arith.index_cast %swap3A_499 : i32 to index
    %swap3A_502 = arith.constant 96 : index
    %swap3A_503 = tpu.vector_load %arg8[%swap3A_500, %swap3A_501, %swap3A_502] {strides = array<i32>} : memref<2x80x128xf32, #tpu.memory_space<vmem>>, vector<1x1x16xf32>,
    %swap3A_504 = vector.shape_cast %swap3A_503 : vector<1x1x16xf32> to vector<16xf32>
    %swap3A_505 = vector.shape_cast %broadcast_in_dim3A_2 : vector<16xf32> to vector<1x1x16xf32>
    tpu.vector_store %arg8[%swap3A_500, %swap3A_501, %swap3A_502], %swap3A_505 {strides = array<i32>} : memref<2x80x128xf32, #tpu.memory_space<vmem>>, vector<1x1x16xf32>,
    %swap3A_506 = arith.constant 0 : i32
    %swap3A_507 = arith.constant 7 : i32
    %swap3A_508 = arith.index_cast %swap3A_506 : i32 to index
    %swap3A_509 = arith.index_cast %swap3A_507 : i32 to index
    %swap3A_510 = arith.constant 112 : index
    %swap3A_511 = tpu.vector_load %arg8[%swap3A_508, %swap3A_509, %swap3A_510] {strides = array<i32>} : memref<2x80x128xf32, #tpu.memory_space<vmem>>, vector<1x1x16xf32>,
    %swap3A_512 = vector.shape_cast %swap3A_511 : vector<1x1x16xf32> to vector<16xf32>
    %swap3A_513 = vector.shape_cast %broadcast_in_dim3A_2 : vector<16xf32> to vector<1x1x16xf32>
    tpu.vector_store %arg8[%swap3A_508, %swap3A_509, %swap3A_510], %swap3A_513 {strides = array<i32>} : memref<2x80x128xf32, #tpu.memory_space<vmem>>, vector<1x1x16xf32>,
    %swap3A_514 = arith.constant 0 : i32
    %swap3A_515 = arith.constant 8 : i32
    %swap3A_516 = arith.index_cast %swap3A_514 : i32 to index
    %swap3A_517 = arith.index_cast %swap3A_515 : i32 to index
    %swap3A_518 = arith.constant 0 : index
    %swap3A_519 = tpu.vector_load %arg8[%swap3A_516, %swap3A_517, %swap3A_518] {strides = array<i32>} : memref<2x80x128xf32, #tpu.memory_space<vmem>>, vector<1x1x16xf32>,
    %swap3A_520 = vector.shape_cast %swap3A_519 : vector<1x1x16xf32> to vector<16xf32>
    %swap3A_521 = vector.shape_cast %broadcast_in_dim3A_2 : vector<16xf32> to vector<1x1x16xf32>
    tpu.vector_store %arg8[%swap3A_516, %swap3A_517, %swap3A_518], %swap3A_521 {strides = array<i32>} : memref<2x80x128xf32, #tpu.memory_space<vmem>>, vector<1x1x16xf32>,
    %swap3A_522 = arith.constant 0 : i32
    %swap3A_523 = arith.constant 8 : i32
    %swap3A_524 = arith.index_cast %swap3A_522 : i32 to index
    %swap3A_525 = arith.index_cast %swap3A_523 : i32 to index
    %swap3A_526 = arith.constant 16 : index
    %swap3A_527 = tpu.vector_load %arg8[%swap3A_524, %swap3A_525, %swap3A_526] {strides = array<i32>} : memref<2x80x128xf32, #tpu.memory_space<vmem>>, vector<1x1x16xf32>,
    %swap3A_528 = vector.shape_cast %swap3A_527 : vector<1x1x16xf32> to vector<16xf32>
    %swap3A_529 = vector.shape_cast %broadcast_in_dim3A_2 : vector<16xf32> to vector<1x1x16xf32>
    tpu.vector_store %arg8[%swap3A_524, %swap3A_525, %swap3A_526], %swap3A_529 {strides = array<i32>} : memref<2x80x128xf32, #tpu.memory_space<vmem>>, vector<1x1x16xf32>,
    %swap3A_530 = arith.constant 0 : i32
    %swap3A_531 = arith.constant 8 : i32
    %swap3A_532 = arith.index_cast %swap3A_530 : i32 to index
    %swap3A_533 = arith.index_cast %swap3A_531 : i32 to index
    %swap3A_534 = arith.constant 32 : index
    %swap3A_535 = tpu.vector_load %arg8[%swap3A_532, %swap3A_533, %swap3A_534] {strides = array<i32>} : memref<2x80x128xf32, #tpu.memory_space<vmem>>, vector<1x1x16xf32>,
    %swap3A_536 = vector.shape_cast %swap3A_535 : vector<1x1x16xf32> to vector<16xf32>
    %swap3A_537 = vector.shape_cast %broadcast_in_dim3A_2 : vector<16xf32> to vector<1x1x16xf32>
    tpu.vector_store %arg8[%swap3A_532, %swap3A_533, %swap3A_534], %swap3A_537 {strides = array<i32>} : memref<2x80x128xf32, #tpu.memory_space<vmem>>, vector<1x1x16xf32>,
    %swap3A_538 = arith.constant 0 : i32
    %swap3A_539 = arith.constant 8 : i32
    %swap3A_540 = arith.index_cast %swap3A_538 : i32 to index
    %swap3A_541 = arith.index_cast %swap3A_539 : i32 to index
    %swap3A_542 = arith.constant 48 : index
    %swap3A_543 = tpu.vector_load %arg8[%swap3A_540, %swap3A_541, %swap3A_542] {strides = array<i32>} : memref<2x80x128xf32, #tpu.memory_space<vmem>>, vector<1x1x16xf32>,
    %swap3A_544 = vector.shape_cast %swap3A_543 : vector<1x1x16xf32> to vector<16xf32>
    %swap3A_545 = vector.shape_cast %broadcast_in_dim3A_2 : vector<16xf32> to vector<1x1x16xf32>
    tpu.vector_store %arg8[%swap3A_540, %swap3A_541, %swap3A_542], %swap3A_545 {strides = array<i32>} : memref<2x80x128xf32, #tpu.memory_space<vmem>>, vector<1x1x16xf32>,
    %swap3A_546 = arith.constant 0 : i32
    %swap3A_547 = arith.constant 8 : i32
    %swap3A_548 = arith.index_cast %swap3A_546 : i32 to index
    %swap3A_549 = arith.index_cast %swap3A_547 : i32 to index
    %swap3A_550 = arith.constant 64 : index
    %swap3A_551 = tpu.vector_load %arg8[%swap3A_548, %swap3A_549, %swap3A_550] {strides = array<i32>} : memref<2x80x128xf32, #tpu.memory_space<vmem>>, vector<1x1x16xf32>,
    %swap3A_552 = vector.shape_cast %swap3A_551 : vector<1x1x16xf32> to vector<16xf32>
    %swap3A_553 = vector.shape_cast %broadcast_in_dim3A_2 : vector<16xf32> to vector<1x1x16xf32>
    tpu.vector_store %arg8[%swap3A_548, %swap3A_549, %swap3A_550], %swap3A_553 {strides = array<i32>} : memref<2x80x128xf32, #tpu.memory_space<vmem>>, vector<1x1x16xf32>,
    %swap3A_554 = arith.constant 0 : i32
    %swap3A_555 = arith.constant 8 : i32
    %swap3A_556 = arith.index_cast %swap3A_554 : i32 to index
    %swap3A_557 = arith.index_cast %swap3A_555 : i32 to index
    %swap3A_558 = arith.constant 80 : index
    %swap3A_559 = tpu.vector_load %arg8[%swap3A_556, %swap3A_557, %swap3A_558] {strides = array<i32>} : memref<2x80x128xf32, #tpu.memory_space<vmem>>, vector<1x1x16xf32>,
    %swap3A_560 = vector.shape_cast %swap3A_559 : vector<1x1x16xf32> to vector<16xf32>
    %swap3A_561 = vector.shape_cast %broadcast_in_dim3A_2 : vector<16xf32> to vector<1x1x16xf32>
    tpu.vector_store %arg8[%swap3A_556, %swap3A_557, %swap3A_558], %swap3A_561 {strides = array<i32>} : memref<2x80x128xf32, #tpu.memory_space<vmem>>, vector<1x1x16xf32>,
    %swap3A_562 = arith.constant 0 : i32
    %swap3A_563 = arith.constant 8 : i32
    %swap3A_564 = arith.index_cast %swap3A_562 : i32 to index
    %swap3A_565 = arith.index_cast %swap3A_563 : i32 to index
    %swap3A_566 = arith.constant 96 : index
    %swap3A_567 = tpu.vector_load %arg8[%swap3A_564, %swap3A_565, %swap3A_566] {strides = array<i32>} : memref<2x80x128xf32, #tpu.memory_space<vmem>>, vector<1x1x16xf32>,
    %swap3A_568 = vector.shape_cast %swap3A_567 : vector<1x1x16xf32> to vector<16xf32>
    %swap3A_569 = vector.shape_cast %broadcast_in_dim3A_2 : vector<16xf32> to vector<1x1x16xf32>
    tpu.vector_store %arg8[%swap3A_564, %swap3A_565, %swap3A_566], %swap3A_569 {strides = array<i32>} : memref<2x80x128xf32, #tpu.memory_space<vmem>>, vector<1x1x16xf32>,
    %swap3A_570 = arith.constant 0 : i32
    %swap3A_571 = arith.constant 8 : i32
    %swap3A_572 = arith.index_cast %swap3A_570 : i32 to index
    %swap3A_573 = arith.index_cast %swap3A_571 : i32 to index
    %swap3A_574 = arith.constant 112 : index
    %swap3A_575 = tpu.vector_load %arg8[%swap3A_572, %swap3A_573, %swap3A_574] {strides = array<i32>} : memref<2x80x128xf32, #tpu.memory_space<vmem>>, vector<1x1x16xf32>,
    %swap3A_576 = vector.shape_cast %swap3A_575 : vector<1x1x16xf32> to vector<16xf32>
    %swap3A_577 = vector.shape_cast %broadcast_in_dim3A_2 : vector<16xf32> to vector<1x1x16xf32>
    tpu.vector_store %arg8[%swap3A_572, %swap3A_573, %swap3A_574], %swap3A_577 {strides = array<i32>} : memref<2x80x128xf32, #tpu.memory_space<vmem>>, vector<1x1x16xf32>,
    %swap3A_578 = arith.constant 0 : i32
    %swap3A_579 = arith.constant 9 : i32
    %swap3A_580 = arith.index_cast %swap3A_578 : i32 to index
    %swap3A_581 = arith.index_cast %swap3A_579 : i32 to index
    %swap3A_582 = arith.constant 0 : index
    %swap3A_583 = tpu.vector_load %arg8[%swap3A_580, %swap3A_581, %swap3A_582] {strides = array<i32>} : memref<2x80x128xf32, #tpu.memory_space<vmem>>, vector<1x1x16xf32>,
    %swap3A_584 = vector.shape_cast %swap3A_583 : vector<1x1x16xf32> to vector<16xf32>
    %swap3A_585 = vector.shape_cast %broadcast_in_dim3A_2 : vector<16xf32> to vector<1x1x16xf32>
    tpu.vector_store %arg8[%swap3A_580, %swap3A_581, %swap3A_582], %swap3A_585 {strides = array<i32>} : memref<2x80x128xf32, #tpu.memory_space<vmem>>, vector<1x1x16xf32>,
    %swap3A_586 = arith.constant 0 : i32
    %swap3A_587 = arith.constant 9 : i32
    %swap3A_588 = arith.index_cast %swap3A_586 : i32 to index
    %swap3A_589 = arith.index_cast %swap3A_587 : i32 to index
    %swap3A_590 = arith.constant 16 : index
    %swap3A_591 = tpu.vector_load %arg8[%swap3A_588, %swap3A_589, %swap3A_590] {strides = array<i32>} : memref<2x80x128xf32, #tpu.memory_space<vmem>>, vector<1x1x16xf32>,
    %swap3A_592 = vector.shape_cast %swap3A_591 : vector<1x1x16xf32> to vector<16xf32>
    %swap3A_593 = vector.shape_cast %broadcast_in_dim3A_2 : vector<16xf32> to vector<1x1x16xf32>
    tpu.vector_store %arg8[%swap3A_588, %swap3A_589, %swap3A_590], %swap3A_593 {strides = array<i32>} : memref<2x80x128xf32, #tpu.memory_space<vmem>>, vector<1x1x16xf32>,
    %swap3A_594 = arith.constant 0 : i32
    %swap3A_595 = arith.constant 9 : i32
    %swap3A_596 = arith.index_cast %swap3A_594 : i32 to index
    %swap3A_597 = arith.index_cast %swap3A_595 : i32 to index
    %swap3A_598 = arith.constant 32 : index
    %swap3A_599 = tpu.vector_load %arg8[%swap3A_596, %swap3A_597, %swap3A_598] {strides = array<i32>} : memref<2x80x128xf32, #tpu.memory_space<vmem>>, vector<1x1x16xf32>,
    %swap3A_600 = vector.shape_cast %swap3A_599 : vector<1x1x16xf32> to vector<16xf32>
    %swap3A_601 = vector.shape_cast %broadcast_in_dim3A_2 : vector<16xf32> to vector<1x1x16xf32>
    tpu.vector_store %arg8[%swap3A_596, %swap3A_597, %swap3A_598], %swap3A_601 {strides = array<i32>} : memref<2x80x128xf32, #tpu.memory_space<vmem>>, vector<1x1x16xf32>,
    %swap3A_602 = arith.constant 0 : i32
    %swap3A_603 = arith.constant 9 : i32
    %swap3A_604 = arith.index_cast %swap3A_602 : i32 to index
    %swap3A_605 = arith.index_cast %swap3A_603 : i32 to index
    %swap3A_606 = arith.constant 48 : index
    %swap3A_607 = tpu.vector_load %arg8[%swap3A_604, %swap3A_605, %swap3A_606] {strides = array<i32>} : memref<2x80x128xf32, #tpu.memory_space<vmem>>, vector<1x1x16xf32>,
    %swap3A_608 = vector.shape_cast %swap3A_607 : vector<1x1x16xf32> to vector<16xf32>
    %swap3A_609 = vector.shape_cast %broadcast_in_dim3A_2 : vector<16xf32> to vector<1x1x16xf32>
    tpu.vector_store %arg8[%swap3A_604, %swap3A_605, %swap3A_606], %swap3A_609 {strides = array<i32>} : memref<2x80x128xf32, #tpu.memory_space<vmem>>, vector<1x1x16xf32>,
    %swap3A_610 = arith.constant 0 : i32
    %swap3A_611 = arith.constant 9 : i32
    %swap3A_612 = arith.index_cast %swap3A_610 : i32 to index
    %swap3A_613 = arith.index_cast %swap3A_611 : i32 to index
    %swap3A_614 = arith.constant 64 : index
    %swap3A_615 = tpu.vector_load %arg8[%swap3A_612, %swap3A_613, %swap3A_614] {strides = array<i32>} : memref<2x80x128xf32, #tpu.memory_space<vmem>>, vector<1x1x16xf32>,
    %swap3A_616 = vector.shape_cast %swap3A_615 : vector<1x1x16xf32> to vector<16xf32>
    %swap3A_617 = vector.shape_cast %broadcast_in_dim3A_2 : vector<16xf32> to vector<1x1x16xf32>
    tpu.vector_store %arg8[%swap3A_612, %swap3A_613, %swap3A_614], %swap3A_617 {strides = array<i32>} : memref<2x80x128xf32, #tpu.memory_space<vmem>>, vector<1x1x16xf32>,
    %swap3A_618 = arith.constant 0 : i32
    %swap3A_619 = arith.constant 9 : i32
    %swap3A_620 = arith.index_cast %swap3A_618 : i32 to index
    %swap3A_621 = arith.index_cast %swap3A_619 : i32 to index
    %swap3A_622 = arith.constant 80 : index
    %swap3A_623 = tpu.vector_load %arg8[%swap3A_620, %swap3A_621, %swap3A_622] {strides = array<i32>} : memref<2x80x128xf32, #tpu.memory_space<vmem>>, vector<1x1x16xf32>,
    %swap3A_624 = vector.shape_cast %swap3A_623 : vector<1x1x16xf32> to vector<16xf32>
    %swap3A_625 = vector.shape_cast %broadcast_in_dim3A_2 : vector<16xf32> to vector<1x1x16xf32>
    tpu.vector_store %arg8[%swap3A_620, %swap3A_621, %swap3A_622], %swap3A_625 {strides = array<i32>} : memref<2x80x128xf32, #tpu.memory_space<vmem>>, vector<1x1x16xf32>,
    %swap3A_626 = arith.constant 0 : i32
    %swap3A_627 = arith.constant 9 : i32
    %swap3A_628 = arith.index_cast %swap3A_626 : i32 to index
    %swap3A_629 = arith.index_cast %swap3A_627 : i32 to index
    %swap3A_630 = arith.constant 96 : index
    %swap3A_631 = tpu.vector_load %arg8[%swap3A_628, %swap3A_629, %swap3A_630] {strides = array<i32>} : memref<2x80x128xf32, #tpu.memory_space<vmem>>, vector<1x1x16xf32>,
    %swap3A_632 = vector.shape_cast %swap3A_631 : vector<1x1x16xf32> to vector<16xf32>
    %swap3A_633 = vector.shape_cast %broadcast_in_dim3A_2 : vector<16xf32> to vector<1x1x16xf32>
    tpu.vector_store %arg8[%swap3A_628, %swap3A_629, %swap3A_630], %swap3A_633 {strides = array<i32>} : memref<2x80x128xf32, #tpu.memory_space<vmem>>, vector<1x1x16xf32>,
    %swap3A_634 = arith.constant 0 : i32
    %swap3A_635 = arith.constant 9 : i32
    %swap3A_636 = arith.index_cast %swap3A_634 : i32 to index
    %swap3A_637 = arith.index_cast %swap3A_635 : i32 to index
    %swap3A_638 = arith.constant 112 : index
    %swap3A_639 = tpu.vector_load %arg8[%swap3A_636, %swap3A_637, %swap3A_638] {strides = array<i32>} : memref<2x80x128xf32, #tpu.memory_space<vmem>>, vector<1x1x16xf32>,
    %swap3A_640 = vector.shape_cast %swap3A_639 : vector<1x1x16xf32> to vector<16xf32>
    %swap3A_641 = vector.shape_cast %broadcast_in_dim3A_2 : vector<16xf32> to vector<1x1x16xf32>
    tpu.vector_store %arg8[%swap3A_636, %swap3A_637, %swap3A_638], %swap3A_641 {strides = array<i32>} : memref<2x80x128xf32, #tpu.memory_space<vmem>>, vector<1x1x16xf32>,
    %swap3A_642 = arith.constant 0 : i32
    %swap3A_643 = arith.constant 10 : i32
    %swap3A_644 = arith.index_cast %swap3A_642 : i32 to index
    %swap3A_645 = arith.index_cast %swap3A_643 : i32 to index
    %swap3A_646 = arith.constant 0 : index
    %swap3A_647 = tpu.vector_load %arg8[%swap3A_644, %swap3A_645, %swap3A_646] {strides = array<i32>} : memref<2x80x128xf32, #tpu.memory_space<vmem>>, vector<1x1x16xf32>,
    %swap3A_648 = vector.shape_cast %swap3A_647 : vector<1x1x16xf32> to vector<16xf32>
    %swap3A_649 = vector.shape_cast %broadcast_in_dim3A_2 : vector<16xf32> to vector<1x1x16xf32>
    tpu.vector_store %arg8[%swap3A_644, %swap3A_645, %swap3A_646], %swap3A_649 {strides = array<i32>} : memref<2x80x128xf32, #tpu.memory_space<vmem>>, vector<1x1x16xf32>,
    %swap3A_650 = arith.constant 0 : i32
    %swap3A_651 = arith.constant 10 : i32
    %swap3A_652 = arith.index_cast %swap3A_650 : i32 to index
    %swap3A_653 = arith.index_cast %swap3A_651 : i32 to index
    %swap3A_654 = arith.constant 16 : index
    %swap3A_655 = tpu.vector_load %arg8[%swap3A_652, %swap3A_653, %swap3A_654] {strides = array<i32>} : memref<2x80x128xf32, #tpu.memory_space<vmem>>, vector<1x1x16xf32>,
    %swap3A_656 = vector.shape_cast %swap3A_655 : vector<1x1x16xf32> to vector<16xf32>
    %swap3A_657 = vector.shape_cast %broadcast_in_dim3A_2 : vector<16xf32> to vector<1x1x16xf32>
    tpu.vector_store %arg8[%swap3A_652, %swap3A_653, %swap3A_654], %swap3A_657 {strides = array<i32>} : memref<2x80x128xf32, #tpu.memory_space<vmem>>, vector<1x1x16xf32>,
    %swap3A_658 = arith.constant 0 : i32
    %swap3A_659 = arith.constant 10 : i32
    %swap3A_660 = arith.index_cast %swap3A_658 : i32 to index
    %swap3A_661 = arith.index_cast %swap3A_659 : i32 to index
    %swap3A_662 = arith.constant 32 : index
    %swap3A_663 = tpu.vector_load %arg8[%swap3A_660, %swap3A_661, %swap3A_662] {strides = array<i32>} : memref<2x80x128xf32, #tpu.memory_space<vmem>>, vector<1x1x16xf32>,
    %swap3A_664 = vector.shape_cast %swap3A_663 : vector<1x1x16xf32> to vector<16xf32>
    %swap3A_665 = vector.shape_cast %broadcast_in_dim3A_2 : vector<16xf32> to vector<1x1x16xf32>
    tpu.vector_store %arg8[%swap3A_660, %swap3A_661, %swap3A_662], %swap3A_665 {strides = array<i32>} : memref<2x80x128xf32, #tpu.memory_space<vmem>>, vector<1x1x16xf32>,
    %swap3A_666 = arith.constant 0 : i32
    %swap3A_667 = arith.constant 10 : i32
    %swap3A_668 = arith.index_cast %swap3A_666 : i32 to index
    %swap3A_669 = arith.index_cast %swap3A_667 : i32 to index
    %swap3A_670 = arith.constant 48 : index
    %swap3A_671 = tpu.vector_load %arg8[%swap3A_668, %swap3A_669, %swap3A_670] {strides = array<i32>} : memref<2x80x128xf32, #tpu.memory_space<vmem>>, vector<1x1x16xf32>,
    %swap3A_672 = vector.shape_cast %swap3A_671 : vector<1x1x16xf32> to vector<16xf32>
    %swap3A_673 = vector.shape_cast %broadcast_in_dim3A_2 : vector<16xf32> to vector<1x1x16xf32>
    tpu.vector_store %arg8[%swap3A_668, %swap3A_669, %swap3A_670], %swap3A_673 {strides = array<i32>} : memref<2x80x128xf32, #tpu.memory_space<vmem>>, vector<1x1x16xf32>,
    %swap3A_674 = arith.constant 0 : i32
    %swap3A_675 = arith.constant 10 : i32
    %swap3A_676 = arith.index_cast %swap3A_674 : i32 to index
    %swap3A_677 = arith.index_cast %swap3A_675 : i32 to index
    %swap3A_678 = arith.constant 64 : index
    %swap3A_679 = tpu.vector_load %arg8[%swap3A_676, %swap3A_677, %swap3A_678] {strides = array<i32>} : memref<2x80x128xf32, #tpu.memory_space<vmem>>, vector<1x1x16xf32>,
    %swap3A_680 = vector.shape_cast %swap3A_679 : vector<1x1x16xf32> to vector<16xf32>
    %swap3A_681 = vector.shape_cast %broadcast_in_dim3A_2 : vector<16xf32> to vector<1x1x16xf32>
    tpu.vector_store %arg8[%swap3A_676, %swap3A_677, %swap3A_678], %swap3A_681 {strides = array<i32>} : memref<2x80x128xf32, #tpu.memory_space<vmem>>, vector<1x1x16xf32>,
    %swap3A_682 = arith.constant 0 : i32
    %swap3A_683 = arith.constant 10 : i32
    %swap3A_684 = arith.index_cast %swap3A_682 : i32 to index
    %swap3A_685 = arith.index_cast %swap3A_683 : i32 to index
    %swap3A_686 = arith.constant 80 : index
    %swap3A_687 = tpu.vector_load %arg8[%swap3A_684, %swap3A_685, %swap3A_686] {strides = array<i32>} : memref<2x80x128xf32, #tpu.memory_space<vmem>>, vector<1x1x16xf32>,
    %swap3A_688 = vector.shape_cast %swap3A_687 : vector<1x1x16xf32> to vector<16xf32>
    %swap3A_689 = vector.shape_cast %broadcast_in_dim3A_2 : vector<16xf32> to vector<1x1x16xf32>
    tpu.vector_store %arg8[%swap3A_684, %swap3A_685, %swap3A_686], %swap3A_689 {strides = array<i32>} : memref<2x80x128xf32, #tpu.memory_space<vmem>>, vector<1x1x16xf32>,
    %swap3A_690 = arith.constant 0 : i32
    %swap3A_691 = arith.constant 10 : i32
    %swap3A_692 = arith.index_cast %swap3A_690 : i32 to index
    %swap3A_693 = arith.index_cast %swap3A_691 : i32 to index
    %swap3A_694 = arith.constant 96 : index
    %swap3A_695 = tpu.vector_load %arg8[%swap3A_692, %swap3A_693, %swap3A_694] {strides = array<i32>} : memref<2x80x128xf32, #tpu.memory_space<vmem>>, vector<1x1x16xf32>,
    %swap3A_696 = vector.shape_cast %swap3A_695 : vector<1x1x16xf32> to vector<16xf32>
    %swap3A_697 = vector.shape_cast %broadcast_in_dim3A_2 : vector<16xf32> to vector<1x1x16xf32>
    tpu.vector_store %arg8[%swap3A_692, %swap3A_693, %swap3A_694], %swap3A_697 {strides = array<i32>} : memref<2x80x128xf32, #tpu.memory_space<vmem>>, vector<1x1x16xf32>,
    %swap3A_698 = arith.constant 0 : i32
    %swap3A_699 = arith.constant 10 : i32
    %swap3A_700 = arith.index_cast %swap3A_698 : i32 to index
    %swap3A_701 = arith.index_cast %swap3A_699 : i32 to index
    %swap3A_702 = arith.constant 112 : index
    %swap3A_703 = tpu.vector_load %arg8[%swap3A_700, %swap3A_701, %swap3A_702] {strides = array<i32>} : memref<2x80x128xf32, #tpu.memory_space<vmem>>, vector<1x1x16xf32>,
    %swap3A_704 = vector.shape_cast %swap3A_703 : vector<1x1x16xf32> to vector<16xf32>
    %swap3A_705 = vector.shape_cast %broadcast_in_dim3A_2 : vector<16xf32> to vector<1x1x16xf32>
    tpu.vector_store %arg8[%swap3A_700, %swap3A_701, %swap3A_702], %swap3A_705 {strides = array<i32>} : memref<2x80x128xf32, #tpu.memory_space<vmem>>, vector<1x1x16xf32>,
    %swap3A_706 = arith.constant 0 : i32
    %swap3A_707 = arith.constant 11 : i32
    %swap3A_708 = arith.index_cast %swap3A_706 : i32 to index
    %swap3A_709 = arith.index_cast %swap3A_707 : i32 to index
    %swap3A_710 = arith.constant 0 : index
    %swap3A_711 = tpu.vector_load %arg8[%swap3A_708, %swap3A_709, %swap3A_710] {strides = array<i32>} : memref<2x80x128xf32, #tpu.memory_space<vmem>>, vector<1x1x16xf32>,
    %swap3A_712 = vector.shape_cast %swap3A_711 : vector<1x1x16xf32> to vector<16xf32>
    %swap3A_713 = vector.shape_cast %broadcast_in_dim3A_2 : vector<16xf32> to vector<1x1x16xf32>
    tpu.vector_store %arg8[%swap3A_708, %swap3A_709, %swap3A_710], %swap3A_713 {strides = array<i32>} : memref<2x80x128xf32, #tpu.memory_space<vmem>>, vector<1x1x16xf32>,
    %swap3A_714 = arith.constant 0 : i32
    %swap3A_715 = arith.constant 11 : i32
    %swap3A_716 = arith.index_cast %swap3A_714 : i32 to index
    %swap3A_717 = arith.index_cast %swap3A_715 : i32 to index
    %swap3A_718 = arith.constant 16 : index
    %swap3A_719 = tpu.vector_load %arg8[%swap3A_716, %swap3A_717, %swap3A_718] {strides = array<i32>} : memref<2x80x128xf32, #tpu.memory_space<vmem>>, vector<1x1x16xf32>,
    %swap3A_720 = vector.shape_cast %swap3A_719 : vector<1x1x16xf32> to vector<16xf32>
    %swap3A_721 = vector.shape_cast %broadcast_in_dim3A_2 : vector<16xf32> to vector<1x1x16xf32>
    tpu.vector_store %arg8[%swap3A_716, %swap3A_717, %swap3A_718], %swap3A_721 {strides = array<i32>} : memref<2x80x128xf32, #tpu.memory_space<vmem>>, vector<1x1x16xf32>,
    %swap3A_722 = arith.constant 0 : i32
    %swap3A_723 = arith.constant 11 : i32
    %swap3A_724 = arith.index_cast %swap3A_722 : i32 to index
    %swap3A_725 = arith.index_cast %swap3A_723 : i32 to index
    %swap3A_726 = arith.constant 32 : index
    %swap3A_727 = tpu.vector_load %arg8[%swap3A_724, %swap3A_725, %swap3A_726] {strides = array<i32>} : memref<2x80x128xf32, #tpu.memory_space<vmem>>, vector<1x1x16xf32>,
    %swap3A_728 = vector.shape_cast %swap3A_727 : vector<1x1x16xf32> to vector<16xf32>
    %swap3A_729 = vector.shape_cast %broadcast_in_dim3A_2 : vector<16xf32> to vector<1x1x16xf32>
    tpu.vector_store %arg8[%swap3A_724, %swap3A_725, %swap3A_726], %swap3A_729 {strides = array<i32>} : memref<2x80x128xf32, #tpu.memory_space<vmem>>, vector<1x1x16xf32>,
    %swap3A_730 = arith.constant 0 : i32
    %swap3A_731 = arith.constant 11 : i32
    %swap3A_732 = arith.index_cast %swap3A_730 : i32 to index
    %swap3A_733 = arith.index_cast %swap3A_731 : i32 to index
    %swap3A_734 = arith.constant 48 : index
    %swap3A_735 = tpu.vector_load %arg8[%swap3A_732, %swap3A_733, %swap3A_734] {strides = array<i32>} : memref<2x80x128xf32, #tpu.memory_space<vmem>>, vector<1x1x16xf32>,
    %swap3A_736 = vector.shape_cast %swap3A_735 : vector<1x1x16xf32> to vector<16xf32>
    %swap3A_737 = vector.shape_cast %broadcast_in_dim3A_2 : vector<16xf32> to vector<1x1x16xf32>
    tpu.vector_store %arg8[%swap3A_732, %swap3A_733, %swap3A_734], %swap3A_737 {strides = array<i32>} : memref<2x80x128xf32, #tpu.memory_space<vmem>>, vector<1x1x16xf32>,
    %swap3A_738 = arith.constant 0 : i32
    %swap3A_739 = arith.constant 11 : i32
    %swap3A_740 = arith.index_cast %swap3A_738 : i32 to index
    %swap3A_741 = arith.index_cast %swap3A_739 : i32 to index
    %swap3A_742 = arith.constant 64 : index
    %swap3A_743 = tpu.vector_load %arg8[%swap3A_740, %swap3A_741, %swap3A_742] {strides = array<i32>} : memref<2x80x128xf32, #tpu.memory_space<vmem>>, vector<1x1x16xf32>,
    %swap3A_744 = vector.shape_cast %swap3A_743 : vector<1x1x16xf32> to vector<16xf32>
    %swap3A_745 = vector.shape_cast %broadcast_in_dim3A_2 : vector<16xf32> to vector<1x1x16xf32>
    tpu.vector_store %arg8[%swap3A_740, %swap3A_741, %swap3A_742], %swap3A_745 {strides = array<i32>} : memref<2x80x128xf32, #tpu.memory_space<vmem>>, vector<1x1x16xf32>,
    %swap3A_746 = arith.constant 0 : i32
    %swap3A_747 = arith.constant 11 : i32
    %swap3A_748 = arith.index_cast %swap3A_746 : i32 to index
    %swap3A_749 = arith.index_cast %swap3A_747 : i32 to index
    %swap3A_750 = arith.constant 80 : index
    %swap3A_751 = tpu.vector_load %arg8[%swap3A_748, %swap3A_749, %swap3A_750] {strides = array<i32>} : memref<2x80x128xf32, #tpu.memory_space<vmem>>, vector<1x1x16xf32>,
    %swap3A_752 = vector.shape_cast %swap3A_751 : vector<1x1x16xf32> to vector<16xf32>
    %swap3A_753 = vector.shape_cast %broadcast_in_dim3A_2 : vector<16xf32> to vector<1x1x16xf32>
    tpu.vector_store %arg8[%swap3A_748, %swap3A_749, %swap3A_750], %swap3A_753 {strides = array<i32>} : memref<2x80x128xf32, #tpu.memory_space<vmem>>, vector<1x1x16xf32>,
    %swap3A_754 = arith.constant 0 : i32
    %swap3A_755 = arith.constant 11 : i32
    %swap3A_756 = arith.index_cast %swap3A_754 : i32 to index
    %swap3A_757 = arith.index_cast %swap3A_755 : i32 to index
    %swap3A_758 = arith.constant 96 : index
    %swap3A_759 = tpu.vector_load %arg8[%swap3A_756, %swap3A_757, %swap3A_758] {strides = array<i32>} : memref<2x80x128xf32, #tpu.memory_space<vmem>>, vector<1x1x16xf32>,
    %swap3A_760 = vector.shape_cast %swap3A_759 : vector<1x1x16xf32> to vector<16xf32>
    %swap3A_761 = vector.shape_cast %broadcast_in_dim3A_2 : vector<16xf32> to vector<1x1x16xf32>
    tpu.vector_store %arg8[%swap3A_756, %swap3A_757, %swap3A_758], %swap3A_761 {strides = array<i32>} : memref<2x80x128xf32, #tpu.memory_space<vmem>>, vector<1x1x16xf32>,
    %swap3A_762 = arith.constant 0 : i32
    %swap3A_763 = arith.constant 11 : i32
    %swap3A_764 = arith.index_cast %swap3A_762 : i32 to index
    %swap3A_765 = arith.index_cast %swap3A_763 : i32 to index
    %swap3A_766 = arith.constant 112 : index
    %swap3A_767 = tpu.vector_load %arg8[%swap3A_764, %swap3A_765, %swap3A_766] {strides = array<i32>} : memref<2x80x128xf32, #tpu.memory_space<vmem>>, vector<1x1x16xf32>,
    %swap3A_768 = vector.shape_cast %swap3A_767 : vector<1x1x16xf32> to vector<16xf32>
    %swap3A_769 = vector.shape_cast %broadcast_in_dim3A_2 : vector<16xf32> to vector<1x1x16xf32>
    tpu.vector_store %arg8[%swap3A_764, %swap3A_765, %swap3A_766], %swap3A_769 {strides = array<i32>} : memref<2x80x128xf32, #tpu.memory_space<vmem>>, vector<1x1x16xf32>,
    %swap3A_770 = arith.constant 0 : i32
    %swap3A_771 = arith.constant 12 : i32
    %swap3A_772 = arith.index_cast %swap3A_770 : i32 to index
    %swap3A_773 = arith.index_cast %swap3A_771 : i32 to index
    %swap3A_774 = arith.constant 0 : index
    %swap3A_775 = tpu.vector_load %arg8[%swap3A_772, %swap3A_773, %swap3A_774] {strides = array<i32>} : memref<2x80x128xf32, #tpu.memory_space<vmem>>, vector<1x1x16xf32>,
    %swap3A_776 = vector.shape_cast %swap3A_775 : vector<1x1x16xf32> to vector<16xf32>
    %swap3A_777 = vector.shape_cast %broadcast_in_dim3A_2 : vector<16xf32> to vector<1x1x16xf32>
    tpu.vector_store %arg8[%swap3A_772, %swap3A_773, %swap3A_774], %swap3A_777 {strides = array<i32>} : memref<2x80x128xf32, #tpu.memory_space<vmem>>, vector<1x1x16xf32>,
    %swap3A_778 = arith.constant 0 : i32
    %swap3A_779 = arith.constant 12 : i32
    %swap3A_780 = arith.index_cast %swap3A_778 : i32 to index
    %swap3A_781 = arith.index_cast %swap3A_779 : i32 to index
    %swap3A_782 = arith.constant 16 : index
    %swap3A_783 = tpu.vector_load %arg8[%swap3A_780, %swap3A_781, %swap3A_782] {strides = array<i32>} : memref<2x80x128xf32, #tpu.memory_space<vmem>>, vector<1x1x16xf32>,
    %swap3A_784 = vector.shape_cast %swap3A_783 : vector<1x1x16xf32> to vector<16xf32>
    %swap3A_785 = vector.shape_cast %broadcast_in_dim3A_2 : vector<16xf32> to vector<1x1x16xf32>
    tpu.vector_store %arg8[%swap3A_780, %swap3A_781, %swap3A_782], %swap3A_785 {strides = array<i32>} : memref<2x80x128xf32, #tpu.memory_space<vmem>>, vector<1x1x16xf32>,
    %swap3A_786 = arith.constant 0 : i32
    %swap3A_787 = arith.constant 12 : i32
    %swap3A_788 = arith.index_cast %swap3A_786 : i32 to index
    %swap3A_789 = arith.index_cast %swap3A_787 : i32 to index
    %swap3A_790 = arith.constant 32 : index
    %swap3A_791 = tpu.vector_load %arg8[%swap3A_788, %swap3A_789, %swap3A_790] {strides = array<i32>} : memref<2x80x128xf32, #tpu.memory_space<vmem>>, vector<1x1x16xf32>,
    %swap3A_792 = vector.shape_cast %swap3A_791 : vector<1x1x16xf32> to vector<16xf32>
    %swap3A_793 = vector.shape_cast %broadcast_in_dim3A_2 : vector<16xf32> to vector<1x1x16xf32>
    tpu.vector_store %arg8[%swap3A_788, %swap3A_789, %swap3A_790], %swap3A_793 {strides = array<i32>} : memref<2x80x128xf32, #tpu.memory_space<vmem>>, vector<1x1x16xf32>,
    %swap3A_794 = arith.constant 0 : i32
    %swap3A_795 = arith.constant 12 : i32
    %swap3A_796 = arith.index_cast %swap3A_794 : i32 to index
    %swap3A_797 = arith.index_cast %swap3A_795 : i32 to index
    %swap3A_798 = arith.constant 48 : index
    %swap3A_799 = tpu.vector_load %arg8[%swap3A_796, %swap3A_797, %swap3A_798] {strides = array<i32>} : memref<2x80x128xf32, #tpu.memory_space<vmem>>, vector<1x1x16xf32>,
    %swap3A_800 = vector.shape_cast %swap3A_799 : vector<1x1x16xf32> to vector<16xf32>
    %swap3A_801 = vector.shape_cast %broadcast_in_dim3A_2 : vector<16xf32> to vector<1x1x16xf32>
    tpu.vector_store %arg8[%swap3A_796, %swap3A_797, %swap3A_798], %swap3A_801 {strides = array<i32>} : memref<2x80x128xf32, #tpu.memory_space<vmem>>, vector<1x1x16xf32>,
    %swap3A_802 = arith.constant 0 : i32
    %swap3A_803 = arith.constant 12 : i32
    %swap3A_804 = arith.index_cast %swap3A_802 : i32 to index
    %swap3A_805 = arith.index_cast %swap3A_803 : i32 to index
    %swap3A_806 = arith.constant 64 : index
    %swap3A_807 = tpu.vector_load %arg8[%swap3A_804, %swap3A_805, %swap3A_806] {strides = array<i32>} : memref<2x80x128xf32, #tpu.memory_space<vmem>>, vector<1x1x16xf32>,
    %swap3A_808 = vector.shape_cast %swap3A_807 : vector<1x1x16xf32> to vector<16xf32>
    %swap3A_809 = vector.shape_cast %broadcast_in_dim3A_2 : vector<16xf32> to vector<1x1x16xf32>
    tpu.vector_store %arg8[%swap3A_804, %swap3A_805, %swap3A_806], %swap3A_809 {strides = array<i32>} : memref<2x80x128xf32, #tpu.memory_space<vmem>>, vector<1x1x16xf32>,
    %swap3A_810 = arith.constant 0 : i32
    %swap3A_811 = arith.constant 12 : i32
    %swap3A_812 = arith.index_cast %swap3A_810 : i32 to index
    %swap3A_813 = arith.index_cast %swap3A_811 : i32 to index
    %swap3A_814 = arith.constant 80 : index
    %swap3A_815 = tpu.vector_load %arg8[%swap3A_812, %swap3A_813, %swap3A_814] {strides = array<i32>} : memref<2x80x128xf32, #tpu.memory_space<vmem>>, vector<1x1x16xf32>,
    %swap3A_816 = vector.shape_cast %swap3A_815 : vector<1x1x16xf32> to vector<16xf32>
    %swap3A_817 = vector.shape_cast %broadcast_in_dim3A_2 : vector<16xf32> to vector<1x1x16xf32>
    tpu.vector_store %arg8[%swap3A_812, %swap3A_813, %swap3A_814], %swap3A_817 {strides = array<i32>} : memref<2x80x128xf32, #tpu.memory_space<vmem>>, vector<1x1x16xf32>,
    %swap3A_818 = arith.constant 0 : i32
    %swap3A_819 = arith.constant 12 : i32
    %swap3A_820 = arith.index_cast %swap3A_818 : i32 to index
    %swap3A_821 = arith.index_cast %swap3A_819 : i32 to index
    %swap3A_822 = arith.constant 96 : index
    %swap3A_823 = tpu.vector_load %arg8[%swap3A_820, %swap3A_821, %swap3A_822] {strides = array<i32>} : memref<2x80x128xf32, #tpu.memory_space<vmem>>, vector<1x1x16xf32>,
    %swap3A_824 = vector.shape_cast %swap3A_823 : vector<1x1x16xf32> to vector<16xf32>
    %swap3A_825 = vector.shape_cast %broadcast_in_dim3A_2 : vector<16xf32> to vector<1x1x16xf32>
    tpu.vector_store %arg8[%swap3A_820, %swap3A_821, %swap3A_822], %swap3A_825 {strides = array<i32>} : memref<2x80x128xf32, #tpu.memory_space<vmem>>, vector<1x1x16xf32>,
    %swap3A_826 = arith.constant 0 : i32
    %swap3A_827 = arith.constant 12 : i32
    %swap3A_828 = arith.index_cast %swap3A_826 : i32 to index
    %swap3A_829 = arith.index_cast %swap3A_827 : i32 to index
    %swap3A_830 = arith.constant 112 : index
    %swap3A_831 = tpu.vector_load %arg8[%swap3A_828, %swap3A_829, %swap3A_830] {strides = array<i32>} : memref<2x80x128xf32, #tpu.memory_space<vmem>>, vector<1x1x16xf32>,
    %swap3A_832 = vector.shape_cast %swap3A_831 : vector<1x1x16xf32> to vector<16xf32>
    %swap3A_833 = vector.shape_cast %broadcast_in_dim3A_2 : vector<16xf32> to vector<1x1x16xf32>
    tpu.vector_store %arg8[%swap3A_828, %swap3A_829, %swap3A_830], %swap3A_833 {strides = array<i32>} : memref<2x80x128xf32, #tpu.memory_space<vmem>>, vector<1x1x16xf32>,
    %swap3A_834 = arith.constant 0 : i32
    %swap3A_835 = arith.constant 13 : i32
    %swap3A_836 = arith.index_cast %swap3A_834 : i32 to index
    %swap3A_837 = arith.index_cast %swap3A_835 : i32 to index
    %swap3A_838 = arith.constant 0 : index
    %swap3A_839 = tpu.vector_load %arg8[%swap3A_836, %swap3A_837, %swap3A_838] {strides = array<i32>} : memref<2x80x128xf32, #tpu.memory_space<vmem>>, vector<1x1x16xf32>,
    %swap3A_840 = vector.shape_cast %swap3A_839 : vector<1x1x16xf32> to vector<16xf32>
    %swap3A_841 = vector.shape_cast %broadcast_in_dim3A_2 : vector<16xf32> to vector<1x1x16xf32>
    tpu.vector_store %arg8[%swap3A_836, %swap3A_837, %swap3A_838], %swap3A_841 {strides = array<i32>} : memref<2x80x128xf32, #tpu.memory_space<vmem>>, vector<1x1x16xf32>,
    %swap3A_842 = arith.constant 0 : i32
    %swap3A_843 = arith.constant 13 : i32
    %swap3A_844 = arith.index_cast %swap3A_842 : i32 to index
    %swap3A_845 = arith.index_cast %swap3A_843 : i32 to index
    %swap3A_846 = arith.constant 16 : index
    %swap3A_847 = tpu.vector_load %arg8[%swap3A_844, %swap3A_845, %swap3A_846] {strides = array<i32>} : memref<2x80x128xf32, #tpu.memory_space<vmem>>, vector<1x1x16xf32>,
    %swap3A_848 = vector.shape_cast %swap3A_847 : vector<1x1x16xf32> to vector<16xf32>
    %swap3A_849 = vector.shape_cast %broadcast_in_dim3A_2 : vector<16xf32> to vector<1x1x16xf32>
    tpu.vector_store %arg8[%swap3A_844, %swap3A_845, %swap3A_846], %swap3A_849 {strides = array<i32>} : memref<2x80x128xf32, #tpu.memory_space<vmem>>, vector<1x1x16xf32>,
    %swap3A_850 = arith.constant 0 : i32
    %swap3A_851 = arith.constant 13 : i32
    %swap3A_852 = arith.index_cast %swap3A_850 : i32 to index
    %swap3A_853 = arith.index_cast %swap3A_851 : i32 to index
    %swap3A_854 = arith.constant 32 : index
    %swap3A_855 = tpu.vector_load %arg8[%swap3A_852, %swap3A_853, %swap3A_854] {strides = array<i32>} : memref<2x80x128xf32, #tpu.memory_space<vmem>>, vector<1x1x16xf32>,
    %swap3A_856 = vector.shape_cast %swap3A_855 : vector<1x1x16xf32> to vector<16xf32>
    %swap3A_857 = vector.shape_cast %broadcast_in_dim3A_2 : vector<16xf32> to vector<1x1x16xf32>
    tpu.vector_store %arg8[%swap3A_852, %swap3A_853, %swap3A_854], %swap3A_857 {strides = array<i32>} : memref<2x80x128xf32, #tpu.memory_space<vmem>>, vector<1x1x16xf32>,
    %swap3A_858 = arith.constant 0 : i32
    %swap3A_859 = arith.constant 13 : i32
    %swap3A_860 = arith.index_cast %swap3A_858 : i32 to index
    %swap3A_861 = arith.index_cast %swap3A_859 : i32 to index
    %swap3A_862 = arith.constant 48 : index
    %swap3A_863 = tpu.vector_load %arg8[%swap3A_860, %swap3A_861, %swap3A_862] {strides = array<i32>} : memref<2x80x128xf32, #tpu.memory_space<vmem>>, vector<1x1x16xf32>,
    %swap3A_864 = vector.shape_cast %swap3A_863 : vector<1x1x16xf32> to vector<16xf32>
    %swap3A_865 = vector.shape_cast %broadcast_in_dim3A_2 : vector<16xf32> to vector<1x1x16xf32>
    tpu.vector_store %arg8[%swap3A_860, %swap3A_861, %swap3A_862], %swap3A_865 {strides = array<i32>} : memref<2x80x128xf32, #tpu.memory_space<vmem>>, vector<1x1x16xf32>,
    %swap3A_866 = arith.constant 0 : i32
    %swap3A_867 = arith.constant 13 : i32
    %swap3A_868 = arith.index_cast %swap3A_866 : i32 to index
    %swap3A_869 = arith.index_cast %swap3A_867 : i32 to index
    %swap3A_870 = arith.constant 64 : index
    %swap3A_871 = tpu.vector_load %arg8[%swap3A_868, %swap3A_869, %swap3A_870] {strides = array<i32>} : memref<2x80x128xf32, #tpu.memory_space<vmem>>, vector<1x1x16xf32>,
    %swap3A_872 = vector.shape_cast %swap3A_871 : vector<1x1x16xf32> to vector<16xf32>
    %swap3A_873 = vector.shape_cast %broadcast_in_dim3A_2 : vector<16xf32> to vector<1x1x16xf32>
    tpu.vector_store %arg8[%swap3A_868, %swap3A_869, %swap3A_870], %swap3A_873 {strides = array<i32>} : memref<2x80x128xf32, #tpu.memory_space<vmem>>, vector<1x1x16xf32>,
    %swap3A_874 = arith.constant 0 : i32
    %swap3A_875 = arith.constant 13 : i32
    %swap3A_876 = arith.index_cast %swap3A_874 : i32 to index
    %swap3A_877 = arith.index_cast %swap3A_875 : i32 to index
    %swap3A_878 = arith.constant 80 : index
    %swap3A_879 = tpu.vector_load %arg8[%swap3A_876, %swap3A_877, %swap3A_878] {strides = array<i32>} : memref<2x80x128xf32, #tpu.memory_space<vmem>>, vector<1x1x16xf32>,
    %swap3A_880 = vector.shape_cast %swap3A_879 : vector<1x1x16xf32> to vector<16xf32>
    %swap3A_881 = vector.shape_cast %broadcast_in_dim3A_2 : vector<16xf32> to vector<1x1x16xf32>
    tpu.vector_store %arg8[%swap3A_876, %swap3A_877, %swap3A_878], %swap3A_881 {strides = array<i32>} : memref<2x80x128xf32, #tpu.memory_space<vmem>>, vector<1x1x16xf32>,
    %swap3A_882 = arith.constant 0 : i32
    %swap3A_883 = arith.constant 13 : i32
    %swap3A_884 = arith.index_cast %swap3A_882 : i32 to index
    %swap3A_885 = arith.index_cast %swap3A_883 : i32 to index
    %swap3A_886 = arith.constant 96 : index
    %swap3A_887 = tpu.vector_load %arg8[%swap3A_884, %swap3A_885, %swap3A_886] {strides = array<i32>} : memref<2x80x128xf32, #tpu.memory_space<vmem>>, vector<1x1x16xf32>,
    %swap3A_888 = vector.shape_cast %swap3A_887 : vector<1x1x16xf32> to vector<16xf32>
    %swap3A_889 = vector.shape_cast %broadcast_in_dim3A_2 : vector<16xf32> to vector<1x1x16xf32>
    tpu.vector_store %arg8[%swap3A_884, %swap3A_885, %swap3A_886], %swap3A_889 {strides = array<i32>} : memref<2x80x128xf32, #tpu.memory_space<vmem>>, vector<1x1x16xf32>,
    %swap3A_890 = arith.constant 0 : i32
    %swap3A_891 = arith.constant 13 : i32
    %swap3A_892 = arith.index_cast %swap3A_890 : i32 to index
    %swap3A_893 = arith.index_cast %swap3A_891 : i32 to index
    %swap3A_894 = arith.constant 112 : index
    %swap3A_895 = tpu.vector_load %arg8[%swap3A_892, %swap3A_893, %swap3A_894] {strides = array<i32>} : memref<2x80x128xf32, #tpu.memory_space<vmem>>, vector<1x1x16xf32>,
    %swap3A_896 = vector.shape_cast %swap3A_895 : vector<1x1x16xf32> to vector<16xf32>
    %swap3A_897 = vector.shape_cast %broadcast_in_dim3A_2 : vector<16xf32> to vector<1x1x16xf32>
    tpu.vector_store %arg8[%swap3A_892, %swap3A_893, %swap3A_894], %swap3A_897 {strides = array<i32>} : memref<2x80x128xf32, #tpu.memory_space<vmem>>, vector<1x1x16xf32>,
    %swap3A_898 = arith.constant 0 : i32
    %swap3A_899 = arith.constant 14 : i32
    %swap3A_900 = arith.index_cast %swap3A_898 : i32 to index
    %swap3A_901 = arith.index_cast %swap3A_899 : i32 to index
    %swap3A_902 = arith.constant 0 : index
    %swap3A_903 = tpu.vector_load %arg8[%swap3A_900, %swap3A_901, %swap3A_902] {strides = array<i32>} : memref<2x80x128xf32, #tpu.memory_space<vmem>>, vector<1x1x16xf32>,
    %swap3A_904 = vector.shape_cast %swap3A_903 : vector<1x1x16xf32> to vector<16xf32>
    %swap3A_905 = vector.shape_cast %broadcast_in_dim3A_2 : vector<16xf32> to vector<1x1x16xf32>
    tpu.vector_store %arg8[%swap3A_900, %swap3A_901, %swap3A_902], %swap3A_905 {strides = array<i32>} : memref<2x80x128xf32, #tpu.memory_space<vmem>>, vector<1x1x16xf32>,
    %swap3A_906 = arith.constant 0 : i32
    %swap3A_907 = arith.constant 14 : i32
    %swap3A_908 = arith.index_cast %swap3A_906 : i32 to index
    %swap3A_909 = arith.index_cast %swap3A_907 : i32 to index
    %swap3A_910 = arith.constant 16 : index
    %swap3A_911 = tpu.vector_load %arg8[%swap3A_908, %swap3A_909, %swap3A_910] {strides = array<i32>} : memref<2x80x128xf32, #tpu.memory_space<vmem>>, vector<1x1x16xf32>,
    %swap3A_912 = vector.shape_cast %swap3A_911 : vector<1x1x16xf32> to vector<16xf32>
    %swap3A_913 = vector.shape_cast %broadcast_in_dim3A_2 : vector<16xf32> to vector<1x1x16xf32>
    tpu.vector_store %arg8[%swap3A_908, %swap3A_909, %swap3A_910], %swap3A_913 {strides = array<i32>} : memref<2x80x128xf32, #tpu.memory_space<vmem>>, vector<1x1x16xf32>,
    %swap3A_914 = arith.constant 0 : i32
    %swap3A_915 = arith.constant 14 : i32
    %swap3A_916 = arith.index_cast %swap3A_914 : i32 to index
    %swap3A_917 = arith.index_cast %swap3A_915 : i32 to index
    %swap3A_918 = arith.constant 32 : index
    %swap3A_919 = tpu.vector_load %arg8[%swap3A_916, %swap3A_917, %swap3A_918] {strides = array<i32>} : memref<2x80x128xf32, #tpu.memory_space<vmem>>, vector<1x1x16xf32>,
    %swap3A_920 = vector.shape_cast %swap3A_919 : vector<1x1x16xf32> to vector<16xf32>
    %swap3A_921 = vector.shape_cast %broadcast_in_dim3A_2 : vector<16xf32> to vector<1x1x16xf32>
    tpu.vector_store %arg8[%swap3A_916, %swap3A_917, %swap3A_918], %swap3A_921 {strides = array<i32>} : memref<2x80x128xf32, #tpu.memory_space<vmem>>, vector<1x1x16xf32>,
    %swap3A_922 = arith.constant 0 : i32
    %swap3A_923 = arith.constant 14 : i32
    %swap3A_924 = arith.index_cast %swap3A_922 : i32 to index
    %swap3A_925 = arith.index_cast %swap3A_923 : i32 to index
    %swap3A_926 = arith.constant 48 : index
    %swap3A_927 = tpu.vector_load %arg8[%swap3A_924, %swap3A_925, %swap3A_926] {strides = array<i32>} : memref<2x80x128xf32, #tpu.memory_space<vmem>>, vector<1x1x16xf32>,
    %swap3A_928 = vector.shape_cast %swap3A_927 : vector<1x1x16xf32> to vector<16xf32>
    %swap3A_929 = vector.shape_cast %broadcast_in_dim3A_2 : vector<16xf32> to vector<1x1x16xf32>
    tpu.vector_store %arg8[%swap3A_924, %swap3A_925, %swap3A_926], %swap3A_929 {strides = array<i32>} : memref<2x80x128xf32, #tpu.memory_space<vmem>>, vector<1x1x16xf32>,
    %swap3A_930 = arith.constant 0 : i32
    %swap3A_931 = arith.constant 14 : i32
    %swap3A_932 = arith.index_cast %swap3A_930 : i32 to index
    %swap3A_933 = arith.index_cast %swap3A_931 : i32 to index
    %swap3A_934 = arith.constant 64 : index
    %swap3A_935 = tpu.vector_load %arg8[%swap3A_932, %swap3A_933, %swap3A_934] {strides = array<i32>} : memref<2x80x128xf32, #tpu.memory_space<vmem>>, vector<1x1x16xf32>,
    %swap3A_936 = vector.shape_cast %swap3A_935 : vector<1x1x16xf32> to vector<16xf32>
    %swap3A_937 = vector.shape_cast %broadcast_in_dim3A_2 : vector<16xf32> to vector<1x1x16xf32>
    tpu.vector_store %arg8[%swap3A_932, %swap3A_933, %swap3A_934], %swap3A_937 {strides = array<i32>} : memref<2x80x128xf32, #tpu.memory_space<vmem>>, vector<1x1x16xf32>,
    %swap3A_938 = arith.constant 0 : i32
    %swap3A_939 = arith.constant 14 : i32
    %swap3A_940 = arith.index_cast %swap3A_938 : i32 to index
    %swap3A_941 = arith.index_cast %swap3A_939 : i32 to index
    %swap3A_942 = arith.constant 80 : index
    %swap3A_943 = tpu.vector_load %arg8[%swap3A_940, %swap3A_941, %swap3A_942] {strides = array<i32>} : memref<2x80x128xf32, #tpu.memory_space<vmem>>, vector<1x1x16xf32>,
    %swap3A_944 = vector.shape_cast %swap3A_943 : vector<1x1x16xf32> to vector<16xf32>
    %swap3A_945 = vector.shape_cast %broadcast_in_dim3A_2 : vector<16xf32> to vector<1x1x16xf32>
    tpu.vector_store %arg8[%swap3A_940, %swap3A_941, %swap3A_942], %swap3A_945 {strides = array<i32>} : memref<2x80x128xf32, #tpu.memory_space<vmem>>, vector<1x1x16xf32>,
    %swap3A_946 = arith.constant 0 : i32
    %swap3A_947 = arith.constant 14 : i32
    %swap3A_948 = arith.index_cast %swap3A_946 : i32 to index
    %swap3A_949 = arith.index_cast %swap3A_947 : i32 to index
    %swap3A_950 = arith.constant 96 : index
    %swap3A_951 = tpu.vector_load %arg8[%swap3A_948, %swap3A_949, %swap3A_950] {strides = array<i32>} : memref<2x80x128xf32, #tpu.memory_space<vmem>>, vector<1x1x16xf32>,
    %swap3A_952 = vector.shape_cast %swap3A_951 : vector<1x1x16xf32> to vector<16xf32>
    %swap3A_953 = vector.shape_cast %broadcast_in_dim3A_2 : vector<16xf32> to vector<1x1x16xf32>
    tpu.vector_store %arg8[%swap3A_948, %swap3A_949, %swap3A_950], %swap3A_953 {strides = array<i32>} : memref<2x80x128xf32, #tpu.memory_space<vmem>>, vector<1x1x16xf32>,
    %swap3A_954 = arith.constant 0 : i32
    %swap3A_955 = arith.constant 14 : i32
    %swap3A_956 = arith.index_cast %swap3A_954 : i32 to index
    %swap3A_957 = arith.index_cast %swap3A_955 : i32 to index
    %swap3A_958 = arith.constant 112 : index
    %swap3A_959 = tpu.vector_load %arg8[%swap3A_956, %swap3A_957, %swap3A_958] {strides = array<i32>} : memref<2x80x128xf32, #tpu.memory_space<vmem>>, vector<1x1x16xf32>,
    %swap3A_960 = vector.shape_cast %swap3A_959 : vector<1x1x16xf32> to vector<16xf32>
    %swap3A_961 = vector.shape_cast %broadcast_in_dim3A_2 : vector<16xf32> to vector<1x1x16xf32>
    tpu.vector_store %arg8[%swap3A_956, %swap3A_957, %swap3A_958], %swap3A_961 {strides = array<i32>} : memref<2x80x128xf32, #tpu.memory_space<vmem>>, vector<1x1x16xf32>,
    %swap3A_962 = arith.constant 0 : i32
    %swap3A_963 = arith.constant 15 : i32
    %swap3A_964 = arith.index_cast %swap3A_962 : i32 to index
    %swap3A_965 = arith.index_cast %swap3A_963 : i32 to index
    %swap3A_966 = arith.constant 0 : index
    %swap3A_967 = tpu.vector_load %arg8[%swap3A_964, %swap3A_965, %swap3A_966] {strides = array<i32>} : memref<2x80x128xf32, #tpu.memory_space<vmem>>, vector<1x1x16xf32>,
    %swap3A_968 = vector.shape_cast %swap3A_967 : vector<1x1x16xf32> to vector<16xf32>
    %swap3A_969 = vector.shape_cast %broadcast_in_dim3A_2 : vector<16xf32> to vector<1x1x16xf32>
    tpu.vector_store %arg8[%swap3A_964, %swap3A_965, %swap3A_966], %swap3A_969 {strides = array<i32>} : memref<2x80x128xf32, #tpu.memory_space<vmem>>, vector<1x1x16xf32>,
    %swap3A_970 = arith.constant 0 : i32
    %swap3A_971 = arith.constant 15 : i32
    %swap3A_972 = arith.index_cast %swap3A_970 : i32 to index
    %swap3A_973 = arith.index_cast %swap3A_971 : i32 to index
    %swap3A_974 = arith.constant 16 : index
    %swap3A_975 = tpu.vector_load %arg8[%swap3A_972, %swap3A_973, %swap3A_974] {strides = array<i32>} : memref<2x80x128xf32, #tpu.memory_space<vmem>>, vector<1x1x16xf32>,
    %swap3A_976 = vector.shape_cast %swap3A_975 : vector<1x1x16xf32> to vector<16xf32>
    %swap3A_977 = vector.shape_cast %broadcast_in_dim3A_2 : vector<16xf32> to vector<1x1x16xf32>
    tpu.vector_store %arg8[%swap3A_972, %swap3A_973, %swap3A_974], %swap3A_977 {strides = array<i32>} : memref<2x80x128xf32, #tpu.memory_space<vmem>>, vector<1x1x16xf32>,
    %swap3A_978 = arith.constant 0 : i32
    %swap3A_979 = arith.constant 15 : i32
    %swap3A_980 = arith.index_cast %swap3A_978 : i32 to index
    %swap3A_981 = arith.index_cast %swap3A_979 : i32 to index
    %swap3A_982 = arith.constant 32 : index
    %swap3A_983 = tpu.vector_load %arg8[%swap3A_980, %swap3A_981, %swap3A_982] {strides = array<i32>} : memref<2x80x128xf32, #tpu.memory_space<vmem>>, vector<1x1x16xf32>,
    %swap3A_984 = vector.shape_cast %swap3A_983 : vector<1x1x16xf32> to vector<16xf32>
    %swap3A_985 = vector.shape_cast %broadcast_in_dim3A_2 : vector<16xf32> to vector<1x1x16xf32>
    tpu.vector_store %arg8[%swap3A_980, %swap3A_981, %swap3A_982], %swap3A_985 {strides = array<i32>} : memref<2x80x128xf32, #tpu.memory_space<vmem>>, vector<1x1x16xf32>,
    %swap3A_986 = arith.constant 0 : i32
    %swap3A_987 = arith.constant 15 : i32
    %swap3A_988 = arith.index_cast %swap3A_986 : i32 to index
    %swap3A_989 = arith.index_cast %swap3A_987 : i32 to index
    %swap3A_990 = arith.constant 48 : index
    %swap3A_991 = tpu.vector_load %arg8[%swap3A_988, %swap3A_989, %swap3A_990] {strides = array<i32>} : memref<2x80x128xf32, #tpu.memory_space<vmem>>, vector<1x1x16xf32>,
    %swap3A_992 = vector.shape_cast %swap3A_991 : vector<1x1x16xf32> to vector<16xf32>
    %swap3A_993 = vector.shape_cast %broadcast_in_dim3A_2 : vector<16xf32> to vector<1x1x16xf32>
    tpu.vector_store %arg8[%swap3A_988, %swap3A_989, %swap3A_990], %swap3A_993 {strides = array<i32>} : memref<2x80x128xf32, #tpu.memory_space<vmem>>, vector<1x1x16xf32>,
    %swap3A_994 = arith.constant 0 : i32
    %swap3A_995 = arith.constant 15 : i32
    %swap3A_996 = arith.index_cast %swap3A_994 : i32 to index
    %swap3A_997 = arith.index_cast %swap3A_995 : i32 to index
    %swap3A_998 = arith.constant 64 : index
    %swap3A_999 = tpu.vector_load %arg8[%swap3A_996, %swap3A_997, %swap3A_998] {strides = array<i32>} : memref<2x80x128xf32, #tpu.memory_space<vmem>>, vector<1x1x16xf32>,
    %swap3A_1000 = vector.shape_cast %swap3A_999 : vector<1x1x16xf32> to vector<16xf32>
    %swap3A_1001 = vector.shape_cast %broadcast_in_dim3A_2 : vector<16xf32> to vector<1x1x16xf32>
    tpu.vector_store %arg8[%swap3A_996, %swap3A_997, %swap3A_998], %swap3A_1001 {strides = array<i32>} : memref<2x80x128xf32, #tpu.memory_space<vmem>>, vector<1x1x16xf32>,
    %swap3A_1002 = arith.constant 0 : i32
    %swap3A_1003 = arith.constant 15 : i32
    %swap3A_1004 = arith.index_cast %swap3A_1002 : i32 to index
    %swap3A_1005 = arith.index_cast %swap3A_1003 : i32 to index
    %swap3A_1006 = arith.constant 80 : index
    %swap3A_1007 = tpu.vector_load %arg8[%swap3A_1004, %swap3A_1005, %swap3A_1006] {strides = array<i32>} : memref<2x80x128xf32, #tpu.memory_space<vmem>>, vector<1x1x16xf32>,
    %swap3A_1008 = vector.shape_cast %swap3A_1007 : vector<1x1x16xf32> to vector<16xf32>
    %swap3A_1009 = vector.shape_cast %broadcast_in_dim3A_2 : vector<16xf32> to vector<1x1x16xf32>
    tpu.vector_store %arg8[%swap3A_1004, %swap3A_1005, %swap3A_1006], %swap3A_1009 {strides = array<i32>} : memref<2x80x128xf32, #tpu.memory_space<vmem>>, vector<1x1x16xf32>,
    %swap3A_1010 = arith.constant 0 : i32
    %swap3A_1011 = arith.constant 15 : i32
    %swap3A_1012 = arith.index_cast %swap3A_1010 : i32 to index
    %swap3A_1013 = arith.index_cast %swap3A_1011 : i32 to index
    %swap3A_1014 = arith.constant 96 : index
    %swap3A_1015 = tpu.vector_load %arg8[%swap3A_1012, %swap3A_1013, %swap3A_1014] {strides = array<i32>} : memref<2x80x128xf32, #tpu.memory_space<vmem>>, vector<1x1x16xf32>,
    %swap3A_1016 = vector.shape_cast %swap3A_1015 : vector<1x1x16xf32> to vector<16xf32>
    %swap3A_1017 = vector.shape_cast %broadcast_in_dim3A_2 : vector<16xf32> to vector<1x1x16xf32>
    tpu.vector_store %arg8[%swap3A_1012, %swap3A_1013, %swap3A_1014], %swap3A_1017 {strides = array<i32>} : memref<2x80x128xf32, #tpu.memory_space<vmem>>, vector<1x1x16xf32>,
    %swap3A_1018 = arith.constant 0 : i32
    %swap3A_1019 = arith.constant 15 : i32
    %swap3A_1020 = arith.index_cast %swap3A_1018 : i32 to index
    %swap3A_1021 = arith.index_cast %swap3A_1019 : i32 to index
    %swap3A_1022 = arith.constant 112 : index
    %swap3A_1023 = tpu.vector_load %arg8[%swap3A_1020, %swap3A_1021, %swap3A_1022] {strides = array<i32>} : memref<2x80x128xf32, #tpu.memory_space<vmem>>, vector<1x1x16xf32>,
    %swap3A_1024 = vector.shape_cast %swap3A_1023 : vector<1x1x16xf32> to vector<16xf32>
    %swap3A_1025 = vector.shape_cast %broadcast_in_dim3A_2 : vector<16xf32> to vector<1x1x16xf32>
    tpu.vector_store %arg8[%swap3A_1020, %swap3A_1021, %swap3A_1022], %swap3A_1025 {strides = array<i32>} : memref<2x80x128xf32, #tpu.memory_space<vmem>>, vector<1x1x16xf32>,
    %scan3A = arith.constant 0 : i32
    %scan3A_1026 = arith.constant 40 : i32
    %scan3A_1027 = arith.addi %scan3A, %scan3A_1026 : i32
    %scan3A_1028 = arith.constant 1 : i32
    scf.for %scan3A_1104 = %scan3A to %scan3A_1027 step %scan3A_1028  : i32 {
      %mul3A_1105 = arith.constant 16 : i32
      %mul3A_1106 = arith.muli %scan3A_1104, %mul3A_1105 : i32
      %add3A_1107 = arith.constant 0 : i32
      %add3A_1108 = arith.addi %add3A_1107, %mul3A_1106 : i32
      %mul3A_1109 = arith.constant 640 : i32
      %mul3A_1110 = arith.muli %arg1, %mul3A_1109 : i32
      %add3A_1111 = arith.addi %mul3A_1110, %add3A_1108 : i32
      %run_scoped3A = arith.constant 0 : i32
      "tpu.region"() ({
        %run_scoped3A_1112 = tpu.sem_alloc : memref<!tpu.dma_semaphore, #tpu.memory_space<semaphore_mem>>
        %dma_start3A_1113 = arith.constant 0 : i32
        %dma_start3A_1114 = arith.constant 0 : i32
        %dma_start3A_1115 = tpu.memref_slice %arg8[%run_scoped3A, %dma_start3A_1113, %dma_start3A_1114] : memref<2x80x128xf32, #tpu.memory_space<vmem>> -> memref<1x80x128xf32, #tpu.memory_space<vmem>>
        %dma_start3A_1116 = tpu.memref_squeeze %dma_start3A_1115 : memref<1x80x128xf32, #tpu.memory_space<vmem>> -> memref<80x128xf32, #tpu.memory_space<vmem>>
        %dma_start3A_1117 = arith.constant 0 : i32
        %dma_start3A_1118 = arith.constant 0 : i32
        %dma_start3A_1119 = tpu.memref_slice %dma_start3A_1116[%dma_start3A_1117, %dma_start3A_1118] : memref<80x128xf32, #tpu.memory_space<vmem>> -> memref<16x128xf32, #tpu.memory_space<vmem>>
        %dma_start3A_1120 = arith.constant 0 : i32
        %dma_start3A_1121 = tpu.memref_slice %arg9[%add3A_1111, %dma_start3A_1120] : memref<10240x128xf32, #tpu.memory_space<vmem_shared>> -> memref<16x128xf32, #tpu.memory_space<vmem_shared>>
        %dma_start3A_1122 = arith.constant 0 : i32
        %dma_start3A_1123 = tpu.memref_slice %arg9[%add3A_1111, %dma_start3A_1122] : memref<10240x128xf32, #tpu.memory_space<vmem_shared>> -> memref<16x128xf32, #tpu.memory_space<vmem_shared>>
        %dma_start3A_1124 = arith.constant 0 : i32
        %dma_start3A_1125 = arith.constant 0 : i32
        %dma_start3A_1126 = tpu.memref_slice %arg8[%run_scoped3A, %dma_start3A_1124, %dma_start3A_1125] : memref<2x80x128xf32, #tpu.memory_space<vmem>> -> memref<1x80x128xf32, #tpu.memory_space<vmem>>
        %dma_start3A_1127 = tpu.memref_squeeze %dma_start3A_1126 : memref<1x80x128xf32, #tpu.memory_space<vmem>> -> memref<80x128xf32, #tpu.memory_space<vmem>>
        %dma_start3A_1128 = arith.constant 0 : i32
        %dma_start3A_1129 = arith.constant 0 : i32
        %dma_start3A_1130 = tpu.memref_slice %dma_start3A_1127[%dma_start3A_1128, %dma_start3A_1129] : memref<80x128xf32, #tpu.memory_space<vmem>> -> memref<16x128xf32, #tpu.memory_space<vmem>>
        tpu.enqueue_dma source(%dma_start3A_1130 : memref<16x128xf32, #tpu.memory_space<vmem>>) target(%dma_start3A_1123 : memref<16x128xf32, #tpu.memory_space<vmem_shared>>) target_semaphore(%run_scoped3A_1112 : memref<!tpu.dma_semaphore, #tpu.memory_space<semaphore_mem>>)
        %dma_wait3A_1131 = arith.constant 0 : i32
        %dma_wait3A_1132 = arith.constant 0 : i32
        %dma_wait3A_1133 = tpu.memref_slice %arg8[%run_scoped3A, %dma_wait3A_1131, %dma_wait3A_1132] : memref<2x80x128xf32, #tpu.memory_space<vmem>> -> memref<1x80x128xf32, #tpu.memory_space<vmem>>
        %dma_wait3A_1134 = tpu.memref_squeeze %dma_wait3A_1133 : memref<1x80x128xf32, #tpu.memory_space<vmem>> -> memref<80x128xf32, #tpu.memory_space<vmem>>
        %dma_wait3A_1135 = arith.constant 0 : i32
        %dma_wait3A_1136 = arith.constant 0 : i32
        %dma_wait3A_1137 = tpu.memref_slice %dma_wait3A_1134[%dma_wait3A_1135, %dma_wait3A_1136] : memref<80x128xf32, #tpu.memory_space<vmem>> -> memref<16x128xf32, #tpu.memory_space<vmem>>
        %dma_wait3A_1138 = arith.constant 0 : i32
        %dma_wait3A_1139 = tpu.memref_slice %arg9[%add3A_1111, %dma_wait3A_1138] : memref<10240x128xf32, #tpu.memory_space<vmem_shared>> -> memref<16x128xf32, #tpu.memory_space<vmem_shared>>
        %dma_wait3A_1140 = arith.constant 0 : i32
        %dma_wait3A_1141 = tpu.memref_slice %arg9[%add3A_1111, %dma_wait3A_1140] : memref<10240x128xf32, #tpu.memory_space<vmem_shared>> -> memref<16x128xf32, #tpu.memory_space<vmem_shared>>
        %dma_wait3A_1142 = arith.constant 0 : i32
        %dma_wait3A_1143 = arith.constant 0 : i32
        %dma_wait3A_1144 = tpu.memref_slice %arg8[%run_scoped3A, %dma_wait3A_1142, %dma_wait3A_1143] : memref<2x80x128xf32, #tpu.memory_space<vmem>> -> memref<1x80x128xf32, #tpu.memory_space<vmem>>
        %dma_wait3A_1145 = tpu.memref_squeeze %dma_wait3A_1144 : memref<1x80x128xf32, #tpu.memory_space<vmem>> -> memref<80x128xf32, #tpu.memory_space<vmem>>
        %dma_wait3A_1146 = arith.constant 0 : i32
        %dma_wait3A_1147 = arith.constant 0 : i32
        %dma_wait3A_1148 = tpu.memref_slice %dma_wait3A_1145[%dma_wait3A_1146, %dma_wait3A_1147] : memref<80x128xf32, #tpu.memory_space<vmem>> -> memref<16x128xf32, #tpu.memory_space<vmem>>
        tpu.wait_dma2 semaphore(%run_scoped3A_1112 : memref<!tpu.dma_semaphore, #tpu.memory_space<semaphore_mem>>) src(%dma_wait3A_1148 : memref<16x128xf32, #tpu.memory_space<vmem>>) dst(%dma_wait3A_1141 : memref<16x128xf32, #tpu.memory_space<vmem_shared>>)
        tpu.yield
      }) : () -> ()
    }
    %scan3A_1029 = arith.constant 40 : i32
    %barrier3A = arith.constant 0 : index
    tpu.barrier barrier_id(%barrier3A)
    %dma_start3A = arith.constant 0 : i32
    %dma_start3A_1030 = arith.constant 0 : i32
    %dma_start3A_1031 = arith.constant 0 : i32
    %dma_start3A_1032 = tpu.memref_slice %arg8[%dma_start3A, %dma_start3A_1030, %dma_start3A_1031] : memref<2x80x128xf32, #tpu.memory_space<vmem>> -> memref<1x80x128xf32, #tpu.memory_space<vmem>>
    %dma_start3A_1033 = tpu.memref_squeeze %dma_start3A_1032 : memref<1x80x128xf32, #tpu.memory_space<vmem>> -> memref<80x128xf32, #tpu.memory_space<vmem>>
    %dma_start3A_1034 = arith.constant 0 : i32
    %dma_start3A_1035 = tpu.memref_slice %arg6[%dma_start3A_1034] : memref<10000xi32, #tpu.memory_space<vmem>> -> memref<80xi32, #tpu.memory_space<vmem>>
    %dma_start3A_1036 = arith.constant 0 : i32
    %dma_start3A_1037 = arith.constant 0 : i32
    %dma_start3A_1038 = tpu.memref_slice %arg2[%add3A_1, %dma_start3A_1036, %dma_start3A_1037] : memref<2x10000x128xf32, #tpu.memory_space<hbm>> -> memref<1x10000x128xf32, #tpu.memory_space<hbm>>
    %dma_start3A_1039 = tpu.memref_squeeze %dma_start3A_1038 : memref<1x10000x128xf32, #tpu.memory_space<hbm>> -> memref<10000x128xf32, #tpu.memory_space<hbm>>
    %dma_start3A_1040 = arith.constant 0 : i32
    %dma_start3A_1041 = arith.constant 0 : i32
    %dma_start3A_1042 = tpu.memref_slice %dma_start3A_1039[%dma_start3A_1040, %dma_start3A_1041] : memref<10000x128xf32, #tpu.memory_space<hbm>> -> memref<10000x128xf32, #tpu.memory_space<hbm>>
    tpu.enqueue_indirect_dma source(%dma_start3A_1042 : memref<10000x128xf32, #tpu.memory_space<hbm>>) target(%dma_start3A_1033 : memref<80x128xf32, #tpu.memory_space<vmem>>) offsets(%dma_start3A_1035 : memref<80xi32, #tpu.memory_space<vmem>>) semaphore(%arg10 : memref<!tpu.dma_semaphore, #tpu.memory_space<semaphore_mem>>)
    %dma_start3A_1043 = arith.constant 1 : i32
    %dma_start3A_1044 = arith.constant 0 : i32
    %dma_start3A_1045 = arith.constant 0 : i32
    %dma_start3A_1046 = tpu.memref_slice %arg8[%dma_start3A_1043, %dma_start3A_1044, %dma_start3A_1045] : memref<2x80x128xf32, #tpu.memory_space<vmem>> -> memref<1x80x128xf32, #tpu.memory_space<vmem>>
    %dma_start3A_1047 = tpu.memref_squeeze %dma_start3A_1046 : memref<1x80x128xf32, #tpu.memory_space<vmem>> -> memref<80x128xf32, #tpu.memory_space<vmem>>
    %dma_start3A_1048 = arith.constant 80 : i32
    %dma_start3A_1049 = tpu.memref_slice %arg6[%dma_start3A_1048] : memref<10000xi32, #tpu.memory_space<vmem>> -> memref<80xi32, #tpu.memory_space<vmem>>
    %dma_start3A_1050 = arith.constant 0 : i32
    %dma_start3A_1051 = arith.constant 0 : i32
    %dma_start3A_1052 = tpu.memref_slice %arg2[%add3A_1, %dma_start3A_1050, %dma_start3A_1051] : memref<2x10000x128xf32, #tpu.memory_space<hbm>> -> memref<1x10000x128xf32, #tpu.memory_space<hbm>>
    %dma_start3A_1053 = tpu.memref_squeeze %dma_start3A_1052 : memref<1x10000x128xf32, #tpu.memory_space<hbm>> -> memref<10000x128xf32, #tpu.memory_space<hbm>>
    %dma_start3A_1054 = arith.constant 0 : i32
    %dma_start3A_1055 = arith.constant 0 : i32
    %dma_start3A_1056 = tpu.memref_slice %dma_start3A_1053[%dma_start3A_1054, %dma_start3A_1055] : memref<10000x128xf32, #tpu.memory_space<hbm>> -> memref<10000x128xf32, #tpu.memory_space<hbm>>
    tpu.enqueue_indirect_dma source(%dma_start3A_1056 : memref<10000x128xf32, #tpu.memory_space<hbm>>) target(%dma_start3A_1047 : memref<80x128xf32, #tpu.memory_space<vmem>>) offsets(%dma_start3A_1049 : memref<80xi32, #tpu.memory_space<vmem>>) semaphore(%arg11 : memref<!tpu.dma_semaphore, #tpu.memory_space<semaphore_mem>>)
    %scan3A_1057 = arith.constant 0 : i32
    %scan3A_1058 = arith.constant 62 : i32
    %scan3A_1059 = arith.addi %scan3A_1057, %scan3A_1058 : i32
    %scan3A_1060 = arith.constant 1 : i32
    scf.for %scan3A_1104 = %scan3A_1057 to %scan3A_1059 step %scan3A_1060  : i32 {
      %mul3A_1105 = arith.constant 1 : i32
      %mul3A_1106 = arith.muli %scan3A_1104, %mul3A_1105 : i32
      %add3A_1107 = arith.constant 0 : i32
      %add3A_1108 = arith.addi %add3A_1107, %mul3A_1106 : i32
      %mul3A_1109 = arith.constant 2 : i32
      %mul3A_1110 = arith.muli %add3A_1108, %mul3A_1109 : i32
      %add3A_1111 = arith.constant 0 : i32
      %add3A_1112 = arith.addi %mul3A_1110, %add3A_1111 : i32
      %mul3A_1113 = arith.constant 80 : i32
      %mul3A_1114 = arith.muli %add3A_1112, %mul3A_1113 : i32
      %dma_wait3A_1115 = arith.constant 0 : i32
      %dma_wait3A_1116 = arith.constant 0 : i32
      %dma_wait3A_1117 = arith.constant 0 : i32
      %dma_wait3A_1118 = tpu.memref_slice %arg8[%dma_wait3A_1115, %dma_wait3A_1116, %dma_wait3A_1117] : memref<2x80x128xf32, #tpu.memory_space<vmem>> -> memref<1x80x128xf32, #tpu.memory_space<vmem>>
      %dma_wait3A_1119 = tpu.memref_squeeze %dma_wait3A_1118 : memref<1x80x128xf32, #tpu.memory_space<vmem>> -> memref<80x128xf32, #tpu.memory_space<vmem>>
      %dma_wait3A_1120 = tpu.memref_slice %arg6[%mul3A_1114] : memref<10000xi32, #tpu.memory_space<vmem>> -> memref<80xi32, #tpu.memory_space<vmem>>
      %dma_wait3A_1121 = arith.constant 0 : i32
      %dma_wait3A_1122 = arith.constant 0 : i32
      %dma_wait3A_1123 = tpu.memref_slice %arg2[%add3A_1, %dma_wait3A_1121, %dma_wait3A_1122] : memref<2x10000x128xf32, #tpu.memory_space<hbm>> -> memref<1x10000x128xf32, #tpu.memory_space<hbm>>
      %dma_wait3A_1124 = tpu.memref_squeeze %dma_wait3A_1123 : memref<1x10000x128xf32, #tpu.memory_space<hbm>> -> memref<10000x128xf32, #tpu.memory_space<hbm>>
      %dma_wait3A_1125 = arith.constant 0 : i32
      %dma_wait3A_1126 = arith.constant 0 : i32
      %dma_wait3A_1127 = tpu.memref_slice %dma_wait3A_1124[%dma_wait3A_1125, %dma_wait3A_1126] : memref<10000x128xf32, #tpu.memory_space<hbm>> -> memref<10000x128xf32, #tpu.memory_space<hbm>>
      tpu.wait_indirect_dma semaphore(%arg10 : memref<!tpu.dma_semaphore, #tpu.memory_space<semaphore_mem>>) src(%dma_wait3A_1127 : memref<10000x128xf32, #tpu.memory_space<hbm>>) dst(%dma_wait3A_1119 : memref<80x128xf32, #tpu.memory_space<vmem>>)
      %dma_start3A_1128 = arith.constant 0 : i32
      %dma_start3A_1129 = arith.constant 0 : i32
      %dma_start3A_1130 = arith.constant 0 : i32
      %dma_start3A_1131 = tpu.memref_slice %arg8[%dma_start3A_1128, %dma_start3A_1129, %dma_start3A_1130] : memref<2x80x128xf32, #tpu.memory_space<vmem>> -> memref<1x80x128xf32, #tpu.memory_space<vmem>>
      %dma_start3A_1132 = tpu.memref_squeeze %dma_start3A_1131 : memref<1x80x128xf32, #tpu.memory_space<vmem>> -> memref<80x128xf32, #tpu.memory_space<vmem>>
      %dma_start3A_1133 = arith.constant 0 : i32
      %dma_start3A_1134 = tpu.memref_slice %arg7[%add3A_1112, %dma_start3A_1133] : memref<125x80xi32, #tpu.memory_space<vmem>> -> memref<1x80xi32, #tpu.memory_space<vmem>>
      %dma_start3A_1135 = tpu.memref_squeeze %dma_start3A_1134 : memref<1x80xi32, #tpu.memory_space<vmem>> -> memref<80xi32, #tpu.memory_space<vmem>>
      %dma_start3A_1136 = arith.constant 0 : i32
      %dma_start3A_1137 = arith.constant 0 : i32
      %dma_start3A_1138 = tpu.memref_slice %arg9[%dma_start3A_1136, %dma_start3A_1137] : memref<10240x128xf32, #tpu.memory_space<vmem_shared>> -> memref<10240x128xf32, #tpu.memory_space<vmem_shared>>
      tpu.enqueue_indirect_dma source(%dma_start3A_1132 : memref<80x128xf32, #tpu.memory_space<vmem>>) target(%dma_start3A_1138 : memref<10240x128xf32, #tpu.memory_space<vmem_shared>>) offsets(%dma_start3A_1135 : memref<80xi32, #tpu.memory_space<vmem>>) semaphore(%arg12 : memref<!tpu.dma_semaphore, #tpu.memory_space<semaphore_mem>>) {add = true}
      %dma_wait3A_1139 = arith.constant 0 : i32
      %dma_wait3A_1140 = arith.constant 0 : i32
      %dma_wait3A_1141 = arith.constant 0 : i32
      %dma_wait3A_1142 = tpu.memref_slice %arg8[%dma_wait3A_1139, %dma_wait3A_1140, %dma_wait3A_1141] : memref<2x80x128xf32, #tpu.memory_space<vmem>> -> memref<1x80x128xf32, #tpu.memory_space<vmem>>
      %dma_wait3A_1143 = tpu.memref_squeeze %dma_wait3A_1142 : memref<1x80x128xf32, #tpu.memory_space<vmem>> -> memref<80x128xf32, #tpu.memory_space<vmem>>
      %dma_wait3A_1144 = arith.constant 0 : i32
      %dma_wait3A_1145 = tpu.memref_slice %arg7[%add3A_1112, %dma_wait3A_1144] : memref<125x80xi32, #tpu.memory_space<vmem>> -> memref<1x80xi32, #tpu.memory_space<vmem>>
      %dma_wait3A_1146 = tpu.memref_squeeze %dma_wait3A_1145 : memref<1x80xi32, #tpu.memory_space<vmem>> -> memref<80xi32, #tpu.memory_space<vmem>>
      %dma_wait3A_1147 = arith.constant 0 : i32
      %dma_wait3A_1148 = arith.constant 0 : i32
      %dma_wait3A_1149 = tpu.memref_slice %arg9[%dma_wait3A_1147, %dma_wait3A_1148] : memref<10240x128xf32, #tpu.memory_space<vmem_shared>> -> memref<10240x128xf32, #tpu.memory_space<vmem_shared>>
      tpu.wait_indirect_dma semaphore(%arg12 : memref<!tpu.dma_semaphore, #tpu.memory_space<semaphore_mem>>) src(%dma_wait3A_1143 : memref<80x128xf32, #tpu.memory_space<vmem>>) dst(%dma_wait3A_1149 : memref<10240x128xf32, #tpu.memory_space<vmem_shared>>)
      %add3A_1150 = arith.constant 2 : i32
      %add3A_1151 = arith.addi %add3A_1112, %add3A_1150 : i32
      %lt3A = arith.constant 125 : i32
      %lt3A_1152 = arith.cmpi slt, %add3A_1151, %lt3A : i32
      %convert_element_type3A = arith.extui %lt3A_1152 : i1 to i32
      %cond3A = arith.constant 0 : i32
      %cond3A_1153 = arith.cmpi ne, %convert_element_type3A, %cond3A : i32
      scf.if %cond3A_1153 {
        %add3A_1202 = arith.constant 2 : i32
        %add3A_1203 = arith.addi %add3A_1112, %add3A_1202 : i32
        %mul3A_1204 = arith.constant 80 : i32
        %mul3A_1205 = arith.muli %add3A_1203, %mul3A_1204 : i32
        %dma_start3A_1206 = arith.constant 0 : i32
        %dma_start3A_1207 = arith.constant 0 : i32
        %dma_start3A_1208 = arith.constant 0 : i32
        %dma_start3A_1209 = tpu.memref_slice %arg8[%dma_start3A_1206, %dma_start3A_1207, %dma_start3A_1208] : memref<2x80x128xf32, #tpu.memory_space<vmem>> -> memref<1x80x128xf32, #tpu.memory_space<vmem>>
        %dma_start3A_1210 = tpu.memref_squeeze %dma_start3A_1209 : memref<1x80x128xf32, #tpu.memory_space<vmem>> -> memref<80x128xf32, #tpu.memory_space<vmem>>
        %dma_start3A_1211 = tpu.memref_slice %arg6[%mul3A_1205] : memref<10000xi32, #tpu.memory_space<vmem>> -> memref<80xi32, #tpu.memory_space<vmem>>
        %dma_start3A_1212 = arith.constant 0 : i32
        %dma_start3A_1213 = arith.constant 0 : i32
        %dma_start3A_1214 = tpu.memref_slice %arg2[%add3A_1, %dma_start3A_1212, %dma_start3A_1213] : memref<2x10000x128xf32, #tpu.memory_space<hbm>> -> memref<1x10000x128xf32, #tpu.memory_space<hbm>>
        %dma_start3A_1215 = tpu.memref_squeeze %dma_start3A_1214 : memref<1x10000x128xf32, #tpu.memory_space<hbm>> -> memref<10000x128xf32, #tpu.memory_space<hbm>>
        %dma_start3A_1216 = arith.constant 0 : i32
        %dma_start3A_1217 = arith.constant 0 : i32
        %dma_start3A_1218 = tpu.memref_slice %dma_start3A_1215[%dma_start3A_1216, %dma_start3A_1217] : memref<10000x128xf32, #tpu.memory_space<hbm>> -> memref<10000x128xf32, #tpu.memory_space<hbm>>
        tpu.enqueue_indirect_dma source(%dma_start3A_1218 : memref<10000x128xf32, #tpu.memory_space<hbm>>) target(%dma_start3A_1210 : memref<80x128xf32, #tpu.memory_space<vmem>>) offsets(%dma_start3A_1211 : memref<80xi32, #tpu.memory_space<vmem>>) semaphore(%arg10 : memref<!tpu.dma_semaphore, #tpu.memory_space<semaphore_mem>>)
      } else {
      }
      %mul3A_1154 = arith.constant 2 : i32
      %mul3A_1155 = arith.muli %add3A_1108, %mul3A_1154 : i32
      %add3A_1156 = arith.constant 1 : i32
      %add3A_1157 = arith.addi %mul3A_1155, %add3A_1156 : i32
      %mul3A_1158 = arith.constant 80 : i32
      %mul3A_1159 = arith.muli %add3A_1157, %mul3A_1158 : i32
      %dma_wait3A_1160 = arith.constant 1 : i32
      %dma_wait3A_1161 = arith.constant 0 : i32
      %dma_wait3A_1162 = arith.constant 0 : i32
      %dma_wait3A_1163 = tpu.memref_slice %arg8[%dma_wait3A_1160, %dma_wait3A_1161, %dma_wait3A_1162] : memref<2x80x128xf32, #tpu.memory_space<vmem>> -> memref<1x80x128xf32, #tpu.memory_space<vmem>>
      %dma_wait3A_1164 = tpu.memref_squeeze %dma_wait3A_1163 : memref<1x80x128xf32, #tpu.memory_space<vmem>> -> memref<80x128xf32, #tpu.memory_space<vmem>>
      %dma_wait3A_1165 = tpu.memref_slice %arg6[%mul3A_1159] : memref<10000xi32, #tpu.memory_space<vmem>> -> memref<80xi32, #tpu.memory_space<vmem>>
      %dma_wait3A_1166 = arith.constant 0 : i32
      %dma_wait3A_1167 = arith.constant 0 : i32
      %dma_wait3A_1168 = tpu.memref_slice %arg2[%add3A_1, %dma_wait3A_1166, %dma_wait3A_1167] : memref<2x10000x128xf32, #tpu.memory_space<hbm>> -> memref<1x10000x128xf32, #tpu.memory_space<hbm>>
      %dma_wait3A_1169 = tpu.memref_squeeze %dma_wait3A_1168 : memref<1x10000x128xf32, #tpu.memory_space<hbm>> -> memref<10000x128xf32, #tpu.memory_space<hbm>>
      %dma_wait3A_1170 = arith.constant 0 : i32
      %dma_wait3A_1171 = arith.constant 0 : i32
      %dma_wait3A_1172 = tpu.memref_slice %dma_wait3A_1169[%dma_wait3A_1170, %dma_wait3A_1171] : memref<10000x128xf32, #tpu.memory_space<hbm>> -> memref<10000x128xf32, #tpu.memory_space<hbm>>
      tpu.wait_indirect_dma semaphore(%arg11 : memref<!tpu.dma_semaphore, #tpu.memory_space<semaphore_mem>>) src(%dma_wait3A_1172 : memref<10000x128xf32, #tpu.memory_space<hbm>>) dst(%dma_wait3A_1164 : memref<80x128xf32, #tpu.memory_space<vmem>>)
      %dma_start3A_1173 = arith.constant 1 : i32
      %dma_start3A_1174 = arith.constant 0 : i32
      %dma_start3A_1175 = arith.constant 0 : i32
      %dma_start3A_1176 = tpu.memref_slice %arg8[%dma_start3A_1173, %dma_start3A_1174, %dma_start3A_1175] : memref<2x80x128xf32, #tpu.memory_space<vmem>> -> memref<1x80x128xf32, #tpu.memory_space<vmem>>
      %dma_start3A_1177 = tpu.memref_squeeze %dma_start3A_1176 : memref<1x80x128xf32, #tpu.memory_space<vmem>> -> memref<80x128xf32, #tpu.memory_space<vmem>>
      %dma_start3A_1178 = arith.constant 0 : i32
      %dma_start3A_1179 = tpu.memref_slice %arg7[%add3A_1157, %dma_start3A_1178] : memref<125x80xi32, #tpu.memory_space<vmem>> -> memref<1x80xi32, #tpu.memory_space<vmem>>
      %dma_start3A_1180 = tpu.memref_squeeze %dma_start3A_1179 : memref<1x80xi32, #tpu.memory_space<vmem>> -> memref<80xi32, #tpu.memory_space<vmem>>
      %dma_start3A_1181 = arith.constant 0 : i32
      %dma_start3A_1182 = arith.constant 0 : i32
      %dma_start3A_1183 = tpu.memref_slice %arg9[%dma_start3A_1181, %dma_start3A_1182] : memref<10240x128xf32, #tpu.memory_space<vmem_shared>> -> memref<10240x128xf32, #tpu.memory_space<vmem_shared>>
      tpu.enqueue_indirect_dma source(%dma_start3A_1177 : memref<80x128xf32, #tpu.memory_space<vmem>>) target(%dma_start3A_1183 : memref<10240x128xf32, #tpu.memory_space<vmem_shared>>) offsets(%dma_start3A_1180 : memref<80xi32, #tpu.memory_space<vmem>>) semaphore(%arg13 : memref<!tpu.dma_semaphore, #tpu.memory_space<semaphore_mem>>) {add = true}
      %dma_wait3A_1184 = arith.constant 1 : i32
      %dma_wait3A_1185 = arith.constant 0 : i32
      %dma_wait3A_1186 = arith.constant 0 : i32
      %dma_wait3A_1187 = tpu.memref_slice %arg8[%dma_wait3A_1184, %dma_wait3A_1185, %dma_wait3A_1186] : memref<2x80x128xf32, #tpu.memory_space<vmem>> -> memref<1x80x128xf32, #tpu.memory_space<vmem>>
      %dma_wait3A_1188 = tpu.memref_squeeze %dma_wait3A_1187 : memref<1x80x128xf32, #tpu.memory_space<vmem>> -> memref<80x128xf32, #tpu.memory_space<vmem>>
      %dma_wait3A_1189 = arith.constant 0 : i32
      %dma_wait3A_1190 = tpu.memref_slice %arg7[%add3A_1157, %dma_wait3A_1189] : memref<125x80xi32, #tpu.memory_space<vmem>> -> memref<1x80xi32, #tpu.memory_space<vmem>>
      %dma_wait3A_1191 = tpu.memref_squeeze %dma_wait3A_1190 : memref<1x80xi32, #tpu.memory_space<vmem>> -> memref<80xi32, #tpu.memory_space<vmem>>
      %dma_wait3A_1192 = arith.constant 0 : i32
      %dma_wait3A_1193 = arith.constant 0 : i32
      %dma_wait3A_1194 = tpu.memref_slice %arg9[%dma_wait3A_1192, %dma_wait3A_1193] : memref<10240x128xf32, #tpu.memory_space<vmem_shared>> -> memref<10240x128xf32, #tpu.memory_space<vmem_shared>>
      tpu.wait_indirect_dma semaphore(%arg13 : memref<!tpu.dma_semaphore, #tpu.memory_space<semaphore_mem>>) src(%dma_wait3A_1188 : memref<80x128xf32, #tpu.memory_space<vmem>>) dst(%dma_wait3A_1194 : memref<10240x128xf32, #tpu.memory_space<vmem_shared>>)
      %add3A_1195 = arith.constant 2 : i32
      %add3A_1196 = arith.addi %add3A_1157, %add3A_1195 : i32
      %lt3A_1197 = arith.constant 125 : i32
      %lt3A_1198 = arith.cmpi slt, %add3A_1196, %lt3A_1197 : i32
      %convert_element_type3A_1199 = arith.extui %lt3A_1198 : i1 to i32
      %cond3A_1200 = arith.constant 0 : i32
      %cond3A_1201 = arith.cmpi ne, %convert_element_type3A_1199, %cond3A_1200 : i32
      scf.if %cond3A_1201 {
        %add3A_1202 = arith.constant 2 : i32
        %add3A_1203 = arith.addi %add3A_1157, %add3A_1202 : i32
        %mul3A_1204 = arith.constant 80 : i32
        %mul3A_1205 = arith.muli %add3A_1203, %mul3A_1204 : i32
        %dma_start3A_1206 = arith.constant 1 : i32
        %dma_start3A_1207 = arith.constant 0 : i32
        %dma_start3A_1208 = arith.constant 0 : i32
        %dma_start3A_1209 = tpu.memref_slice %arg8[%dma_start3A_1206, %dma_start3A_1207, %dma_start3A_1208] : memref<2x80x128xf32, #tpu.memory_space<vmem>> -> memref<1x80x128xf32, #tpu.memory_space<vmem>>
        %dma_start3A_1210 = tpu.memref_squeeze %dma_start3A_1209 : memref<1x80x128xf32, #tpu.memory_space<vmem>> -> memref<80x128xf32, #tpu.memory_space<vmem>>
        %dma_start3A_1211 = tpu.memref_slice %arg6[%mul3A_1205] : memref<10000xi32, #tpu.memory_space<vmem>> -> memref<80xi32, #tpu.memory_space<vmem>>
        %dma_start3A_1212 = arith.constant 0 : i32
        %dma_start3A_1213 = arith.constant 0 : i32
        %dma_start3A_1214 = tpu.memref_slice %arg2[%add3A_1, %dma_start3A_1212, %dma_start3A_1213] : memref<2x10000x128xf32, #tpu.memory_space<hbm>> -> memref<1x10000x128xf32, #tpu.memory_space<hbm>>
        %dma_start3A_1215 = tpu.memref_squeeze %dma_start3A_1214 : memref<1x10000x128xf32, #tpu.memory_space<hbm>> -> memref<10000x128xf32, #tpu.memory_space<hbm>>
        %dma_start3A_1216 = arith.constant 0 : i32
        %dma_start3A_1217 = arith.constant 0 : i32
        %dma_start3A_1218 = tpu.memref_slice %dma_start3A_1215[%dma_start3A_1216, %dma_start3A_1217] : memref<10000x128xf32, #tpu.memory_space<hbm>> -> memref<10000x128xf32, #tpu.memory_space<hbm>>
        tpu.enqueue_indirect_dma source(%dma_start3A_1218 : memref<10000x128xf32, #tpu.memory_space<hbm>>) target(%dma_start3A_1210 : memref<80x128xf32, #tpu.memory_space<vmem>>) offsets(%dma_start3A_1211 : memref<80xi32, #tpu.memory_space<vmem>>) semaphore(%arg11 : memref<!tpu.dma_semaphore, #tpu.memory_space<semaphore_mem>>)
      } else {
      }
    }
    %scan3A_1061 = arith.constant 62 : i32
    %dma_wait3A = arith.constant 0 : i32
    %dma_wait3A_1062 = arith.constant 0 : i32
    %dma_wait3A_1063 = arith.constant 0 : i32
    %dma_wait3A_1064 = tpu.memref_slice %arg8[%dma_wait3A, %dma_wait3A_1062, %dma_wait3A_1063] : memref<2x80x128xf32, #tpu.memory_space<vmem>> -> memref<1x80x128xf32, #tpu.memory_space<vmem>>
    %dma_wait3A_1065 = tpu.memref_squeeze %dma_wait3A_1064 : memref<1x80x128xf32, #tpu.memory_space<vmem>> -> memref<80x128xf32, #tpu.memory_space<vmem>>
    %dma_wait3A_1066 = arith.constant 9920 : i32
    %dma_wait3A_1067 = tpu.memref_slice %arg6[%dma_wait3A_1066] : memref<10000xi32, #tpu.memory_space<vmem>> -> memref<80xi32, #tpu.memory_space<vmem>>
    %dma_wait3A_1068 = arith.constant 0 : i32
    %dma_wait3A_1069 = arith.constant 0 : i32
    %dma_wait3A_1070 = tpu.memref_slice %arg2[%add3A_1, %dma_wait3A_1068, %dma_wait3A_1069] : memref<2x10000x128xf32, #tpu.memory_space<hbm>> -> memref<1x10000x128xf32, #tpu.memory_space<hbm>>
    %dma_wait3A_1071 = tpu.memref_squeeze %dma_wait3A_1070 : memref<1x10000x128xf32, #tpu.memory_space<hbm>> -> memref<10000x128xf32, #tpu.memory_space<hbm>>
    %dma_wait3A_1072 = arith.constant 0 : i32
    %dma_wait3A_1073 = arith.constant 0 : i32
    %dma_wait3A_1074 = tpu.memref_slice %dma_wait3A_1071[%dma_wait3A_1072, %dma_wait3A_1073] : memref<10000x128xf32, #tpu.memory_space<hbm>> -> memref<10000x128xf32, #tpu.memory_space<hbm>>
    tpu.wait_indirect_dma semaphore(%arg10 : memref<!tpu.dma_semaphore, #tpu.memory_space<semaphore_mem>>) src(%dma_wait3A_1074 : memref<10000x128xf32, #tpu.memory_space<hbm>>) dst(%dma_wait3A_1065 : memref<80x128xf32, #tpu.memory_space<vmem>>)
    %dma_start3A_1075 = arith.constant 0 : i32
    %dma_start3A_1076 = arith.constant 124 : i32
    %dma_start3A_1077 = arith.constant 0 : i32
    %dma_start3A_1078 = arith.constant 0 : i32
    %dma_start3A_1079 = tpu.memref_slice %arg8[%dma_start3A_1075, %dma_start3A_1077, %dma_start3A_1078] : memref<2x80x128xf32, #tpu.memory_space<vmem>> -> memref<1x80x128xf32, #tpu.memory_space<vmem>>
    %dma_start3A_1080 = tpu.memref_squeeze %dma_start3A_1079 : memref<1x80x128xf32, #tpu.memory_space<vmem>> -> memref<80x128xf32, #tpu.memory_space<vmem>>
    %dma_start3A_1081 = arith.constant 0 : i32
    %dma_start3A_1082 = tpu.memref_slice %arg7[%dma_start3A_1076, %dma_start3A_1081] : memref<125x80xi32, #tpu.memory_space<vmem>> -> memref<1x80xi32, #tpu.memory_space<vmem>>
    %dma_start3A_1083 = tpu.memref_squeeze %dma_start3A_1082 : memref<1x80xi32, #tpu.memory_space<vmem>> -> memref<80xi32, #tpu.memory_space<vmem>>
    %dma_start3A_1084 = arith.constant 0 : i32
    %dma_start3A_1085 = arith.constant 0 : i32
    %dma_start3A_1086 = tpu.memref_slice %arg9[%dma_start3A_1084, %dma_start3A_1085] : memref<10240x128xf32, #tpu.memory_space<vmem_shared>> -> memref<10240x128xf32, #tpu.memory_space<vmem_shared>>
    tpu.enqueue_indirect_dma source(%dma_start3A_1080 : memref<80x128xf32, #tpu.memory_space<vmem>>) target(%dma_start3A_1086 : memref<10240x128xf32, #tpu.memory_space<vmem_shared>>) offsets(%dma_start3A_1083 : memref<80xi32, #tpu.memory_space<vmem>>) semaphore(%arg12 : memref<!tpu.dma_semaphore, #tpu.memory_space<semaphore_mem>>) {add = true}
    %dma_wait3A_1087 = arith.constant 0 : i32
    %dma_wait3A_1088 = arith.constant 124 : i32
    %dma_wait3A_1089 = arith.constant 0 : i32
    %dma_wait3A_1090 = arith.constant 0 : i32
    %dma_wait3A_1091 = tpu.memref_slice %arg8[%dma_wait3A_1087, %dma_wait3A_1089, %dma_wait3A_1090] : memref<2x80x128xf32, #tpu.memory_space<vmem>> -> memref<1x80x128xf32, #tpu.memory_space<vmem>>
    %dma_wait3A_1092 = tpu.memref_squeeze %dma_wait3A_1091 : memref<1x80x128xf32, #tpu.memory_space<vmem>> -> memref<80x128xf32, #tpu.memory_space<vmem>>
    %dma_wait3A_1093 = arith.constant 0 : i32
    %dma_wait3A_1094 = tpu.memref_slice %arg7[%dma_wait3A_1088, %dma_wait3A_1093] : memref<125x80xi32, #tpu.memory_space<vmem>> -> memref<1x80xi32, #tpu.memory_space<vmem>>
    %dma_wait3A_1095 = tpu.memref_squeeze %dma_wait3A_1094 : memref<1x80xi32, #tpu.memory_space<vmem>> -> memref<80xi32, #tpu.memory_space<vmem>>
    %dma_wait3A_1096 = arith.constant 0 : i32
    %dma_wait3A_1097 = arith.constant 0 : i32
    %dma_wait3A_1098 = tpu.memref_slice %arg9[%dma_wait3A_1096, %dma_wait3A_1097] : memref<10240x128xf32, #tpu.memory_space<vmem_shared>> -> memref<10240x128xf32, #tpu.memory_space<vmem_shared>>
    tpu.wait_indirect_dma semaphore(%arg12 : memref<!tpu.dma_semaphore, #tpu.memory_space<semaphore_mem>>) src(%dma_wait3A_1092 : memref<80x128xf32, #tpu.memory_space<vmem>>) dst(%dma_wait3A_1098 : memref<10240x128xf32, #tpu.memory_space<vmem_shared>>)
    %barrier3A_1099 = arith.constant 0 : index
    tpu.barrier barrier_id(%barrier3A_1099)
    %mul3A_1100 = arith.constant 640 : i32
    %mul3A_1101 = arith.muli %arg1, %mul3A_1100 : i32
    %mul3A_1102 = arith.constant 640 : i32
    %mul3A_1103 = arith.muli %arg1, %mul3A_1102 : i32
    "tpu.region"() ({
      %run_scoped3A = tpu.sem_alloc : memref<!tpu.dma_semaphore, #tpu.memory_space<semaphore_mem>>
      %dma_start3A_1104 = arith.constant 0 : i32
      %dma_start3A_1105 = arith.constant 0 : i32
      %dma_start3A_1106 = tpu.memref_slice %arg5[%add3A_1, %dma_start3A_1104, %dma_start3A_1105] : memref<2x10240x128xf32, #tpu.memory_space<hbm>> -> memref<1x10240x128xf32, #tpu.memory_space<hbm>>
      %dma_start3A_1107 = tpu.memref_squeeze %dma_start3A_1106 : memref<1x10240x128xf32, #tpu.memory_space<hbm>> -> memref<10240x128xf32, #tpu.memory_space<hbm>>
      %dma_start3A_1108 = arith.constant 0 : i32
      %dma_start3A_1109 = tpu.memref_slice %dma_start3A_1107[%mul3A_1103, %dma_start3A_1108] : memref<10240x128xf32, #tpu.memory_space<hbm>> -> memref<640x128xf32, #tpu.memory_space<hbm>>
      %dma_start3A_1110 = arith.constant 0 : i32
      %dma_start3A_1111 = tpu.memref_slice %arg9[%mul3A_1101, %dma_start3A_1110] : memref<10240x128xf32, #tpu.memory_space<vmem_shared>> -> memref<640x128xf32, #tpu.memory_space<vmem_shared>>
      tpu.enqueue_dma source(%dma_start3A_1111 : memref<640x128xf32, #tpu.memory_space<vmem_shared>>) target(%dma_start3A_1109 : memref<640x128xf32, #tpu.memory_space<hbm>>) target_semaphore(%run_scoped3A : memref<!tpu.dma_semaphore, #tpu.memory_space<semaphore_mem>>)
      %dma_wait3A_1112 = arith.constant 0 : i32
      %dma_wait3A_1113 = arith.constant 0 : i32
      %dma_wait3A_1114 = tpu.memref_slice %arg5[%add3A_1, %dma_wait3A_1112, %dma_wait3A_1113] : memref<2x10240x128xf32, #tpu.memory_space<hbm>> -> memref<1x10240x128xf32, #tpu.memory_space<hbm>>
      %dma_wait3A_1115 = tpu.memref_squeeze %dma_wait3A_1114 : memref<1x10240x128xf32, #tpu.memory_space<hbm>> -> memref<10240x128xf32, #tpu.memory_space<hbm>>
      %dma_wait3A_1116 = arith.constant 0 : i32
      %dma_wait3A_1117 = tpu.memref_slice %dma_wait3A_1115[%mul3A_1103, %dma_wait3A_1116] : memref<10240x128xf32, #tpu.memory_space<hbm>> -> memref<640x128xf32, #tpu.memory_space<hbm>>
      %dma_wait3A_1118 = arith.constant 0 : i32
      %dma_wait3A_1119 = tpu.memref_slice %arg9[%mul3A_1101, %dma_wait3A_1118] : memref<10240x128xf32, #tpu.memory_space<vmem_shared>> -> memref<640x128xf32, #tpu.memory_space<vmem_shared>>
      tpu.wait_dma2 semaphore(%run_scoped3A : memref<!tpu.dma_semaphore, #tpu.memory_space<semaphore_mem>>) src(%dma_wait3A_1119 : memref<640x128xf32, #tpu.memory_space<vmem_shared>>) dst(%dma_wait3A_1117 : memref<640x128xf32, #tpu.memory_space<hbm>>)
      tpu.yield
    }) : () -> ()
    return
  }
}

#map = affine_map<(d0, d1) -> (0, 0, 0)>
#map1 = affine_map<(d0, d1) -> (0, 0)>
module attributes {stable_mosaic.version = 14 : i64} {
  func.func @seg(%arg0: i32, %arg1: i32, %arg2: memref<4x10000x128xf32, #tpu.memory_space<hbm>>, %arg3: memref<16x10000xi32, #tpu.memory_space<hbm>>, %arg4: memref<16x125x80xi32, #tpu.memory_space<hbm>>, %arg5: memref<4x10240x128xf32, #tpu.memory_space<hbm>>, %arg6: memref<10000xi32, #tpu.memory_space<vmem>>, %arg7: memref<125x80xi32, #tpu.memory_space<vmem>>, %arg8: memref<2x80x128xf32, #tpu.memory_space<vmem>>, %arg9: memref<10240x128xf32, #tpu.memory_space<vmem_shared>>, %arg10: memref<!tpu.dma_semaphore, #tpu.memory_space<semaphore_mem>>, %arg11: memref<!tpu.dma_semaphore, #tpu.memory_space<semaphore_mem>>, %arg12: memref<!tpu.dma_semaphore, #tpu.memory_space<semaphore_mem>>, %arg13: memref<!tpu.dma_semaphore, #tpu.memory_space<semaphore_mem>>) attributes {dimension_semantics = [#tpu.dimension_semantics<core_parallel>, #tpu.dimension_semantics<subcore_parallel>], iteration_bounds = array<i64: 2, 16>, scalar_prefetch = 0 : i64, scratch_operands = 8 : i64, tpu.core_type = #tpu.core_type<sc_vector_subcore>, window_params = [{transform_indices = #map}, {transform_indices = #map1}, {transform_indices = #map}, {transform_indices = #map}]} {
    "tpu.region"() ({
      %run_scoped3A = tpu.sem_alloc : memref<!tpu.dma_semaphore, #tpu.memory_space<semaphore_mem>>
      %dma_start3A_2217 = arith.constant 0 : i32
      %dma_start3A_2218 = tpu.memref_slice %arg3[%arg1, %dma_start3A_2217] : memref<16x10000xi32, #tpu.memory_space<hbm>> -> memref<1x10000xi32, #tpu.memory_space<hbm>>
      %dma_start3A_2219 = tpu.memref_squeeze %dma_start3A_2218 : memref<1x10000xi32, #tpu.memory_space<hbm>> -> memref<10000xi32, #tpu.memory_space<hbm>>
      %dma_start3A_2220 = arith.constant 0 : i32
      %dma_start3A_2221 = tpu.memref_slice %arg3[%arg1, %dma_start3A_2220] : memref<16x10000xi32, #tpu.memory_space<hbm>> -> memref<1x10000xi32, #tpu.memory_space<hbm>>
      %dma_start3A_2222 = tpu.memref_squeeze %dma_start3A_2221 : memref<1x10000xi32, #tpu.memory_space<hbm>> -> memref<10000xi32, #tpu.memory_space<hbm>>
      tpu.enqueue_dma source(%dma_start3A_2222 : memref<10000xi32, #tpu.memory_space<hbm>>) target(%arg6 : memref<10000xi32, #tpu.memory_space<vmem>>) target_semaphore(%run_scoped3A : memref<!tpu.dma_semaphore, #tpu.memory_space<semaphore_mem>>)
      %dma_wait3A_2223 = arith.constant 0 : i32
      %dma_wait3A_2224 = tpu.memref_slice %arg3[%arg1, %dma_wait3A_2223] : memref<16x10000xi32, #tpu.memory_space<hbm>> -> memref<1x10000xi32, #tpu.memory_space<hbm>>
      %dma_wait3A_2225 = tpu.memref_squeeze %dma_wait3A_2224 : memref<1x10000xi32, #tpu.memory_space<hbm>> -> memref<10000xi32, #tpu.memory_space<hbm>>
      %dma_wait3A_2226 = arith.constant 0 : i32
      %dma_wait3A_2227 = tpu.memref_slice %arg3[%arg1, %dma_wait3A_2226] : memref<16x10000xi32, #tpu.memory_space<hbm>> -> memref<1x10000xi32, #tpu.memory_space<hbm>>
      %dma_wait3A_2228 = tpu.memref_squeeze %dma_wait3A_2227 : memref<1x10000xi32, #tpu.memory_space<hbm>> -> memref<10000xi32, #tpu.memory_space<hbm>>
      tpu.wait_dma2 semaphore(%run_scoped3A : memref<!tpu.dma_semaphore, #tpu.memory_space<semaphore_mem>>) src(%dma_wait3A_2228 : memref<10000xi32, #tpu.memory_space<hbm>>) dst(%arg6 : memref<10000xi32, #tpu.memory_space<vmem>>)
      tpu.yield
    }) : () -> ()
    "tpu.region"() ({
      %run_scoped3A = tpu.sem_alloc : memref<!tpu.dma_semaphore, #tpu.memory_space<semaphore_mem>>
      %dma_start3A_2217 = arith.constant 0 : i32
      %dma_start3A_2218 = arith.constant 0 : i32
      %dma_start3A_2219 = tpu.memref_slice %arg4[%arg1, %dma_start3A_2217, %dma_start3A_2218] : memref<16x125x80xi32, #tpu.memory_space<hbm>> -> memref<1x125x80xi32, #tpu.memory_space<hbm>>
      %dma_start3A_2220 = tpu.memref_squeeze %dma_start3A_2219 : memref<1x125x80xi32, #tpu.memory_space<hbm>> -> memref<125x80xi32, #tpu.memory_space<hbm>>
      %dma_start3A_2221 = arith.constant 0 : i32
      %dma_start3A_2222 = arith.constant 0 : i32
      %dma_start3A_2223 = tpu.memref_slice %arg4[%arg1, %dma_start3A_2221, %dma_start3A_2222] : memref<16x125x80xi32, #tpu.memory_space<hbm>> -> memref<1x125x80xi32, #tpu.memory_space<hbm>>
      %dma_start3A_2224 = tpu.memref_squeeze %dma_start3A_2223 : memref<1x125x80xi32, #tpu.memory_space<hbm>> -> memref<125x80xi32, #tpu.memory_space<hbm>>
      tpu.enqueue_dma source(%dma_start3A_2224 : memref<125x80xi32, #tpu.memory_space<hbm>>) target(%arg7 : memref<125x80xi32, #tpu.memory_space<vmem>>) target_semaphore(%run_scoped3A : memref<!tpu.dma_semaphore, #tpu.memory_space<semaphore_mem>>)
      %dma_wait3A_2225 = arith.constant 0 : i32
      %dma_wait3A_2226 = arith.constant 0 : i32
      %dma_wait3A_2227 = tpu.memref_slice %arg4[%arg1, %dma_wait3A_2225, %dma_wait3A_2226] : memref<16x125x80xi32, #tpu.memory_space<hbm>> -> memref<1x125x80xi32, #tpu.memory_space<hbm>>
      %dma_wait3A_2228 = tpu.memref_squeeze %dma_wait3A_2227 : memref<1x125x80xi32, #tpu.memory_space<hbm>> -> memref<125x80xi32, #tpu.memory_space<hbm>>
      %dma_wait3A_2229 = arith.constant 0 : i32
      %dma_wait3A_2230 = arith.constant 0 : i32
      %dma_wait3A_2231 = tpu.memref_slice %arg4[%arg1, %dma_wait3A_2229, %dma_wait3A_2230] : memref<16x125x80xi32, #tpu.memory_space<hbm>> -> memref<1x125x80xi32, #tpu.memory_space<hbm>>
      %dma_wait3A_2232 = tpu.memref_squeeze %dma_wait3A_2231 : memref<1x125x80xi32, #tpu.memory_space<hbm>> -> memref<125x80xi32, #tpu.memory_space<hbm>>
      tpu.wait_dma2 semaphore(%run_scoped3A : memref<!tpu.dma_semaphore, #tpu.memory_space<semaphore_mem>>) src(%dma_wait3A_2232 : memref<125x80xi32, #tpu.memory_space<hbm>>) dst(%arg7 : memref<125x80xi32, #tpu.memory_space<vmem>>)
      tpu.yield
    }) : () -> ()
    %mul3A = arith.constant 2 : i32
    %mul3A_0 = arith.muli %arg0, %mul3A : i32
    %add3A = arith.constant 0 : i32
    %add3A_1 = arith.addi %mul3A_0, %add3A : i32
    %broadcast_in_dim3A = arith.constant 0.000000e+00 : f32
    %broadcast_in_dim3A_2 = vector.broadcast %broadcast_in_dim3A : f32 to vector<16xf32>
    %swap3A = arith.constant 0 : i32
    %swap3A_3 = arith.constant 0 : i32
    %swap3A_4 = arith.index_cast %swap3A : i32 to index
    %swap3A_5 = arith.index_cast %swap3A_3 : i32 to index
    %swap3A_6 = arith.constant 0 : index
    %swap3A_7 = tpu.vector_load %arg8[%swap3A_4, %swap3A_5, %swap3A_6] {strides = array<i32>} : memref<2x80x128xf32, #tpu.memory_space<vmem>>, vector<1x1x16xf32>,
    %swap3A_8 = vector.shape_cast %swap3A_7 : vector<1x1x16xf32> to vector<16xf32>
    %swap3A_9 = vector.shape_cast %broadcast_in_dim3A_2 : vector<16xf32> to vector<1x1x16xf32>
    tpu.vector_store %arg8[%swap3A_4, %swap3A_5, %swap3A_6], %swap3A_9 {strides = array<i32>} : memref<2x80x128xf32, #tpu.memory_space<vmem>>, vector<1x1x16xf32>,
    %swap3A_10 = arith.constant 0 : i32
    %swap3A_11 = arith.constant 0 : i32
    %swap3A_12 = arith.index_cast %swap3A_10 : i32 to index
    %swap3A_13 = arith.index_cast %swap3A_11 : i32 to index
    %swap3A_14 = arith.constant 16 : index
    %swap3A_15 = tpu.vector_load %arg8[%swap3A_12, %swap3A_13, %swap3A_14] {strides = array<i32>} : memref<2x80x128xf32, #tpu.memory_space<vmem>>, vector<1x1x16xf32>,
    %swap3A_16 = vector.shape_cast %swap3A_15 : vector<1x1x16xf32> to vector<16xf32>
    %swap3A_17 = vector.shape_cast %broadcast_in_dim3A_2 : vector<16xf32> to vector<1x1x16xf32>
    tpu.vector_store %arg8[%swap3A_12, %swap3A_13, %swap3A_14], %swap3A_17 {strides = array<i32>} : memref<2x80x128xf32, #tpu.memory_space<vmem>>, vector<1x1x16xf32>,
    %swap3A_18 = arith.constant 0 : i32
    %swap3A_19 = arith.constant 0 : i32
    %swap3A_20 = arith.index_cast %swap3A_18 : i32 to index
    %swap3A_21 = arith.index_cast %swap3A_19 : i32 to index
    %swap3A_22 = arith.constant 32 : index
    %swap3A_23 = tpu.vector_load %arg8[%swap3A_20, %swap3A_21, %swap3A_22] {strides = array<i32>} : memref<2x80x128xf32, #tpu.memory_space<vmem>>, vector<1x1x16xf32>,
    %swap3A_24 = vector.shape_cast %swap3A_23 : vector<1x1x16xf32> to vector<16xf32>
    %swap3A_25 = vector.shape_cast %broadcast_in_dim3A_2 : vector<16xf32> to vector<1x1x16xf32>
    tpu.vector_store %arg8[%swap3A_20, %swap3A_21, %swap3A_22], %swap3A_25 {strides = array<i32>} : memref<2x80x128xf32, #tpu.memory_space<vmem>>, vector<1x1x16xf32>,
    %swap3A_26 = arith.constant 0 : i32
    %swap3A_27 = arith.constant 0 : i32
    %swap3A_28 = arith.index_cast %swap3A_26 : i32 to index
    %swap3A_29 = arith.index_cast %swap3A_27 : i32 to index
    %swap3A_30 = arith.constant 48 : index
    %swap3A_31 = tpu.vector_load %arg8[%swap3A_28, %swap3A_29, %swap3A_30] {strides = array<i32>} : memref<2x80x128xf32, #tpu.memory_space<vmem>>, vector<1x1x16xf32>,
    %swap3A_32 = vector.shape_cast %swap3A_31 : vector<1x1x16xf32> to vector<16xf32>
    %swap3A_33 = vector.shape_cast %broadcast_in_dim3A_2 : vector<16xf32> to vector<1x1x16xf32>
    tpu.vector_store %arg8[%swap3A_28, %swap3A_29, %swap3A_30], %swap3A_33 {strides = array<i32>} : memref<2x80x128xf32, #tpu.memory_space<vmem>>, vector<1x1x16xf32>,
    %swap3A_34 = arith.constant 0 : i32
    %swap3A_35 = arith.constant 0 : i32
    %swap3A_36 = arith.index_cast %swap3A_34 : i32 to index
    %swap3A_37 = arith.index_cast %swap3A_35 : i32 to index
    %swap3A_38 = arith.constant 64 : index
    %swap3A_39 = tpu.vector_load %arg8[%swap3A_36, %swap3A_37, %swap3A_38] {strides = array<i32>} : memref<2x80x128xf32, #tpu.memory_space<vmem>>, vector<1x1x16xf32>,
    %swap3A_40 = vector.shape_cast %swap3A_39 : vector<1x1x16xf32> to vector<16xf32>
    %swap3A_41 = vector.shape_cast %broadcast_in_dim3A_2 : vector<16xf32> to vector<1x1x16xf32>
    tpu.vector_store %arg8[%swap3A_36, %swap3A_37, %swap3A_38], %swap3A_41 {strides = array<i32>} : memref<2x80x128xf32, #tpu.memory_space<vmem>>, vector<1x1x16xf32>,
    %swap3A_42 = arith.constant 0 : i32
    %swap3A_43 = arith.constant 0 : i32
    %swap3A_44 = arith.index_cast %swap3A_42 : i32 to index
    %swap3A_45 = arith.index_cast %swap3A_43 : i32 to index
    %swap3A_46 = arith.constant 80 : index
    %swap3A_47 = tpu.vector_load %arg8[%swap3A_44, %swap3A_45, %swap3A_46] {strides = array<i32>} : memref<2x80x128xf32, #tpu.memory_space<vmem>>, vector<1x1x16xf32>,
    %swap3A_48 = vector.shape_cast %swap3A_47 : vector<1x1x16xf32> to vector<16xf32>
    %swap3A_49 = vector.shape_cast %broadcast_in_dim3A_2 : vector<16xf32> to vector<1x1x16xf32>
    tpu.vector_store %arg8[%swap3A_44, %swap3A_45, %swap3A_46], %swap3A_49 {strides = array<i32>} : memref<2x80x128xf32, #tpu.memory_space<vmem>>, vector<1x1x16xf32>,
    %swap3A_50 = arith.constant 0 : i32
    %swap3A_51 = arith.constant 0 : i32
    %swap3A_52 = arith.index_cast %swap3A_50 : i32 to index
    %swap3A_53 = arith.index_cast %swap3A_51 : i32 to index
    %swap3A_54 = arith.constant 96 : index
    %swap3A_55 = tpu.vector_load %arg8[%swap3A_52, %swap3A_53, %swap3A_54] {strides = array<i32>} : memref<2x80x128xf32, #tpu.memory_space<vmem>>, vector<1x1x16xf32>,
    %swap3A_56 = vector.shape_cast %swap3A_55 : vector<1x1x16xf32> to vector<16xf32>
    %swap3A_57 = vector.shape_cast %broadcast_in_dim3A_2 : vector<16xf32> to vector<1x1x16xf32>
    tpu.vector_store %arg8[%swap3A_52, %swap3A_53, %swap3A_54], %swap3A_57 {strides = array<i32>} : memref<2x80x128xf32, #tpu.memory_space<vmem>>, vector<1x1x16xf32>,
    %swap3A_58 = arith.constant 0 : i32
    %swap3A_59 = arith.constant 0 : i32
    %swap3A_60 = arith.index_cast %swap3A_58 : i32 to index
    %swap3A_61 = arith.index_cast %swap3A_59 : i32 to index
    %swap3A_62 = arith.constant 112 : index
    %swap3A_63 = tpu.vector_load %arg8[%swap3A_60, %swap3A_61, %swap3A_62] {strides = array<i32>} : memref<2x80x128xf32, #tpu.memory_space<vmem>>, vector<1x1x16xf32>,
    %swap3A_64 = vector.shape_cast %swap3A_63 : vector<1x1x16xf32> to vector<16xf32>
    %swap3A_65 = vector.shape_cast %broadcast_in_dim3A_2 : vector<16xf32> to vector<1x1x16xf32>
    tpu.vector_store %arg8[%swap3A_60, %swap3A_61, %swap3A_62], %swap3A_65 {strides = array<i32>} : memref<2x80x128xf32, #tpu.memory_space<vmem>>, vector<1x1x16xf32>,
    %swap3A_66 = arith.constant 0 : i32
    %swap3A_67 = arith.constant 1 : i32
    %swap3A_68 = arith.index_cast %swap3A_66 : i32 to index
    %swap3A_69 = arith.index_cast %swap3A_67 : i32 to index
    %swap3A_70 = arith.constant 0 : index
    %swap3A_71 = tpu.vector_load %arg8[%swap3A_68, %swap3A_69, %swap3A_70] {strides = array<i32>} : memref<2x80x128xf32, #tpu.memory_space<vmem>>, vector<1x1x16xf32>,
    %swap3A_72 = vector.shape_cast %swap3A_71 : vector<1x1x16xf32> to vector<16xf32>
    %swap3A_73 = vector.shape_cast %broadcast_in_dim3A_2 : vector<16xf32> to vector<1x1x16xf32>
    tpu.vector_store %arg8[%swap3A_68, %swap3A_69, %swap3A_70], %swap3A_73 {strides = array<i32>} : memref<2x80x128xf32, #tpu.memory_space<vmem>>, vector<1x1x16xf32>,
    %swap3A_74 = arith.constant 0 : i32
    %swap3A_75 = arith.constant 1 : i32
    %swap3A_76 = arith.index_cast %swap3A_74 : i32 to index
    %swap3A_77 = arith.index_cast %swap3A_75 : i32 to index
    %swap3A_78 = arith.constant 16 : index
    %swap3A_79 = tpu.vector_load %arg8[%swap3A_76, %swap3A_77, %swap3A_78] {strides = array<i32>} : memref<2x80x128xf32, #tpu.memory_space<vmem>>, vector<1x1x16xf32>,
    %swap3A_80 = vector.shape_cast %swap3A_79 : vector<1x1x16xf32> to vector<16xf32>
    %swap3A_81 = vector.shape_cast %broadcast_in_dim3A_2 : vector<16xf32> to vector<1x1x16xf32>
    tpu.vector_store %arg8[%swap3A_76, %swap3A_77, %swap3A_78], %swap3A_81 {strides = array<i32>} : memref<2x80x128xf32, #tpu.memory_space<vmem>>, vector<1x1x16xf32>,
    %swap3A_82 = arith.constant 0 : i32
    %swap3A_83 = arith.constant 1 : i32
    %swap3A_84 = arith.index_cast %swap3A_82 : i32 to index
    %swap3A_85 = arith.index_cast %swap3A_83 : i32 to index
    %swap3A_86 = arith.constant 32 : index
    %swap3A_87 = tpu.vector_load %arg8[%swap3A_84, %swap3A_85, %swap3A_86] {strides = array<i32>} : memref<2x80x128xf32, #tpu.memory_space<vmem>>, vector<1x1x16xf32>,
    %swap3A_88 = vector.shape_cast %swap3A_87 : vector<1x1x16xf32> to vector<16xf32>
    %swap3A_89 = vector.shape_cast %broadcast_in_dim3A_2 : vector<16xf32> to vector<1x1x16xf32>
    tpu.vector_store %arg8[%swap3A_84, %swap3A_85, %swap3A_86], %swap3A_89 {strides = array<i32>} : memref<2x80x128xf32, #tpu.memory_space<vmem>>, vector<1x1x16xf32>,
    %swap3A_90 = arith.constant 0 : i32
    %swap3A_91 = arith.constant 1 : i32
    %swap3A_92 = arith.index_cast %swap3A_90 : i32 to index
    %swap3A_93 = arith.index_cast %swap3A_91 : i32 to index
    %swap3A_94 = arith.constant 48 : index
    %swap3A_95 = tpu.vector_load %arg8[%swap3A_92, %swap3A_93, %swap3A_94] {strides = array<i32>} : memref<2x80x128xf32, #tpu.memory_space<vmem>>, vector<1x1x16xf32>,
    %swap3A_96 = vector.shape_cast %swap3A_95 : vector<1x1x16xf32> to vector<16xf32>
    %swap3A_97 = vector.shape_cast %broadcast_in_dim3A_2 : vector<16xf32> to vector<1x1x16xf32>
    tpu.vector_store %arg8[%swap3A_92, %swap3A_93, %swap3A_94], %swap3A_97 {strides = array<i32>} : memref<2x80x128xf32, #tpu.memory_space<vmem>>, vector<1x1x16xf32>,
    %swap3A_98 = arith.constant 0 : i32
    %swap3A_99 = arith.constant 1 : i32
    %swap3A_100 = arith.index_cast %swap3A_98 : i32 to index
    %swap3A_101 = arith.index_cast %swap3A_99 : i32 to index
    %swap3A_102 = arith.constant 64 : index
    %swap3A_103 = tpu.vector_load %arg8[%swap3A_100, %swap3A_101, %swap3A_102] {strides = array<i32>} : memref<2x80x128xf32, #tpu.memory_space<vmem>>, vector<1x1x16xf32>,
    %swap3A_104 = vector.shape_cast %swap3A_103 : vector<1x1x16xf32> to vector<16xf32>
    %swap3A_105 = vector.shape_cast %broadcast_in_dim3A_2 : vector<16xf32> to vector<1x1x16xf32>
    tpu.vector_store %arg8[%swap3A_100, %swap3A_101, %swap3A_102], %swap3A_105 {strides = array<i32>} : memref<2x80x128xf32, #tpu.memory_space<vmem>>, vector<1x1x16xf32>,
    %swap3A_106 = arith.constant 0 : i32
    %swap3A_107 = arith.constant 1 : i32
    %swap3A_108 = arith.index_cast %swap3A_106 : i32 to index
    %swap3A_109 = arith.index_cast %swap3A_107 : i32 to index
    %swap3A_110 = arith.constant 80 : index
    %swap3A_111 = tpu.vector_load %arg8[%swap3A_108, %swap3A_109, %swap3A_110] {strides = array<i32>} : memref<2x80x128xf32, #tpu.memory_space<vmem>>, vector<1x1x16xf32>,
    %swap3A_112 = vector.shape_cast %swap3A_111 : vector<1x1x16xf32> to vector<16xf32>
    %swap3A_113 = vector.shape_cast %broadcast_in_dim3A_2 : vector<16xf32> to vector<1x1x16xf32>
    tpu.vector_store %arg8[%swap3A_108, %swap3A_109, %swap3A_110], %swap3A_113 {strides = array<i32>} : memref<2x80x128xf32, #tpu.memory_space<vmem>>, vector<1x1x16xf32>,
    %swap3A_114 = arith.constant 0 : i32
    %swap3A_115 = arith.constant 1 : i32
    %swap3A_116 = arith.index_cast %swap3A_114 : i32 to index
    %swap3A_117 = arith.index_cast %swap3A_115 : i32 to index
    %swap3A_118 = arith.constant 96 : index
    %swap3A_119 = tpu.vector_load %arg8[%swap3A_116, %swap3A_117, %swap3A_118] {strides = array<i32>} : memref<2x80x128xf32, #tpu.memory_space<vmem>>, vector<1x1x16xf32>,
    %swap3A_120 = vector.shape_cast %swap3A_119 : vector<1x1x16xf32> to vector<16xf32>
    %swap3A_121 = vector.shape_cast %broadcast_in_dim3A_2 : vector<16xf32> to vector<1x1x16xf32>
    tpu.vector_store %arg8[%swap3A_116, %swap3A_117, %swap3A_118], %swap3A_121 {strides = array<i32>} : memref<2x80x128xf32, #tpu.memory_space<vmem>>, vector<1x1x16xf32>,
    %swap3A_122 = arith.constant 0 : i32
    %swap3A_123 = arith.constant 1 : i32
    %swap3A_124 = arith.index_cast %swap3A_122 : i32 to index
    %swap3A_125 = arith.index_cast %swap3A_123 : i32 to index
    %swap3A_126 = arith.constant 112 : index
    %swap3A_127 = tpu.vector_load %arg8[%swap3A_124, %swap3A_125, %swap3A_126] {strides = array<i32>} : memref<2x80x128xf32, #tpu.memory_space<vmem>>, vector<1x1x16xf32>,
    %swap3A_128 = vector.shape_cast %swap3A_127 : vector<1x1x16xf32> to vector<16xf32>
    %swap3A_129 = vector.shape_cast %broadcast_in_dim3A_2 : vector<16xf32> to vector<1x1x16xf32>
    tpu.vector_store %arg8[%swap3A_124, %swap3A_125, %swap3A_126], %swap3A_129 {strides = array<i32>} : memref<2x80x128xf32, #tpu.memory_space<vmem>>, vector<1x1x16xf32>,
    %swap3A_130 = arith.constant 0 : i32
    %swap3A_131 = arith.constant 2 : i32
    %swap3A_132 = arith.index_cast %swap3A_130 : i32 to index
    %swap3A_133 = arith.index_cast %swap3A_131 : i32 to index
    %swap3A_134 = arith.constant 0 : index
    %swap3A_135 = tpu.vector_load %arg8[%swap3A_132, %swap3A_133, %swap3A_134] {strides = array<i32>} : memref<2x80x128xf32, #tpu.memory_space<vmem>>, vector<1x1x16xf32>,
    %swap3A_136 = vector.shape_cast %swap3A_135 : vector<1x1x16xf32> to vector<16xf32>
    %swap3A_137 = vector.shape_cast %broadcast_in_dim3A_2 : vector<16xf32> to vector<1x1x16xf32>
    tpu.vector_store %arg8[%swap3A_132, %swap3A_133, %swap3A_134], %swap3A_137 {strides = array<i32>} : memref<2x80x128xf32, #tpu.memory_space<vmem>>, vector<1x1x16xf32>,
    %swap3A_138 = arith.constant 0 : i32
    %swap3A_139 = arith.constant 2 : i32
    %swap3A_140 = arith.index_cast %swap3A_138 : i32 to index
    %swap3A_141 = arith.index_cast %swap3A_139 : i32 to index
    %swap3A_142 = arith.constant 16 : index
    %swap3A_143 = tpu.vector_load %arg8[%swap3A_140, %swap3A_141, %swap3A_142] {strides = array<i32>} : memref<2x80x128xf32, #tpu.memory_space<vmem>>, vector<1x1x16xf32>,
    %swap3A_144 = vector.shape_cast %swap3A_143 : vector<1x1x16xf32> to vector<16xf32>
    %swap3A_145 = vector.shape_cast %broadcast_in_dim3A_2 : vector<16xf32> to vector<1x1x16xf32>
    tpu.vector_store %arg8[%swap3A_140, %swap3A_141, %swap3A_142], %swap3A_145 {strides = array<i32>} : memref<2x80x128xf32, #tpu.memory_space<vmem>>, vector<1x1x16xf32>,
    %swap3A_146 = arith.constant 0 : i32
    %swap3A_147 = arith.constant 2 : i32
    %swap3A_148 = arith.index_cast %swap3A_146 : i32 to index
    %swap3A_149 = arith.index_cast %swap3A_147 : i32 to index
    %swap3A_150 = arith.constant 32 : index
    %swap3A_151 = tpu.vector_load %arg8[%swap3A_148, %swap3A_149, %swap3A_150] {strides = array<i32>} : memref<2x80x128xf32, #tpu.memory_space<vmem>>, vector<1x1x16xf32>,
    %swap3A_152 = vector.shape_cast %swap3A_151 : vector<1x1x16xf32> to vector<16xf32>
    %swap3A_153 = vector.shape_cast %broadcast_in_dim3A_2 : vector<16xf32> to vector<1x1x16xf32>
    tpu.vector_store %arg8[%swap3A_148, %swap3A_149, %swap3A_150], %swap3A_153 {strides = array<i32>} : memref<2x80x128xf32, #tpu.memory_space<vmem>>, vector<1x1x16xf32>,
    %swap3A_154 = arith.constant 0 : i32
    %swap3A_155 = arith.constant 2 : i32
    %swap3A_156 = arith.index_cast %swap3A_154 : i32 to index
    %swap3A_157 = arith.index_cast %swap3A_155 : i32 to index
    %swap3A_158 = arith.constant 48 : index
    %swap3A_159 = tpu.vector_load %arg8[%swap3A_156, %swap3A_157, %swap3A_158] {strides = array<i32>} : memref<2x80x128xf32, #tpu.memory_space<vmem>>, vector<1x1x16xf32>,
    %swap3A_160 = vector.shape_cast %swap3A_159 : vector<1x1x16xf32> to vector<16xf32>
    %swap3A_161 = vector.shape_cast %broadcast_in_dim3A_2 : vector<16xf32> to vector<1x1x16xf32>
    tpu.vector_store %arg8[%swap3A_156, %swap3A_157, %swap3A_158], %swap3A_161 {strides = array<i32>} : memref<2x80x128xf32, #tpu.memory_space<vmem>>, vector<1x1x16xf32>,
    %swap3A_162 = arith.constant 0 : i32
    %swap3A_163 = arith.constant 2 : i32
    %swap3A_164 = arith.index_cast %swap3A_162 : i32 to index
    %swap3A_165 = arith.index_cast %swap3A_163 : i32 to index
    %swap3A_166 = arith.constant 64 : index
    %swap3A_167 = tpu.vector_load %arg8[%swap3A_164, %swap3A_165, %swap3A_166] {strides = array<i32>} : memref<2x80x128xf32, #tpu.memory_space<vmem>>, vector<1x1x16xf32>,
    %swap3A_168 = vector.shape_cast %swap3A_167 : vector<1x1x16xf32> to vector<16xf32>
    %swap3A_169 = vector.shape_cast %broadcast_in_dim3A_2 : vector<16xf32> to vector<1x1x16xf32>
    tpu.vector_store %arg8[%swap3A_164, %swap3A_165, %swap3A_166], %swap3A_169 {strides = array<i32>} : memref<2x80x128xf32, #tpu.memory_space<vmem>>, vector<1x1x16xf32>,
    %swap3A_170 = arith.constant 0 : i32
    %swap3A_171 = arith.constant 2 : i32
    %swap3A_172 = arith.index_cast %swap3A_170 : i32 to index
    %swap3A_173 = arith.index_cast %swap3A_171 : i32 to index
    %swap3A_174 = arith.constant 80 : index
    %swap3A_175 = tpu.vector_load %arg8[%swap3A_172, %swap3A_173, %swap3A_174] {strides = array<i32>} : memref<2x80x128xf32, #tpu.memory_space<vmem>>, vector<1x1x16xf32>,
    %swap3A_176 = vector.shape_cast %swap3A_175 : vector<1x1x16xf32> to vector<16xf32>
    %swap3A_177 = vector.shape_cast %broadcast_in_dim3A_2 : vector<16xf32> to vector<1x1x16xf32>
    tpu.vector_store %arg8[%swap3A_172, %swap3A_173, %swap3A_174], %swap3A_177 {strides = array<i32>} : memref<2x80x128xf32, #tpu.memory_space<vmem>>, vector<1x1x16xf32>,
    %swap3A_178 = arith.constant 0 : i32
    %swap3A_179 = arith.constant 2 : i32
    %swap3A_180 = arith.index_cast %swap3A_178 : i32 to index
    %swap3A_181 = arith.index_cast %swap3A_179 : i32 to index
    %swap3A_182 = arith.constant 96 : index
    %swap3A_183 = tpu.vector_load %arg8[%swap3A_180, %swap3A_181, %swap3A_182] {strides = array<i32>} : memref<2x80x128xf32, #tpu.memory_space<vmem>>, vector<1x1x16xf32>,
    %swap3A_184 = vector.shape_cast %swap3A_183 : vector<1x1x16xf32> to vector<16xf32>
    %swap3A_185 = vector.shape_cast %broadcast_in_dim3A_2 : vector<16xf32> to vector<1x1x16xf32>
    tpu.vector_store %arg8[%swap3A_180, %swap3A_181, %swap3A_182], %swap3A_185 {strides = array<i32>} : memref<2x80x128xf32, #tpu.memory_space<vmem>>, vector<1x1x16xf32>,
    %swap3A_186 = arith.constant 0 : i32
    %swap3A_187 = arith.constant 2 : i32
    %swap3A_188 = arith.index_cast %swap3A_186 : i32 to index
    %swap3A_189 = arith.index_cast %swap3A_187 : i32 to index
    %swap3A_190 = arith.constant 112 : index
    %swap3A_191 = tpu.vector_load %arg8[%swap3A_188, %swap3A_189, %swap3A_190] {strides = array<i32>} : memref<2x80x128xf32, #tpu.memory_space<vmem>>, vector<1x1x16xf32>,
    %swap3A_192 = vector.shape_cast %swap3A_191 : vector<1x1x16xf32> to vector<16xf32>
    %swap3A_193 = vector.shape_cast %broadcast_in_dim3A_2 : vector<16xf32> to vector<1x1x16xf32>
    tpu.vector_store %arg8[%swap3A_188, %swap3A_189, %swap3A_190], %swap3A_193 {strides = array<i32>} : memref<2x80x128xf32, #tpu.memory_space<vmem>>, vector<1x1x16xf32>,
    %swap3A_194 = arith.constant 0 : i32
    %swap3A_195 = arith.constant 3 : i32
    %swap3A_196 = arith.index_cast %swap3A_194 : i32 to index
    %swap3A_197 = arith.index_cast %swap3A_195 : i32 to index
    %swap3A_198 = arith.constant 0 : index
    %swap3A_199 = tpu.vector_load %arg8[%swap3A_196, %swap3A_197, %swap3A_198] {strides = array<i32>} : memref<2x80x128xf32, #tpu.memory_space<vmem>>, vector<1x1x16xf32>,
    %swap3A_200 = vector.shape_cast %swap3A_199 : vector<1x1x16xf32> to vector<16xf32>
    %swap3A_201 = vector.shape_cast %broadcast_in_dim3A_2 : vector<16xf32> to vector<1x1x16xf32>
    tpu.vector_store %arg8[%swap3A_196, %swap3A_197, %swap3A_198], %swap3A_201 {strides = array<i32>} : memref<2x80x128xf32, #tpu.memory_space<vmem>>, vector<1x1x16xf32>,
    %swap3A_202 = arith.constant 0 : i32
    %swap3A_203 = arith.constant 3 : i32
    %swap3A_204 = arith.index_cast %swap3A_202 : i32 to index
    %swap3A_205 = arith.index_cast %swap3A_203 : i32 to index
    %swap3A_206 = arith.constant 16 : index
    %swap3A_207 = tpu.vector_load %arg8[%swap3A_204, %swap3A_205, %swap3A_206] {strides = array<i32>} : memref<2x80x128xf32, #tpu.memory_space<vmem>>, vector<1x1x16xf32>,
    %swap3A_208 = vector.shape_cast %swap3A_207 : vector<1x1x16xf32> to vector<16xf32>
    %swap3A_209 = vector.shape_cast %broadcast_in_dim3A_2 : vector<16xf32> to vector<1x1x16xf32>
    tpu.vector_store %arg8[%swap3A_204, %swap3A_205, %swap3A_206], %swap3A_209 {strides = array<i32>} : memref<2x80x128xf32, #tpu.memory_space<vmem>>, vector<1x1x16xf32>,
    %swap3A_210 = arith.constant 0 : i32
    %swap3A_211 = arith.constant 3 : i32
    %swap3A_212 = arith.index_cast %swap3A_210 : i32 to index
    %swap3A_213 = arith.index_cast %swap3A_211 : i32 to index
    %swap3A_214 = arith.constant 32 : index
    %swap3A_215 = tpu.vector_load %arg8[%swap3A_212, %swap3A_213, %swap3A_214] {strides = array<i32>} : memref<2x80x128xf32, #tpu.memory_space<vmem>>, vector<1x1x16xf32>,
    %swap3A_216 = vector.shape_cast %swap3A_215 : vector<1x1x16xf32> to vector<16xf32>
    %swap3A_217 = vector.shape_cast %broadcast_in_dim3A_2 : vector<16xf32> to vector<1x1x16xf32>
    tpu.vector_store %arg8[%swap3A_212, %swap3A_213, %swap3A_214], %swap3A_217 {strides = array<i32>} : memref<2x80x128xf32, #tpu.memory_space<vmem>>, vector<1x1x16xf32>,
    %swap3A_218 = arith.constant 0 : i32
    %swap3A_219 = arith.constant 3 : i32
    %swap3A_220 = arith.index_cast %swap3A_218 : i32 to index
    %swap3A_221 = arith.index_cast %swap3A_219 : i32 to index
    %swap3A_222 = arith.constant 48 : index
    %swap3A_223 = tpu.vector_load %arg8[%swap3A_220, %swap3A_221, %swap3A_222] {strides = array<i32>} : memref<2x80x128xf32, #tpu.memory_space<vmem>>, vector<1x1x16xf32>,
    %swap3A_224 = vector.shape_cast %swap3A_223 : vector<1x1x16xf32> to vector<16xf32>
    %swap3A_225 = vector.shape_cast %broadcast_in_dim3A_2 : vector<16xf32> to vector<1x1x16xf32>
    tpu.vector_store %arg8[%swap3A_220, %swap3A_221, %swap3A_222], %swap3A_225 {strides = array<i32>} : memref<2x80x128xf32, #tpu.memory_space<vmem>>, vector<1x1x16xf32>,
    %swap3A_226 = arith.constant 0 : i32
    %swap3A_227 = arith.constant 3 : i32
    %swap3A_228 = arith.index_cast %swap3A_226 : i32 to index
    %swap3A_229 = arith.index_cast %swap3A_227 : i32 to index
    %swap3A_230 = arith.constant 64 : index
    %swap3A_231 = tpu.vector_load %arg8[%swap3A_228, %swap3A_229, %swap3A_230] {strides = array<i32>} : memref<2x80x128xf32, #tpu.memory_space<vmem>>, vector<1x1x16xf32>,
    %swap3A_232 = vector.shape_cast %swap3A_231 : vector<1x1x16xf32> to vector<16xf32>
    %swap3A_233 = vector.shape_cast %broadcast_in_dim3A_2 : vector<16xf32> to vector<1x1x16xf32>
    tpu.vector_store %arg8[%swap3A_228, %swap3A_229, %swap3A_230], %swap3A_233 {strides = array<i32>} : memref<2x80x128xf32, #tpu.memory_space<vmem>>, vector<1x1x16xf32>,
    %swap3A_234 = arith.constant 0 : i32
    %swap3A_235 = arith.constant 3 : i32
    %swap3A_236 = arith.index_cast %swap3A_234 : i32 to index
    %swap3A_237 = arith.index_cast %swap3A_235 : i32 to index
    %swap3A_238 = arith.constant 80 : index
    %swap3A_239 = tpu.vector_load %arg8[%swap3A_236, %swap3A_237, %swap3A_238] {strides = array<i32>} : memref<2x80x128xf32, #tpu.memory_space<vmem>>, vector<1x1x16xf32>,
    %swap3A_240 = vector.shape_cast %swap3A_239 : vector<1x1x16xf32> to vector<16xf32>
    %swap3A_241 = vector.shape_cast %broadcast_in_dim3A_2 : vector<16xf32> to vector<1x1x16xf32>
    tpu.vector_store %arg8[%swap3A_236, %swap3A_237, %swap3A_238], %swap3A_241 {strides = array<i32>} : memref<2x80x128xf32, #tpu.memory_space<vmem>>, vector<1x1x16xf32>,
    %swap3A_242 = arith.constant 0 : i32
    %swap3A_243 = arith.constant 3 : i32
    %swap3A_244 = arith.index_cast %swap3A_242 : i32 to index
    %swap3A_245 = arith.index_cast %swap3A_243 : i32 to index
    %swap3A_246 = arith.constant 96 : index
    %swap3A_247 = tpu.vector_load %arg8[%swap3A_244, %swap3A_245, %swap3A_246] {strides = array<i32>} : memref<2x80x128xf32, #tpu.memory_space<vmem>>, vector<1x1x16xf32>,
    %swap3A_248 = vector.shape_cast %swap3A_247 : vector<1x1x16xf32> to vector<16xf32>
    %swap3A_249 = vector.shape_cast %broadcast_in_dim3A_2 : vector<16xf32> to vector<1x1x16xf32>
    tpu.vector_store %arg8[%swap3A_244, %swap3A_245, %swap3A_246], %swap3A_249 {strides = array<i32>} : memref<2x80x128xf32, #tpu.memory_space<vmem>>, vector<1x1x16xf32>,
    %swap3A_250 = arith.constant 0 : i32
    %swap3A_251 = arith.constant 3 : i32
    %swap3A_252 = arith.index_cast %swap3A_250 : i32 to index
    %swap3A_253 = arith.index_cast %swap3A_251 : i32 to index
    %swap3A_254 = arith.constant 112 : index
    %swap3A_255 = tpu.vector_load %arg8[%swap3A_252, %swap3A_253, %swap3A_254] {strides = array<i32>} : memref<2x80x128xf32, #tpu.memory_space<vmem>>, vector<1x1x16xf32>,
    %swap3A_256 = vector.shape_cast %swap3A_255 : vector<1x1x16xf32> to vector<16xf32>
    %swap3A_257 = vector.shape_cast %broadcast_in_dim3A_2 : vector<16xf32> to vector<1x1x16xf32>
    tpu.vector_store %arg8[%swap3A_252, %swap3A_253, %swap3A_254], %swap3A_257 {strides = array<i32>} : memref<2x80x128xf32, #tpu.memory_space<vmem>>, vector<1x1x16xf32>,
    %swap3A_258 = arith.constant 0 : i32
    %swap3A_259 = arith.constant 4 : i32
    %swap3A_260 = arith.index_cast %swap3A_258 : i32 to index
    %swap3A_261 = arith.index_cast %swap3A_259 : i32 to index
    %swap3A_262 = arith.constant 0 : index
    %swap3A_263 = tpu.vector_load %arg8[%swap3A_260, %swap3A_261, %swap3A_262] {strides = array<i32>} : memref<2x80x128xf32, #tpu.memory_space<vmem>>, vector<1x1x16xf32>,
    %swap3A_264 = vector.shape_cast %swap3A_263 : vector<1x1x16xf32> to vector<16xf32>
    %swap3A_265 = vector.shape_cast %broadcast_in_dim3A_2 : vector<16xf32> to vector<1x1x16xf32>
    tpu.vector_store %arg8[%swap3A_260, %swap3A_261, %swap3A_262], %swap3A_265 {strides = array<i32>} : memref<2x80x128xf32, #tpu.memory_space<vmem>>, vector<1x1x16xf32>,
    %swap3A_266 = arith.constant 0 : i32
    %swap3A_267 = arith.constant 4 : i32
    %swap3A_268 = arith.index_cast %swap3A_266 : i32 to index
    %swap3A_269 = arith.index_cast %swap3A_267 : i32 to index
    %swap3A_270 = arith.constant 16 : index
    %swap3A_271 = tpu.vector_load %arg8[%swap3A_268, %swap3A_269, %swap3A_270] {strides = array<i32>} : memref<2x80x128xf32, #tpu.memory_space<vmem>>, vector<1x1x16xf32>,
    %swap3A_272 = vector.shape_cast %swap3A_271 : vector<1x1x16xf32> to vector<16xf32>
    %swap3A_273 = vector.shape_cast %broadcast_in_dim3A_2 : vector<16xf32> to vector<1x1x16xf32>
    tpu.vector_store %arg8[%swap3A_268, %swap3A_269, %swap3A_270], %swap3A_273 {strides = array<i32>} : memref<2x80x128xf32, #tpu.memory_space<vmem>>, vector<1x1x16xf32>,
    %swap3A_274 = arith.constant 0 : i32
    %swap3A_275 = arith.constant 4 : i32
    %swap3A_276 = arith.index_cast %swap3A_274 : i32 to index
    %swap3A_277 = arith.index_cast %swap3A_275 : i32 to index
    %swap3A_278 = arith.constant 32 : index
    %swap3A_279 = tpu.vector_load %arg8[%swap3A_276, %swap3A_277, %swap3A_278] {strides = array<i32>} : memref<2x80x128xf32, #tpu.memory_space<vmem>>, vector<1x1x16xf32>,
    %swap3A_280 = vector.shape_cast %swap3A_279 : vector<1x1x16xf32> to vector<16xf32>
    %swap3A_281 = vector.shape_cast %broadcast_in_dim3A_2 : vector<16xf32> to vector<1x1x16xf32>
    tpu.vector_store %arg8[%swap3A_276, %swap3A_277, %swap3A_278], %swap3A_281 {strides = array<i32>} : memref<2x80x128xf32, #tpu.memory_space<vmem>>, vector<1x1x16xf32>,
    %swap3A_282 = arith.constant 0 : i32
    %swap3A_283 = arith.constant 4 : i32
    %swap3A_284 = arith.index_cast %swap3A_282 : i32 to index
    %swap3A_285 = arith.index_cast %swap3A_283 : i32 to index
    %swap3A_286 = arith.constant 48 : index
    %swap3A_287 = tpu.vector_load %arg8[%swap3A_284, %swap3A_285, %swap3A_286] {strides = array<i32>} : memref<2x80x128xf32, #tpu.memory_space<vmem>>, vector<1x1x16xf32>,
    %swap3A_288 = vector.shape_cast %swap3A_287 : vector<1x1x16xf32> to vector<16xf32>
    %swap3A_289 = vector.shape_cast %broadcast_in_dim3A_2 : vector<16xf32> to vector<1x1x16xf32>
    tpu.vector_store %arg8[%swap3A_284, %swap3A_285, %swap3A_286], %swap3A_289 {strides = array<i32>} : memref<2x80x128xf32, #tpu.memory_space<vmem>>, vector<1x1x16xf32>,
    %swap3A_290 = arith.constant 0 : i32
    %swap3A_291 = arith.constant 4 : i32
    %swap3A_292 = arith.index_cast %swap3A_290 : i32 to index
    %swap3A_293 = arith.index_cast %swap3A_291 : i32 to index
    %swap3A_294 = arith.constant 64 : index
    %swap3A_295 = tpu.vector_load %arg8[%swap3A_292, %swap3A_293, %swap3A_294] {strides = array<i32>} : memref<2x80x128xf32, #tpu.memory_space<vmem>>, vector<1x1x16xf32>,
    %swap3A_296 = vector.shape_cast %swap3A_295 : vector<1x1x16xf32> to vector<16xf32>
    %swap3A_297 = vector.shape_cast %broadcast_in_dim3A_2 : vector<16xf32> to vector<1x1x16xf32>
    tpu.vector_store %arg8[%swap3A_292, %swap3A_293, %swap3A_294], %swap3A_297 {strides = array<i32>} : memref<2x80x128xf32, #tpu.memory_space<vmem>>, vector<1x1x16xf32>,
    %swap3A_298 = arith.constant 0 : i32
    %swap3A_299 = arith.constant 4 : i32
    %swap3A_300 = arith.index_cast %swap3A_298 : i32 to index
    %swap3A_301 = arith.index_cast %swap3A_299 : i32 to index
    %swap3A_302 = arith.constant 80 : index
    %swap3A_303 = tpu.vector_load %arg8[%swap3A_300, %swap3A_301, %swap3A_302] {strides = array<i32>} : memref<2x80x128xf32, #tpu.memory_space<vmem>>, vector<1x1x16xf32>,
    %swap3A_304 = vector.shape_cast %swap3A_303 : vector<1x1x16xf32> to vector<16xf32>
    %swap3A_305 = vector.shape_cast %broadcast_in_dim3A_2 : vector<16xf32> to vector<1x1x16xf32>
    tpu.vector_store %arg8[%swap3A_300, %swap3A_301, %swap3A_302], %swap3A_305 {strides = array<i32>} : memref<2x80x128xf32, #tpu.memory_space<vmem>>, vector<1x1x16xf32>,
    %swap3A_306 = arith.constant 0 : i32
    %swap3A_307 = arith.constant 4 : i32
    %swap3A_308 = arith.index_cast %swap3A_306 : i32 to index
    %swap3A_309 = arith.index_cast %swap3A_307 : i32 to index
    %swap3A_310 = arith.constant 96 : index
    %swap3A_311 = tpu.vector_load %arg8[%swap3A_308, %swap3A_309, %swap3A_310] {strides = array<i32>} : memref<2x80x128xf32, #tpu.memory_space<vmem>>, vector<1x1x16xf32>,
    %swap3A_312 = vector.shape_cast %swap3A_311 : vector<1x1x16xf32> to vector<16xf32>
    %swap3A_313 = vector.shape_cast %broadcast_in_dim3A_2 : vector<16xf32> to vector<1x1x16xf32>
    tpu.vector_store %arg8[%swap3A_308, %swap3A_309, %swap3A_310], %swap3A_313 {strides = array<i32>} : memref<2x80x128xf32, #tpu.memory_space<vmem>>, vector<1x1x16xf32>,
    %swap3A_314 = arith.constant 0 : i32
    %swap3A_315 = arith.constant 4 : i32
    %swap3A_316 = arith.index_cast %swap3A_314 : i32 to index
    %swap3A_317 = arith.index_cast %swap3A_315 : i32 to index
    %swap3A_318 = arith.constant 112 : index
    %swap3A_319 = tpu.vector_load %arg8[%swap3A_316, %swap3A_317, %swap3A_318] {strides = array<i32>} : memref<2x80x128xf32, #tpu.memory_space<vmem>>, vector<1x1x16xf32>,
    %swap3A_320 = vector.shape_cast %swap3A_319 : vector<1x1x16xf32> to vector<16xf32>
    %swap3A_321 = vector.shape_cast %broadcast_in_dim3A_2 : vector<16xf32> to vector<1x1x16xf32>
    tpu.vector_store %arg8[%swap3A_316, %swap3A_317, %swap3A_318], %swap3A_321 {strides = array<i32>} : memref<2x80x128xf32, #tpu.memory_space<vmem>>, vector<1x1x16xf32>,
    %swap3A_322 = arith.constant 0 : i32
    %swap3A_323 = arith.constant 5 : i32
    %swap3A_324 = arith.index_cast %swap3A_322 : i32 to index
    %swap3A_325 = arith.index_cast %swap3A_323 : i32 to index
    %swap3A_326 = arith.constant 0 : index
    %swap3A_327 = tpu.vector_load %arg8[%swap3A_324, %swap3A_325, %swap3A_326] {strides = array<i32>} : memref<2x80x128xf32, #tpu.memory_space<vmem>>, vector<1x1x16xf32>,
    %swap3A_328 = vector.shape_cast %swap3A_327 : vector<1x1x16xf32> to vector<16xf32>
    %swap3A_329 = vector.shape_cast %broadcast_in_dim3A_2 : vector<16xf32> to vector<1x1x16xf32>
    tpu.vector_store %arg8[%swap3A_324, %swap3A_325, %swap3A_326], %swap3A_329 {strides = array<i32>} : memref<2x80x128xf32, #tpu.memory_space<vmem>>, vector<1x1x16xf32>,
    %swap3A_330 = arith.constant 0 : i32
    %swap3A_331 = arith.constant 5 : i32
    %swap3A_332 = arith.index_cast %swap3A_330 : i32 to index
    %swap3A_333 = arith.index_cast %swap3A_331 : i32 to index
    %swap3A_334 = arith.constant 16 : index
    %swap3A_335 = tpu.vector_load %arg8[%swap3A_332, %swap3A_333, %swap3A_334] {strides = array<i32>} : memref<2x80x128xf32, #tpu.memory_space<vmem>>, vector<1x1x16xf32>,
    %swap3A_336 = vector.shape_cast %swap3A_335 : vector<1x1x16xf32> to vector<16xf32>
    %swap3A_337 = vector.shape_cast %broadcast_in_dim3A_2 : vector<16xf32> to vector<1x1x16xf32>
    tpu.vector_store %arg8[%swap3A_332, %swap3A_333, %swap3A_334], %swap3A_337 {strides = array<i32>} : memref<2x80x128xf32, #tpu.memory_space<vmem>>, vector<1x1x16xf32>,
    %swap3A_338 = arith.constant 0 : i32
    %swap3A_339 = arith.constant 5 : i32
    %swap3A_340 = arith.index_cast %swap3A_338 : i32 to index
    %swap3A_341 = arith.index_cast %swap3A_339 : i32 to index
    %swap3A_342 = arith.constant 32 : index
    %swap3A_343 = tpu.vector_load %arg8[%swap3A_340, %swap3A_341, %swap3A_342] {strides = array<i32>} : memref<2x80x128xf32, #tpu.memory_space<vmem>>, vector<1x1x16xf32>,
    %swap3A_344 = vector.shape_cast %swap3A_343 : vector<1x1x16xf32> to vector<16xf32>
    %swap3A_345 = vector.shape_cast %broadcast_in_dim3A_2 : vector<16xf32> to vector<1x1x16xf32>
    tpu.vector_store %arg8[%swap3A_340, %swap3A_341, %swap3A_342], %swap3A_345 {strides = array<i32>} : memref<2x80x128xf32, #tpu.memory_space<vmem>>, vector<1x1x16xf32>,
    %swap3A_346 = arith.constant 0 : i32
    %swap3A_347 = arith.constant 5 : i32
    %swap3A_348 = arith.index_cast %swap3A_346 : i32 to index
    %swap3A_349 = arith.index_cast %swap3A_347 : i32 to index
    %swap3A_350 = arith.constant 48 : index
    %swap3A_351 = tpu.vector_load %arg8[%swap3A_348, %swap3A_349, %swap3A_350] {strides = array<i32>} : memref<2x80x128xf32, #tpu.memory_space<vmem>>, vector<1x1x16xf32>,
    %swap3A_352 = vector.shape_cast %swap3A_351 : vector<1x1x16xf32> to vector<16xf32>
    %swap3A_353 = vector.shape_cast %broadcast_in_dim3A_2 : vector<16xf32> to vector<1x1x16xf32>
    tpu.vector_store %arg8[%swap3A_348, %swap3A_349, %swap3A_350], %swap3A_353 {strides = array<i32>} : memref<2x80x128xf32, #tpu.memory_space<vmem>>, vector<1x1x16xf32>,
    %swap3A_354 = arith.constant 0 : i32
    %swap3A_355 = arith.constant 5 : i32
    %swap3A_356 = arith.index_cast %swap3A_354 : i32 to index
    %swap3A_357 = arith.index_cast %swap3A_355 : i32 to index
    %swap3A_358 = arith.constant 64 : index
    %swap3A_359 = tpu.vector_load %arg8[%swap3A_356, %swap3A_357, %swap3A_358] {strides = array<i32>} : memref<2x80x128xf32, #tpu.memory_space<vmem>>, vector<1x1x16xf32>,
    %swap3A_360 = vector.shape_cast %swap3A_359 : vector<1x1x16xf32> to vector<16xf32>
    %swap3A_361 = vector.shape_cast %broadcast_in_dim3A_2 : vector<16xf32> to vector<1x1x16xf32>
    tpu.vector_store %arg8[%swap3A_356, %swap3A_357, %swap3A_358], %swap3A_361 {strides = array<i32>} : memref<2x80x128xf32, #tpu.memory_space<vmem>>, vector<1x1x16xf32>,
    %swap3A_362 = arith.constant 0 : i32
    %swap3A_363 = arith.constant 5 : i32
    %swap3A_364 = arith.index_cast %swap3A_362 : i32 to index
    %swap3A_365 = arith.index_cast %swap3A_363 : i32 to index
    %swap3A_366 = arith.constant 80 : index
    %swap3A_367 = tpu.vector_load %arg8[%swap3A_364, %swap3A_365, %swap3A_366] {strides = array<i32>} : memref<2x80x128xf32, #tpu.memory_space<vmem>>, vector<1x1x16xf32>,
    %swap3A_368 = vector.shape_cast %swap3A_367 : vector<1x1x16xf32> to vector<16xf32>
    %swap3A_369 = vector.shape_cast %broadcast_in_dim3A_2 : vector<16xf32> to vector<1x1x16xf32>
    tpu.vector_store %arg8[%swap3A_364, %swap3A_365, %swap3A_366], %swap3A_369 {strides = array<i32>} : memref<2x80x128xf32, #tpu.memory_space<vmem>>, vector<1x1x16xf32>,
    %swap3A_370 = arith.constant 0 : i32
    %swap3A_371 = arith.constant 5 : i32
    %swap3A_372 = arith.index_cast %swap3A_370 : i32 to index
    %swap3A_373 = arith.index_cast %swap3A_371 : i32 to index
    %swap3A_374 = arith.constant 96 : index
    %swap3A_375 = tpu.vector_load %arg8[%swap3A_372, %swap3A_373, %swap3A_374] {strides = array<i32>} : memref<2x80x128xf32, #tpu.memory_space<vmem>>, vector<1x1x16xf32>,
    %swap3A_376 = vector.shape_cast %swap3A_375 : vector<1x1x16xf32> to vector<16xf32>
    %swap3A_377 = vector.shape_cast %broadcast_in_dim3A_2 : vector<16xf32> to vector<1x1x16xf32>
    tpu.vector_store %arg8[%swap3A_372, %swap3A_373, %swap3A_374], %swap3A_377 {strides = array<i32>} : memref<2x80x128xf32, #tpu.memory_space<vmem>>, vector<1x1x16xf32>,
    %swap3A_378 = arith.constant 0 : i32
    %swap3A_379 = arith.constant 5 : i32
    %swap3A_380 = arith.index_cast %swap3A_378 : i32 to index
    %swap3A_381 = arith.index_cast %swap3A_379 : i32 to index
    %swap3A_382 = arith.constant 112 : index
    %swap3A_383 = tpu.vector_load %arg8[%swap3A_380, %swap3A_381, %swap3A_382] {strides = array<i32>} : memref<2x80x128xf32, #tpu.memory_space<vmem>>, vector<1x1x16xf32>,
    %swap3A_384 = vector.shape_cast %swap3A_383 : vector<1x1x16xf32> to vector<16xf32>
    %swap3A_385 = vector.shape_cast %broadcast_in_dim3A_2 : vector<16xf32> to vector<1x1x16xf32>
    tpu.vector_store %arg8[%swap3A_380, %swap3A_381, %swap3A_382], %swap3A_385 {strides = array<i32>} : memref<2x80x128xf32, #tpu.memory_space<vmem>>, vector<1x1x16xf32>,
    %swap3A_386 = arith.constant 0 : i32
    %swap3A_387 = arith.constant 6 : i32
    %swap3A_388 = arith.index_cast %swap3A_386 : i32 to index
    %swap3A_389 = arith.index_cast %swap3A_387 : i32 to index
    %swap3A_390 = arith.constant 0 : index
    %swap3A_391 = tpu.vector_load %arg8[%swap3A_388, %swap3A_389, %swap3A_390] {strides = array<i32>} : memref<2x80x128xf32, #tpu.memory_space<vmem>>, vector<1x1x16xf32>,
    %swap3A_392 = vector.shape_cast %swap3A_391 : vector<1x1x16xf32> to vector<16xf32>
    %swap3A_393 = vector.shape_cast %broadcast_in_dim3A_2 : vector<16xf32> to vector<1x1x16xf32>
    tpu.vector_store %arg8[%swap3A_388, %swap3A_389, %swap3A_390], %swap3A_393 {strides = array<i32>} : memref<2x80x128xf32, #tpu.memory_space<vmem>>, vector<1x1x16xf32>,
    %swap3A_394 = arith.constant 0 : i32
    %swap3A_395 = arith.constant 6 : i32
    %swap3A_396 = arith.index_cast %swap3A_394 : i32 to index
    %swap3A_397 = arith.index_cast %swap3A_395 : i32 to index
    %swap3A_398 = arith.constant 16 : index
    %swap3A_399 = tpu.vector_load %arg8[%swap3A_396, %swap3A_397, %swap3A_398] {strides = array<i32>} : memref<2x80x128xf32, #tpu.memory_space<vmem>>, vector<1x1x16xf32>,
    %swap3A_400 = vector.shape_cast %swap3A_399 : vector<1x1x16xf32> to vector<16xf32>
    %swap3A_401 = vector.shape_cast %broadcast_in_dim3A_2 : vector<16xf32> to vector<1x1x16xf32>
    tpu.vector_store %arg8[%swap3A_396, %swap3A_397, %swap3A_398], %swap3A_401 {strides = array<i32>} : memref<2x80x128xf32, #tpu.memory_space<vmem>>, vector<1x1x16xf32>,
    %swap3A_402 = arith.constant 0 : i32
    %swap3A_403 = arith.constant 6 : i32
    %swap3A_404 = arith.index_cast %swap3A_402 : i32 to index
    %swap3A_405 = arith.index_cast %swap3A_403 : i32 to index
    %swap3A_406 = arith.constant 32 : index
    %swap3A_407 = tpu.vector_load %arg8[%swap3A_404, %swap3A_405, %swap3A_406] {strides = array<i32>} : memref<2x80x128xf32, #tpu.memory_space<vmem>>, vector<1x1x16xf32>,
    %swap3A_408 = vector.shape_cast %swap3A_407 : vector<1x1x16xf32> to vector<16xf32>
    %swap3A_409 = vector.shape_cast %broadcast_in_dim3A_2 : vector<16xf32> to vector<1x1x16xf32>
    tpu.vector_store %arg8[%swap3A_404, %swap3A_405, %swap3A_406], %swap3A_409 {strides = array<i32>} : memref<2x80x128xf32, #tpu.memory_space<vmem>>, vector<1x1x16xf32>,
    %swap3A_410 = arith.constant 0 : i32
    %swap3A_411 = arith.constant 6 : i32
    %swap3A_412 = arith.index_cast %swap3A_410 : i32 to index
    %swap3A_413 = arith.index_cast %swap3A_411 : i32 to index
    %swap3A_414 = arith.constant 48 : index
    %swap3A_415 = tpu.vector_load %arg8[%swap3A_412, %swap3A_413, %swap3A_414] {strides = array<i32>} : memref<2x80x128xf32, #tpu.memory_space<vmem>>, vector<1x1x16xf32>,
    %swap3A_416 = vector.shape_cast %swap3A_415 : vector<1x1x16xf32> to vector<16xf32>
    %swap3A_417 = vector.shape_cast %broadcast_in_dim3A_2 : vector<16xf32> to vector<1x1x16xf32>
    tpu.vector_store %arg8[%swap3A_412, %swap3A_413, %swap3A_414], %swap3A_417 {strides = array<i32>} : memref<2x80x128xf32, #tpu.memory_space<vmem>>, vector<1x1x16xf32>,
    %swap3A_418 = arith.constant 0 : i32
    %swap3A_419 = arith.constant 6 : i32
    %swap3A_420 = arith.index_cast %swap3A_418 : i32 to index
    %swap3A_421 = arith.index_cast %swap3A_419 : i32 to index
    %swap3A_422 = arith.constant 64 : index
    %swap3A_423 = tpu.vector_load %arg8[%swap3A_420, %swap3A_421, %swap3A_422] {strides = array<i32>} : memref<2x80x128xf32, #tpu.memory_space<vmem>>, vector<1x1x16xf32>,
    %swap3A_424 = vector.shape_cast %swap3A_423 : vector<1x1x16xf32> to vector<16xf32>
    %swap3A_425 = vector.shape_cast %broadcast_in_dim3A_2 : vector<16xf32> to vector<1x1x16xf32>
    tpu.vector_store %arg8[%swap3A_420, %swap3A_421, %swap3A_422], %swap3A_425 {strides = array<i32>} : memref<2x80x128xf32, #tpu.memory_space<vmem>>, vector<1x1x16xf32>,
    %swap3A_426 = arith.constant 0 : i32
    %swap3A_427 = arith.constant 6 : i32
    %swap3A_428 = arith.index_cast %swap3A_426 : i32 to index
    %swap3A_429 = arith.index_cast %swap3A_427 : i32 to index
    %swap3A_430 = arith.constant 80 : index
    %swap3A_431 = tpu.vector_load %arg8[%swap3A_428, %swap3A_429, %swap3A_430] {strides = array<i32>} : memref<2x80x128xf32, #tpu.memory_space<vmem>>, vector<1x1x16xf32>,
    %swap3A_432 = vector.shape_cast %swap3A_431 : vector<1x1x16xf32> to vector<16xf32>
    %swap3A_433 = vector.shape_cast %broadcast_in_dim3A_2 : vector<16xf32> to vector<1x1x16xf32>
    tpu.vector_store %arg8[%swap3A_428, %swap3A_429, %swap3A_430], %swap3A_433 {strides = array<i32>} : memref<2x80x128xf32, #tpu.memory_space<vmem>>, vector<1x1x16xf32>,
    %swap3A_434 = arith.constant 0 : i32
    %swap3A_435 = arith.constant 6 : i32
    %swap3A_436 = arith.index_cast %swap3A_434 : i32 to index
    %swap3A_437 = arith.index_cast %swap3A_435 : i32 to index
    %swap3A_438 = arith.constant 96 : index
    %swap3A_439 = tpu.vector_load %arg8[%swap3A_436, %swap3A_437, %swap3A_438] {strides = array<i32>} : memref<2x80x128xf32, #tpu.memory_space<vmem>>, vector<1x1x16xf32>,
    %swap3A_440 = vector.shape_cast %swap3A_439 : vector<1x1x16xf32> to vector<16xf32>
    %swap3A_441 = vector.shape_cast %broadcast_in_dim3A_2 : vector<16xf32> to vector<1x1x16xf32>
    tpu.vector_store %arg8[%swap3A_436, %swap3A_437, %swap3A_438], %swap3A_441 {strides = array<i32>} : memref<2x80x128xf32, #tpu.memory_space<vmem>>, vector<1x1x16xf32>,
    %swap3A_442 = arith.constant 0 : i32
    %swap3A_443 = arith.constant 6 : i32
    %swap3A_444 = arith.index_cast %swap3A_442 : i32 to index
    %swap3A_445 = arith.index_cast %swap3A_443 : i32 to index
    %swap3A_446 = arith.constant 112 : index
    %swap3A_447 = tpu.vector_load %arg8[%swap3A_444, %swap3A_445, %swap3A_446] {strides = array<i32>} : memref<2x80x128xf32, #tpu.memory_space<vmem>>, vector<1x1x16xf32>,
    %swap3A_448 = vector.shape_cast %swap3A_447 : vector<1x1x16xf32> to vector<16xf32>
    %swap3A_449 = vector.shape_cast %broadcast_in_dim3A_2 : vector<16xf32> to vector<1x1x16xf32>
    tpu.vector_store %arg8[%swap3A_444, %swap3A_445, %swap3A_446], %swap3A_449 {strides = array<i32>} : memref<2x80x128xf32, #tpu.memory_space<vmem>>, vector<1x1x16xf32>,
    %swap3A_450 = arith.constant 0 : i32
    %swap3A_451 = arith.constant 7 : i32
    %swap3A_452 = arith.index_cast %swap3A_450 : i32 to index
    %swap3A_453 = arith.index_cast %swap3A_451 : i32 to index
    %swap3A_454 = arith.constant 0 : index
    %swap3A_455 = tpu.vector_load %arg8[%swap3A_452, %swap3A_453, %swap3A_454] {strides = array<i32>} : memref<2x80x128xf32, #tpu.memory_space<vmem>>, vector<1x1x16xf32>,
    %swap3A_456 = vector.shape_cast %swap3A_455 : vector<1x1x16xf32> to vector<16xf32>
    %swap3A_457 = vector.shape_cast %broadcast_in_dim3A_2 : vector<16xf32> to vector<1x1x16xf32>
    tpu.vector_store %arg8[%swap3A_452, %swap3A_453, %swap3A_454], %swap3A_457 {strides = array<i32>} : memref<2x80x128xf32, #tpu.memory_space<vmem>>, vector<1x1x16xf32>,
    %swap3A_458 = arith.constant 0 : i32
    %swap3A_459 = arith.constant 7 : i32
    %swap3A_460 = arith.index_cast %swap3A_458 : i32 to index
    %swap3A_461 = arith.index_cast %swap3A_459 : i32 to index
    %swap3A_462 = arith.constant 16 : index
    %swap3A_463 = tpu.vector_load %arg8[%swap3A_460, %swap3A_461, %swap3A_462] {strides = array<i32>} : memref<2x80x128xf32, #tpu.memory_space<vmem>>, vector<1x1x16xf32>,
    %swap3A_464 = vector.shape_cast %swap3A_463 : vector<1x1x16xf32> to vector<16xf32>
    %swap3A_465 = vector.shape_cast %broadcast_in_dim3A_2 : vector<16xf32> to vector<1x1x16xf32>
    tpu.vector_store %arg8[%swap3A_460, %swap3A_461, %swap3A_462], %swap3A_465 {strides = array<i32>} : memref<2x80x128xf32, #tpu.memory_space<vmem>>, vector<1x1x16xf32>,
    %swap3A_466 = arith.constant 0 : i32
    %swap3A_467 = arith.constant 7 : i32
    %swap3A_468 = arith.index_cast %swap3A_466 : i32 to index
    %swap3A_469 = arith.index_cast %swap3A_467 : i32 to index
    %swap3A_470 = arith.constant 32 : index
    %swap3A_471 = tpu.vector_load %arg8[%swap3A_468, %swap3A_469, %swap3A_470] {strides = array<i32>} : memref<2x80x128xf32, #tpu.memory_space<vmem>>, vector<1x1x16xf32>,
    %swap3A_472 = vector.shape_cast %swap3A_471 : vector<1x1x16xf32> to vector<16xf32>
    %swap3A_473 = vector.shape_cast %broadcast_in_dim3A_2 : vector<16xf32> to vector<1x1x16xf32>
    tpu.vector_store %arg8[%swap3A_468, %swap3A_469, %swap3A_470], %swap3A_473 {strides = array<i32>} : memref<2x80x128xf32, #tpu.memory_space<vmem>>, vector<1x1x16xf32>,
    %swap3A_474 = arith.constant 0 : i32
    %swap3A_475 = arith.constant 7 : i32
    %swap3A_476 = arith.index_cast %swap3A_474 : i32 to index
    %swap3A_477 = arith.index_cast %swap3A_475 : i32 to index
    %swap3A_478 = arith.constant 48 : index
    %swap3A_479 = tpu.vector_load %arg8[%swap3A_476, %swap3A_477, %swap3A_478] {strides = array<i32>} : memref<2x80x128xf32, #tpu.memory_space<vmem>>, vector<1x1x16xf32>,
    %swap3A_480 = vector.shape_cast %swap3A_479 : vector<1x1x16xf32> to vector<16xf32>
    %swap3A_481 = vector.shape_cast %broadcast_in_dim3A_2 : vector<16xf32> to vector<1x1x16xf32>
    tpu.vector_store %arg8[%swap3A_476, %swap3A_477, %swap3A_478], %swap3A_481 {strides = array<i32>} : memref<2x80x128xf32, #tpu.memory_space<vmem>>, vector<1x1x16xf32>,
    %swap3A_482 = arith.constant 0 : i32
    %swap3A_483 = arith.constant 7 : i32
    %swap3A_484 = arith.index_cast %swap3A_482 : i32 to index
    %swap3A_485 = arith.index_cast %swap3A_483 : i32 to index
    %swap3A_486 = arith.constant 64 : index
    %swap3A_487 = tpu.vector_load %arg8[%swap3A_484, %swap3A_485, %swap3A_486] {strides = array<i32>} : memref<2x80x128xf32, #tpu.memory_space<vmem>>, vector<1x1x16xf32>,
    %swap3A_488 = vector.shape_cast %swap3A_487 : vector<1x1x16xf32> to vector<16xf32>
    %swap3A_489 = vector.shape_cast %broadcast_in_dim3A_2 : vector<16xf32> to vector<1x1x16xf32>
    tpu.vector_store %arg8[%swap3A_484, %swap3A_485, %swap3A_486], %swap3A_489 {strides = array<i32>} : memref<2x80x128xf32, #tpu.memory_space<vmem>>, vector<1x1x16xf32>,
    %swap3A_490 = arith.constant 0 : i32
    %swap3A_491 = arith.constant 7 : i32
    %swap3A_492 = arith.index_cast %swap3A_490 : i32 to index
    %swap3A_493 = arith.index_cast %swap3A_491 : i32 to index
    %swap3A_494 = arith.constant 80 : index
    %swap3A_495 = tpu.vector_load %arg8[%swap3A_492, %swap3A_493, %swap3A_494] {strides = array<i32>} : memref<2x80x128xf32, #tpu.memory_space<vmem>>, vector<1x1x16xf32>,
    %swap3A_496 = vector.shape_cast %swap3A_495 : vector<1x1x16xf32> to vector<16xf32>
    %swap3A_497 = vector.shape_cast %broadcast_in_dim3A_2 : vector<16xf32> to vector<1x1x16xf32>
    tpu.vector_store %arg8[%swap3A_492, %swap3A_493, %swap3A_494], %swap3A_497 {strides = array<i32>} : memref<2x80x128xf32, #tpu.memory_space<vmem>>, vector<1x1x16xf32>,
    %swap3A_498 = arith.constant 0 : i32
    %swap3A_499 = arith.constant 7 : i32
    %swap3A_500 = arith.index_cast %swap3A_498 : i32 to index
    %swap3A_501 = arith.index_cast %swap3A_499 : i32 to index
    %swap3A_502 = arith.constant 96 : index
    %swap3A_503 = tpu.vector_load %arg8[%swap3A_500, %swap3A_501, %swap3A_502] {strides = array<i32>} : memref<2x80x128xf32, #tpu.memory_space<vmem>>, vector<1x1x16xf32>,
    %swap3A_504 = vector.shape_cast %swap3A_503 : vector<1x1x16xf32> to vector<16xf32>
    %swap3A_505 = vector.shape_cast %broadcast_in_dim3A_2 : vector<16xf32> to vector<1x1x16xf32>
    tpu.vector_store %arg8[%swap3A_500, %swap3A_501, %swap3A_502], %swap3A_505 {strides = array<i32>} : memref<2x80x128xf32, #tpu.memory_space<vmem>>, vector<1x1x16xf32>,
    %swap3A_506 = arith.constant 0 : i32
    %swap3A_507 = arith.constant 7 : i32
    %swap3A_508 = arith.index_cast %swap3A_506 : i32 to index
    %swap3A_509 = arith.index_cast %swap3A_507 : i32 to index
    %swap3A_510 = arith.constant 112 : index
    %swap3A_511 = tpu.vector_load %arg8[%swap3A_508, %swap3A_509, %swap3A_510] {strides = array<i32>} : memref<2x80x128xf32, #tpu.memory_space<vmem>>, vector<1x1x16xf32>,
    %swap3A_512 = vector.shape_cast %swap3A_511 : vector<1x1x16xf32> to vector<16xf32>
    %swap3A_513 = vector.shape_cast %broadcast_in_dim3A_2 : vector<16xf32> to vector<1x1x16xf32>
    tpu.vector_store %arg8[%swap3A_508, %swap3A_509, %swap3A_510], %swap3A_513 {strides = array<i32>} : memref<2x80x128xf32, #tpu.memory_space<vmem>>, vector<1x1x16xf32>,
    %swap3A_514 = arith.constant 0 : i32
    %swap3A_515 = arith.constant 8 : i32
    %swap3A_516 = arith.index_cast %swap3A_514 : i32 to index
    %swap3A_517 = arith.index_cast %swap3A_515 : i32 to index
    %swap3A_518 = arith.constant 0 : index
    %swap3A_519 = tpu.vector_load %arg8[%swap3A_516, %swap3A_517, %swap3A_518] {strides = array<i32>} : memref<2x80x128xf32, #tpu.memory_space<vmem>>, vector<1x1x16xf32>,
    %swap3A_520 = vector.shape_cast %swap3A_519 : vector<1x1x16xf32> to vector<16xf32>
    %swap3A_521 = vector.shape_cast %broadcast_in_dim3A_2 : vector<16xf32> to vector<1x1x16xf32>
    tpu.vector_store %arg8[%swap3A_516, %swap3A_517, %swap3A_518], %swap3A_521 {strides = array<i32>} : memref<2x80x128xf32, #tpu.memory_space<vmem>>, vector<1x1x16xf32>,
    %swap3A_522 = arith.constant 0 : i32
    %swap3A_523 = arith.constant 8 : i32
    %swap3A_524 = arith.index_cast %swap3A_522 : i32 to index
    %swap3A_525 = arith.index_cast %swap3A_523 : i32 to index
    %swap3A_526 = arith.constant 16 : index
    %swap3A_527 = tpu.vector_load %arg8[%swap3A_524, %swap3A_525, %swap3A_526] {strides = array<i32>} : memref<2x80x128xf32, #tpu.memory_space<vmem>>, vector<1x1x16xf32>,
    %swap3A_528 = vector.shape_cast %swap3A_527 : vector<1x1x16xf32> to vector<16xf32>
    %swap3A_529 = vector.shape_cast %broadcast_in_dim3A_2 : vector<16xf32> to vector<1x1x16xf32>
    tpu.vector_store %arg8[%swap3A_524, %swap3A_525, %swap3A_526], %swap3A_529 {strides = array<i32>} : memref<2x80x128xf32, #tpu.memory_space<vmem>>, vector<1x1x16xf32>,
    %swap3A_530 = arith.constant 0 : i32
    %swap3A_531 = arith.constant 8 : i32
    %swap3A_532 = arith.index_cast %swap3A_530 : i32 to index
    %swap3A_533 = arith.index_cast %swap3A_531 : i32 to index
    %swap3A_534 = arith.constant 32 : index
    %swap3A_535 = tpu.vector_load %arg8[%swap3A_532, %swap3A_533, %swap3A_534] {strides = array<i32>} : memref<2x80x128xf32, #tpu.memory_space<vmem>>, vector<1x1x16xf32>,
    %swap3A_536 = vector.shape_cast %swap3A_535 : vector<1x1x16xf32> to vector<16xf32>
    %swap3A_537 = vector.shape_cast %broadcast_in_dim3A_2 : vector<16xf32> to vector<1x1x16xf32>
    tpu.vector_store %arg8[%swap3A_532, %swap3A_533, %swap3A_534], %swap3A_537 {strides = array<i32>} : memref<2x80x128xf32, #tpu.memory_space<vmem>>, vector<1x1x16xf32>,
    %swap3A_538 = arith.constant 0 : i32
    %swap3A_539 = arith.constant 8 : i32
    %swap3A_540 = arith.index_cast %swap3A_538 : i32 to index
    %swap3A_541 = arith.index_cast %swap3A_539 : i32 to index
    %swap3A_542 = arith.constant 48 : index
    %swap3A_543 = tpu.vector_load %arg8[%swap3A_540, %swap3A_541, %swap3A_542] {strides = array<i32>} : memref<2x80x128xf32, #tpu.memory_space<vmem>>, vector<1x1x16xf32>,
    %swap3A_544 = vector.shape_cast %swap3A_543 : vector<1x1x16xf32> to vector<16xf32>
    %swap3A_545 = vector.shape_cast %broadcast_in_dim3A_2 : vector<16xf32> to vector<1x1x16xf32>
    tpu.vector_store %arg8[%swap3A_540, %swap3A_541, %swap3A_542], %swap3A_545 {strides = array<i32>} : memref<2x80x128xf32, #tpu.memory_space<vmem>>, vector<1x1x16xf32>,
    %swap3A_546 = arith.constant 0 : i32
    %swap3A_547 = arith.constant 8 : i32
    %swap3A_548 = arith.index_cast %swap3A_546 : i32 to index
    %swap3A_549 = arith.index_cast %swap3A_547 : i32 to index
    %swap3A_550 = arith.constant 64 : index
    %swap3A_551 = tpu.vector_load %arg8[%swap3A_548, %swap3A_549, %swap3A_550] {strides = array<i32>} : memref<2x80x128xf32, #tpu.memory_space<vmem>>, vector<1x1x16xf32>,
    %swap3A_552 = vector.shape_cast %swap3A_551 : vector<1x1x16xf32> to vector<16xf32>
    %swap3A_553 = vector.shape_cast %broadcast_in_dim3A_2 : vector<16xf32> to vector<1x1x16xf32>
    tpu.vector_store %arg8[%swap3A_548, %swap3A_549, %swap3A_550], %swap3A_553 {strides = array<i32>} : memref<2x80x128xf32, #tpu.memory_space<vmem>>, vector<1x1x16xf32>,
    %swap3A_554 = arith.constant 0 : i32
    %swap3A_555 = arith.constant 8 : i32
    %swap3A_556 = arith.index_cast %swap3A_554 : i32 to index
    %swap3A_557 = arith.index_cast %swap3A_555 : i32 to index
    %swap3A_558 = arith.constant 80 : index
    %swap3A_559 = tpu.vector_load %arg8[%swap3A_556, %swap3A_557, %swap3A_558] {strides = array<i32>} : memref<2x80x128xf32, #tpu.memory_space<vmem>>, vector<1x1x16xf32>,
    %swap3A_560 = vector.shape_cast %swap3A_559 : vector<1x1x16xf32> to vector<16xf32>
    %swap3A_561 = vector.shape_cast %broadcast_in_dim3A_2 : vector<16xf32> to vector<1x1x16xf32>
    tpu.vector_store %arg8[%swap3A_556, %swap3A_557, %swap3A_558], %swap3A_561 {strides = array<i32>} : memref<2x80x128xf32, #tpu.memory_space<vmem>>, vector<1x1x16xf32>,
    %swap3A_562 = arith.constant 0 : i32
    %swap3A_563 = arith.constant 8 : i32
    %swap3A_564 = arith.index_cast %swap3A_562 : i32 to index
    %swap3A_565 = arith.index_cast %swap3A_563 : i32 to index
    %swap3A_566 = arith.constant 96 : index
    %swap3A_567 = tpu.vector_load %arg8[%swap3A_564, %swap3A_565, %swap3A_566] {strides = array<i32>} : memref<2x80x128xf32, #tpu.memory_space<vmem>>, vector<1x1x16xf32>,
    %swap3A_568 = vector.shape_cast %swap3A_567 : vector<1x1x16xf32> to vector<16xf32>
    %swap3A_569 = vector.shape_cast %broadcast_in_dim3A_2 : vector<16xf32> to vector<1x1x16xf32>
    tpu.vector_store %arg8[%swap3A_564, %swap3A_565, %swap3A_566], %swap3A_569 {strides = array<i32>} : memref<2x80x128xf32, #tpu.memory_space<vmem>>, vector<1x1x16xf32>,
    %swap3A_570 = arith.constant 0 : i32
    %swap3A_571 = arith.constant 8 : i32
    %swap3A_572 = arith.index_cast %swap3A_570 : i32 to index
    %swap3A_573 = arith.index_cast %swap3A_571 : i32 to index
    %swap3A_574 = arith.constant 112 : index
    %swap3A_575 = tpu.vector_load %arg8[%swap3A_572, %swap3A_573, %swap3A_574] {strides = array<i32>} : memref<2x80x128xf32, #tpu.memory_space<vmem>>, vector<1x1x16xf32>,
    %swap3A_576 = vector.shape_cast %swap3A_575 : vector<1x1x16xf32> to vector<16xf32>
    %swap3A_577 = vector.shape_cast %broadcast_in_dim3A_2 : vector<16xf32> to vector<1x1x16xf32>
    tpu.vector_store %arg8[%swap3A_572, %swap3A_573, %swap3A_574], %swap3A_577 {strides = array<i32>} : memref<2x80x128xf32, #tpu.memory_space<vmem>>, vector<1x1x16xf32>,
    %swap3A_578 = arith.constant 0 : i32
    %swap3A_579 = arith.constant 9 : i32
    %swap3A_580 = arith.index_cast %swap3A_578 : i32 to index
    %swap3A_581 = arith.index_cast %swap3A_579 : i32 to index
    %swap3A_582 = arith.constant 0 : index
    %swap3A_583 = tpu.vector_load %arg8[%swap3A_580, %swap3A_581, %swap3A_582] {strides = array<i32>} : memref<2x80x128xf32, #tpu.memory_space<vmem>>, vector<1x1x16xf32>,
    %swap3A_584 = vector.shape_cast %swap3A_583 : vector<1x1x16xf32> to vector<16xf32>
    %swap3A_585 = vector.shape_cast %broadcast_in_dim3A_2 : vector<16xf32> to vector<1x1x16xf32>
    tpu.vector_store %arg8[%swap3A_580, %swap3A_581, %swap3A_582], %swap3A_585 {strides = array<i32>} : memref<2x80x128xf32, #tpu.memory_space<vmem>>, vector<1x1x16xf32>,
    %swap3A_586 = arith.constant 0 : i32
    %swap3A_587 = arith.constant 9 : i32
    %swap3A_588 = arith.index_cast %swap3A_586 : i32 to index
    %swap3A_589 = arith.index_cast %swap3A_587 : i32 to index
    %swap3A_590 = arith.constant 16 : index
    %swap3A_591 = tpu.vector_load %arg8[%swap3A_588, %swap3A_589, %swap3A_590] {strides = array<i32>} : memref<2x80x128xf32, #tpu.memory_space<vmem>>, vector<1x1x16xf32>,
    %swap3A_592 = vector.shape_cast %swap3A_591 : vector<1x1x16xf32> to vector<16xf32>
    %swap3A_593 = vector.shape_cast %broadcast_in_dim3A_2 : vector<16xf32> to vector<1x1x16xf32>
    tpu.vector_store %arg8[%swap3A_588, %swap3A_589, %swap3A_590], %swap3A_593 {strides = array<i32>} : memref<2x80x128xf32, #tpu.memory_space<vmem>>, vector<1x1x16xf32>,
    %swap3A_594 = arith.constant 0 : i32
    %swap3A_595 = arith.constant 9 : i32
    %swap3A_596 = arith.index_cast %swap3A_594 : i32 to index
    %swap3A_597 = arith.index_cast %swap3A_595 : i32 to index
    %swap3A_598 = arith.constant 32 : index
    %swap3A_599 = tpu.vector_load %arg8[%swap3A_596, %swap3A_597, %swap3A_598] {strides = array<i32>} : memref<2x80x128xf32, #tpu.memory_space<vmem>>, vector<1x1x16xf32>,
    %swap3A_600 = vector.shape_cast %swap3A_599 : vector<1x1x16xf32> to vector<16xf32>
    %swap3A_601 = vector.shape_cast %broadcast_in_dim3A_2 : vector<16xf32> to vector<1x1x16xf32>
    tpu.vector_store %arg8[%swap3A_596, %swap3A_597, %swap3A_598], %swap3A_601 {strides = array<i32>} : memref<2x80x128xf32, #tpu.memory_space<vmem>>, vector<1x1x16xf32>,
    %swap3A_602 = arith.constant 0 : i32
    %swap3A_603 = arith.constant 9 : i32
    %swap3A_604 = arith.index_cast %swap3A_602 : i32 to index
    %swap3A_605 = arith.index_cast %swap3A_603 : i32 to index
    %swap3A_606 = arith.constant 48 : index
    %swap3A_607 = tpu.vector_load %arg8[%swap3A_604, %swap3A_605, %swap3A_606] {strides = array<i32>} : memref<2x80x128xf32, #tpu.memory_space<vmem>>, vector<1x1x16xf32>,
    %swap3A_608 = vector.shape_cast %swap3A_607 : vector<1x1x16xf32> to vector<16xf32>
    %swap3A_609 = vector.shape_cast %broadcast_in_dim3A_2 : vector<16xf32> to vector<1x1x16xf32>
    tpu.vector_store %arg8[%swap3A_604, %swap3A_605, %swap3A_606], %swap3A_609 {strides = array<i32>} : memref<2x80x128xf32, #tpu.memory_space<vmem>>, vector<1x1x16xf32>,
    %swap3A_610 = arith.constant 0 : i32
    %swap3A_611 = arith.constant 9 : i32
    %swap3A_612 = arith.index_cast %swap3A_610 : i32 to index
    %swap3A_613 = arith.index_cast %swap3A_611 : i32 to index
    %swap3A_614 = arith.constant 64 : index
    %swap3A_615 = tpu.vector_load %arg8[%swap3A_612, %swap3A_613, %swap3A_614] {strides = array<i32>} : memref<2x80x128xf32, #tpu.memory_space<vmem>>, vector<1x1x16xf32>,
    %swap3A_616 = vector.shape_cast %swap3A_615 : vector<1x1x16xf32> to vector<16xf32>
    %swap3A_617 = vector.shape_cast %broadcast_in_dim3A_2 : vector<16xf32> to vector<1x1x16xf32>
    tpu.vector_store %arg8[%swap3A_612, %swap3A_613, %swap3A_614], %swap3A_617 {strides = array<i32>} : memref<2x80x128xf32, #tpu.memory_space<vmem>>, vector<1x1x16xf32>,
    %swap3A_618 = arith.constant 0 : i32
    %swap3A_619 = arith.constant 9 : i32
    %swap3A_620 = arith.index_cast %swap3A_618 : i32 to index
    %swap3A_621 = arith.index_cast %swap3A_619 : i32 to index
    %swap3A_622 = arith.constant 80 : index
    %swap3A_623 = tpu.vector_load %arg8[%swap3A_620, %swap3A_621, %swap3A_622] {strides = array<i32>} : memref<2x80x128xf32, #tpu.memory_space<vmem>>, vector<1x1x16xf32>,
    %swap3A_624 = vector.shape_cast %swap3A_623 : vector<1x1x16xf32> to vector<16xf32>
    %swap3A_625 = vector.shape_cast %broadcast_in_dim3A_2 : vector<16xf32> to vector<1x1x16xf32>
    tpu.vector_store %arg8[%swap3A_620, %swap3A_621, %swap3A_622], %swap3A_625 {strides = array<i32>} : memref<2x80x128xf32, #tpu.memory_space<vmem>>, vector<1x1x16xf32>,
    %swap3A_626 = arith.constant 0 : i32
    %swap3A_627 = arith.constant 9 : i32
    %swap3A_628 = arith.index_cast %swap3A_626 : i32 to index
    %swap3A_629 = arith.index_cast %swap3A_627 : i32 to index
    %swap3A_630 = arith.constant 96 : index
    %swap3A_631 = tpu.vector_load %arg8[%swap3A_628, %swap3A_629, %swap3A_630] {strides = array<i32>} : memref<2x80x128xf32, #tpu.memory_space<vmem>>, vector<1x1x16xf32>,
    %swap3A_632 = vector.shape_cast %swap3A_631 : vector<1x1x16xf32> to vector<16xf32>
    %swap3A_633 = vector.shape_cast %broadcast_in_dim3A_2 : vector<16xf32> to vector<1x1x16xf32>
    tpu.vector_store %arg8[%swap3A_628, %swap3A_629, %swap3A_630], %swap3A_633 {strides = array<i32>} : memref<2x80x128xf32, #tpu.memory_space<vmem>>, vector<1x1x16xf32>,
    %swap3A_634 = arith.constant 0 : i32
    %swap3A_635 = arith.constant 9 : i32
    %swap3A_636 = arith.index_cast %swap3A_634 : i32 to index
    %swap3A_637 = arith.index_cast %swap3A_635 : i32 to index
    %swap3A_638 = arith.constant 112 : index
    %swap3A_639 = tpu.vector_load %arg8[%swap3A_636, %swap3A_637, %swap3A_638] {strides = array<i32>} : memref<2x80x128xf32, #tpu.memory_space<vmem>>, vector<1x1x16xf32>,
    %swap3A_640 = vector.shape_cast %swap3A_639 : vector<1x1x16xf32> to vector<16xf32>
    %swap3A_641 = vector.shape_cast %broadcast_in_dim3A_2 : vector<16xf32> to vector<1x1x16xf32>
    tpu.vector_store %arg8[%swap3A_636, %swap3A_637, %swap3A_638], %swap3A_641 {strides = array<i32>} : memref<2x80x128xf32, #tpu.memory_space<vmem>>, vector<1x1x16xf32>,
    %swap3A_642 = arith.constant 0 : i32
    %swap3A_643 = arith.constant 10 : i32
    %swap3A_644 = arith.index_cast %swap3A_642 : i32 to index
    %swap3A_645 = arith.index_cast %swap3A_643 : i32 to index
    %swap3A_646 = arith.constant 0 : index
    %swap3A_647 = tpu.vector_load %arg8[%swap3A_644, %swap3A_645, %swap3A_646] {strides = array<i32>} : memref<2x80x128xf32, #tpu.memory_space<vmem>>, vector<1x1x16xf32>,
    %swap3A_648 = vector.shape_cast %swap3A_647 : vector<1x1x16xf32> to vector<16xf32>
    %swap3A_649 = vector.shape_cast %broadcast_in_dim3A_2 : vector<16xf32> to vector<1x1x16xf32>
    tpu.vector_store %arg8[%swap3A_644, %swap3A_645, %swap3A_646], %swap3A_649 {strides = array<i32>} : memref<2x80x128xf32, #tpu.memory_space<vmem>>, vector<1x1x16xf32>,
    %swap3A_650 = arith.constant 0 : i32
    %swap3A_651 = arith.constant 10 : i32
    %swap3A_652 = arith.index_cast %swap3A_650 : i32 to index
    %swap3A_653 = arith.index_cast %swap3A_651 : i32 to index
    %swap3A_654 = arith.constant 16 : index
    %swap3A_655 = tpu.vector_load %arg8[%swap3A_652, %swap3A_653, %swap3A_654] {strides = array<i32>} : memref<2x80x128xf32, #tpu.memory_space<vmem>>, vector<1x1x16xf32>,
    %swap3A_656 = vector.shape_cast %swap3A_655 : vector<1x1x16xf32> to vector<16xf32>
    %swap3A_657 = vector.shape_cast %broadcast_in_dim3A_2 : vector<16xf32> to vector<1x1x16xf32>
    tpu.vector_store %arg8[%swap3A_652, %swap3A_653, %swap3A_654], %swap3A_657 {strides = array<i32>} : memref<2x80x128xf32, #tpu.memory_space<vmem>>, vector<1x1x16xf32>,
    %swap3A_658 = arith.constant 0 : i32
    %swap3A_659 = arith.constant 10 : i32
    %swap3A_660 = arith.index_cast %swap3A_658 : i32 to index
    %swap3A_661 = arith.index_cast %swap3A_659 : i32 to index
    %swap3A_662 = arith.constant 32 : index
    %swap3A_663 = tpu.vector_load %arg8[%swap3A_660, %swap3A_661, %swap3A_662] {strides = array<i32>} : memref<2x80x128xf32, #tpu.memory_space<vmem>>, vector<1x1x16xf32>,
    %swap3A_664 = vector.shape_cast %swap3A_663 : vector<1x1x16xf32> to vector<16xf32>
    %swap3A_665 = vector.shape_cast %broadcast_in_dim3A_2 : vector<16xf32> to vector<1x1x16xf32>
    tpu.vector_store %arg8[%swap3A_660, %swap3A_661, %swap3A_662], %swap3A_665 {strides = array<i32>} : memref<2x80x128xf32, #tpu.memory_space<vmem>>, vector<1x1x16xf32>,
    %swap3A_666 = arith.constant 0 : i32
    %swap3A_667 = arith.constant 10 : i32
    %swap3A_668 = arith.index_cast %swap3A_666 : i32 to index
    %swap3A_669 = arith.index_cast %swap3A_667 : i32 to index
    %swap3A_670 = arith.constant 48 : index
    %swap3A_671 = tpu.vector_load %arg8[%swap3A_668, %swap3A_669, %swap3A_670] {strides = array<i32>} : memref<2x80x128xf32, #tpu.memory_space<vmem>>, vector<1x1x16xf32>,
    %swap3A_672 = vector.shape_cast %swap3A_671 : vector<1x1x16xf32> to vector<16xf32>
    %swap3A_673 = vector.shape_cast %broadcast_in_dim3A_2 : vector<16xf32> to vector<1x1x16xf32>
    tpu.vector_store %arg8[%swap3A_668, %swap3A_669, %swap3A_670], %swap3A_673 {strides = array<i32>} : memref<2x80x128xf32, #tpu.memory_space<vmem>>, vector<1x1x16xf32>,
    %swap3A_674 = arith.constant 0 : i32
    %swap3A_675 = arith.constant 10 : i32
    %swap3A_676 = arith.index_cast %swap3A_674 : i32 to index
    %swap3A_677 = arith.index_cast %swap3A_675 : i32 to index
    %swap3A_678 = arith.constant 64 : index
    %swap3A_679 = tpu.vector_load %arg8[%swap3A_676, %swap3A_677, %swap3A_678] {strides = array<i32>} : memref<2x80x128xf32, #tpu.memory_space<vmem>>, vector<1x1x16xf32>,
    %swap3A_680 = vector.shape_cast %swap3A_679 : vector<1x1x16xf32> to vector<16xf32>
    %swap3A_681 = vector.shape_cast %broadcast_in_dim3A_2 : vector<16xf32> to vector<1x1x16xf32>
    tpu.vector_store %arg8[%swap3A_676, %swap3A_677, %swap3A_678], %swap3A_681 {strides = array<i32>} : memref<2x80x128xf32, #tpu.memory_space<vmem>>, vector<1x1x16xf32>,
    %swap3A_682 = arith.constant 0 : i32
    %swap3A_683 = arith.constant 10 : i32
    %swap3A_684 = arith.index_cast %swap3A_682 : i32 to index
    %swap3A_685 = arith.index_cast %swap3A_683 : i32 to index
    %swap3A_686 = arith.constant 80 : index
    %swap3A_687 = tpu.vector_load %arg8[%swap3A_684, %swap3A_685, %swap3A_686] {strides = array<i32>} : memref<2x80x128xf32, #tpu.memory_space<vmem>>, vector<1x1x16xf32>,
    %swap3A_688 = vector.shape_cast %swap3A_687 : vector<1x1x16xf32> to vector<16xf32>
    %swap3A_689 = vector.shape_cast %broadcast_in_dim3A_2 : vector<16xf32> to vector<1x1x16xf32>
    tpu.vector_store %arg8[%swap3A_684, %swap3A_685, %swap3A_686], %swap3A_689 {strides = array<i32>} : memref<2x80x128xf32, #tpu.memory_space<vmem>>, vector<1x1x16xf32>,
    %swap3A_690 = arith.constant 0 : i32
    %swap3A_691 = arith.constant 10 : i32
    %swap3A_692 = arith.index_cast %swap3A_690 : i32 to index
    %swap3A_693 = arith.index_cast %swap3A_691 : i32 to index
    %swap3A_694 = arith.constant 96 : index
    %swap3A_695 = tpu.vector_load %arg8[%swap3A_692, %swap3A_693, %swap3A_694] {strides = array<i32>} : memref<2x80x128xf32, #tpu.memory_space<vmem>>, vector<1x1x16xf32>,
    %swap3A_696 = vector.shape_cast %swap3A_695 : vector<1x1x16xf32> to vector<16xf32>
    %swap3A_697 = vector.shape_cast %broadcast_in_dim3A_2 : vector<16xf32> to vector<1x1x16xf32>
    tpu.vector_store %arg8[%swap3A_692, %swap3A_693, %swap3A_694], %swap3A_697 {strides = array<i32>} : memref<2x80x128xf32, #tpu.memory_space<vmem>>, vector<1x1x16xf32>,
    %swap3A_698 = arith.constant 0 : i32
    %swap3A_699 = arith.constant 10 : i32
    %swap3A_700 = arith.index_cast %swap3A_698 : i32 to index
    %swap3A_701 = arith.index_cast %swap3A_699 : i32 to index
    %swap3A_702 = arith.constant 112 : index
    %swap3A_703 = tpu.vector_load %arg8[%swap3A_700, %swap3A_701, %swap3A_702] {strides = array<i32>} : memref<2x80x128xf32, #tpu.memory_space<vmem>>, vector<1x1x16xf32>,
    %swap3A_704 = vector.shape_cast %swap3A_703 : vector<1x1x16xf32> to vector<16xf32>
    %swap3A_705 = vector.shape_cast %broadcast_in_dim3A_2 : vector<16xf32> to vector<1x1x16xf32>
    tpu.vector_store %arg8[%swap3A_700, %swap3A_701, %swap3A_702], %swap3A_705 {strides = array<i32>} : memref<2x80x128xf32, #tpu.memory_space<vmem>>, vector<1x1x16xf32>,
    %swap3A_706 = arith.constant 0 : i32
    %swap3A_707 = arith.constant 11 : i32
    %swap3A_708 = arith.index_cast %swap3A_706 : i32 to index
    %swap3A_709 = arith.index_cast %swap3A_707 : i32 to index
    %swap3A_710 = arith.constant 0 : index
    %swap3A_711 = tpu.vector_load %arg8[%swap3A_708, %swap3A_709, %swap3A_710] {strides = array<i32>} : memref<2x80x128xf32, #tpu.memory_space<vmem>>, vector<1x1x16xf32>,
    %swap3A_712 = vector.shape_cast %swap3A_711 : vector<1x1x16xf32> to vector<16xf32>
    %swap3A_713 = vector.shape_cast %broadcast_in_dim3A_2 : vector<16xf32> to vector<1x1x16xf32>
    tpu.vector_store %arg8[%swap3A_708, %swap3A_709, %swap3A_710], %swap3A_713 {strides = array<i32>} : memref<2x80x128xf32, #tpu.memory_space<vmem>>, vector<1x1x16xf32>,
    %swap3A_714 = arith.constant 0 : i32
    %swap3A_715 = arith.constant 11 : i32
    %swap3A_716 = arith.index_cast %swap3A_714 : i32 to index
    %swap3A_717 = arith.index_cast %swap3A_715 : i32 to index
    %swap3A_718 = arith.constant 16 : index
    %swap3A_719 = tpu.vector_load %arg8[%swap3A_716, %swap3A_717, %swap3A_718] {strides = array<i32>} : memref<2x80x128xf32, #tpu.memory_space<vmem>>, vector<1x1x16xf32>,
    %swap3A_720 = vector.shape_cast %swap3A_719 : vector<1x1x16xf32> to vector<16xf32>
    %swap3A_721 = vector.shape_cast %broadcast_in_dim3A_2 : vector<16xf32> to vector<1x1x16xf32>
    tpu.vector_store %arg8[%swap3A_716, %swap3A_717, %swap3A_718], %swap3A_721 {strides = array<i32>} : memref<2x80x128xf32, #tpu.memory_space<vmem>>, vector<1x1x16xf32>,
    %swap3A_722 = arith.constant 0 : i32
    %swap3A_723 = arith.constant 11 : i32
    %swap3A_724 = arith.index_cast %swap3A_722 : i32 to index
    %swap3A_725 = arith.index_cast %swap3A_723 : i32 to index
    %swap3A_726 = arith.constant 32 : index
    %swap3A_727 = tpu.vector_load %arg8[%swap3A_724, %swap3A_725, %swap3A_726] {strides = array<i32>} : memref<2x80x128xf32, #tpu.memory_space<vmem>>, vector<1x1x16xf32>,
    %swap3A_728 = vector.shape_cast %swap3A_727 : vector<1x1x16xf32> to vector<16xf32>
    %swap3A_729 = vector.shape_cast %broadcast_in_dim3A_2 : vector<16xf32> to vector<1x1x16xf32>
    tpu.vector_store %arg8[%swap3A_724, %swap3A_725, %swap3A_726], %swap3A_729 {strides = array<i32>} : memref<2x80x128xf32, #tpu.memory_space<vmem>>, vector<1x1x16xf32>,
    %swap3A_730 = arith.constant 0 : i32
    %swap3A_731 = arith.constant 11 : i32
    %swap3A_732 = arith.index_cast %swap3A_730 : i32 to index
    %swap3A_733 = arith.index_cast %swap3A_731 : i32 to index
    %swap3A_734 = arith.constant 48 : index
    %swap3A_735 = tpu.vector_load %arg8[%swap3A_732, %swap3A_733, %swap3A_734] {strides = array<i32>} : memref<2x80x128xf32, #tpu.memory_space<vmem>>, vector<1x1x16xf32>,
    %swap3A_736 = vector.shape_cast %swap3A_735 : vector<1x1x16xf32> to vector<16xf32>
    %swap3A_737 = vector.shape_cast %broadcast_in_dim3A_2 : vector<16xf32> to vector<1x1x16xf32>
    tpu.vector_store %arg8[%swap3A_732, %swap3A_733, %swap3A_734], %swap3A_737 {strides = array<i32>} : memref<2x80x128xf32, #tpu.memory_space<vmem>>, vector<1x1x16xf32>,
    %swap3A_738 = arith.constant 0 : i32
    %swap3A_739 = arith.constant 11 : i32
    %swap3A_740 = arith.index_cast %swap3A_738 : i32 to index
    %swap3A_741 = arith.index_cast %swap3A_739 : i32 to index
    %swap3A_742 = arith.constant 64 : index
    %swap3A_743 = tpu.vector_load %arg8[%swap3A_740, %swap3A_741, %swap3A_742] {strides = array<i32>} : memref<2x80x128xf32, #tpu.memory_space<vmem>>, vector<1x1x16xf32>,
    %swap3A_744 = vector.shape_cast %swap3A_743 : vector<1x1x16xf32> to vector<16xf32>
    %swap3A_745 = vector.shape_cast %broadcast_in_dim3A_2 : vector<16xf32> to vector<1x1x16xf32>
    tpu.vector_store %arg8[%swap3A_740, %swap3A_741, %swap3A_742], %swap3A_745 {strides = array<i32>} : memref<2x80x128xf32, #tpu.memory_space<vmem>>, vector<1x1x16xf32>,
    %swap3A_746 = arith.constant 0 : i32
    %swap3A_747 = arith.constant 11 : i32
    %swap3A_748 = arith.index_cast %swap3A_746 : i32 to index
    %swap3A_749 = arith.index_cast %swap3A_747 : i32 to index
    %swap3A_750 = arith.constant 80 : index
    %swap3A_751 = tpu.vector_load %arg8[%swap3A_748, %swap3A_749, %swap3A_750] {strides = array<i32>} : memref<2x80x128xf32, #tpu.memory_space<vmem>>, vector<1x1x16xf32>,
    %swap3A_752 = vector.shape_cast %swap3A_751 : vector<1x1x16xf32> to vector<16xf32>
    %swap3A_753 = vector.shape_cast %broadcast_in_dim3A_2 : vector<16xf32> to vector<1x1x16xf32>
    tpu.vector_store %arg8[%swap3A_748, %swap3A_749, %swap3A_750], %swap3A_753 {strides = array<i32>} : memref<2x80x128xf32, #tpu.memory_space<vmem>>, vector<1x1x16xf32>,
    %swap3A_754 = arith.constant 0 : i32
    %swap3A_755 = arith.constant 11 : i32
    %swap3A_756 = arith.index_cast %swap3A_754 : i32 to index
    %swap3A_757 = arith.index_cast %swap3A_755 : i32 to index
    %swap3A_758 = arith.constant 96 : index
    %swap3A_759 = tpu.vector_load %arg8[%swap3A_756, %swap3A_757, %swap3A_758] {strides = array<i32>} : memref<2x80x128xf32, #tpu.memory_space<vmem>>, vector<1x1x16xf32>,
    %swap3A_760 = vector.shape_cast %swap3A_759 : vector<1x1x16xf32> to vector<16xf32>
    %swap3A_761 = vector.shape_cast %broadcast_in_dim3A_2 : vector<16xf32> to vector<1x1x16xf32>
    tpu.vector_store %arg8[%swap3A_756, %swap3A_757, %swap3A_758], %swap3A_761 {strides = array<i32>} : memref<2x80x128xf32, #tpu.memory_space<vmem>>, vector<1x1x16xf32>,
    %swap3A_762 = arith.constant 0 : i32
    %swap3A_763 = arith.constant 11 : i32
    %swap3A_764 = arith.index_cast %swap3A_762 : i32 to index
    %swap3A_765 = arith.index_cast %swap3A_763 : i32 to index
    %swap3A_766 = arith.constant 112 : index
    %swap3A_767 = tpu.vector_load %arg8[%swap3A_764, %swap3A_765, %swap3A_766] {strides = array<i32>} : memref<2x80x128xf32, #tpu.memory_space<vmem>>, vector<1x1x16xf32>,
    %swap3A_768 = vector.shape_cast %swap3A_767 : vector<1x1x16xf32> to vector<16xf32>
    %swap3A_769 = vector.shape_cast %broadcast_in_dim3A_2 : vector<16xf32> to vector<1x1x16xf32>
    tpu.vector_store %arg8[%swap3A_764, %swap3A_765, %swap3A_766], %swap3A_769 {strides = array<i32>} : memref<2x80x128xf32, #tpu.memory_space<vmem>>, vector<1x1x16xf32>,
    %swap3A_770 = arith.constant 0 : i32
    %swap3A_771 = arith.constant 12 : i32
    %swap3A_772 = arith.index_cast %swap3A_770 : i32 to index
    %swap3A_773 = arith.index_cast %swap3A_771 : i32 to index
    %swap3A_774 = arith.constant 0 : index
    %swap3A_775 = tpu.vector_load %arg8[%swap3A_772, %swap3A_773, %swap3A_774] {strides = array<i32>} : memref<2x80x128xf32, #tpu.memory_space<vmem>>, vector<1x1x16xf32>,
    %swap3A_776 = vector.shape_cast %swap3A_775 : vector<1x1x16xf32> to vector<16xf32>
    %swap3A_777 = vector.shape_cast %broadcast_in_dim3A_2 : vector<16xf32> to vector<1x1x16xf32>
    tpu.vector_store %arg8[%swap3A_772, %swap3A_773, %swap3A_774], %swap3A_777 {strides = array<i32>} : memref<2x80x128xf32, #tpu.memory_space<vmem>>, vector<1x1x16xf32>,
    %swap3A_778 = arith.constant 0 : i32
    %swap3A_779 = arith.constant 12 : i32
    %swap3A_780 = arith.index_cast %swap3A_778 : i32 to index
    %swap3A_781 = arith.index_cast %swap3A_779 : i32 to index
    %swap3A_782 = arith.constant 16 : index
    %swap3A_783 = tpu.vector_load %arg8[%swap3A_780, %swap3A_781, %swap3A_782] {strides = array<i32>} : memref<2x80x128xf32, #tpu.memory_space<vmem>>, vector<1x1x16xf32>,
    %swap3A_784 = vector.shape_cast %swap3A_783 : vector<1x1x16xf32> to vector<16xf32>
    %swap3A_785 = vector.shape_cast %broadcast_in_dim3A_2 : vector<16xf32> to vector<1x1x16xf32>
    tpu.vector_store %arg8[%swap3A_780, %swap3A_781, %swap3A_782], %swap3A_785 {strides = array<i32>} : memref<2x80x128xf32, #tpu.memory_space<vmem>>, vector<1x1x16xf32>,
    %swap3A_786 = arith.constant 0 : i32
    %swap3A_787 = arith.constant 12 : i32
    %swap3A_788 = arith.index_cast %swap3A_786 : i32 to index
    %swap3A_789 = arith.index_cast %swap3A_787 : i32 to index
    %swap3A_790 = arith.constant 32 : index
    %swap3A_791 = tpu.vector_load %arg8[%swap3A_788, %swap3A_789, %swap3A_790] {strides = array<i32>} : memref<2x80x128xf32, #tpu.memory_space<vmem>>, vector<1x1x16xf32>,
    %swap3A_792 = vector.shape_cast %swap3A_791 : vector<1x1x16xf32> to vector<16xf32>
    %swap3A_793 = vector.shape_cast %broadcast_in_dim3A_2 : vector<16xf32> to vector<1x1x16xf32>
    tpu.vector_store %arg8[%swap3A_788, %swap3A_789, %swap3A_790], %swap3A_793 {strides = array<i32>} : memref<2x80x128xf32, #tpu.memory_space<vmem>>, vector<1x1x16xf32>,
    %swap3A_794 = arith.constant 0 : i32
    %swap3A_795 = arith.constant 12 : i32
    %swap3A_796 = arith.index_cast %swap3A_794 : i32 to index
    %swap3A_797 = arith.index_cast %swap3A_795 : i32 to index
    %swap3A_798 = arith.constant 48 : index
    %swap3A_799 = tpu.vector_load %arg8[%swap3A_796, %swap3A_797, %swap3A_798] {strides = array<i32>} : memref<2x80x128xf32, #tpu.memory_space<vmem>>, vector<1x1x16xf32>,
    %swap3A_800 = vector.shape_cast %swap3A_799 : vector<1x1x16xf32> to vector<16xf32>
    %swap3A_801 = vector.shape_cast %broadcast_in_dim3A_2 : vector<16xf32> to vector<1x1x16xf32>
    tpu.vector_store %arg8[%swap3A_796, %swap3A_797, %swap3A_798], %swap3A_801 {strides = array<i32>} : memref<2x80x128xf32, #tpu.memory_space<vmem>>, vector<1x1x16xf32>,
    %swap3A_802 = arith.constant 0 : i32
    %swap3A_803 = arith.constant 12 : i32
    %swap3A_804 = arith.index_cast %swap3A_802 : i32 to index
    %swap3A_805 = arith.index_cast %swap3A_803 : i32 to index
    %swap3A_806 = arith.constant 64 : index
    %swap3A_807 = tpu.vector_load %arg8[%swap3A_804, %swap3A_805, %swap3A_806] {strides = array<i32>} : memref<2x80x128xf32, #tpu.memory_space<vmem>>, vector<1x1x16xf32>,
    %swap3A_808 = vector.shape_cast %swap3A_807 : vector<1x1x16xf32> to vector<16xf32>
    %swap3A_809 = vector.shape_cast %broadcast_in_dim3A_2 : vector<16xf32> to vector<1x1x16xf32>
    tpu.vector_store %arg8[%swap3A_804, %swap3A_805, %swap3A_806], %swap3A_809 {strides = array<i32>} : memref<2x80x128xf32, #tpu.memory_space<vmem>>, vector<1x1x16xf32>,
    %swap3A_810 = arith.constant 0 : i32
    %swap3A_811 = arith.constant 12 : i32
    %swap3A_812 = arith.index_cast %swap3A_810 : i32 to index
    %swap3A_813 = arith.index_cast %swap3A_811 : i32 to index
    %swap3A_814 = arith.constant 80 : index
    %swap3A_815 = tpu.vector_load %arg8[%swap3A_812, %swap3A_813, %swap3A_814] {strides = array<i32>} : memref<2x80x128xf32, #tpu.memory_space<vmem>>, vector<1x1x16xf32>,
    %swap3A_816 = vector.shape_cast %swap3A_815 : vector<1x1x16xf32> to vector<16xf32>
    %swap3A_817 = vector.shape_cast %broadcast_in_dim3A_2 : vector<16xf32> to vector<1x1x16xf32>
    tpu.vector_store %arg8[%swap3A_812, %swap3A_813, %swap3A_814], %swap3A_817 {strides = array<i32>} : memref<2x80x128xf32, #tpu.memory_space<vmem>>, vector<1x1x16xf32>,
    %swap3A_818 = arith.constant 0 : i32
    %swap3A_819 = arith.constant 12 : i32
    %swap3A_820 = arith.index_cast %swap3A_818 : i32 to index
    %swap3A_821 = arith.index_cast %swap3A_819 : i32 to index
    %swap3A_822 = arith.constant 96 : index
    %swap3A_823 = tpu.vector_load %arg8[%swap3A_820, %swap3A_821, %swap3A_822] {strides = array<i32>} : memref<2x80x128xf32, #tpu.memory_space<vmem>>, vector<1x1x16xf32>,
    %swap3A_824 = vector.shape_cast %swap3A_823 : vector<1x1x16xf32> to vector<16xf32>
    %swap3A_825 = vector.shape_cast %broadcast_in_dim3A_2 : vector<16xf32> to vector<1x1x16xf32>
    tpu.vector_store %arg8[%swap3A_820, %swap3A_821, %swap3A_822], %swap3A_825 {strides = array<i32>} : memref<2x80x128xf32, #tpu.memory_space<vmem>>, vector<1x1x16xf32>,
    %swap3A_826 = arith.constant 0 : i32
    %swap3A_827 = arith.constant 12 : i32
    %swap3A_828 = arith.index_cast %swap3A_826 : i32 to index
    %swap3A_829 = arith.index_cast %swap3A_827 : i32 to index
    %swap3A_830 = arith.constant 112 : index
    %swap3A_831 = tpu.vector_load %arg8[%swap3A_828, %swap3A_829, %swap3A_830] {strides = array<i32>} : memref<2x80x128xf32, #tpu.memory_space<vmem>>, vector<1x1x16xf32>,
    %swap3A_832 = vector.shape_cast %swap3A_831 : vector<1x1x16xf32> to vector<16xf32>
    %swap3A_833 = vector.shape_cast %broadcast_in_dim3A_2 : vector<16xf32> to vector<1x1x16xf32>
    tpu.vector_store %arg8[%swap3A_828, %swap3A_829, %swap3A_830], %swap3A_833 {strides = array<i32>} : memref<2x80x128xf32, #tpu.memory_space<vmem>>, vector<1x1x16xf32>,
    %swap3A_834 = arith.constant 0 : i32
    %swap3A_835 = arith.constant 13 : i32
    %swap3A_836 = arith.index_cast %swap3A_834 : i32 to index
    %swap3A_837 = arith.index_cast %swap3A_835 : i32 to index
    %swap3A_838 = arith.constant 0 : index
    %swap3A_839 = tpu.vector_load %arg8[%swap3A_836, %swap3A_837, %swap3A_838] {strides = array<i32>} : memref<2x80x128xf32, #tpu.memory_space<vmem>>, vector<1x1x16xf32>,
    %swap3A_840 = vector.shape_cast %swap3A_839 : vector<1x1x16xf32> to vector<16xf32>
    %swap3A_841 = vector.shape_cast %broadcast_in_dim3A_2 : vector<16xf32> to vector<1x1x16xf32>
    tpu.vector_store %arg8[%swap3A_836, %swap3A_837, %swap3A_838], %swap3A_841 {strides = array<i32>} : memref<2x80x128xf32, #tpu.memory_space<vmem>>, vector<1x1x16xf32>,
    %swap3A_842 = arith.constant 0 : i32
    %swap3A_843 = arith.constant 13 : i32
    %swap3A_844 = arith.index_cast %swap3A_842 : i32 to index
    %swap3A_845 = arith.index_cast %swap3A_843 : i32 to index
    %swap3A_846 = arith.constant 16 : index
    %swap3A_847 = tpu.vector_load %arg8[%swap3A_844, %swap3A_845, %swap3A_846] {strides = array<i32>} : memref<2x80x128xf32, #tpu.memory_space<vmem>>, vector<1x1x16xf32>,
    %swap3A_848 = vector.shape_cast %swap3A_847 : vector<1x1x16xf32> to vector<16xf32>
    %swap3A_849 = vector.shape_cast %broadcast_in_dim3A_2 : vector<16xf32> to vector<1x1x16xf32>
    tpu.vector_store %arg8[%swap3A_844, %swap3A_845, %swap3A_846], %swap3A_849 {strides = array<i32>} : memref<2x80x128xf32, #tpu.memory_space<vmem>>, vector<1x1x16xf32>,
    %swap3A_850 = arith.constant 0 : i32
    %swap3A_851 = arith.constant 13 : i32
    %swap3A_852 = arith.index_cast %swap3A_850 : i32 to index
    %swap3A_853 = arith.index_cast %swap3A_851 : i32 to index
    %swap3A_854 = arith.constant 32 : index
    %swap3A_855 = tpu.vector_load %arg8[%swap3A_852, %swap3A_853, %swap3A_854] {strides = array<i32>} : memref<2x80x128xf32, #tpu.memory_space<vmem>>, vector<1x1x16xf32>,
    %swap3A_856 = vector.shape_cast %swap3A_855 : vector<1x1x16xf32> to vector<16xf32>
    %swap3A_857 = vector.shape_cast %broadcast_in_dim3A_2 : vector<16xf32> to vector<1x1x16xf32>
    tpu.vector_store %arg8[%swap3A_852, %swap3A_853, %swap3A_854], %swap3A_857 {strides = array<i32>} : memref<2x80x128xf32, #tpu.memory_space<vmem>>, vector<1x1x16xf32>,
    %swap3A_858 = arith.constant 0 : i32
    %swap3A_859 = arith.constant 13 : i32
    %swap3A_860 = arith.index_cast %swap3A_858 : i32 to index
    %swap3A_861 = arith.index_cast %swap3A_859 : i32 to index
    %swap3A_862 = arith.constant 48 : index
    %swap3A_863 = tpu.vector_load %arg8[%swap3A_860, %swap3A_861, %swap3A_862] {strides = array<i32>} : memref<2x80x128xf32, #tpu.memory_space<vmem>>, vector<1x1x16xf32>,
    %swap3A_864 = vector.shape_cast %swap3A_863 : vector<1x1x16xf32> to vector<16xf32>
    %swap3A_865 = vector.shape_cast %broadcast_in_dim3A_2 : vector<16xf32> to vector<1x1x16xf32>
    tpu.vector_store %arg8[%swap3A_860, %swap3A_861, %swap3A_862], %swap3A_865 {strides = array<i32>} : memref<2x80x128xf32, #tpu.memory_space<vmem>>, vector<1x1x16xf32>,
    %swap3A_866 = arith.constant 0 : i32
    %swap3A_867 = arith.constant 13 : i32
    %swap3A_868 = arith.index_cast %swap3A_866 : i32 to index
    %swap3A_869 = arith.index_cast %swap3A_867 : i32 to index
    %swap3A_870 = arith.constant 64 : index
    %swap3A_871 = tpu.vector_load %arg8[%swap3A_868, %swap3A_869, %swap3A_870] {strides = array<i32>} : memref<2x80x128xf32, #tpu.memory_space<vmem>>, vector<1x1x16xf32>,
    %swap3A_872 = vector.shape_cast %swap3A_871 : vector<1x1x16xf32> to vector<16xf32>
    %swap3A_873 = vector.shape_cast %broadcast_in_dim3A_2 : vector<16xf32> to vector<1x1x16xf32>
    tpu.vector_store %arg8[%swap3A_868, %swap3A_869, %swap3A_870], %swap3A_873 {strides = array<i32>} : memref<2x80x128xf32, #tpu.memory_space<vmem>>, vector<1x1x16xf32>,
    %swap3A_874 = arith.constant 0 : i32
    %swap3A_875 = arith.constant 13 : i32
    %swap3A_876 = arith.index_cast %swap3A_874 : i32 to index
    %swap3A_877 = arith.index_cast %swap3A_875 : i32 to index
    %swap3A_878 = arith.constant 80 : index
    %swap3A_879 = tpu.vector_load %arg8[%swap3A_876, %swap3A_877, %swap3A_878] {strides = array<i32>} : memref<2x80x128xf32, #tpu.memory_space<vmem>>, vector<1x1x16xf32>,
    %swap3A_880 = vector.shape_cast %swap3A_879 : vector<1x1x16xf32> to vector<16xf32>
    %swap3A_881 = vector.shape_cast %broadcast_in_dim3A_2 : vector<16xf32> to vector<1x1x16xf32>
    tpu.vector_store %arg8[%swap3A_876, %swap3A_877, %swap3A_878], %swap3A_881 {strides = array<i32>} : memref<2x80x128xf32, #tpu.memory_space<vmem>>, vector<1x1x16xf32>,
    %swap3A_882 = arith.constant 0 : i32
    %swap3A_883 = arith.constant 13 : i32
    %swap3A_884 = arith.index_cast %swap3A_882 : i32 to index
    %swap3A_885 = arith.index_cast %swap3A_883 : i32 to index
    %swap3A_886 = arith.constant 96 : index
    %swap3A_887 = tpu.vector_load %arg8[%swap3A_884, %swap3A_885, %swap3A_886] {strides = array<i32>} : memref<2x80x128xf32, #tpu.memory_space<vmem>>, vector<1x1x16xf32>,
    %swap3A_888 = vector.shape_cast %swap3A_887 : vector<1x1x16xf32> to vector<16xf32>
    %swap3A_889 = vector.shape_cast %broadcast_in_dim3A_2 : vector<16xf32> to vector<1x1x16xf32>
    tpu.vector_store %arg8[%swap3A_884, %swap3A_885, %swap3A_886], %swap3A_889 {strides = array<i32>} : memref<2x80x128xf32, #tpu.memory_space<vmem>>, vector<1x1x16xf32>,
    %swap3A_890 = arith.constant 0 : i32
    %swap3A_891 = arith.constant 13 : i32
    %swap3A_892 = arith.index_cast %swap3A_890 : i32 to index
    %swap3A_893 = arith.index_cast %swap3A_891 : i32 to index
    %swap3A_894 = arith.constant 112 : index
    %swap3A_895 = tpu.vector_load %arg8[%swap3A_892, %swap3A_893, %swap3A_894] {strides = array<i32>} : memref<2x80x128xf32, #tpu.memory_space<vmem>>, vector<1x1x16xf32>,
    %swap3A_896 = vector.shape_cast %swap3A_895 : vector<1x1x16xf32> to vector<16xf32>
    %swap3A_897 = vector.shape_cast %broadcast_in_dim3A_2 : vector<16xf32> to vector<1x1x16xf32>
    tpu.vector_store %arg8[%swap3A_892, %swap3A_893, %swap3A_894], %swap3A_897 {strides = array<i32>} : memref<2x80x128xf32, #tpu.memory_space<vmem>>, vector<1x1x16xf32>,
    %swap3A_898 = arith.constant 0 : i32
    %swap3A_899 = arith.constant 14 : i32
    %swap3A_900 = arith.index_cast %swap3A_898 : i32 to index
    %swap3A_901 = arith.index_cast %swap3A_899 : i32 to index
    %swap3A_902 = arith.constant 0 : index
    %swap3A_903 = tpu.vector_load %arg8[%swap3A_900, %swap3A_901, %swap3A_902] {strides = array<i32>} : memref<2x80x128xf32, #tpu.memory_space<vmem>>, vector<1x1x16xf32>,
    %swap3A_904 = vector.shape_cast %swap3A_903 : vector<1x1x16xf32> to vector<16xf32>
    %swap3A_905 = vector.shape_cast %broadcast_in_dim3A_2 : vector<16xf32> to vector<1x1x16xf32>
    tpu.vector_store %arg8[%swap3A_900, %swap3A_901, %swap3A_902], %swap3A_905 {strides = array<i32>} : memref<2x80x128xf32, #tpu.memory_space<vmem>>, vector<1x1x16xf32>,
    %swap3A_906 = arith.constant 0 : i32
    %swap3A_907 = arith.constant 14 : i32
    %swap3A_908 = arith.index_cast %swap3A_906 : i32 to index
    %swap3A_909 = arith.index_cast %swap3A_907 : i32 to index
    %swap3A_910 = arith.constant 16 : index
    %swap3A_911 = tpu.vector_load %arg8[%swap3A_908, %swap3A_909, %swap3A_910] {strides = array<i32>} : memref<2x80x128xf32, #tpu.memory_space<vmem>>, vector<1x1x16xf32>,
    %swap3A_912 = vector.shape_cast %swap3A_911 : vector<1x1x16xf32> to vector<16xf32>
    %swap3A_913 = vector.shape_cast %broadcast_in_dim3A_2 : vector<16xf32> to vector<1x1x16xf32>
    tpu.vector_store %arg8[%swap3A_908, %swap3A_909, %swap3A_910], %swap3A_913 {strides = array<i32>} : memref<2x80x128xf32, #tpu.memory_space<vmem>>, vector<1x1x16xf32>,
    %swap3A_914 = arith.constant 0 : i32
    %swap3A_915 = arith.constant 14 : i32
    %swap3A_916 = arith.index_cast %swap3A_914 : i32 to index
    %swap3A_917 = arith.index_cast %swap3A_915 : i32 to index
    %swap3A_918 = arith.constant 32 : index
    %swap3A_919 = tpu.vector_load %arg8[%swap3A_916, %swap3A_917, %swap3A_918] {strides = array<i32>} : memref<2x80x128xf32, #tpu.memory_space<vmem>>, vector<1x1x16xf32>,
    %swap3A_920 = vector.shape_cast %swap3A_919 : vector<1x1x16xf32> to vector<16xf32>
    %swap3A_921 = vector.shape_cast %broadcast_in_dim3A_2 : vector<16xf32> to vector<1x1x16xf32>
    tpu.vector_store %arg8[%swap3A_916, %swap3A_917, %swap3A_918], %swap3A_921 {strides = array<i32>} : memref<2x80x128xf32, #tpu.memory_space<vmem>>, vector<1x1x16xf32>,
    %swap3A_922 = arith.constant 0 : i32
    %swap3A_923 = arith.constant 14 : i32
    %swap3A_924 = arith.index_cast %swap3A_922 : i32 to index
    %swap3A_925 = arith.index_cast %swap3A_923 : i32 to index
    %swap3A_926 = arith.constant 48 : index
    %swap3A_927 = tpu.vector_load %arg8[%swap3A_924, %swap3A_925, %swap3A_926] {strides = array<i32>} : memref<2x80x128xf32, #tpu.memory_space<vmem>>, vector<1x1x16xf32>,
    %swap3A_928 = vector.shape_cast %swap3A_927 : vector<1x1x16xf32> to vector<16xf32>
    %swap3A_929 = vector.shape_cast %broadcast_in_dim3A_2 : vector<16xf32> to vector<1x1x16xf32>
    tpu.vector_store %arg8[%swap3A_924, %swap3A_925, %swap3A_926], %swap3A_929 {strides = array<i32>} : memref<2x80x128xf32, #tpu.memory_space<vmem>>, vector<1x1x16xf32>,
    %swap3A_930 = arith.constant 0 : i32
    %swap3A_931 = arith.constant 14 : i32
    %swap3A_932 = arith.index_cast %swap3A_930 : i32 to index
    %swap3A_933 = arith.index_cast %swap3A_931 : i32 to index
    %swap3A_934 = arith.constant 64 : index
    %swap3A_935 = tpu.vector_load %arg8[%swap3A_932, %swap3A_933, %swap3A_934] {strides = array<i32>} : memref<2x80x128xf32, #tpu.memory_space<vmem>>, vector<1x1x16xf32>,
    %swap3A_936 = vector.shape_cast %swap3A_935 : vector<1x1x16xf32> to vector<16xf32>
    %swap3A_937 = vector.shape_cast %broadcast_in_dim3A_2 : vector<16xf32> to vector<1x1x16xf32>
    tpu.vector_store %arg8[%swap3A_932, %swap3A_933, %swap3A_934], %swap3A_937 {strides = array<i32>} : memref<2x80x128xf32, #tpu.memory_space<vmem>>, vector<1x1x16xf32>,
    %swap3A_938 = arith.constant 0 : i32
    %swap3A_939 = arith.constant 14 : i32
    %swap3A_940 = arith.index_cast %swap3A_938 : i32 to index
    %swap3A_941 = arith.index_cast %swap3A_939 : i32 to index
    %swap3A_942 = arith.constant 80 : index
    %swap3A_943 = tpu.vector_load %arg8[%swap3A_940, %swap3A_941, %swap3A_942] {strides = array<i32>} : memref<2x80x128xf32, #tpu.memory_space<vmem>>, vector<1x1x16xf32>,
    %swap3A_944 = vector.shape_cast %swap3A_943 : vector<1x1x16xf32> to vector<16xf32>
    %swap3A_945 = vector.shape_cast %broadcast_in_dim3A_2 : vector<16xf32> to vector<1x1x16xf32>
    tpu.vector_store %arg8[%swap3A_940, %swap3A_941, %swap3A_942], %swap3A_945 {strides = array<i32>} : memref<2x80x128xf32, #tpu.memory_space<vmem>>, vector<1x1x16xf32>,
    %swap3A_946 = arith.constant 0 : i32
    %swap3A_947 = arith.constant 14 : i32
    %swap3A_948 = arith.index_cast %swap3A_946 : i32 to index
    %swap3A_949 = arith.index_cast %swap3A_947 : i32 to index
    %swap3A_950 = arith.constant 96 : index
    %swap3A_951 = tpu.vector_load %arg8[%swap3A_948, %swap3A_949, %swap3A_950] {strides = array<i32>} : memref<2x80x128xf32, #tpu.memory_space<vmem>>, vector<1x1x16xf32>,
    %swap3A_952 = vector.shape_cast %swap3A_951 : vector<1x1x16xf32> to vector<16xf32>
    %swap3A_953 = vector.shape_cast %broadcast_in_dim3A_2 : vector<16xf32> to vector<1x1x16xf32>
    tpu.vector_store %arg8[%swap3A_948, %swap3A_949, %swap3A_950], %swap3A_953 {strides = array<i32>} : memref<2x80x128xf32, #tpu.memory_space<vmem>>, vector<1x1x16xf32>,
    %swap3A_954 = arith.constant 0 : i32
    %swap3A_955 = arith.constant 14 : i32
    %swap3A_956 = arith.index_cast %swap3A_954 : i32 to index
    %swap3A_957 = arith.index_cast %swap3A_955 : i32 to index
    %swap3A_958 = arith.constant 112 : index
    %swap3A_959 = tpu.vector_load %arg8[%swap3A_956, %swap3A_957, %swap3A_958] {strides = array<i32>} : memref<2x80x128xf32, #tpu.memory_space<vmem>>, vector<1x1x16xf32>,
    %swap3A_960 = vector.shape_cast %swap3A_959 : vector<1x1x16xf32> to vector<16xf32>
    %swap3A_961 = vector.shape_cast %broadcast_in_dim3A_2 : vector<16xf32> to vector<1x1x16xf32>
    tpu.vector_store %arg8[%swap3A_956, %swap3A_957, %swap3A_958], %swap3A_961 {strides = array<i32>} : memref<2x80x128xf32, #tpu.memory_space<vmem>>, vector<1x1x16xf32>,
    %swap3A_962 = arith.constant 0 : i32
    %swap3A_963 = arith.constant 15 : i32
    %swap3A_964 = arith.index_cast %swap3A_962 : i32 to index
    %swap3A_965 = arith.index_cast %swap3A_963 : i32 to index
    %swap3A_966 = arith.constant 0 : index
    %swap3A_967 = tpu.vector_load %arg8[%swap3A_964, %swap3A_965, %swap3A_966] {strides = array<i32>} : memref<2x80x128xf32, #tpu.memory_space<vmem>>, vector<1x1x16xf32>,
    %swap3A_968 = vector.shape_cast %swap3A_967 : vector<1x1x16xf32> to vector<16xf32>
    %swap3A_969 = vector.shape_cast %broadcast_in_dim3A_2 : vector<16xf32> to vector<1x1x16xf32>
    tpu.vector_store %arg8[%swap3A_964, %swap3A_965, %swap3A_966], %swap3A_969 {strides = array<i32>} : memref<2x80x128xf32, #tpu.memory_space<vmem>>, vector<1x1x16xf32>,
    %swap3A_970 = arith.constant 0 : i32
    %swap3A_971 = arith.constant 15 : i32
    %swap3A_972 = arith.index_cast %swap3A_970 : i32 to index
    %swap3A_973 = arith.index_cast %swap3A_971 : i32 to index
    %swap3A_974 = arith.constant 16 : index
    %swap3A_975 = tpu.vector_load %arg8[%swap3A_972, %swap3A_973, %swap3A_974] {strides = array<i32>} : memref<2x80x128xf32, #tpu.memory_space<vmem>>, vector<1x1x16xf32>,
    %swap3A_976 = vector.shape_cast %swap3A_975 : vector<1x1x16xf32> to vector<16xf32>
    %swap3A_977 = vector.shape_cast %broadcast_in_dim3A_2 : vector<16xf32> to vector<1x1x16xf32>
    tpu.vector_store %arg8[%swap3A_972, %swap3A_973, %swap3A_974], %swap3A_977 {strides = array<i32>} : memref<2x80x128xf32, #tpu.memory_space<vmem>>, vector<1x1x16xf32>,
    %swap3A_978 = arith.constant 0 : i32
    %swap3A_979 = arith.constant 15 : i32
    %swap3A_980 = arith.index_cast %swap3A_978 : i32 to index
    %swap3A_981 = arith.index_cast %swap3A_979 : i32 to index
    %swap3A_982 = arith.constant 32 : index
    %swap3A_983 = tpu.vector_load %arg8[%swap3A_980, %swap3A_981, %swap3A_982] {strides = array<i32>} : memref<2x80x128xf32, #tpu.memory_space<vmem>>, vector<1x1x16xf32>,
    %swap3A_984 = vector.shape_cast %swap3A_983 : vector<1x1x16xf32> to vector<16xf32>
    %swap3A_985 = vector.shape_cast %broadcast_in_dim3A_2 : vector<16xf32> to vector<1x1x16xf32>
    tpu.vector_store %arg8[%swap3A_980, %swap3A_981, %swap3A_982], %swap3A_985 {strides = array<i32>} : memref<2x80x128xf32, #tpu.memory_space<vmem>>, vector<1x1x16xf32>,
    %swap3A_986 = arith.constant 0 : i32
    %swap3A_987 = arith.constant 15 : i32
    %swap3A_988 = arith.index_cast %swap3A_986 : i32 to index
    %swap3A_989 = arith.index_cast %swap3A_987 : i32 to index
    %swap3A_990 = arith.constant 48 : index
    %swap3A_991 = tpu.vector_load %arg8[%swap3A_988, %swap3A_989, %swap3A_990] {strides = array<i32>} : memref<2x80x128xf32, #tpu.memory_space<vmem>>, vector<1x1x16xf32>,
    %swap3A_992 = vector.shape_cast %swap3A_991 : vector<1x1x16xf32> to vector<16xf32>
    %swap3A_993 = vector.shape_cast %broadcast_in_dim3A_2 : vector<16xf32> to vector<1x1x16xf32>
    tpu.vector_store %arg8[%swap3A_988, %swap3A_989, %swap3A_990], %swap3A_993 {strides = array<i32>} : memref<2x80x128xf32, #tpu.memory_space<vmem>>, vector<1x1x16xf32>,
    %swap3A_994 = arith.constant 0 : i32
    %swap3A_995 = arith.constant 15 : i32
    %swap3A_996 = arith.index_cast %swap3A_994 : i32 to index
    %swap3A_997 = arith.index_cast %swap3A_995 : i32 to index
    %swap3A_998 = arith.constant 64 : index
    %swap3A_999 = tpu.vector_load %arg8[%swap3A_996, %swap3A_997, %swap3A_998] {strides = array<i32>} : memref<2x80x128xf32, #tpu.memory_space<vmem>>, vector<1x1x16xf32>,
    %swap3A_1000 = vector.shape_cast %swap3A_999 : vector<1x1x16xf32> to vector<16xf32>
    %swap3A_1001 = vector.shape_cast %broadcast_in_dim3A_2 : vector<16xf32> to vector<1x1x16xf32>
    tpu.vector_store %arg8[%swap3A_996, %swap3A_997, %swap3A_998], %swap3A_1001 {strides = array<i32>} : memref<2x80x128xf32, #tpu.memory_space<vmem>>, vector<1x1x16xf32>,
    %swap3A_1002 = arith.constant 0 : i32
    %swap3A_1003 = arith.constant 15 : i32
    %swap3A_1004 = arith.index_cast %swap3A_1002 : i32 to index
    %swap3A_1005 = arith.index_cast %swap3A_1003 : i32 to index
    %swap3A_1006 = arith.constant 80 : index
    %swap3A_1007 = tpu.vector_load %arg8[%swap3A_1004, %swap3A_1005, %swap3A_1006] {strides = array<i32>} : memref<2x80x128xf32, #tpu.memory_space<vmem>>, vector<1x1x16xf32>,
    %swap3A_1008 = vector.shape_cast %swap3A_1007 : vector<1x1x16xf32> to vector<16xf32>
    %swap3A_1009 = vector.shape_cast %broadcast_in_dim3A_2 : vector<16xf32> to vector<1x1x16xf32>
    tpu.vector_store %arg8[%swap3A_1004, %swap3A_1005, %swap3A_1006], %swap3A_1009 {strides = array<i32>} : memref<2x80x128xf32, #tpu.memory_space<vmem>>, vector<1x1x16xf32>,
    %swap3A_1010 = arith.constant 0 : i32
    %swap3A_1011 = arith.constant 15 : i32
    %swap3A_1012 = arith.index_cast %swap3A_1010 : i32 to index
    %swap3A_1013 = arith.index_cast %swap3A_1011 : i32 to index
    %swap3A_1014 = arith.constant 96 : index
    %swap3A_1015 = tpu.vector_load %arg8[%swap3A_1012, %swap3A_1013, %swap3A_1014] {strides = array<i32>} : memref<2x80x128xf32, #tpu.memory_space<vmem>>, vector<1x1x16xf32>,
    %swap3A_1016 = vector.shape_cast %swap3A_1015 : vector<1x1x16xf32> to vector<16xf32>
    %swap3A_1017 = vector.shape_cast %broadcast_in_dim3A_2 : vector<16xf32> to vector<1x1x16xf32>
    tpu.vector_store %arg8[%swap3A_1012, %swap3A_1013, %swap3A_1014], %swap3A_1017 {strides = array<i32>} : memref<2x80x128xf32, #tpu.memory_space<vmem>>, vector<1x1x16xf32>,
    %swap3A_1018 = arith.constant 0 : i32
    %swap3A_1019 = arith.constant 15 : i32
    %swap3A_1020 = arith.index_cast %swap3A_1018 : i32 to index
    %swap3A_1021 = arith.index_cast %swap3A_1019 : i32 to index
    %swap3A_1022 = arith.constant 112 : index
    %swap3A_1023 = tpu.vector_load %arg8[%swap3A_1020, %swap3A_1021, %swap3A_1022] {strides = array<i32>} : memref<2x80x128xf32, #tpu.memory_space<vmem>>, vector<1x1x16xf32>,
    %swap3A_1024 = vector.shape_cast %swap3A_1023 : vector<1x1x16xf32> to vector<16xf32>
    %swap3A_1025 = vector.shape_cast %broadcast_in_dim3A_2 : vector<16xf32> to vector<1x1x16xf32>
    tpu.vector_store %arg8[%swap3A_1020, %swap3A_1021, %swap3A_1022], %swap3A_1025 {strides = array<i32>} : memref<2x80x128xf32, #tpu.memory_space<vmem>>, vector<1x1x16xf32>,
    %scan3A = arith.constant 0 : i32
    %scan3A_1026 = arith.constant 40 : i32
    %scan3A_1027 = arith.addi %scan3A, %scan3A_1026 : i32
    %scan3A_1028 = arith.constant 1 : i32
    scf.for %scan3A_2217 = %scan3A to %scan3A_1027 step %scan3A_1028  : i32 {
      %mul3A_2218 = arith.constant 16 : i32
      %mul3A_2219 = arith.muli %scan3A_2217, %mul3A_2218 : i32
      %add3A_2220 = arith.constant 0 : i32
      %add3A_2221 = arith.addi %add3A_2220, %mul3A_2219 : i32
      %mul3A_2222 = arith.constant 640 : i32
      %mul3A_2223 = arith.muli %arg1, %mul3A_2222 : i32
      %add3A_2224 = arith.addi %mul3A_2223, %add3A_2221 : i32
      %run_scoped3A = arith.constant 0 : i32
      "tpu.region"() ({
        %run_scoped3A_2225 = tpu.sem_alloc : memref<!tpu.dma_semaphore, #tpu.memory_space<semaphore_mem>>
        %dma_start3A_2226 = arith.constant 0 : i32
        %dma_start3A_2227 = arith.constant 0 : i32
        %dma_start3A_2228 = tpu.memref_slice %arg8[%run_scoped3A, %dma_start3A_2226, %dma_start3A_2227] : memref<2x80x128xf32, #tpu.memory_space<vmem>> -> memref<1x80x128xf32, #tpu.memory_space<vmem>>
        %dma_start3A_2229 = tpu.memref_squeeze %dma_start3A_2228 : memref<1x80x128xf32, #tpu.memory_space<vmem>> -> memref<80x128xf32, #tpu.memory_space<vmem>>
        %dma_start3A_2230 = arith.constant 0 : i32
        %dma_start3A_2231 = arith.constant 0 : i32
        %dma_start3A_2232 = tpu.memref_slice %dma_start3A_2229[%dma_start3A_2230, %dma_start3A_2231] : memref<80x128xf32, #tpu.memory_space<vmem>> -> memref<16x128xf32, #tpu.memory_space<vmem>>
        %dma_start3A_2233 = arith.constant 0 : i32
        %dma_start3A_2234 = tpu.memref_slice %arg9[%add3A_2224, %dma_start3A_2233] : memref<10240x128xf32, #tpu.memory_space<vmem_shared>> -> memref<16x128xf32, #tpu.memory_space<vmem_shared>>
        %dma_start3A_2235 = arith.constant 0 : i32
        %dma_start3A_2236 = tpu.memref_slice %arg9[%add3A_2224, %dma_start3A_2235] : memref<10240x128xf32, #tpu.memory_space<vmem_shared>> -> memref<16x128xf32, #tpu.memory_space<vmem_shared>>
        %dma_start3A_2237 = arith.constant 0 : i32
        %dma_start3A_2238 = arith.constant 0 : i32
        %dma_start3A_2239 = tpu.memref_slice %arg8[%run_scoped3A, %dma_start3A_2237, %dma_start3A_2238] : memref<2x80x128xf32, #tpu.memory_space<vmem>> -> memref<1x80x128xf32, #tpu.memory_space<vmem>>
        %dma_start3A_2240 = tpu.memref_squeeze %dma_start3A_2239 : memref<1x80x128xf32, #tpu.memory_space<vmem>> -> memref<80x128xf32, #tpu.memory_space<vmem>>
        %dma_start3A_2241 = arith.constant 0 : i32
        %dma_start3A_2242 = arith.constant 0 : i32
        %dma_start3A_2243 = tpu.memref_slice %dma_start3A_2240[%dma_start3A_2241, %dma_start3A_2242] : memref<80x128xf32, #tpu.memory_space<vmem>> -> memref<16x128xf32, #tpu.memory_space<vmem>>
        tpu.enqueue_dma source(%dma_start3A_2243 : memref<16x128xf32, #tpu.memory_space<vmem>>) target(%dma_start3A_2236 : memref<16x128xf32, #tpu.memory_space<vmem_shared>>) target_semaphore(%run_scoped3A_2225 : memref<!tpu.dma_semaphore, #tpu.memory_space<semaphore_mem>>)
        %dma_wait3A_2244 = arith.constant 0 : i32
        %dma_wait3A_2245 = arith.constant 0 : i32
        %dma_wait3A_2246 = tpu.memref_slice %arg8[%run_scoped3A, %dma_wait3A_2244, %dma_wait3A_2245] : memref<2x80x128xf32, #tpu.memory_space<vmem>> -> memref<1x80x128xf32, #tpu.memory_space<vmem>>
        %dma_wait3A_2247 = tpu.memref_squeeze %dma_wait3A_2246 : memref<1x80x128xf32, #tpu.memory_space<vmem>> -> memref<80x128xf32, #tpu.memory_space<vmem>>
        %dma_wait3A_2248 = arith.constant 0 : i32
        %dma_wait3A_2249 = arith.constant 0 : i32
        %dma_wait3A_2250 = tpu.memref_slice %dma_wait3A_2247[%dma_wait3A_2248, %dma_wait3A_2249] : memref<80x128xf32, #tpu.memory_space<vmem>> -> memref<16x128xf32, #tpu.memory_space<vmem>>
        %dma_wait3A_2251 = arith.constant 0 : i32
        %dma_wait3A_2252 = tpu.memref_slice %arg9[%add3A_2224, %dma_wait3A_2251] : memref<10240x128xf32, #tpu.memory_space<vmem_shared>> -> memref<16x128xf32, #tpu.memory_space<vmem_shared>>
        %dma_wait3A_2253 = arith.constant 0 : i32
        %dma_wait3A_2254 = tpu.memref_slice %arg9[%add3A_2224, %dma_wait3A_2253] : memref<10240x128xf32, #tpu.memory_space<vmem_shared>> -> memref<16x128xf32, #tpu.memory_space<vmem_shared>>
        %dma_wait3A_2255 = arith.constant 0 : i32
        %dma_wait3A_2256 = arith.constant 0 : i32
        %dma_wait3A_2257 = tpu.memref_slice %arg8[%run_scoped3A, %dma_wait3A_2255, %dma_wait3A_2256] : memref<2x80x128xf32, #tpu.memory_space<vmem>> -> memref<1x80x128xf32, #tpu.memory_space<vmem>>
        %dma_wait3A_2258 = tpu.memref_squeeze %dma_wait3A_2257 : memref<1x80x128xf32, #tpu.memory_space<vmem>> -> memref<80x128xf32, #tpu.memory_space<vmem>>
        %dma_wait3A_2259 = arith.constant 0 : i32
        %dma_wait3A_2260 = arith.constant 0 : i32
        %dma_wait3A_2261 = tpu.memref_slice %dma_wait3A_2258[%dma_wait3A_2259, %dma_wait3A_2260] : memref<80x128xf32, #tpu.memory_space<vmem>> -> memref<16x128xf32, #tpu.memory_space<vmem>>
        tpu.wait_dma2 semaphore(%run_scoped3A_2225 : memref<!tpu.dma_semaphore, #tpu.memory_space<semaphore_mem>>) src(%dma_wait3A_2261 : memref<16x128xf32, #tpu.memory_space<vmem>>) dst(%dma_wait3A_2254 : memref<16x128xf32, #tpu.memory_space<vmem_shared>>)
        tpu.yield
      }) : () -> ()
    }
    %scan3A_1029 = arith.constant 40 : i32
    %barrier3A = arith.constant 0 : index
    tpu.barrier barrier_id(%barrier3A)
    %dma_start3A = arith.constant 0 : i32
    %dma_start3A_1030 = arith.constant 0 : i32
    %dma_start3A_1031 = arith.constant 0 : i32
    %dma_start3A_1032 = tpu.memref_slice %arg8[%dma_start3A, %dma_start3A_1030, %dma_start3A_1031] : memref<2x80x128xf32, #tpu.memory_space<vmem>> -> memref<1x80x128xf32, #tpu.memory_space<vmem>>
    %dma_start3A_1033 = tpu.memref_squeeze %dma_start3A_1032 : memref<1x80x128xf32, #tpu.memory_space<vmem>> -> memref<80x128xf32, #tpu.memory_space<vmem>>
    %dma_start3A_1034 = arith.constant 0 : i32
    %dma_start3A_1035 = tpu.memref_slice %arg6[%dma_start3A_1034] : memref<10000xi32, #tpu.memory_space<vmem>> -> memref<80xi32, #tpu.memory_space<vmem>>
    %dma_start3A_1036 = arith.constant 0 : i32
    %dma_start3A_1037 = arith.constant 0 : i32
    %dma_start3A_1038 = tpu.memref_slice %arg2[%add3A_1, %dma_start3A_1036, %dma_start3A_1037] : memref<4x10000x128xf32, #tpu.memory_space<hbm>> -> memref<1x10000x128xf32, #tpu.memory_space<hbm>>
    %dma_start3A_1039 = tpu.memref_squeeze %dma_start3A_1038 : memref<1x10000x128xf32, #tpu.memory_space<hbm>> -> memref<10000x128xf32, #tpu.memory_space<hbm>>
    %dma_start3A_1040 = arith.constant 0 : i32
    %dma_start3A_1041 = arith.constant 0 : i32
    %dma_start3A_1042 = tpu.memref_slice %dma_start3A_1039[%dma_start3A_1040, %dma_start3A_1041] : memref<10000x128xf32, #tpu.memory_space<hbm>> -> memref<10000x128xf32, #tpu.memory_space<hbm>>
    tpu.enqueue_indirect_dma source(%dma_start3A_1042 : memref<10000x128xf32, #tpu.memory_space<hbm>>) target(%dma_start3A_1033 : memref<80x128xf32, #tpu.memory_space<vmem>>) offsets(%dma_start3A_1035 : memref<80xi32, #tpu.memory_space<vmem>>) semaphore(%arg10 : memref<!tpu.dma_semaphore, #tpu.memory_space<semaphore_mem>>)
    %dma_start3A_1043 = arith.constant 1 : i32
    %dma_start3A_1044 = arith.constant 0 : i32
    %dma_start3A_1045 = arith.constant 0 : i32
    %dma_start3A_1046 = tpu.memref_slice %arg8[%dma_start3A_1043, %dma_start3A_1044, %dma_start3A_1045] : memref<2x80x128xf32, #tpu.memory_space<vmem>> -> memref<1x80x128xf32, #tpu.memory_space<vmem>>
    %dma_start3A_1047 = tpu.memref_squeeze %dma_start3A_1046 : memref<1x80x128xf32, #tpu.memory_space<vmem>> -> memref<80x128xf32, #tpu.memory_space<vmem>>
    %dma_start3A_1048 = arith.constant 80 : i32
    %dma_start3A_1049 = tpu.memref_slice %arg6[%dma_start3A_1048] : memref<10000xi32, #tpu.memory_space<vmem>> -> memref<80xi32, #tpu.memory_space<vmem>>
    %dma_start3A_1050 = arith.constant 0 : i32
    %dma_start3A_1051 = arith.constant 0 : i32
    %dma_start3A_1052 = tpu.memref_slice %arg2[%add3A_1, %dma_start3A_1050, %dma_start3A_1051] : memref<4x10000x128xf32, #tpu.memory_space<hbm>> -> memref<1x10000x128xf32, #tpu.memory_space<hbm>>
    %dma_start3A_1053 = tpu.memref_squeeze %dma_start3A_1052 : memref<1x10000x128xf32, #tpu.memory_space<hbm>> -> memref<10000x128xf32, #tpu.memory_space<hbm>>
    %dma_start3A_1054 = arith.constant 0 : i32
    %dma_start3A_1055 = arith.constant 0 : i32
    %dma_start3A_1056 = tpu.memref_slice %dma_start3A_1053[%dma_start3A_1054, %dma_start3A_1055] : memref<10000x128xf32, #tpu.memory_space<hbm>> -> memref<10000x128xf32, #tpu.memory_space<hbm>>
    tpu.enqueue_indirect_dma source(%dma_start3A_1056 : memref<10000x128xf32, #tpu.memory_space<hbm>>) target(%dma_start3A_1047 : memref<80x128xf32, #tpu.memory_space<vmem>>) offsets(%dma_start3A_1049 : memref<80xi32, #tpu.memory_space<vmem>>) semaphore(%arg11 : memref<!tpu.dma_semaphore, #tpu.memory_space<semaphore_mem>>)
    %scan3A_1057 = arith.constant 0 : i32
    %scan3A_1058 = arith.constant 62 : i32
    %scan3A_1059 = arith.addi %scan3A_1057, %scan3A_1058 : i32
    %scan3A_1060 = arith.constant 1 : i32
    scf.for %scan3A_2217 = %scan3A_1057 to %scan3A_1059 step %scan3A_1060  : i32 {
      %mul3A_2218 = arith.constant 1 : i32
      %mul3A_2219 = arith.muli %scan3A_2217, %mul3A_2218 : i32
      %add3A_2220 = arith.constant 0 : i32
      %add3A_2221 = arith.addi %add3A_2220, %mul3A_2219 : i32
      %mul3A_2222 = arith.constant 2 : i32
      %mul3A_2223 = arith.muli %add3A_2221, %mul3A_2222 : i32
      %add3A_2224 = arith.constant 0 : i32
      %add3A_2225 = arith.addi %mul3A_2223, %add3A_2224 : i32
      %mul3A_2226 = arith.constant 80 : i32
      %mul3A_2227 = arith.muli %add3A_2225, %mul3A_2226 : i32
      %dma_wait3A_2228 = arith.constant 0 : i32
      %dma_wait3A_2229 = arith.constant 0 : i32
      %dma_wait3A_2230 = arith.constant 0 : i32
      %dma_wait3A_2231 = tpu.memref_slice %arg8[%dma_wait3A_2228, %dma_wait3A_2229, %dma_wait3A_2230] : memref<2x80x128xf32, #tpu.memory_space<vmem>> -> memref<1x80x128xf32, #tpu.memory_space<vmem>>
      %dma_wait3A_2232 = tpu.memref_squeeze %dma_wait3A_2231 : memref<1x80x128xf32, #tpu.memory_space<vmem>> -> memref<80x128xf32, #tpu.memory_space<vmem>>
      %dma_wait3A_2233 = tpu.memref_slice %arg6[%mul3A_2227] : memref<10000xi32, #tpu.memory_space<vmem>> -> memref<80xi32, #tpu.memory_space<vmem>>
      %dma_wait3A_2234 = arith.constant 0 : i32
      %dma_wait3A_2235 = arith.constant 0 : i32
      %dma_wait3A_2236 = tpu.memref_slice %arg2[%add3A_1, %dma_wait3A_2234, %dma_wait3A_2235] : memref<4x10000x128xf32, #tpu.memory_space<hbm>> -> memref<1x10000x128xf32, #tpu.memory_space<hbm>>
      %dma_wait3A_2237 = tpu.memref_squeeze %dma_wait3A_2236 : memref<1x10000x128xf32, #tpu.memory_space<hbm>> -> memref<10000x128xf32, #tpu.memory_space<hbm>>
      %dma_wait3A_2238 = arith.constant 0 : i32
      %dma_wait3A_2239 = arith.constant 0 : i32
      %dma_wait3A_2240 = tpu.memref_slice %dma_wait3A_2237[%dma_wait3A_2238, %dma_wait3A_2239] : memref<10000x128xf32, #tpu.memory_space<hbm>> -> memref<10000x128xf32, #tpu.memory_space<hbm>>
      tpu.wait_indirect_dma semaphore(%arg10 : memref<!tpu.dma_semaphore, #tpu.memory_space<semaphore_mem>>) src(%dma_wait3A_2240 : memref<10000x128xf32, #tpu.memory_space<hbm>>) dst(%dma_wait3A_2232 : memref<80x128xf32, #tpu.memory_space<vmem>>)
      %dma_start3A_2241 = arith.constant 0 : i32
      %dma_start3A_2242 = arith.constant 0 : i32
      %dma_start3A_2243 = arith.constant 0 : i32
      %dma_start3A_2244 = tpu.memref_slice %arg8[%dma_start3A_2241, %dma_start3A_2242, %dma_start3A_2243] : memref<2x80x128xf32, #tpu.memory_space<vmem>> -> memref<1x80x128xf32, #tpu.memory_space<vmem>>
      %dma_start3A_2245 = tpu.memref_squeeze %dma_start3A_2244 : memref<1x80x128xf32, #tpu.memory_space<vmem>> -> memref<80x128xf32, #tpu.memory_space<vmem>>
      %dma_start3A_2246 = arith.constant 0 : i32
      %dma_start3A_2247 = tpu.memref_slice %arg7[%add3A_2225, %dma_start3A_2246] : memref<125x80xi32, #tpu.memory_space<vmem>> -> memref<1x80xi32, #tpu.memory_space<vmem>>
      %dma_start3A_2248 = tpu.memref_squeeze %dma_start3A_2247 : memref<1x80xi32, #tpu.memory_space<vmem>> -> memref<80xi32, #tpu.memory_space<vmem>>
      %dma_start3A_2249 = arith.constant 0 : i32
      %dma_start3A_2250 = arith.constant 0 : i32
      %dma_start3A_2251 = tpu.memref_slice %arg9[%dma_start3A_2249, %dma_start3A_2250] : memref<10240x128xf32, #tpu.memory_space<vmem_shared>> -> memref<10240x128xf32, #tpu.memory_space<vmem_shared>>
      tpu.enqueue_indirect_dma source(%dma_start3A_2245 : memref<80x128xf32, #tpu.memory_space<vmem>>) target(%dma_start3A_2251 : memref<10240x128xf32, #tpu.memory_space<vmem_shared>>) offsets(%dma_start3A_2248 : memref<80xi32, #tpu.memory_space<vmem>>) semaphore(%arg12 : memref<!tpu.dma_semaphore, #tpu.memory_space<semaphore_mem>>) {add = true}
      %dma_wait3A_2252 = arith.constant 0 : i32
      %dma_wait3A_2253 = arith.constant 0 : i32
      %dma_wait3A_2254 = arith.constant 0 : i32
      %dma_wait3A_2255 = tpu.memref_slice %arg8[%dma_wait3A_2252, %dma_wait3A_2253, %dma_wait3A_2254] : memref<2x80x128xf32, #tpu.memory_space<vmem>> -> memref<1x80x128xf32, #tpu.memory_space<vmem>>
      %dma_wait3A_2256 = tpu.memref_squeeze %dma_wait3A_2255 : memref<1x80x128xf32, #tpu.memory_space<vmem>> -> memref<80x128xf32, #tpu.memory_space<vmem>>
      %dma_wait3A_2257 = arith.constant 0 : i32
      %dma_wait3A_2258 = tpu.memref_slice %arg7[%add3A_2225, %dma_wait3A_2257] : memref<125x80xi32, #tpu.memory_space<vmem>> -> memref<1x80xi32, #tpu.memory_space<vmem>>
      %dma_wait3A_2259 = tpu.memref_squeeze %dma_wait3A_2258 : memref<1x80xi32, #tpu.memory_space<vmem>> -> memref<80xi32, #tpu.memory_space<vmem>>
      %dma_wait3A_2260 = arith.constant 0 : i32
      %dma_wait3A_2261 = arith.constant 0 : i32
      %dma_wait3A_2262 = tpu.memref_slice %arg9[%dma_wait3A_2260, %dma_wait3A_2261] : memref<10240x128xf32, #tpu.memory_space<vmem_shared>> -> memref<10240x128xf32, #tpu.memory_space<vmem_shared>>
      tpu.wait_indirect_dma semaphore(%arg12 : memref<!tpu.dma_semaphore, #tpu.memory_space<semaphore_mem>>) src(%dma_wait3A_2256 : memref<80x128xf32, #tpu.memory_space<vmem>>) dst(%dma_wait3A_2262 : memref<10240x128xf32, #tpu.memory_space<vmem_shared>>)
      %add3A_2263 = arith.constant 2 : i32
      %add3A_2264 = arith.addi %add3A_2225, %add3A_2263 : i32
      %lt3A = arith.constant 125 : i32
      %lt3A_2265 = arith.cmpi slt, %add3A_2264, %lt3A : i32
      %convert_element_type3A = arith.extui %lt3A_2265 : i1 to i32
      %cond3A = arith.constant 0 : i32
      %cond3A_2266 = arith.cmpi ne, %convert_element_type3A, %cond3A : i32
      scf.if %cond3A_2266 {
        %add3A_2315 = arith.constant 2 : i32
        %add3A_2316 = arith.addi %add3A_2225, %add3A_2315 : i32
        %mul3A_2317 = arith.constant 80 : i32
        %mul3A_2318 = arith.muli %add3A_2316, %mul3A_2317 : i32
        %dma_start3A_2319 = arith.constant 0 : i32
        %dma_start3A_2320 = arith.constant 0 : i32
        %dma_start3A_2321 = arith.constant 0 : i32
        %dma_start3A_2322 = tpu.memref_slice %arg8[%dma_start3A_2319, %dma_start3A_2320, %dma_start3A_2321] : memref<2x80x128xf32, #tpu.memory_space<vmem>> -> memref<1x80x128xf32, #tpu.memory_space<vmem>>
        %dma_start3A_2323 = tpu.memref_squeeze %dma_start3A_2322 : memref<1x80x128xf32, #tpu.memory_space<vmem>> -> memref<80x128xf32, #tpu.memory_space<vmem>>
        %dma_start3A_2324 = tpu.memref_slice %arg6[%mul3A_2318] : memref<10000xi32, #tpu.memory_space<vmem>> -> memref<80xi32, #tpu.memory_space<vmem>>
        %dma_start3A_2325 = arith.constant 0 : i32
        %dma_start3A_2326 = arith.constant 0 : i32
        %dma_start3A_2327 = tpu.memref_slice %arg2[%add3A_1, %dma_start3A_2325, %dma_start3A_2326] : memref<4x10000x128xf32, #tpu.memory_space<hbm>> -> memref<1x10000x128xf32, #tpu.memory_space<hbm>>
        %dma_start3A_2328 = tpu.memref_squeeze %dma_start3A_2327 : memref<1x10000x128xf32, #tpu.memory_space<hbm>> -> memref<10000x128xf32, #tpu.memory_space<hbm>>
        %dma_start3A_2329 = arith.constant 0 : i32
        %dma_start3A_2330 = arith.constant 0 : i32
        %dma_start3A_2331 = tpu.memref_slice %dma_start3A_2328[%dma_start3A_2329, %dma_start3A_2330] : memref<10000x128xf32, #tpu.memory_space<hbm>> -> memref<10000x128xf32, #tpu.memory_space<hbm>>
        tpu.enqueue_indirect_dma source(%dma_start3A_2331 : memref<10000x128xf32, #tpu.memory_space<hbm>>) target(%dma_start3A_2323 : memref<80x128xf32, #tpu.memory_space<vmem>>) offsets(%dma_start3A_2324 : memref<80xi32, #tpu.memory_space<vmem>>) semaphore(%arg10 : memref<!tpu.dma_semaphore, #tpu.memory_space<semaphore_mem>>)
      } else {
      }
      %mul3A_2267 = arith.constant 2 : i32
      %mul3A_2268 = arith.muli %add3A_2221, %mul3A_2267 : i32
      %add3A_2269 = arith.constant 1 : i32
      %add3A_2270 = arith.addi %mul3A_2268, %add3A_2269 : i32
      %mul3A_2271 = arith.constant 80 : i32
      %mul3A_2272 = arith.muli %add3A_2270, %mul3A_2271 : i32
      %dma_wait3A_2273 = arith.constant 1 : i32
      %dma_wait3A_2274 = arith.constant 0 : i32
      %dma_wait3A_2275 = arith.constant 0 : i32
      %dma_wait3A_2276 = tpu.memref_slice %arg8[%dma_wait3A_2273, %dma_wait3A_2274, %dma_wait3A_2275] : memref<2x80x128xf32, #tpu.memory_space<vmem>> -> memref<1x80x128xf32, #tpu.memory_space<vmem>>
      %dma_wait3A_2277 = tpu.memref_squeeze %dma_wait3A_2276 : memref<1x80x128xf32, #tpu.memory_space<vmem>> -> memref<80x128xf32, #tpu.memory_space<vmem>>
      %dma_wait3A_2278 = tpu.memref_slice %arg6[%mul3A_2272] : memref<10000xi32, #tpu.memory_space<vmem>> -> memref<80xi32, #tpu.memory_space<vmem>>
      %dma_wait3A_2279 = arith.constant 0 : i32
      %dma_wait3A_2280 = arith.constant 0 : i32
      %dma_wait3A_2281 = tpu.memref_slice %arg2[%add3A_1, %dma_wait3A_2279, %dma_wait3A_2280] : memref<4x10000x128xf32, #tpu.memory_space<hbm>> -> memref<1x10000x128xf32, #tpu.memory_space<hbm>>
      %dma_wait3A_2282 = tpu.memref_squeeze %dma_wait3A_2281 : memref<1x10000x128xf32, #tpu.memory_space<hbm>> -> memref<10000x128xf32, #tpu.memory_space<hbm>>
      %dma_wait3A_2283 = arith.constant 0 : i32
      %dma_wait3A_2284 = arith.constant 0 : i32
      %dma_wait3A_2285 = tpu.memref_slice %dma_wait3A_2282[%dma_wait3A_2283, %dma_wait3A_2284] : memref<10000x128xf32, #tpu.memory_space<hbm>> -> memref<10000x128xf32, #tpu.memory_space<hbm>>
      tpu.wait_indirect_dma semaphore(%arg11 : memref<!tpu.dma_semaphore, #tpu.memory_space<semaphore_mem>>) src(%dma_wait3A_2285 : memref<10000x128xf32, #tpu.memory_space<hbm>>) dst(%dma_wait3A_2277 : memref<80x128xf32, #tpu.memory_space<vmem>>)
      %dma_start3A_2286 = arith.constant 1 : i32
      %dma_start3A_2287 = arith.constant 0 : i32
      %dma_start3A_2288 = arith.constant 0 : i32
      %dma_start3A_2289 = tpu.memref_slice %arg8[%dma_start3A_2286, %dma_start3A_2287, %dma_start3A_2288] : memref<2x80x128xf32, #tpu.memory_space<vmem>> -> memref<1x80x128xf32, #tpu.memory_space<vmem>>
      %dma_start3A_2290 = tpu.memref_squeeze %dma_start3A_2289 : memref<1x80x128xf32, #tpu.memory_space<vmem>> -> memref<80x128xf32, #tpu.memory_space<vmem>>
      %dma_start3A_2291 = arith.constant 0 : i32
      %dma_start3A_2292 = tpu.memref_slice %arg7[%add3A_2270, %dma_start3A_2291] : memref<125x80xi32, #tpu.memory_space<vmem>> -> memref<1x80xi32, #tpu.memory_space<vmem>>
      %dma_start3A_2293 = tpu.memref_squeeze %dma_start3A_2292 : memref<1x80xi32, #tpu.memory_space<vmem>> -> memref<80xi32, #tpu.memory_space<vmem>>
      %dma_start3A_2294 = arith.constant 0 : i32
      %dma_start3A_2295 = arith.constant 0 : i32
      %dma_start3A_2296 = tpu.memref_slice %arg9[%dma_start3A_2294, %dma_start3A_2295] : memref<10240x128xf32, #tpu.memory_space<vmem_shared>> -> memref<10240x128xf32, #tpu.memory_space<vmem_shared>>
      tpu.enqueue_indirect_dma source(%dma_start3A_2290 : memref<80x128xf32, #tpu.memory_space<vmem>>) target(%dma_start3A_2296 : memref<10240x128xf32, #tpu.memory_space<vmem_shared>>) offsets(%dma_start3A_2293 : memref<80xi32, #tpu.memory_space<vmem>>) semaphore(%arg13 : memref<!tpu.dma_semaphore, #tpu.memory_space<semaphore_mem>>) {add = true}
      %dma_wait3A_2297 = arith.constant 1 : i32
      %dma_wait3A_2298 = arith.constant 0 : i32
      %dma_wait3A_2299 = arith.constant 0 : i32
      %dma_wait3A_2300 = tpu.memref_slice %arg8[%dma_wait3A_2297, %dma_wait3A_2298, %dma_wait3A_2299] : memref<2x80x128xf32, #tpu.memory_space<vmem>> -> memref<1x80x128xf32, #tpu.memory_space<vmem>>
      %dma_wait3A_2301 = tpu.memref_squeeze %dma_wait3A_2300 : memref<1x80x128xf32, #tpu.memory_space<vmem>> -> memref<80x128xf32, #tpu.memory_space<vmem>>
      %dma_wait3A_2302 = arith.constant 0 : i32
      %dma_wait3A_2303 = tpu.memref_slice %arg7[%add3A_2270, %dma_wait3A_2302] : memref<125x80xi32, #tpu.memory_space<vmem>> -> memref<1x80xi32, #tpu.memory_space<vmem>>
      %dma_wait3A_2304 = tpu.memref_squeeze %dma_wait3A_2303 : memref<1x80xi32, #tpu.memory_space<vmem>> -> memref<80xi32, #tpu.memory_space<vmem>>
      %dma_wait3A_2305 = arith.constant 0 : i32
      %dma_wait3A_2306 = arith.constant 0 : i32
      %dma_wait3A_2307 = tpu.memref_slice %arg9[%dma_wait3A_2305, %dma_wait3A_2306] : memref<10240x128xf32, #tpu.memory_space<vmem_shared>> -> memref<10240x128xf32, #tpu.memory_space<vmem_shared>>
      tpu.wait_indirect_dma semaphore(%arg13 : memref<!tpu.dma_semaphore, #tpu.memory_space<semaphore_mem>>) src(%dma_wait3A_2301 : memref<80x128xf32, #tpu.memory_space<vmem>>) dst(%dma_wait3A_2307 : memref<10240x128xf32, #tpu.memory_space<vmem_shared>>)
      %add3A_2308 = arith.constant 2 : i32
      %add3A_2309 = arith.addi %add3A_2270, %add3A_2308 : i32
      %lt3A_2310 = arith.constant 125 : i32
      %lt3A_2311 = arith.cmpi slt, %add3A_2309, %lt3A_2310 : i32
      %convert_element_type3A_2312 = arith.extui %lt3A_2311 : i1 to i32
      %cond3A_2313 = arith.constant 0 : i32
      %cond3A_2314 = arith.cmpi ne, %convert_element_type3A_2312, %cond3A_2313 : i32
      scf.if %cond3A_2314 {
        %add3A_2315 = arith.constant 2 : i32
        %add3A_2316 = arith.addi %add3A_2270, %add3A_2315 : i32
        %mul3A_2317 = arith.constant 80 : i32
        %mul3A_2318 = arith.muli %add3A_2316, %mul3A_2317 : i32
        %dma_start3A_2319 = arith.constant 1 : i32
        %dma_start3A_2320 = arith.constant 0 : i32
        %dma_start3A_2321 = arith.constant 0 : i32
        %dma_start3A_2322 = tpu.memref_slice %arg8[%dma_start3A_2319, %dma_start3A_2320, %dma_start3A_2321] : memref<2x80x128xf32, #tpu.memory_space<vmem>> -> memref<1x80x128xf32, #tpu.memory_space<vmem>>
        %dma_start3A_2323 = tpu.memref_squeeze %dma_start3A_2322 : memref<1x80x128xf32, #tpu.memory_space<vmem>> -> memref<80x128xf32, #tpu.memory_space<vmem>>
        %dma_start3A_2324 = tpu.memref_slice %arg6[%mul3A_2318] : memref<10000xi32, #tpu.memory_space<vmem>> -> memref<80xi32, #tpu.memory_space<vmem>>
        %dma_start3A_2325 = arith.constant 0 : i32
        %dma_start3A_2326 = arith.constant 0 : i32
        %dma_start3A_2327 = tpu.memref_slice %arg2[%add3A_1, %dma_start3A_2325, %dma_start3A_2326] : memref<4x10000x128xf32, #tpu.memory_space<hbm>> -> memref<1x10000x128xf32, #tpu.memory_space<hbm>>
        %dma_start3A_2328 = tpu.memref_squeeze %dma_start3A_2327 : memref<1x10000x128xf32, #tpu.memory_space<hbm>> -> memref<10000x128xf32, #tpu.memory_space<hbm>>
        %dma_start3A_2329 = arith.constant 0 : i32
        %dma_start3A_2330 = arith.constant 0 : i32
        %dma_start3A_2331 = tpu.memref_slice %dma_start3A_2328[%dma_start3A_2329, %dma_start3A_2330] : memref<10000x128xf32, #tpu.memory_space<hbm>> -> memref<10000x128xf32, #tpu.memory_space<hbm>>
        tpu.enqueue_indirect_dma source(%dma_start3A_2331 : memref<10000x128xf32, #tpu.memory_space<hbm>>) target(%dma_start3A_2323 : memref<80x128xf32, #tpu.memory_space<vmem>>) offsets(%dma_start3A_2324 : memref<80xi32, #tpu.memory_space<vmem>>) semaphore(%arg11 : memref<!tpu.dma_semaphore, #tpu.memory_space<semaphore_mem>>)
      } else {
      }
    }
    %scan3A_1061 = arith.constant 62 : i32
    %dma_wait3A = arith.constant 0 : i32
    %dma_wait3A_1062 = arith.constant 0 : i32
    %dma_wait3A_1063 = arith.constant 0 : i32
    %dma_wait3A_1064 = tpu.memref_slice %arg8[%dma_wait3A, %dma_wait3A_1062, %dma_wait3A_1063] : memref<2x80x128xf32, #tpu.memory_space<vmem>> -> memref<1x80x128xf32, #tpu.memory_space<vmem>>
    %dma_wait3A_1065 = tpu.memref_squeeze %dma_wait3A_1064 : memref<1x80x128xf32, #tpu.memory_space<vmem>> -> memref<80x128xf32, #tpu.memory_space<vmem>>
    %dma_wait3A_1066 = arith.constant 9920 : i32
    %dma_wait3A_1067 = tpu.memref_slice %arg6[%dma_wait3A_1066] : memref<10000xi32, #tpu.memory_space<vmem>> -> memref<80xi32, #tpu.memory_space<vmem>>
    %dma_wait3A_1068 = arith.constant 0 : i32
    %dma_wait3A_1069 = arith.constant 0 : i32
    %dma_wait3A_1070 = tpu.memref_slice %arg2[%add3A_1, %dma_wait3A_1068, %dma_wait3A_1069] : memref<4x10000x128xf32, #tpu.memory_space<hbm>> -> memref<1x10000x128xf32, #tpu.memory_space<hbm>>
    %dma_wait3A_1071 = tpu.memref_squeeze %dma_wait3A_1070 : memref<1x10000x128xf32, #tpu.memory_space<hbm>> -> memref<10000x128xf32, #tpu.memory_space<hbm>>
    %dma_wait3A_1072 = arith.constant 0 : i32
    %dma_wait3A_1073 = arith.constant 0 : i32
    %dma_wait3A_1074 = tpu.memref_slice %dma_wait3A_1071[%dma_wait3A_1072, %dma_wait3A_1073] : memref<10000x128xf32, #tpu.memory_space<hbm>> -> memref<10000x128xf32, #tpu.memory_space<hbm>>
    tpu.wait_indirect_dma semaphore(%arg10 : memref<!tpu.dma_semaphore, #tpu.memory_space<semaphore_mem>>) src(%dma_wait3A_1074 : memref<10000x128xf32, #tpu.memory_space<hbm>>) dst(%dma_wait3A_1065 : memref<80x128xf32, #tpu.memory_space<vmem>>)
    %dma_start3A_1075 = arith.constant 0 : i32
    %dma_start3A_1076 = arith.constant 124 : i32
    %dma_start3A_1077 = arith.constant 0 : i32
    %dma_start3A_1078 = arith.constant 0 : i32
    %dma_start3A_1079 = tpu.memref_slice %arg8[%dma_start3A_1075, %dma_start3A_1077, %dma_start3A_1078] : memref<2x80x128xf32, #tpu.memory_space<vmem>> -> memref<1x80x128xf32, #tpu.memory_space<vmem>>
    %dma_start3A_1080 = tpu.memref_squeeze %dma_start3A_1079 : memref<1x80x128xf32, #tpu.memory_space<vmem>> -> memref<80x128xf32, #tpu.memory_space<vmem>>
    %dma_start3A_1081 = arith.constant 0 : i32
    %dma_start3A_1082 = tpu.memref_slice %arg7[%dma_start3A_1076, %dma_start3A_1081] : memref<125x80xi32, #tpu.memory_space<vmem>> -> memref<1x80xi32, #tpu.memory_space<vmem>>
    %dma_start3A_1083 = tpu.memref_squeeze %dma_start3A_1082 : memref<1x80xi32, #tpu.memory_space<vmem>> -> memref<80xi32, #tpu.memory_space<vmem>>
    %dma_start3A_1084 = arith.constant 0 : i32
    %dma_start3A_1085 = arith.constant 0 : i32
    %dma_start3A_1086 = tpu.memref_slice %arg9[%dma_start3A_1084, %dma_start3A_1085] : memref<10240x128xf32, #tpu.memory_space<vmem_shared>> -> memref<10240x128xf32, #tpu.memory_space<vmem_shared>>
    tpu.enqueue_indirect_dma source(%dma_start3A_1080 : memref<80x128xf32, #tpu.memory_space<vmem>>) target(%dma_start3A_1086 : memref<10240x128xf32, #tpu.memory_space<vmem_shared>>) offsets(%dma_start3A_1083 : memref<80xi32, #tpu.memory_space<vmem>>) semaphore(%arg12 : memref<!tpu.dma_semaphore, #tpu.memory_space<semaphore_mem>>) {add = true}
    %dma_wait3A_1087 = arith.constant 0 : i32
    %dma_wait3A_1088 = arith.constant 124 : i32
    %dma_wait3A_1089 = arith.constant 0 : i32
    %dma_wait3A_1090 = arith.constant 0 : i32
    %dma_wait3A_1091 = tpu.memref_slice %arg8[%dma_wait3A_1087, %dma_wait3A_1089, %dma_wait3A_1090] : memref<2x80x128xf32, #tpu.memory_space<vmem>> -> memref<1x80x128xf32, #tpu.memory_space<vmem>>
    %dma_wait3A_1092 = tpu.memref_squeeze %dma_wait3A_1091 : memref<1x80x128xf32, #tpu.memory_space<vmem>> -> memref<80x128xf32, #tpu.memory_space<vmem>>
    %dma_wait3A_1093 = arith.constant 0 : i32
    %dma_wait3A_1094 = tpu.memref_slice %arg7[%dma_wait3A_1088, %dma_wait3A_1093] : memref<125x80xi32, #tpu.memory_space<vmem>> -> memref<1x80xi32, #tpu.memory_space<vmem>>
    %dma_wait3A_1095 = tpu.memref_squeeze %dma_wait3A_1094 : memref<1x80xi32, #tpu.memory_space<vmem>> -> memref<80xi32, #tpu.memory_space<vmem>>
    %dma_wait3A_1096 = arith.constant 0 : i32
    %dma_wait3A_1097 = arith.constant 0 : i32
    %dma_wait3A_1098 = tpu.memref_slice %arg9[%dma_wait3A_1096, %dma_wait3A_1097] : memref<10240x128xf32, #tpu.memory_space<vmem_shared>> -> memref<10240x128xf32, #tpu.memory_space<vmem_shared>>
    tpu.wait_indirect_dma semaphore(%arg12 : memref<!tpu.dma_semaphore, #tpu.memory_space<semaphore_mem>>) src(%dma_wait3A_1092 : memref<80x128xf32, #tpu.memory_space<vmem>>) dst(%dma_wait3A_1098 : memref<10240x128xf32, #tpu.memory_space<vmem_shared>>)
    %barrier3A_1099 = arith.constant 0 : index
    tpu.barrier barrier_id(%barrier3A_1099)
    %mul3A_1100 = arith.constant 640 : i32
    %mul3A_1101 = arith.muli %arg1, %mul3A_1100 : i32
    %mul3A_1102 = arith.constant 640 : i32
    %mul3A_1103 = arith.muli %arg1, %mul3A_1102 : i32
    "tpu.region"() ({
      %run_scoped3A = tpu.sem_alloc : memref<!tpu.dma_semaphore, #tpu.memory_space<semaphore_mem>>
      %dma_start3A_2217 = arith.constant 0 : i32
      %dma_start3A_2218 = arith.constant 0 : i32
      %dma_start3A_2219 = tpu.memref_slice %arg5[%add3A_1, %dma_start3A_2217, %dma_start3A_2218] : memref<4x10240x128xf32, #tpu.memory_space<hbm>> -> memref<1x10240x128xf32, #tpu.memory_space<hbm>>
      %dma_start3A_2220 = tpu.memref_squeeze %dma_start3A_2219 : memref<1x10240x128xf32, #tpu.memory_space<hbm>> -> memref<10240x128xf32, #tpu.memory_space<hbm>>
      %dma_start3A_2221 = arith.constant 0 : i32
      %dma_start3A_2222 = tpu.memref_slice %dma_start3A_2220[%mul3A_1103, %dma_start3A_2221] : memref<10240x128xf32, #tpu.memory_space<hbm>> -> memref<640x128xf32, #tpu.memory_space<hbm>>
      %dma_start3A_2223 = arith.constant 0 : i32
      %dma_start3A_2224 = tpu.memref_slice %arg9[%mul3A_1101, %dma_start3A_2223] : memref<10240x128xf32, #tpu.memory_space<vmem_shared>> -> memref<640x128xf32, #tpu.memory_space<vmem_shared>>
      tpu.enqueue_dma source(%dma_start3A_2224 : memref<640x128xf32, #tpu.memory_space<vmem_shared>>) target(%dma_start3A_2222 : memref<640x128xf32, #tpu.memory_space<hbm>>) target_semaphore(%run_scoped3A : memref<!tpu.dma_semaphore, #tpu.memory_space<semaphore_mem>>)
      %dma_wait3A_2225 = arith.constant 0 : i32
      %dma_wait3A_2226 = arith.constant 0 : i32
      %dma_wait3A_2227 = tpu.memref_slice %arg5[%add3A_1, %dma_wait3A_2225, %dma_wait3A_2226] : memref<4x10240x128xf32, #tpu.memory_space<hbm>> -> memref<1x10240x128xf32, #tpu.memory_space<hbm>>
      %dma_wait3A_2228 = tpu.memref_squeeze %dma_wait3A_2227 : memref<1x10240x128xf32, #tpu.memory_space<hbm>> -> memref<10240x128xf32, #tpu.memory_space<hbm>>
      %dma_wait3A_2229 = arith.constant 0 : i32
      %dma_wait3A_2230 = tpu.memref_slice %dma_wait3A_2228[%mul3A_1103, %dma_wait3A_2229] : memref<10240x128xf32, #tpu.memory_space<hbm>> -> memref<640x128xf32, #tpu.memory_space<hbm>>
      %dma_wait3A_2231 = arith.constant 0 : i32
      %dma_wait3A_2232 = tpu.memref_slice %arg9[%mul3A_1101, %dma_wait3A_2231] : memref<10240x128xf32, #tpu.memory_space<vmem_shared>> -> memref<640x128xf32, #tpu.memory_space<vmem_shared>>
      tpu.wait_dma2 semaphore(%run_scoped3A : memref<!tpu.dma_semaphore, #tpu.memory_space<semaphore_mem>>) src(%dma_wait3A_2232 : memref<640x128xf32, #tpu.memory_space<vmem_shared>>) dst(%dma_wait3A_2230 : memref<640x128xf32, #tpu.memory_space<hbm>>)
      tpu.yield
    }) : () -> ()
    %barrier3A_1104 = arith.constant 0 : index
    tpu.barrier barrier_id(%barrier3A_1104)
    %mul3A_1105 = arith.constant 2 : i32
    %mul3A_1106 = arith.muli %arg0, %mul3A_1105 : i32
    %add3A_1107 = arith.constant 1 : i32
    %add3A_1108 = arith.addi %mul3A_1106, %add3A_1107 : i32
    %broadcast_in_dim3A_1109 = arith.constant 0.000000e+00 : f32
    %broadcast_in_dim3A_1110 = vector.broadcast %broadcast_in_dim3A_1109 : f32 to vector<16xf32>
    %swap3A_1111 = arith.constant 0 : i32
    %swap3A_1112 = arith.constant 0 : i32
    %swap3A_1113 = arith.index_cast %swap3A_1111 : i32 to index
    %swap3A_1114 = arith.index_cast %swap3A_1112 : i32 to index
    %swap3A_1115 = arith.constant 0 : index
    %swap3A_1116 = tpu.vector_load %arg8[%swap3A_1113, %swap3A_1114, %swap3A_1115] {strides = array<i32>} : memref<2x80x128xf32, #tpu.memory_space<vmem>>, vector<1x1x16xf32>,
    %swap3A_1117 = vector.shape_cast %swap3A_1116 : vector<1x1x16xf32> to vector<16xf32>
    %swap3A_1118 = vector.shape_cast %broadcast_in_dim3A_1110 : vector<16xf32> to vector<1x1x16xf32>
    tpu.vector_store %arg8[%swap3A_1113, %swap3A_1114, %swap3A_1115], %swap3A_1118 {strides = array<i32>} : memref<2x80x128xf32, #tpu.memory_space<vmem>>, vector<1x1x16xf32>,
    %swap3A_1119 = arith.constant 0 : i32
    %swap3A_1120 = arith.constant 0 : i32
    %swap3A_1121 = arith.index_cast %swap3A_1119 : i32 to index
    %swap3A_1122 = arith.index_cast %swap3A_1120 : i32 to index
    %swap3A_1123 = arith.constant 16 : index
    %swap3A_1124 = tpu.vector_load %arg8[%swap3A_1121, %swap3A_1122, %swap3A_1123] {strides = array<i32>} : memref<2x80x128xf32, #tpu.memory_space<vmem>>, vector<1x1x16xf32>,
    %swap3A_1125 = vector.shape_cast %swap3A_1124 : vector<1x1x16xf32> to vector<16xf32>
    %swap3A_1126 = vector.shape_cast %broadcast_in_dim3A_1110 : vector<16xf32> to vector<1x1x16xf32>
    tpu.vector_store %arg8[%swap3A_1121, %swap3A_1122, %swap3A_1123], %swap3A_1126 {strides = array<i32>} : memref<2x80x128xf32, #tpu.memory_space<vmem>>, vector<1x1x16xf32>,
    %swap3A_1127 = arith.constant 0 : i32
    %swap3A_1128 = arith.constant 0 : i32
    %swap3A_1129 = arith.index_cast %swap3A_1127 : i32 to index
    %swap3A_1130 = arith.index_cast %swap3A_1128 : i32 to index
    %swap3A_1131 = arith.constant 32 : index
    %swap3A_1132 = tpu.vector_load %arg8[%swap3A_1129, %swap3A_1130, %swap3A_1131] {strides = array<i32>} : memref<2x80x128xf32, #tpu.memory_space<vmem>>, vector<1x1x16xf32>,
    %swap3A_1133 = vector.shape_cast %swap3A_1132 : vector<1x1x16xf32> to vector<16xf32>
    %swap3A_1134 = vector.shape_cast %broadcast_in_dim3A_1110 : vector<16xf32> to vector<1x1x16xf32>
    tpu.vector_store %arg8[%swap3A_1129, %swap3A_1130, %swap3A_1131], %swap3A_1134 {strides = array<i32>} : memref<2x80x128xf32, #tpu.memory_space<vmem>>, vector<1x1x16xf32>,
    %swap3A_1135 = arith.constant 0 : i32
    %swap3A_1136 = arith.constant 0 : i32
    %swap3A_1137 = arith.index_cast %swap3A_1135 : i32 to index
    %swap3A_1138 = arith.index_cast %swap3A_1136 : i32 to index
    %swap3A_1139 = arith.constant 48 : index
    %swap3A_1140 = tpu.vector_load %arg8[%swap3A_1137, %swap3A_1138, %swap3A_1139] {strides = array<i32>} : memref<2x80x128xf32, #tpu.memory_space<vmem>>, vector<1x1x16xf32>,
    %swap3A_1141 = vector.shape_cast %swap3A_1140 : vector<1x1x16xf32> to vector<16xf32>
    %swap3A_1142 = vector.shape_cast %broadcast_in_dim3A_1110 : vector<16xf32> to vector<1x1x16xf32>
    tpu.vector_store %arg8[%swap3A_1137, %swap3A_1138, %swap3A_1139], %swap3A_1142 {strides = array<i32>} : memref<2x80x128xf32, #tpu.memory_space<vmem>>, vector<1x1x16xf32>,
    %swap3A_1143 = arith.constant 0 : i32
    %swap3A_1144 = arith.constant 0 : i32
    %swap3A_1145 = arith.index_cast %swap3A_1143 : i32 to index
    %swap3A_1146 = arith.index_cast %swap3A_1144 : i32 to index
    %swap3A_1147 = arith.constant 64 : index
    %swap3A_1148 = tpu.vector_load %arg8[%swap3A_1145, %swap3A_1146, %swap3A_1147] {strides = array<i32>} : memref<2x80x128xf32, #tpu.memory_space<vmem>>, vector<1x1x16xf32>,
    %swap3A_1149 = vector.shape_cast %swap3A_1148 : vector<1x1x16xf32> to vector<16xf32>
    %swap3A_1150 = vector.shape_cast %broadcast_in_dim3A_1110 : vector<16xf32> to vector<1x1x16xf32>
    tpu.vector_store %arg8[%swap3A_1145, %swap3A_1146, %swap3A_1147], %swap3A_1150 {strides = array<i32>} : memref<2x80x128xf32, #tpu.memory_space<vmem>>, vector<1x1x16xf32>,
    %swap3A_1151 = arith.constant 0 : i32
    %swap3A_1152 = arith.constant 0 : i32
    %swap3A_1153 = arith.index_cast %swap3A_1151 : i32 to index
    %swap3A_1154 = arith.index_cast %swap3A_1152 : i32 to index
    %swap3A_1155 = arith.constant 80 : index
    %swap3A_1156 = tpu.vector_load %arg8[%swap3A_1153, %swap3A_1154, %swap3A_1155] {strides = array<i32>} : memref<2x80x128xf32, #tpu.memory_space<vmem>>, vector<1x1x16xf32>,
    %swap3A_1157 = vector.shape_cast %swap3A_1156 : vector<1x1x16xf32> to vector<16xf32>
    %swap3A_1158 = vector.shape_cast %broadcast_in_dim3A_1110 : vector<16xf32> to vector<1x1x16xf32>
    tpu.vector_store %arg8[%swap3A_1153, %swap3A_1154, %swap3A_1155], %swap3A_1158 {strides = array<i32>} : memref<2x80x128xf32, #tpu.memory_space<vmem>>, vector<1x1x16xf32>,
    %swap3A_1159 = arith.constant 0 : i32
    %swap3A_1160 = arith.constant 0 : i32
    %swap3A_1161 = arith.index_cast %swap3A_1159 : i32 to index
    %swap3A_1162 = arith.index_cast %swap3A_1160 : i32 to index
    %swap3A_1163 = arith.constant 96 : index
    %swap3A_1164 = tpu.vector_load %arg8[%swap3A_1161, %swap3A_1162, %swap3A_1163] {strides = array<i32>} : memref<2x80x128xf32, #tpu.memory_space<vmem>>, vector<1x1x16xf32>,
    %swap3A_1165 = vector.shape_cast %swap3A_1164 : vector<1x1x16xf32> to vector<16xf32>
    %swap3A_1166 = vector.shape_cast %broadcast_in_dim3A_1110 : vector<16xf32> to vector<1x1x16xf32>
    tpu.vector_store %arg8[%swap3A_1161, %swap3A_1162, %swap3A_1163], %swap3A_1166 {strides = array<i32>} : memref<2x80x128xf32, #tpu.memory_space<vmem>>, vector<1x1x16xf32>,
    %swap3A_1167 = arith.constant 0 : i32
    %swap3A_1168 = arith.constant 0 : i32
    %swap3A_1169 = arith.index_cast %swap3A_1167 : i32 to index
    %swap3A_1170 = arith.index_cast %swap3A_1168 : i32 to index
    %swap3A_1171 = arith.constant 112 : index
    %swap3A_1172 = tpu.vector_load %arg8[%swap3A_1169, %swap3A_1170, %swap3A_1171] {strides = array<i32>} : memref<2x80x128xf32, #tpu.memory_space<vmem>>, vector<1x1x16xf32>,
    %swap3A_1173 = vector.shape_cast %swap3A_1172 : vector<1x1x16xf32> to vector<16xf32>
    %swap3A_1174 = vector.shape_cast %broadcast_in_dim3A_1110 : vector<16xf32> to vector<1x1x16xf32>
    tpu.vector_store %arg8[%swap3A_1169, %swap3A_1170, %swap3A_1171], %swap3A_1174 {strides = array<i32>} : memref<2x80x128xf32, #tpu.memory_space<vmem>>, vector<1x1x16xf32>,
    %swap3A_1175 = arith.constant 0 : i32
    %swap3A_1176 = arith.constant 1 : i32
    %swap3A_1177 = arith.index_cast %swap3A_1175 : i32 to index
    %swap3A_1178 = arith.index_cast %swap3A_1176 : i32 to index
    %swap3A_1179 = arith.constant 0 : index
    %swap3A_1180 = tpu.vector_load %arg8[%swap3A_1177, %swap3A_1178, %swap3A_1179] {strides = array<i32>} : memref<2x80x128xf32, #tpu.memory_space<vmem>>, vector<1x1x16xf32>,
    %swap3A_1181 = vector.shape_cast %swap3A_1180 : vector<1x1x16xf32> to vector<16xf32>
    %swap3A_1182 = vector.shape_cast %broadcast_in_dim3A_1110 : vector<16xf32> to vector<1x1x16xf32>
    tpu.vector_store %arg8[%swap3A_1177, %swap3A_1178, %swap3A_1179], %swap3A_1182 {strides = array<i32>} : memref<2x80x128xf32, #tpu.memory_space<vmem>>, vector<1x1x16xf32>,
    %swap3A_1183 = arith.constant 0 : i32
    %swap3A_1184 = arith.constant 1 : i32
    %swap3A_1185 = arith.index_cast %swap3A_1183 : i32 to index
    %swap3A_1186 = arith.index_cast %swap3A_1184 : i32 to index
    %swap3A_1187 = arith.constant 16 : index
    %swap3A_1188 = tpu.vector_load %arg8[%swap3A_1185, %swap3A_1186, %swap3A_1187] {strides = array<i32>} : memref<2x80x128xf32, #tpu.memory_space<vmem>>, vector<1x1x16xf32>,
    %swap3A_1189 = vector.shape_cast %swap3A_1188 : vector<1x1x16xf32> to vector<16xf32>
    %swap3A_1190 = vector.shape_cast %broadcast_in_dim3A_1110 : vector<16xf32> to vector<1x1x16xf32>
    tpu.vector_store %arg8[%swap3A_1185, %swap3A_1186, %swap3A_1187], %swap3A_1190 {strides = array<i32>} : memref<2x80x128xf32, #tpu.memory_space<vmem>>, vector<1x1x16xf32>,
    %swap3A_1191 = arith.constant 0 : i32
    %swap3A_1192 = arith.constant 1 : i32
    %swap3A_1193 = arith.index_cast %swap3A_1191 : i32 to index
    %swap3A_1194 = arith.index_cast %swap3A_1192 : i32 to index
    %swap3A_1195 = arith.constant 32 : index
    %swap3A_1196 = tpu.vector_load %arg8[%swap3A_1193, %swap3A_1194, %swap3A_1195] {strides = array<i32>} : memref<2x80x128xf32, #tpu.memory_space<vmem>>, vector<1x1x16xf32>,
    %swap3A_1197 = vector.shape_cast %swap3A_1196 : vector<1x1x16xf32> to vector<16xf32>
    %swap3A_1198 = vector.shape_cast %broadcast_in_dim3A_1110 : vector<16xf32> to vector<1x1x16xf32>
    tpu.vector_store %arg8[%swap3A_1193, %swap3A_1194, %swap3A_1195], %swap3A_1198 {strides = array<i32>} : memref<2x80x128xf32, #tpu.memory_space<vmem>>, vector<1x1x16xf32>,
    %swap3A_1199 = arith.constant 0 : i32
    %swap3A_1200 = arith.constant 1 : i32
    %swap3A_1201 = arith.index_cast %swap3A_1199 : i32 to index
    %swap3A_1202 = arith.index_cast %swap3A_1200 : i32 to index
    %swap3A_1203 = arith.constant 48 : index
    %swap3A_1204 = tpu.vector_load %arg8[%swap3A_1201, %swap3A_1202, %swap3A_1203] {strides = array<i32>} : memref<2x80x128xf32, #tpu.memory_space<vmem>>, vector<1x1x16xf32>,
    %swap3A_1205 = vector.shape_cast %swap3A_1204 : vector<1x1x16xf32> to vector<16xf32>
    %swap3A_1206 = vector.shape_cast %broadcast_in_dim3A_1110 : vector<16xf32> to vector<1x1x16xf32>
    tpu.vector_store %arg8[%swap3A_1201, %swap3A_1202, %swap3A_1203], %swap3A_1206 {strides = array<i32>} : memref<2x80x128xf32, #tpu.memory_space<vmem>>, vector<1x1x16xf32>,
    %swap3A_1207 = arith.constant 0 : i32
    %swap3A_1208 = arith.constant 1 : i32
    %swap3A_1209 = arith.index_cast %swap3A_1207 : i32 to index
    %swap3A_1210 = arith.index_cast %swap3A_1208 : i32 to index
    %swap3A_1211 = arith.constant 64 : index
    %swap3A_1212 = tpu.vector_load %arg8[%swap3A_1209, %swap3A_1210, %swap3A_1211] {strides = array<i32>} : memref<2x80x128xf32, #tpu.memory_space<vmem>>, vector<1x1x16xf32>,
    %swap3A_1213 = vector.shape_cast %swap3A_1212 : vector<1x1x16xf32> to vector<16xf32>
    %swap3A_1214 = vector.shape_cast %broadcast_in_dim3A_1110 : vector<16xf32> to vector<1x1x16xf32>
    tpu.vector_store %arg8[%swap3A_1209, %swap3A_1210, %swap3A_1211], %swap3A_1214 {strides = array<i32>} : memref<2x80x128xf32, #tpu.memory_space<vmem>>, vector<1x1x16xf32>,
    %swap3A_1215 = arith.constant 0 : i32
    %swap3A_1216 = arith.constant 1 : i32
    %swap3A_1217 = arith.index_cast %swap3A_1215 : i32 to index
    %swap3A_1218 = arith.index_cast %swap3A_1216 : i32 to index
    %swap3A_1219 = arith.constant 80 : index
    %swap3A_1220 = tpu.vector_load %arg8[%swap3A_1217, %swap3A_1218, %swap3A_1219] {strides = array<i32>} : memref<2x80x128xf32, #tpu.memory_space<vmem>>, vector<1x1x16xf32>,
    %swap3A_1221 = vector.shape_cast %swap3A_1220 : vector<1x1x16xf32> to vector<16xf32>
    %swap3A_1222 = vector.shape_cast %broadcast_in_dim3A_1110 : vector<16xf32> to vector<1x1x16xf32>
    tpu.vector_store %arg8[%swap3A_1217, %swap3A_1218, %swap3A_1219], %swap3A_1222 {strides = array<i32>} : memref<2x80x128xf32, #tpu.memory_space<vmem>>, vector<1x1x16xf32>,
    %swap3A_1223 = arith.constant 0 : i32
    %swap3A_1224 = arith.constant 1 : i32
    %swap3A_1225 = arith.index_cast %swap3A_1223 : i32 to index
    %swap3A_1226 = arith.index_cast %swap3A_1224 : i32 to index
    %swap3A_1227 = arith.constant 96 : index
    %swap3A_1228 = tpu.vector_load %arg8[%swap3A_1225, %swap3A_1226, %swap3A_1227] {strides = array<i32>} : memref<2x80x128xf32, #tpu.memory_space<vmem>>, vector<1x1x16xf32>,
    %swap3A_1229 = vector.shape_cast %swap3A_1228 : vector<1x1x16xf32> to vector<16xf32>
    %swap3A_1230 = vector.shape_cast %broadcast_in_dim3A_1110 : vector<16xf32> to vector<1x1x16xf32>
    tpu.vector_store %arg8[%swap3A_1225, %swap3A_1226, %swap3A_1227], %swap3A_1230 {strides = array<i32>} : memref<2x80x128xf32, #tpu.memory_space<vmem>>, vector<1x1x16xf32>,
    %swap3A_1231 = arith.constant 0 : i32
    %swap3A_1232 = arith.constant 1 : i32
    %swap3A_1233 = arith.index_cast %swap3A_1231 : i32 to index
    %swap3A_1234 = arith.index_cast %swap3A_1232 : i32 to index
    %swap3A_1235 = arith.constant 112 : index
    %swap3A_1236 = tpu.vector_load %arg8[%swap3A_1233, %swap3A_1234, %swap3A_1235] {strides = array<i32>} : memref<2x80x128xf32, #tpu.memory_space<vmem>>, vector<1x1x16xf32>,
    %swap3A_1237 = vector.shape_cast %swap3A_1236 : vector<1x1x16xf32> to vector<16xf32>
    %swap3A_1238 = vector.shape_cast %broadcast_in_dim3A_1110 : vector<16xf32> to vector<1x1x16xf32>
    tpu.vector_store %arg8[%swap3A_1233, %swap3A_1234, %swap3A_1235], %swap3A_1238 {strides = array<i32>} : memref<2x80x128xf32, #tpu.memory_space<vmem>>, vector<1x1x16xf32>,
    %swap3A_1239 = arith.constant 0 : i32
    %swap3A_1240 = arith.constant 2 : i32
    %swap3A_1241 = arith.index_cast %swap3A_1239 : i32 to index
    %swap3A_1242 = arith.index_cast %swap3A_1240 : i32 to index
    %swap3A_1243 = arith.constant 0 : index
    %swap3A_1244 = tpu.vector_load %arg8[%swap3A_1241, %swap3A_1242, %swap3A_1243] {strides = array<i32>} : memref<2x80x128xf32, #tpu.memory_space<vmem>>, vector<1x1x16xf32>,
    %swap3A_1245 = vector.shape_cast %swap3A_1244 : vector<1x1x16xf32> to vector<16xf32>
    %swap3A_1246 = vector.shape_cast %broadcast_in_dim3A_1110 : vector<16xf32> to vector<1x1x16xf32>
    tpu.vector_store %arg8[%swap3A_1241, %swap3A_1242, %swap3A_1243], %swap3A_1246 {strides = array<i32>} : memref<2x80x128xf32, #tpu.memory_space<vmem>>, vector<1x1x16xf32>,
    %swap3A_1247 = arith.constant 0 : i32
    %swap3A_1248 = arith.constant 2 : i32
    %swap3A_1249 = arith.index_cast %swap3A_1247 : i32 to index
    %swap3A_1250 = arith.index_cast %swap3A_1248 : i32 to index
    %swap3A_1251 = arith.constant 16 : index
    %swap3A_1252 = tpu.vector_load %arg8[%swap3A_1249, %swap3A_1250, %swap3A_1251] {strides = array<i32>} : memref<2x80x128xf32, #tpu.memory_space<vmem>>, vector<1x1x16xf32>,
    %swap3A_1253 = vector.shape_cast %swap3A_1252 : vector<1x1x16xf32> to vector<16xf32>
    %swap3A_1254 = vector.shape_cast %broadcast_in_dim3A_1110 : vector<16xf32> to vector<1x1x16xf32>
    tpu.vector_store %arg8[%swap3A_1249, %swap3A_1250, %swap3A_1251], %swap3A_1254 {strides = array<i32>} : memref<2x80x128xf32, #tpu.memory_space<vmem>>, vector<1x1x16xf32>,
    %swap3A_1255 = arith.constant 0 : i32
    %swap3A_1256 = arith.constant 2 : i32
    %swap3A_1257 = arith.index_cast %swap3A_1255 : i32 to index
    %swap3A_1258 = arith.index_cast %swap3A_1256 : i32 to index
    %swap3A_1259 = arith.constant 32 : index
    %swap3A_1260 = tpu.vector_load %arg8[%swap3A_1257, %swap3A_1258, %swap3A_1259] {strides = array<i32>} : memref<2x80x128xf32, #tpu.memory_space<vmem>>, vector<1x1x16xf32>,
    %swap3A_1261 = vector.shape_cast %swap3A_1260 : vector<1x1x16xf32> to vector<16xf32>
    %swap3A_1262 = vector.shape_cast %broadcast_in_dim3A_1110 : vector<16xf32> to vector<1x1x16xf32>
    tpu.vector_store %arg8[%swap3A_1257, %swap3A_1258, %swap3A_1259], %swap3A_1262 {strides = array<i32>} : memref<2x80x128xf32, #tpu.memory_space<vmem>>, vector<1x1x16xf32>,
    %swap3A_1263 = arith.constant 0 : i32
    %swap3A_1264 = arith.constant 2 : i32
    %swap3A_1265 = arith.index_cast %swap3A_1263 : i32 to index
    %swap3A_1266 = arith.index_cast %swap3A_1264 : i32 to index
    %swap3A_1267 = arith.constant 48 : index
    %swap3A_1268 = tpu.vector_load %arg8[%swap3A_1265, %swap3A_1266, %swap3A_1267] {strides = array<i32>} : memref<2x80x128xf32, #tpu.memory_space<vmem>>, vector<1x1x16xf32>,
    %swap3A_1269 = vector.shape_cast %swap3A_1268 : vector<1x1x16xf32> to vector<16xf32>
    %swap3A_1270 = vector.shape_cast %broadcast_in_dim3A_1110 : vector<16xf32> to vector<1x1x16xf32>
    tpu.vector_store %arg8[%swap3A_1265, %swap3A_1266, %swap3A_1267], %swap3A_1270 {strides = array<i32>} : memref<2x80x128xf32, #tpu.memory_space<vmem>>, vector<1x1x16xf32>,
    %swap3A_1271 = arith.constant 0 : i32
    %swap3A_1272 = arith.constant 2 : i32
    %swap3A_1273 = arith.index_cast %swap3A_1271 : i32 to index
    %swap3A_1274 = arith.index_cast %swap3A_1272 : i32 to index
    %swap3A_1275 = arith.constant 64 : index
    %swap3A_1276 = tpu.vector_load %arg8[%swap3A_1273, %swap3A_1274, %swap3A_1275] {strides = array<i32>} : memref<2x80x128xf32, #tpu.memory_space<vmem>>, vector<1x1x16xf32>,
    %swap3A_1277 = vector.shape_cast %swap3A_1276 : vector<1x1x16xf32> to vector<16xf32>
    %swap3A_1278 = vector.shape_cast %broadcast_in_dim3A_1110 : vector<16xf32> to vector<1x1x16xf32>
    tpu.vector_store %arg8[%swap3A_1273, %swap3A_1274, %swap3A_1275], %swap3A_1278 {strides = array<i32>} : memref<2x80x128xf32, #tpu.memory_space<vmem>>, vector<1x1x16xf32>,
    %swap3A_1279 = arith.constant 0 : i32
    %swap3A_1280 = arith.constant 2 : i32
    %swap3A_1281 = arith.index_cast %swap3A_1279 : i32 to index
    %swap3A_1282 = arith.index_cast %swap3A_1280 : i32 to index
    %swap3A_1283 = arith.constant 80 : index
    %swap3A_1284 = tpu.vector_load %arg8[%swap3A_1281, %swap3A_1282, %swap3A_1283] {strides = array<i32>} : memref<2x80x128xf32, #tpu.memory_space<vmem>>, vector<1x1x16xf32>,
    %swap3A_1285 = vector.shape_cast %swap3A_1284 : vector<1x1x16xf32> to vector<16xf32>
    %swap3A_1286 = vector.shape_cast %broadcast_in_dim3A_1110 : vector<16xf32> to vector<1x1x16xf32>
    tpu.vector_store %arg8[%swap3A_1281, %swap3A_1282, %swap3A_1283], %swap3A_1286 {strides = array<i32>} : memref<2x80x128xf32, #tpu.memory_space<vmem>>, vector<1x1x16xf32>,
    %swap3A_1287 = arith.constant 0 : i32
    %swap3A_1288 = arith.constant 2 : i32
    %swap3A_1289 = arith.index_cast %swap3A_1287 : i32 to index
    %swap3A_1290 = arith.index_cast %swap3A_1288 : i32 to index
    %swap3A_1291 = arith.constant 96 : index
    %swap3A_1292 = tpu.vector_load %arg8[%swap3A_1289, %swap3A_1290, %swap3A_1291] {strides = array<i32>} : memref<2x80x128xf32, #tpu.memory_space<vmem>>, vector<1x1x16xf32>,
    %swap3A_1293 = vector.shape_cast %swap3A_1292 : vector<1x1x16xf32> to vector<16xf32>
    %swap3A_1294 = vector.shape_cast %broadcast_in_dim3A_1110 : vector<16xf32> to vector<1x1x16xf32>
    tpu.vector_store %arg8[%swap3A_1289, %swap3A_1290, %swap3A_1291], %swap3A_1294 {strides = array<i32>} : memref<2x80x128xf32, #tpu.memory_space<vmem>>, vector<1x1x16xf32>,
    %swap3A_1295 = arith.constant 0 : i32
    %swap3A_1296 = arith.constant 2 : i32
    %swap3A_1297 = arith.index_cast %swap3A_1295 : i32 to index
    %swap3A_1298 = arith.index_cast %swap3A_1296 : i32 to index
    %swap3A_1299 = arith.constant 112 : index
    %swap3A_1300 = tpu.vector_load %arg8[%swap3A_1297, %swap3A_1298, %swap3A_1299] {strides = array<i32>} : memref<2x80x128xf32, #tpu.memory_space<vmem>>, vector<1x1x16xf32>,
    %swap3A_1301 = vector.shape_cast %swap3A_1300 : vector<1x1x16xf32> to vector<16xf32>
    %swap3A_1302 = vector.shape_cast %broadcast_in_dim3A_1110 : vector<16xf32> to vector<1x1x16xf32>
    tpu.vector_store %arg8[%swap3A_1297, %swap3A_1298, %swap3A_1299], %swap3A_1302 {strides = array<i32>} : memref<2x80x128xf32, #tpu.memory_space<vmem>>, vector<1x1x16xf32>,
    %swap3A_1303 = arith.constant 0 : i32
    %swap3A_1304 = arith.constant 3 : i32
    %swap3A_1305 = arith.index_cast %swap3A_1303 : i32 to index
    %swap3A_1306 = arith.index_cast %swap3A_1304 : i32 to index
    %swap3A_1307 = arith.constant 0 : index
    %swap3A_1308 = tpu.vector_load %arg8[%swap3A_1305, %swap3A_1306, %swap3A_1307] {strides = array<i32>} : memref<2x80x128xf32, #tpu.memory_space<vmem>>, vector<1x1x16xf32>,
    %swap3A_1309 = vector.shape_cast %swap3A_1308 : vector<1x1x16xf32> to vector<16xf32>
    %swap3A_1310 = vector.shape_cast %broadcast_in_dim3A_1110 : vector<16xf32> to vector<1x1x16xf32>
    tpu.vector_store %arg8[%swap3A_1305, %swap3A_1306, %swap3A_1307], %swap3A_1310 {strides = array<i32>} : memref<2x80x128xf32, #tpu.memory_space<vmem>>, vector<1x1x16xf32>,
    %swap3A_1311 = arith.constant 0 : i32
    %swap3A_1312 = arith.constant 3 : i32
    %swap3A_1313 = arith.index_cast %swap3A_1311 : i32 to index
    %swap3A_1314 = arith.index_cast %swap3A_1312 : i32 to index
    %swap3A_1315 = arith.constant 16 : index
    %swap3A_1316 = tpu.vector_load %arg8[%swap3A_1313, %swap3A_1314, %swap3A_1315] {strides = array<i32>} : memref<2x80x128xf32, #tpu.memory_space<vmem>>, vector<1x1x16xf32>,
    %swap3A_1317 = vector.shape_cast %swap3A_1316 : vector<1x1x16xf32> to vector<16xf32>
    %swap3A_1318 = vector.shape_cast %broadcast_in_dim3A_1110 : vector<16xf32> to vector<1x1x16xf32>
    tpu.vector_store %arg8[%swap3A_1313, %swap3A_1314, %swap3A_1315], %swap3A_1318 {strides = array<i32>} : memref<2x80x128xf32, #tpu.memory_space<vmem>>, vector<1x1x16xf32>,
    %swap3A_1319 = arith.constant 0 : i32
    %swap3A_1320 = arith.constant 3 : i32
    %swap3A_1321 = arith.index_cast %swap3A_1319 : i32 to index
    %swap3A_1322 = arith.index_cast %swap3A_1320 : i32 to index
    %swap3A_1323 = arith.constant 32 : index
    %swap3A_1324 = tpu.vector_load %arg8[%swap3A_1321, %swap3A_1322, %swap3A_1323] {strides = array<i32>} : memref<2x80x128xf32, #tpu.memory_space<vmem>>, vector<1x1x16xf32>,
    %swap3A_1325 = vector.shape_cast %swap3A_1324 : vector<1x1x16xf32> to vector<16xf32>
    %swap3A_1326 = vector.shape_cast %broadcast_in_dim3A_1110 : vector<16xf32> to vector<1x1x16xf32>
    tpu.vector_store %arg8[%swap3A_1321, %swap3A_1322, %swap3A_1323], %swap3A_1326 {strides = array<i32>} : memref<2x80x128xf32, #tpu.memory_space<vmem>>, vector<1x1x16xf32>,
    %swap3A_1327 = arith.constant 0 : i32
    %swap3A_1328 = arith.constant 3 : i32
    %swap3A_1329 = arith.index_cast %swap3A_1327 : i32 to index
    %swap3A_1330 = arith.index_cast %swap3A_1328 : i32 to index
    %swap3A_1331 = arith.constant 48 : index
    %swap3A_1332 = tpu.vector_load %arg8[%swap3A_1329, %swap3A_1330, %swap3A_1331] {strides = array<i32>} : memref<2x80x128xf32, #tpu.memory_space<vmem>>, vector<1x1x16xf32>,
    %swap3A_1333 = vector.shape_cast %swap3A_1332 : vector<1x1x16xf32> to vector<16xf32>
    %swap3A_1334 = vector.shape_cast %broadcast_in_dim3A_1110 : vector<16xf32> to vector<1x1x16xf32>
    tpu.vector_store %arg8[%swap3A_1329, %swap3A_1330, %swap3A_1331], %swap3A_1334 {strides = array<i32>} : memref<2x80x128xf32, #tpu.memory_space<vmem>>, vector<1x1x16xf32>,
    %swap3A_1335 = arith.constant 0 : i32
    %swap3A_1336 = arith.constant 3 : i32
    %swap3A_1337 = arith.index_cast %swap3A_1335 : i32 to index
    %swap3A_1338 = arith.index_cast %swap3A_1336 : i32 to index
    %swap3A_1339 = arith.constant 64 : index
    %swap3A_1340 = tpu.vector_load %arg8[%swap3A_1337, %swap3A_1338, %swap3A_1339] {strides = array<i32>} : memref<2x80x128xf32, #tpu.memory_space<vmem>>, vector<1x1x16xf32>,
    %swap3A_1341 = vector.shape_cast %swap3A_1340 : vector<1x1x16xf32> to vector<16xf32>
    %swap3A_1342 = vector.shape_cast %broadcast_in_dim3A_1110 : vector<16xf32> to vector<1x1x16xf32>
    tpu.vector_store %arg8[%swap3A_1337, %swap3A_1338, %swap3A_1339], %swap3A_1342 {strides = array<i32>} : memref<2x80x128xf32, #tpu.memory_space<vmem>>, vector<1x1x16xf32>,
    %swap3A_1343 = arith.constant 0 : i32
    %swap3A_1344 = arith.constant 3 : i32
    %swap3A_1345 = arith.index_cast %swap3A_1343 : i32 to index
    %swap3A_1346 = arith.index_cast %swap3A_1344 : i32 to index
    %swap3A_1347 = arith.constant 80 : index
    %swap3A_1348 = tpu.vector_load %arg8[%swap3A_1345, %swap3A_1346, %swap3A_1347] {strides = array<i32>} : memref<2x80x128xf32, #tpu.memory_space<vmem>>, vector<1x1x16xf32>,
    %swap3A_1349 = vector.shape_cast %swap3A_1348 : vector<1x1x16xf32> to vector<16xf32>
    %swap3A_1350 = vector.shape_cast %broadcast_in_dim3A_1110 : vector<16xf32> to vector<1x1x16xf32>
    tpu.vector_store %arg8[%swap3A_1345, %swap3A_1346, %swap3A_1347], %swap3A_1350 {strides = array<i32>} : memref<2x80x128xf32, #tpu.memory_space<vmem>>, vector<1x1x16xf32>,
    %swap3A_1351 = arith.constant 0 : i32
    %swap3A_1352 = arith.constant 3 : i32
    %swap3A_1353 = arith.index_cast %swap3A_1351 : i32 to index
    %swap3A_1354 = arith.index_cast %swap3A_1352 : i32 to index
    %swap3A_1355 = arith.constant 96 : index
    %swap3A_1356 = tpu.vector_load %arg8[%swap3A_1353, %swap3A_1354, %swap3A_1355] {strides = array<i32>} : memref<2x80x128xf32, #tpu.memory_space<vmem>>, vector<1x1x16xf32>,
    %swap3A_1357 = vector.shape_cast %swap3A_1356 : vector<1x1x16xf32> to vector<16xf32>
    %swap3A_1358 = vector.shape_cast %broadcast_in_dim3A_1110 : vector<16xf32> to vector<1x1x16xf32>
    tpu.vector_store %arg8[%swap3A_1353, %swap3A_1354, %swap3A_1355], %swap3A_1358 {strides = array<i32>} : memref<2x80x128xf32, #tpu.memory_space<vmem>>, vector<1x1x16xf32>,
    %swap3A_1359 = arith.constant 0 : i32
    %swap3A_1360 = arith.constant 3 : i32
    %swap3A_1361 = arith.index_cast %swap3A_1359 : i32 to index
    %swap3A_1362 = arith.index_cast %swap3A_1360 : i32 to index
    %swap3A_1363 = arith.constant 112 : index
    %swap3A_1364 = tpu.vector_load %arg8[%swap3A_1361, %swap3A_1362, %swap3A_1363] {strides = array<i32>} : memref<2x80x128xf32, #tpu.memory_space<vmem>>, vector<1x1x16xf32>,
    %swap3A_1365 = vector.shape_cast %swap3A_1364 : vector<1x1x16xf32> to vector<16xf32>
    %swap3A_1366 = vector.shape_cast %broadcast_in_dim3A_1110 : vector<16xf32> to vector<1x1x16xf32>
    tpu.vector_store %arg8[%swap3A_1361, %swap3A_1362, %swap3A_1363], %swap3A_1366 {strides = array<i32>} : memref<2x80x128xf32, #tpu.memory_space<vmem>>, vector<1x1x16xf32>,
    %swap3A_1367 = arith.constant 0 : i32
    %swap3A_1368 = arith.constant 4 : i32
    %swap3A_1369 = arith.index_cast %swap3A_1367 : i32 to index
    %swap3A_1370 = arith.index_cast %swap3A_1368 : i32 to index
    %swap3A_1371 = arith.constant 0 : index
    %swap3A_1372 = tpu.vector_load %arg8[%swap3A_1369, %swap3A_1370, %swap3A_1371] {strides = array<i32>} : memref<2x80x128xf32, #tpu.memory_space<vmem>>, vector<1x1x16xf32>,
    %swap3A_1373 = vector.shape_cast %swap3A_1372 : vector<1x1x16xf32> to vector<16xf32>
    %swap3A_1374 = vector.shape_cast %broadcast_in_dim3A_1110 : vector<16xf32> to vector<1x1x16xf32>
    tpu.vector_store %arg8[%swap3A_1369, %swap3A_1370, %swap3A_1371], %swap3A_1374 {strides = array<i32>} : memref<2x80x128xf32, #tpu.memory_space<vmem>>, vector<1x1x16xf32>,
    %swap3A_1375 = arith.constant 0 : i32
    %swap3A_1376 = arith.constant 4 : i32
    %swap3A_1377 = arith.index_cast %swap3A_1375 : i32 to index
    %swap3A_1378 = arith.index_cast %swap3A_1376 : i32 to index
    %swap3A_1379 = arith.constant 16 : index
    %swap3A_1380 = tpu.vector_load %arg8[%swap3A_1377, %swap3A_1378, %swap3A_1379] {strides = array<i32>} : memref<2x80x128xf32, #tpu.memory_space<vmem>>, vector<1x1x16xf32>,
    %swap3A_1381 = vector.shape_cast %swap3A_1380 : vector<1x1x16xf32> to vector<16xf32>
    %swap3A_1382 = vector.shape_cast %broadcast_in_dim3A_1110 : vector<16xf32> to vector<1x1x16xf32>
    tpu.vector_store %arg8[%swap3A_1377, %swap3A_1378, %swap3A_1379], %swap3A_1382 {strides = array<i32>} : memref<2x80x128xf32, #tpu.memory_space<vmem>>, vector<1x1x16xf32>,
    %swap3A_1383 = arith.constant 0 : i32
    %swap3A_1384 = arith.constant 4 : i32
    %swap3A_1385 = arith.index_cast %swap3A_1383 : i32 to index
    %swap3A_1386 = arith.index_cast %swap3A_1384 : i32 to index
    %swap3A_1387 = arith.constant 32 : index
    %swap3A_1388 = tpu.vector_load %arg8[%swap3A_1385, %swap3A_1386, %swap3A_1387] {strides = array<i32>} : memref<2x80x128xf32, #tpu.memory_space<vmem>>, vector<1x1x16xf32>,
    %swap3A_1389 = vector.shape_cast %swap3A_1388 : vector<1x1x16xf32> to vector<16xf32>
    %swap3A_1390 = vector.shape_cast %broadcast_in_dim3A_1110 : vector<16xf32> to vector<1x1x16xf32>
    tpu.vector_store %arg8[%swap3A_1385, %swap3A_1386, %swap3A_1387], %swap3A_1390 {strides = array<i32>} : memref<2x80x128xf32, #tpu.memory_space<vmem>>, vector<1x1x16xf32>,
    %swap3A_1391 = arith.constant 0 : i32
    %swap3A_1392 = arith.constant 4 : i32
    %swap3A_1393 = arith.index_cast %swap3A_1391 : i32 to index
    %swap3A_1394 = arith.index_cast %swap3A_1392 : i32 to index
    %swap3A_1395 = arith.constant 48 : index
    %swap3A_1396 = tpu.vector_load %arg8[%swap3A_1393, %swap3A_1394, %swap3A_1395] {strides = array<i32>} : memref<2x80x128xf32, #tpu.memory_space<vmem>>, vector<1x1x16xf32>,
    %swap3A_1397 = vector.shape_cast %swap3A_1396 : vector<1x1x16xf32> to vector<16xf32>
    %swap3A_1398 = vector.shape_cast %broadcast_in_dim3A_1110 : vector<16xf32> to vector<1x1x16xf32>
    tpu.vector_store %arg8[%swap3A_1393, %swap3A_1394, %swap3A_1395], %swap3A_1398 {strides = array<i32>} : memref<2x80x128xf32, #tpu.memory_space<vmem>>, vector<1x1x16xf32>,
    %swap3A_1399 = arith.constant 0 : i32
    %swap3A_1400 = arith.constant 4 : i32
    %swap3A_1401 = arith.index_cast %swap3A_1399 : i32 to index
    %swap3A_1402 = arith.index_cast %swap3A_1400 : i32 to index
    %swap3A_1403 = arith.constant 64 : index
    %swap3A_1404 = tpu.vector_load %arg8[%swap3A_1401, %swap3A_1402, %swap3A_1403] {strides = array<i32>} : memref<2x80x128xf32, #tpu.memory_space<vmem>>, vector<1x1x16xf32>,
    %swap3A_1405 = vector.shape_cast %swap3A_1404 : vector<1x1x16xf32> to vector<16xf32>
    %swap3A_1406 = vector.shape_cast %broadcast_in_dim3A_1110 : vector<16xf32> to vector<1x1x16xf32>
    tpu.vector_store %arg8[%swap3A_1401, %swap3A_1402, %swap3A_1403], %swap3A_1406 {strides = array<i32>} : memref<2x80x128xf32, #tpu.memory_space<vmem>>, vector<1x1x16xf32>,
    %swap3A_1407 = arith.constant 0 : i32
    %swap3A_1408 = arith.constant 4 : i32
    %swap3A_1409 = arith.index_cast %swap3A_1407 : i32 to index
    %swap3A_1410 = arith.index_cast %swap3A_1408 : i32 to index
    %swap3A_1411 = arith.constant 80 : index
    %swap3A_1412 = tpu.vector_load %arg8[%swap3A_1409, %swap3A_1410, %swap3A_1411] {strides = array<i32>} : memref<2x80x128xf32, #tpu.memory_space<vmem>>, vector<1x1x16xf32>,
    %swap3A_1413 = vector.shape_cast %swap3A_1412 : vector<1x1x16xf32> to vector<16xf32>
    %swap3A_1414 = vector.shape_cast %broadcast_in_dim3A_1110 : vector<16xf32> to vector<1x1x16xf32>
    tpu.vector_store %arg8[%swap3A_1409, %swap3A_1410, %swap3A_1411], %swap3A_1414 {strides = array<i32>} : memref<2x80x128xf32, #tpu.memory_space<vmem>>, vector<1x1x16xf32>,
    %swap3A_1415 = arith.constant 0 : i32
    %swap3A_1416 = arith.constant 4 : i32
    %swap3A_1417 = arith.index_cast %swap3A_1415 : i32 to index
    %swap3A_1418 = arith.index_cast %swap3A_1416 : i32 to index
    %swap3A_1419 = arith.constant 96 : index
    %swap3A_1420 = tpu.vector_load %arg8[%swap3A_1417, %swap3A_1418, %swap3A_1419] {strides = array<i32>} : memref<2x80x128xf32, #tpu.memory_space<vmem>>, vector<1x1x16xf32>,
    %swap3A_1421 = vector.shape_cast %swap3A_1420 : vector<1x1x16xf32> to vector<16xf32>
    %swap3A_1422 = vector.shape_cast %broadcast_in_dim3A_1110 : vector<16xf32> to vector<1x1x16xf32>
    tpu.vector_store %arg8[%swap3A_1417, %swap3A_1418, %swap3A_1419], %swap3A_1422 {strides = array<i32>} : memref<2x80x128xf32, #tpu.memory_space<vmem>>, vector<1x1x16xf32>,
    %swap3A_1423 = arith.constant 0 : i32
    %swap3A_1424 = arith.constant 4 : i32
    %swap3A_1425 = arith.index_cast %swap3A_1423 : i32 to index
    %swap3A_1426 = arith.index_cast %swap3A_1424 : i32 to index
    %swap3A_1427 = arith.constant 112 : index
    %swap3A_1428 = tpu.vector_load %arg8[%swap3A_1425, %swap3A_1426, %swap3A_1427] {strides = array<i32>} : memref<2x80x128xf32, #tpu.memory_space<vmem>>, vector<1x1x16xf32>,
    %swap3A_1429 = vector.shape_cast %swap3A_1428 : vector<1x1x16xf32> to vector<16xf32>
    %swap3A_1430 = vector.shape_cast %broadcast_in_dim3A_1110 : vector<16xf32> to vector<1x1x16xf32>
    tpu.vector_store %arg8[%swap3A_1425, %swap3A_1426, %swap3A_1427], %swap3A_1430 {strides = array<i32>} : memref<2x80x128xf32, #tpu.memory_space<vmem>>, vector<1x1x16xf32>,
    %swap3A_1431 = arith.constant 0 : i32
    %swap3A_1432 = arith.constant 5 : i32
    %swap3A_1433 = arith.index_cast %swap3A_1431 : i32 to index
    %swap3A_1434 = arith.index_cast %swap3A_1432 : i32 to index
    %swap3A_1435 = arith.constant 0 : index
    %swap3A_1436 = tpu.vector_load %arg8[%swap3A_1433, %swap3A_1434, %swap3A_1435] {strides = array<i32>} : memref<2x80x128xf32, #tpu.memory_space<vmem>>, vector<1x1x16xf32>,
    %swap3A_1437 = vector.shape_cast %swap3A_1436 : vector<1x1x16xf32> to vector<16xf32>
    %swap3A_1438 = vector.shape_cast %broadcast_in_dim3A_1110 : vector<16xf32> to vector<1x1x16xf32>
    tpu.vector_store %arg8[%swap3A_1433, %swap3A_1434, %swap3A_1435], %swap3A_1438 {strides = array<i32>} : memref<2x80x128xf32, #tpu.memory_space<vmem>>, vector<1x1x16xf32>,
    %swap3A_1439 = arith.constant 0 : i32
    %swap3A_1440 = arith.constant 5 : i32
    %swap3A_1441 = arith.index_cast %swap3A_1439 : i32 to index
    %swap3A_1442 = arith.index_cast %swap3A_1440 : i32 to index
    %swap3A_1443 = arith.constant 16 : index
    %swap3A_1444 = tpu.vector_load %arg8[%swap3A_1441, %swap3A_1442, %swap3A_1443] {strides = array<i32>} : memref<2x80x128xf32, #tpu.memory_space<vmem>>, vector<1x1x16xf32>,
    %swap3A_1445 = vector.shape_cast %swap3A_1444 : vector<1x1x16xf32> to vector<16xf32>
    %swap3A_1446 = vector.shape_cast %broadcast_in_dim3A_1110 : vector<16xf32> to vector<1x1x16xf32>
    tpu.vector_store %arg8[%swap3A_1441, %swap3A_1442, %swap3A_1443], %swap3A_1446 {strides = array<i32>} : memref<2x80x128xf32, #tpu.memory_space<vmem>>, vector<1x1x16xf32>,
    %swap3A_1447 = arith.constant 0 : i32
    %swap3A_1448 = arith.constant 5 : i32
    %swap3A_1449 = arith.index_cast %swap3A_1447 : i32 to index
    %swap3A_1450 = arith.index_cast %swap3A_1448 : i32 to index
    %swap3A_1451 = arith.constant 32 : index
    %swap3A_1452 = tpu.vector_load %arg8[%swap3A_1449, %swap3A_1450, %swap3A_1451] {strides = array<i32>} : memref<2x80x128xf32, #tpu.memory_space<vmem>>, vector<1x1x16xf32>,
    %swap3A_1453 = vector.shape_cast %swap3A_1452 : vector<1x1x16xf32> to vector<16xf32>
    %swap3A_1454 = vector.shape_cast %broadcast_in_dim3A_1110 : vector<16xf32> to vector<1x1x16xf32>
    tpu.vector_store %arg8[%swap3A_1449, %swap3A_1450, %swap3A_1451], %swap3A_1454 {strides = array<i32>} : memref<2x80x128xf32, #tpu.memory_space<vmem>>, vector<1x1x16xf32>,
    %swap3A_1455 = arith.constant 0 : i32
    %swap3A_1456 = arith.constant 5 : i32
    %swap3A_1457 = arith.index_cast %swap3A_1455 : i32 to index
    %swap3A_1458 = arith.index_cast %swap3A_1456 : i32 to index
    %swap3A_1459 = arith.constant 48 : index
    %swap3A_1460 = tpu.vector_load %arg8[%swap3A_1457, %swap3A_1458, %swap3A_1459] {strides = array<i32>} : memref<2x80x128xf32, #tpu.memory_space<vmem>>, vector<1x1x16xf32>,
    %swap3A_1461 = vector.shape_cast %swap3A_1460 : vector<1x1x16xf32> to vector<16xf32>
    %swap3A_1462 = vector.shape_cast %broadcast_in_dim3A_1110 : vector<16xf32> to vector<1x1x16xf32>
    tpu.vector_store %arg8[%swap3A_1457, %swap3A_1458, %swap3A_1459], %swap3A_1462 {strides = array<i32>} : memref<2x80x128xf32, #tpu.memory_space<vmem>>, vector<1x1x16xf32>,
    %swap3A_1463 = arith.constant 0 : i32
    %swap3A_1464 = arith.constant 5 : i32
    %swap3A_1465 = arith.index_cast %swap3A_1463 : i32 to index
    %swap3A_1466 = arith.index_cast %swap3A_1464 : i32 to index
    %swap3A_1467 = arith.constant 64 : index
    %swap3A_1468 = tpu.vector_load %arg8[%swap3A_1465, %swap3A_1466, %swap3A_1467] {strides = array<i32>} : memref<2x80x128xf32, #tpu.memory_space<vmem>>, vector<1x1x16xf32>,
    %swap3A_1469 = vector.shape_cast %swap3A_1468 : vector<1x1x16xf32> to vector<16xf32>
    %swap3A_1470 = vector.shape_cast %broadcast_in_dim3A_1110 : vector<16xf32> to vector<1x1x16xf32>
    tpu.vector_store %arg8[%swap3A_1465, %swap3A_1466, %swap3A_1467], %swap3A_1470 {strides = array<i32>} : memref<2x80x128xf32, #tpu.memory_space<vmem>>, vector<1x1x16xf32>,
    %swap3A_1471 = arith.constant 0 : i32
    %swap3A_1472 = arith.constant 5 : i32
    %swap3A_1473 = arith.index_cast %swap3A_1471 : i32 to index
    %swap3A_1474 = arith.index_cast %swap3A_1472 : i32 to index
    %swap3A_1475 = arith.constant 80 : index
    %swap3A_1476 = tpu.vector_load %arg8[%swap3A_1473, %swap3A_1474, %swap3A_1475] {strides = array<i32>} : memref<2x80x128xf32, #tpu.memory_space<vmem>>, vector<1x1x16xf32>,
    %swap3A_1477 = vector.shape_cast %swap3A_1476 : vector<1x1x16xf32> to vector<16xf32>
    %swap3A_1478 = vector.shape_cast %broadcast_in_dim3A_1110 : vector<16xf32> to vector<1x1x16xf32>
    tpu.vector_store %arg8[%swap3A_1473, %swap3A_1474, %swap3A_1475], %swap3A_1478 {strides = array<i32>} : memref<2x80x128xf32, #tpu.memory_space<vmem>>, vector<1x1x16xf32>,
    %swap3A_1479 = arith.constant 0 : i32
    %swap3A_1480 = arith.constant 5 : i32
    %swap3A_1481 = arith.index_cast %swap3A_1479 : i32 to index
    %swap3A_1482 = arith.index_cast %swap3A_1480 : i32 to index
    %swap3A_1483 = arith.constant 96 : index
    %swap3A_1484 = tpu.vector_load %arg8[%swap3A_1481, %swap3A_1482, %swap3A_1483] {strides = array<i32>} : memref<2x80x128xf32, #tpu.memory_space<vmem>>, vector<1x1x16xf32>,
    %swap3A_1485 = vector.shape_cast %swap3A_1484 : vector<1x1x16xf32> to vector<16xf32>
    %swap3A_1486 = vector.shape_cast %broadcast_in_dim3A_1110 : vector<16xf32> to vector<1x1x16xf32>
    tpu.vector_store %arg8[%swap3A_1481, %swap3A_1482, %swap3A_1483], %swap3A_1486 {strides = array<i32>} : memref<2x80x128xf32, #tpu.memory_space<vmem>>, vector<1x1x16xf32>,
    %swap3A_1487 = arith.constant 0 : i32
    %swap3A_1488 = arith.constant 5 : i32
    %swap3A_1489 = arith.index_cast %swap3A_1487 : i32 to index
    %swap3A_1490 = arith.index_cast %swap3A_1488 : i32 to index
    %swap3A_1491 = arith.constant 112 : index
    %swap3A_1492 = tpu.vector_load %arg8[%swap3A_1489, %swap3A_1490, %swap3A_1491] {strides = array<i32>} : memref<2x80x128xf32, #tpu.memory_space<vmem>>, vector<1x1x16xf32>,
    %swap3A_1493 = vector.shape_cast %swap3A_1492 : vector<1x1x16xf32> to vector<16xf32>
    %swap3A_1494 = vector.shape_cast %broadcast_in_dim3A_1110 : vector<16xf32> to vector<1x1x16xf32>
    tpu.vector_store %arg8[%swap3A_1489, %swap3A_1490, %swap3A_1491], %swap3A_1494 {strides = array<i32>} : memref<2x80x128xf32, #tpu.memory_space<vmem>>, vector<1x1x16xf32>,
    %swap3A_1495 = arith.constant 0 : i32
    %swap3A_1496 = arith.constant 6 : i32
    %swap3A_1497 = arith.index_cast %swap3A_1495 : i32 to index
    %swap3A_1498 = arith.index_cast %swap3A_1496 : i32 to index
    %swap3A_1499 = arith.constant 0 : index
    %swap3A_1500 = tpu.vector_load %arg8[%swap3A_1497, %swap3A_1498, %swap3A_1499] {strides = array<i32>} : memref<2x80x128xf32, #tpu.memory_space<vmem>>, vector<1x1x16xf32>,
    %swap3A_1501 = vector.shape_cast %swap3A_1500 : vector<1x1x16xf32> to vector<16xf32>
    %swap3A_1502 = vector.shape_cast %broadcast_in_dim3A_1110 : vector<16xf32> to vector<1x1x16xf32>
    tpu.vector_store %arg8[%swap3A_1497, %swap3A_1498, %swap3A_1499], %swap3A_1502 {strides = array<i32>} : memref<2x80x128xf32, #tpu.memory_space<vmem>>, vector<1x1x16xf32>,
    %swap3A_1503 = arith.constant 0 : i32
    %swap3A_1504 = arith.constant 6 : i32
    %swap3A_1505 = arith.index_cast %swap3A_1503 : i32 to index
    %swap3A_1506 = arith.index_cast %swap3A_1504 : i32 to index
    %swap3A_1507 = arith.constant 16 : index
    %swap3A_1508 = tpu.vector_load %arg8[%swap3A_1505, %swap3A_1506, %swap3A_1507] {strides = array<i32>} : memref<2x80x128xf32, #tpu.memory_space<vmem>>, vector<1x1x16xf32>,
    %swap3A_1509 = vector.shape_cast %swap3A_1508 : vector<1x1x16xf32> to vector<16xf32>
    %swap3A_1510 = vector.shape_cast %broadcast_in_dim3A_1110 : vector<16xf32> to vector<1x1x16xf32>
    tpu.vector_store %arg8[%swap3A_1505, %swap3A_1506, %swap3A_1507], %swap3A_1510 {strides = array<i32>} : memref<2x80x128xf32, #tpu.memory_space<vmem>>, vector<1x1x16xf32>,
    %swap3A_1511 = arith.constant 0 : i32
    %swap3A_1512 = arith.constant 6 : i32
    %swap3A_1513 = arith.index_cast %swap3A_1511 : i32 to index
    %swap3A_1514 = arith.index_cast %swap3A_1512 : i32 to index
    %swap3A_1515 = arith.constant 32 : index
    %swap3A_1516 = tpu.vector_load %arg8[%swap3A_1513, %swap3A_1514, %swap3A_1515] {strides = array<i32>} : memref<2x80x128xf32, #tpu.memory_space<vmem>>, vector<1x1x16xf32>,
    %swap3A_1517 = vector.shape_cast %swap3A_1516 : vector<1x1x16xf32> to vector<16xf32>
    %swap3A_1518 = vector.shape_cast %broadcast_in_dim3A_1110 : vector<16xf32> to vector<1x1x16xf32>
    tpu.vector_store %arg8[%swap3A_1513, %swap3A_1514, %swap3A_1515], %swap3A_1518 {strides = array<i32>} : memref<2x80x128xf32, #tpu.memory_space<vmem>>, vector<1x1x16xf32>,
    %swap3A_1519 = arith.constant 0 : i32
    %swap3A_1520 = arith.constant 6 : i32
    %swap3A_1521 = arith.index_cast %swap3A_1519 : i32 to index
    %swap3A_1522 = arith.index_cast %swap3A_1520 : i32 to index
    %swap3A_1523 = arith.constant 48 : index
    %swap3A_1524 = tpu.vector_load %arg8[%swap3A_1521, %swap3A_1522, %swap3A_1523] {strides = array<i32>} : memref<2x80x128xf32, #tpu.memory_space<vmem>>, vector<1x1x16xf32>,
    %swap3A_1525 = vector.shape_cast %swap3A_1524 : vector<1x1x16xf32> to vector<16xf32>
    %swap3A_1526 = vector.shape_cast %broadcast_in_dim3A_1110 : vector<16xf32> to vector<1x1x16xf32>
    tpu.vector_store %arg8[%swap3A_1521, %swap3A_1522, %swap3A_1523], %swap3A_1526 {strides = array<i32>} : memref<2x80x128xf32, #tpu.memory_space<vmem>>, vector<1x1x16xf32>,
    %swap3A_1527 = arith.constant 0 : i32
    %swap3A_1528 = arith.constant 6 : i32
    %swap3A_1529 = arith.index_cast %swap3A_1527 : i32 to index
    %swap3A_1530 = arith.index_cast %swap3A_1528 : i32 to index
    %swap3A_1531 = arith.constant 64 : index
    %swap3A_1532 = tpu.vector_load %arg8[%swap3A_1529, %swap3A_1530, %swap3A_1531] {strides = array<i32>} : memref<2x80x128xf32, #tpu.memory_space<vmem>>, vector<1x1x16xf32>,
    %swap3A_1533 = vector.shape_cast %swap3A_1532 : vector<1x1x16xf32> to vector<16xf32>
    %swap3A_1534 = vector.shape_cast %broadcast_in_dim3A_1110 : vector<16xf32> to vector<1x1x16xf32>
    tpu.vector_store %arg8[%swap3A_1529, %swap3A_1530, %swap3A_1531], %swap3A_1534 {strides = array<i32>} : memref<2x80x128xf32, #tpu.memory_space<vmem>>, vector<1x1x16xf32>,
    %swap3A_1535 = arith.constant 0 : i32
    %swap3A_1536 = arith.constant 6 : i32
    %swap3A_1537 = arith.index_cast %swap3A_1535 : i32 to index
    %swap3A_1538 = arith.index_cast %swap3A_1536 : i32 to index
    %swap3A_1539 = arith.constant 80 : index
    %swap3A_1540 = tpu.vector_load %arg8[%swap3A_1537, %swap3A_1538, %swap3A_1539] {strides = array<i32>} : memref<2x80x128xf32, #tpu.memory_space<vmem>>, vector<1x1x16xf32>,
    %swap3A_1541 = vector.shape_cast %swap3A_1540 : vector<1x1x16xf32> to vector<16xf32>
    %swap3A_1542 = vector.shape_cast %broadcast_in_dim3A_1110 : vector<16xf32> to vector<1x1x16xf32>
    tpu.vector_store %arg8[%swap3A_1537, %swap3A_1538, %swap3A_1539], %swap3A_1542 {strides = array<i32>} : memref<2x80x128xf32, #tpu.memory_space<vmem>>, vector<1x1x16xf32>,
    %swap3A_1543 = arith.constant 0 : i32
    %swap3A_1544 = arith.constant 6 : i32
    %swap3A_1545 = arith.index_cast %swap3A_1543 : i32 to index
    %swap3A_1546 = arith.index_cast %swap3A_1544 : i32 to index
    %swap3A_1547 = arith.constant 96 : index
    %swap3A_1548 = tpu.vector_load %arg8[%swap3A_1545, %swap3A_1546, %swap3A_1547] {strides = array<i32>} : memref<2x80x128xf32, #tpu.memory_space<vmem>>, vector<1x1x16xf32>,
    %swap3A_1549 = vector.shape_cast %swap3A_1548 : vector<1x1x16xf32> to vector<16xf32>
    %swap3A_1550 = vector.shape_cast %broadcast_in_dim3A_1110 : vector<16xf32> to vector<1x1x16xf32>
    tpu.vector_store %arg8[%swap3A_1545, %swap3A_1546, %swap3A_1547], %swap3A_1550 {strides = array<i32>} : memref<2x80x128xf32, #tpu.memory_space<vmem>>, vector<1x1x16xf32>,
    %swap3A_1551 = arith.constant 0 : i32
    %swap3A_1552 = arith.constant 6 : i32
    %swap3A_1553 = arith.index_cast %swap3A_1551 : i32 to index
    %swap3A_1554 = arith.index_cast %swap3A_1552 : i32 to index
    %swap3A_1555 = arith.constant 112 : index
    %swap3A_1556 = tpu.vector_load %arg8[%swap3A_1553, %swap3A_1554, %swap3A_1555] {strides = array<i32>} : memref<2x80x128xf32, #tpu.memory_space<vmem>>, vector<1x1x16xf32>,
    %swap3A_1557 = vector.shape_cast %swap3A_1556 : vector<1x1x16xf32> to vector<16xf32>
    %swap3A_1558 = vector.shape_cast %broadcast_in_dim3A_1110 : vector<16xf32> to vector<1x1x16xf32>
    tpu.vector_store %arg8[%swap3A_1553, %swap3A_1554, %swap3A_1555], %swap3A_1558 {strides = array<i32>} : memref<2x80x128xf32, #tpu.memory_space<vmem>>, vector<1x1x16xf32>,
    %swap3A_1559 = arith.constant 0 : i32
    %swap3A_1560 = arith.constant 7 : i32
    %swap3A_1561 = arith.index_cast %swap3A_1559 : i32 to index
    %swap3A_1562 = arith.index_cast %swap3A_1560 : i32 to index
    %swap3A_1563 = arith.constant 0 : index
    %swap3A_1564 = tpu.vector_load %arg8[%swap3A_1561, %swap3A_1562, %swap3A_1563] {strides = array<i32>} : memref<2x80x128xf32, #tpu.memory_space<vmem>>, vector<1x1x16xf32>,
    %swap3A_1565 = vector.shape_cast %swap3A_1564 : vector<1x1x16xf32> to vector<16xf32>
    %swap3A_1566 = vector.shape_cast %broadcast_in_dim3A_1110 : vector<16xf32> to vector<1x1x16xf32>
    tpu.vector_store %arg8[%swap3A_1561, %swap3A_1562, %swap3A_1563], %swap3A_1566 {strides = array<i32>} : memref<2x80x128xf32, #tpu.memory_space<vmem>>, vector<1x1x16xf32>,
    %swap3A_1567 = arith.constant 0 : i32
    %swap3A_1568 = arith.constant 7 : i32
    %swap3A_1569 = arith.index_cast %swap3A_1567 : i32 to index
    %swap3A_1570 = arith.index_cast %swap3A_1568 : i32 to index
    %swap3A_1571 = arith.constant 16 : index
    %swap3A_1572 = tpu.vector_load %arg8[%swap3A_1569, %swap3A_1570, %swap3A_1571] {strides = array<i32>} : memref<2x80x128xf32, #tpu.memory_space<vmem>>, vector<1x1x16xf32>,
    %swap3A_1573 = vector.shape_cast %swap3A_1572 : vector<1x1x16xf32> to vector<16xf32>
    %swap3A_1574 = vector.shape_cast %broadcast_in_dim3A_1110 : vector<16xf32> to vector<1x1x16xf32>
    tpu.vector_store %arg8[%swap3A_1569, %swap3A_1570, %swap3A_1571], %swap3A_1574 {strides = array<i32>} : memref<2x80x128xf32, #tpu.memory_space<vmem>>, vector<1x1x16xf32>,
    %swap3A_1575 = arith.constant 0 : i32
    %swap3A_1576 = arith.constant 7 : i32
    %swap3A_1577 = arith.index_cast %swap3A_1575 : i32 to index
    %swap3A_1578 = arith.index_cast %swap3A_1576 : i32 to index
    %swap3A_1579 = arith.constant 32 : index
    %swap3A_1580 = tpu.vector_load %arg8[%swap3A_1577, %swap3A_1578, %swap3A_1579] {strides = array<i32>} : memref<2x80x128xf32, #tpu.memory_space<vmem>>, vector<1x1x16xf32>,
    %swap3A_1581 = vector.shape_cast %swap3A_1580 : vector<1x1x16xf32> to vector<16xf32>
    %swap3A_1582 = vector.shape_cast %broadcast_in_dim3A_1110 : vector<16xf32> to vector<1x1x16xf32>
    tpu.vector_store %arg8[%swap3A_1577, %swap3A_1578, %swap3A_1579], %swap3A_1582 {strides = array<i32>} : memref<2x80x128xf32, #tpu.memory_space<vmem>>, vector<1x1x16xf32>,
    %swap3A_1583 = arith.constant 0 : i32
    %swap3A_1584 = arith.constant 7 : i32
    %swap3A_1585 = arith.index_cast %swap3A_1583 : i32 to index
    %swap3A_1586 = arith.index_cast %swap3A_1584 : i32 to index
    %swap3A_1587 = arith.constant 48 : index
    %swap3A_1588 = tpu.vector_load %arg8[%swap3A_1585, %swap3A_1586, %swap3A_1587] {strides = array<i32>} : memref<2x80x128xf32, #tpu.memory_space<vmem>>, vector<1x1x16xf32>,
    %swap3A_1589 = vector.shape_cast %swap3A_1588 : vector<1x1x16xf32> to vector<16xf32>
    %swap3A_1590 = vector.shape_cast %broadcast_in_dim3A_1110 : vector<16xf32> to vector<1x1x16xf32>
    tpu.vector_store %arg8[%swap3A_1585, %swap3A_1586, %swap3A_1587], %swap3A_1590 {strides = array<i32>} : memref<2x80x128xf32, #tpu.memory_space<vmem>>, vector<1x1x16xf32>,
    %swap3A_1591 = arith.constant 0 : i32
    %swap3A_1592 = arith.constant 7 : i32
    %swap3A_1593 = arith.index_cast %swap3A_1591 : i32 to index
    %swap3A_1594 = arith.index_cast %swap3A_1592 : i32 to index
    %swap3A_1595 = arith.constant 64 : index
    %swap3A_1596 = tpu.vector_load %arg8[%swap3A_1593, %swap3A_1594, %swap3A_1595] {strides = array<i32>} : memref<2x80x128xf32, #tpu.memory_space<vmem>>, vector<1x1x16xf32>,
    %swap3A_1597 = vector.shape_cast %swap3A_1596 : vector<1x1x16xf32> to vector<16xf32>
    %swap3A_1598 = vector.shape_cast %broadcast_in_dim3A_1110 : vector<16xf32> to vector<1x1x16xf32>
    tpu.vector_store %arg8[%swap3A_1593, %swap3A_1594, %swap3A_1595], %swap3A_1598 {strides = array<i32>} : memref<2x80x128xf32, #tpu.memory_space<vmem>>, vector<1x1x16xf32>,
    %swap3A_1599 = arith.constant 0 : i32
    %swap3A_1600 = arith.constant 7 : i32
    %swap3A_1601 = arith.index_cast %swap3A_1599 : i32 to index
    %swap3A_1602 = arith.index_cast %swap3A_1600 : i32 to index
    %swap3A_1603 = arith.constant 80 : index
    %swap3A_1604 = tpu.vector_load %arg8[%swap3A_1601, %swap3A_1602, %swap3A_1603] {strides = array<i32>} : memref<2x80x128xf32, #tpu.memory_space<vmem>>, vector<1x1x16xf32>,
    %swap3A_1605 = vector.shape_cast %swap3A_1604 : vector<1x1x16xf32> to vector<16xf32>
    %swap3A_1606 = vector.shape_cast %broadcast_in_dim3A_1110 : vector<16xf32> to vector<1x1x16xf32>
    tpu.vector_store %arg8[%swap3A_1601, %swap3A_1602, %swap3A_1603], %swap3A_1606 {strides = array<i32>} : memref<2x80x128xf32, #tpu.memory_space<vmem>>, vector<1x1x16xf32>,
    %swap3A_1607 = arith.constant 0 : i32
    %swap3A_1608 = arith.constant 7 : i32
    %swap3A_1609 = arith.index_cast %swap3A_1607 : i32 to index
    %swap3A_1610 = arith.index_cast %swap3A_1608 : i32 to index
    %swap3A_1611 = arith.constant 96 : index
    %swap3A_1612 = tpu.vector_load %arg8[%swap3A_1609, %swap3A_1610, %swap3A_1611] {strides = array<i32>} : memref<2x80x128xf32, #tpu.memory_space<vmem>>, vector<1x1x16xf32>,
    %swap3A_1613 = vector.shape_cast %swap3A_1612 : vector<1x1x16xf32> to vector<16xf32>
    %swap3A_1614 = vector.shape_cast %broadcast_in_dim3A_1110 : vector<16xf32> to vector<1x1x16xf32>
    tpu.vector_store %arg8[%swap3A_1609, %swap3A_1610, %swap3A_1611], %swap3A_1614 {strides = array<i32>} : memref<2x80x128xf32, #tpu.memory_space<vmem>>, vector<1x1x16xf32>,
    %swap3A_1615 = arith.constant 0 : i32
    %swap3A_1616 = arith.constant 7 : i32
    %swap3A_1617 = arith.index_cast %swap3A_1615 : i32 to index
    %swap3A_1618 = arith.index_cast %swap3A_1616 : i32 to index
    %swap3A_1619 = arith.constant 112 : index
    %swap3A_1620 = tpu.vector_load %arg8[%swap3A_1617, %swap3A_1618, %swap3A_1619] {strides = array<i32>} : memref<2x80x128xf32, #tpu.memory_space<vmem>>, vector<1x1x16xf32>,
    %swap3A_1621 = vector.shape_cast %swap3A_1620 : vector<1x1x16xf32> to vector<16xf32>
    %swap3A_1622 = vector.shape_cast %broadcast_in_dim3A_1110 : vector<16xf32> to vector<1x1x16xf32>
    tpu.vector_store %arg8[%swap3A_1617, %swap3A_1618, %swap3A_1619], %swap3A_1622 {strides = array<i32>} : memref<2x80x128xf32, #tpu.memory_space<vmem>>, vector<1x1x16xf32>,
    %swap3A_1623 = arith.constant 0 : i32
    %swap3A_1624 = arith.constant 8 : i32
    %swap3A_1625 = arith.index_cast %swap3A_1623 : i32 to index
    %swap3A_1626 = arith.index_cast %swap3A_1624 : i32 to index
    %swap3A_1627 = arith.constant 0 : index
    %swap3A_1628 = tpu.vector_load %arg8[%swap3A_1625, %swap3A_1626, %swap3A_1627] {strides = array<i32>} : memref<2x80x128xf32, #tpu.memory_space<vmem>>, vector<1x1x16xf32>,
    %swap3A_1629 = vector.shape_cast %swap3A_1628 : vector<1x1x16xf32> to vector<16xf32>
    %swap3A_1630 = vector.shape_cast %broadcast_in_dim3A_1110 : vector<16xf32> to vector<1x1x16xf32>
    tpu.vector_store %arg8[%swap3A_1625, %swap3A_1626, %swap3A_1627], %swap3A_1630 {strides = array<i32>} : memref<2x80x128xf32, #tpu.memory_space<vmem>>, vector<1x1x16xf32>,
    %swap3A_1631 = arith.constant 0 : i32
    %swap3A_1632 = arith.constant 8 : i32
    %swap3A_1633 = arith.index_cast %swap3A_1631 : i32 to index
    %swap3A_1634 = arith.index_cast %swap3A_1632 : i32 to index
    %swap3A_1635 = arith.constant 16 : index
    %swap3A_1636 = tpu.vector_load %arg8[%swap3A_1633, %swap3A_1634, %swap3A_1635] {strides = array<i32>} : memref<2x80x128xf32, #tpu.memory_space<vmem>>, vector<1x1x16xf32>,
    %swap3A_1637 = vector.shape_cast %swap3A_1636 : vector<1x1x16xf32> to vector<16xf32>
    %swap3A_1638 = vector.shape_cast %broadcast_in_dim3A_1110 : vector<16xf32> to vector<1x1x16xf32>
    tpu.vector_store %arg8[%swap3A_1633, %swap3A_1634, %swap3A_1635], %swap3A_1638 {strides = array<i32>} : memref<2x80x128xf32, #tpu.memory_space<vmem>>, vector<1x1x16xf32>,
    %swap3A_1639 = arith.constant 0 : i32
    %swap3A_1640 = arith.constant 8 : i32
    %swap3A_1641 = arith.index_cast %swap3A_1639 : i32 to index
    %swap3A_1642 = arith.index_cast %swap3A_1640 : i32 to index
    %swap3A_1643 = arith.constant 32 : index
    %swap3A_1644 = tpu.vector_load %arg8[%swap3A_1641, %swap3A_1642, %swap3A_1643] {strides = array<i32>} : memref<2x80x128xf32, #tpu.memory_space<vmem>>, vector<1x1x16xf32>,
    %swap3A_1645 = vector.shape_cast %swap3A_1644 : vector<1x1x16xf32> to vector<16xf32>
    %swap3A_1646 = vector.shape_cast %broadcast_in_dim3A_1110 : vector<16xf32> to vector<1x1x16xf32>
    tpu.vector_store %arg8[%swap3A_1641, %swap3A_1642, %swap3A_1643], %swap3A_1646 {strides = array<i32>} : memref<2x80x128xf32, #tpu.memory_space<vmem>>, vector<1x1x16xf32>,
    %swap3A_1647 = arith.constant 0 : i32
    %swap3A_1648 = arith.constant 8 : i32
    %swap3A_1649 = arith.index_cast %swap3A_1647 : i32 to index
    %swap3A_1650 = arith.index_cast %swap3A_1648 : i32 to index
    %swap3A_1651 = arith.constant 48 : index
    %swap3A_1652 = tpu.vector_load %arg8[%swap3A_1649, %swap3A_1650, %swap3A_1651] {strides = array<i32>} : memref<2x80x128xf32, #tpu.memory_space<vmem>>, vector<1x1x16xf32>,
    %swap3A_1653 = vector.shape_cast %swap3A_1652 : vector<1x1x16xf32> to vector<16xf32>
    %swap3A_1654 = vector.shape_cast %broadcast_in_dim3A_1110 : vector<16xf32> to vector<1x1x16xf32>
    tpu.vector_store %arg8[%swap3A_1649, %swap3A_1650, %swap3A_1651], %swap3A_1654 {strides = array<i32>} : memref<2x80x128xf32, #tpu.memory_space<vmem>>, vector<1x1x16xf32>,
    %swap3A_1655 = arith.constant 0 : i32
    %swap3A_1656 = arith.constant 8 : i32
    %swap3A_1657 = arith.index_cast %swap3A_1655 : i32 to index
    %swap3A_1658 = arith.index_cast %swap3A_1656 : i32 to index
    %swap3A_1659 = arith.constant 64 : index
    %swap3A_1660 = tpu.vector_load %arg8[%swap3A_1657, %swap3A_1658, %swap3A_1659] {strides = array<i32>} : memref<2x80x128xf32, #tpu.memory_space<vmem>>, vector<1x1x16xf32>,
    %swap3A_1661 = vector.shape_cast %swap3A_1660 : vector<1x1x16xf32> to vector<16xf32>
    %swap3A_1662 = vector.shape_cast %broadcast_in_dim3A_1110 : vector<16xf32> to vector<1x1x16xf32>
    tpu.vector_store %arg8[%swap3A_1657, %swap3A_1658, %swap3A_1659], %swap3A_1662 {strides = array<i32>} : memref<2x80x128xf32, #tpu.memory_space<vmem>>, vector<1x1x16xf32>,
    %swap3A_1663 = arith.constant 0 : i32
    %swap3A_1664 = arith.constant 8 : i32
    %swap3A_1665 = arith.index_cast %swap3A_1663 : i32 to index
    %swap3A_1666 = arith.index_cast %swap3A_1664 : i32 to index
    %swap3A_1667 = arith.constant 80 : index
    %swap3A_1668 = tpu.vector_load %arg8[%swap3A_1665, %swap3A_1666, %swap3A_1667] {strides = array<i32>} : memref<2x80x128xf32, #tpu.memory_space<vmem>>, vector<1x1x16xf32>,
    %swap3A_1669 = vector.shape_cast %swap3A_1668 : vector<1x1x16xf32> to vector<16xf32>
    %swap3A_1670 = vector.shape_cast %broadcast_in_dim3A_1110 : vector<16xf32> to vector<1x1x16xf32>
    tpu.vector_store %arg8[%swap3A_1665, %swap3A_1666, %swap3A_1667], %swap3A_1670 {strides = array<i32>} : memref<2x80x128xf32, #tpu.memory_space<vmem>>, vector<1x1x16xf32>,
    %swap3A_1671 = arith.constant 0 : i32
    %swap3A_1672 = arith.constant 8 : i32
    %swap3A_1673 = arith.index_cast %swap3A_1671 : i32 to index
    %swap3A_1674 = arith.index_cast %swap3A_1672 : i32 to index
    %swap3A_1675 = arith.constant 96 : index
    %swap3A_1676 = tpu.vector_load %arg8[%swap3A_1673, %swap3A_1674, %swap3A_1675] {strides = array<i32>} : memref<2x80x128xf32, #tpu.memory_space<vmem>>, vector<1x1x16xf32>,
    %swap3A_1677 = vector.shape_cast %swap3A_1676 : vector<1x1x16xf32> to vector<16xf32>
    %swap3A_1678 = vector.shape_cast %broadcast_in_dim3A_1110 : vector<16xf32> to vector<1x1x16xf32>
    tpu.vector_store %arg8[%swap3A_1673, %swap3A_1674, %swap3A_1675], %swap3A_1678 {strides = array<i32>} : memref<2x80x128xf32, #tpu.memory_space<vmem>>, vector<1x1x16xf32>,
    %swap3A_1679 = arith.constant 0 : i32
    %swap3A_1680 = arith.constant 8 : i32
    %swap3A_1681 = arith.index_cast %swap3A_1679 : i32 to index
    %swap3A_1682 = arith.index_cast %swap3A_1680 : i32 to index
    %swap3A_1683 = arith.constant 112 : index
    %swap3A_1684 = tpu.vector_load %arg8[%swap3A_1681, %swap3A_1682, %swap3A_1683] {strides = array<i32>} : memref<2x80x128xf32, #tpu.memory_space<vmem>>, vector<1x1x16xf32>,
    %swap3A_1685 = vector.shape_cast %swap3A_1684 : vector<1x1x16xf32> to vector<16xf32>
    %swap3A_1686 = vector.shape_cast %broadcast_in_dim3A_1110 : vector<16xf32> to vector<1x1x16xf32>
    tpu.vector_store %arg8[%swap3A_1681, %swap3A_1682, %swap3A_1683], %swap3A_1686 {strides = array<i32>} : memref<2x80x128xf32, #tpu.memory_space<vmem>>, vector<1x1x16xf32>,
    %swap3A_1687 = arith.constant 0 : i32
    %swap3A_1688 = arith.constant 9 : i32
    %swap3A_1689 = arith.index_cast %swap3A_1687 : i32 to index
    %swap3A_1690 = arith.index_cast %swap3A_1688 : i32 to index
    %swap3A_1691 = arith.constant 0 : index
    %swap3A_1692 = tpu.vector_load %arg8[%swap3A_1689, %swap3A_1690, %swap3A_1691] {strides = array<i32>} : memref<2x80x128xf32, #tpu.memory_space<vmem>>, vector<1x1x16xf32>,
    %swap3A_1693 = vector.shape_cast %swap3A_1692 : vector<1x1x16xf32> to vector<16xf32>
    %swap3A_1694 = vector.shape_cast %broadcast_in_dim3A_1110 : vector<16xf32> to vector<1x1x16xf32>
    tpu.vector_store %arg8[%swap3A_1689, %swap3A_1690, %swap3A_1691], %swap3A_1694 {strides = array<i32>} : memref<2x80x128xf32, #tpu.memory_space<vmem>>, vector<1x1x16xf32>,
    %swap3A_1695 = arith.constant 0 : i32
    %swap3A_1696 = arith.constant 9 : i32
    %swap3A_1697 = arith.index_cast %swap3A_1695 : i32 to index
    %swap3A_1698 = arith.index_cast %swap3A_1696 : i32 to index
    %swap3A_1699 = arith.constant 16 : index
    %swap3A_1700 = tpu.vector_load %arg8[%swap3A_1697, %swap3A_1698, %swap3A_1699] {strides = array<i32>} : memref<2x80x128xf32, #tpu.memory_space<vmem>>, vector<1x1x16xf32>,
    %swap3A_1701 = vector.shape_cast %swap3A_1700 : vector<1x1x16xf32> to vector<16xf32>
    %swap3A_1702 = vector.shape_cast %broadcast_in_dim3A_1110 : vector<16xf32> to vector<1x1x16xf32>
    tpu.vector_store %arg8[%swap3A_1697, %swap3A_1698, %swap3A_1699], %swap3A_1702 {strides = array<i32>} : memref<2x80x128xf32, #tpu.memory_space<vmem>>, vector<1x1x16xf32>,
    %swap3A_1703 = arith.constant 0 : i32
    %swap3A_1704 = arith.constant 9 : i32
    %swap3A_1705 = arith.index_cast %swap3A_1703 : i32 to index
    %swap3A_1706 = arith.index_cast %swap3A_1704 : i32 to index
    %swap3A_1707 = arith.constant 32 : index
    %swap3A_1708 = tpu.vector_load %arg8[%swap3A_1705, %swap3A_1706, %swap3A_1707] {strides = array<i32>} : memref<2x80x128xf32, #tpu.memory_space<vmem>>, vector<1x1x16xf32>,
    %swap3A_1709 = vector.shape_cast %swap3A_1708 : vector<1x1x16xf32> to vector<16xf32>
    %swap3A_1710 = vector.shape_cast %broadcast_in_dim3A_1110 : vector<16xf32> to vector<1x1x16xf32>
    tpu.vector_store %arg8[%swap3A_1705, %swap3A_1706, %swap3A_1707], %swap3A_1710 {strides = array<i32>} : memref<2x80x128xf32, #tpu.memory_space<vmem>>, vector<1x1x16xf32>,
    %swap3A_1711 = arith.constant 0 : i32
    %swap3A_1712 = arith.constant 9 : i32
    %swap3A_1713 = arith.index_cast %swap3A_1711 : i32 to index
    %swap3A_1714 = arith.index_cast %swap3A_1712 : i32 to index
    %swap3A_1715 = arith.constant 48 : index
    %swap3A_1716 = tpu.vector_load %arg8[%swap3A_1713, %swap3A_1714, %swap3A_1715] {strides = array<i32>} : memref<2x80x128xf32, #tpu.memory_space<vmem>>, vector<1x1x16xf32>,
    %swap3A_1717 = vector.shape_cast %swap3A_1716 : vector<1x1x16xf32> to vector<16xf32>
    %swap3A_1718 = vector.shape_cast %broadcast_in_dim3A_1110 : vector<16xf32> to vector<1x1x16xf32>
    tpu.vector_store %arg8[%swap3A_1713, %swap3A_1714, %swap3A_1715], %swap3A_1718 {strides = array<i32>} : memref<2x80x128xf32, #tpu.memory_space<vmem>>, vector<1x1x16xf32>,
    %swap3A_1719 = arith.constant 0 : i32
    %swap3A_1720 = arith.constant 9 : i32
    %swap3A_1721 = arith.index_cast %swap3A_1719 : i32 to index
    %swap3A_1722 = arith.index_cast %swap3A_1720 : i32 to index
    %swap3A_1723 = arith.constant 64 : index
    %swap3A_1724 = tpu.vector_load %arg8[%swap3A_1721, %swap3A_1722, %swap3A_1723] {strides = array<i32>} : memref<2x80x128xf32, #tpu.memory_space<vmem>>, vector<1x1x16xf32>,
    %swap3A_1725 = vector.shape_cast %swap3A_1724 : vector<1x1x16xf32> to vector<16xf32>
    %swap3A_1726 = vector.shape_cast %broadcast_in_dim3A_1110 : vector<16xf32> to vector<1x1x16xf32>
    tpu.vector_store %arg8[%swap3A_1721, %swap3A_1722, %swap3A_1723], %swap3A_1726 {strides = array<i32>} : memref<2x80x128xf32, #tpu.memory_space<vmem>>, vector<1x1x16xf32>,
    %swap3A_1727 = arith.constant 0 : i32
    %swap3A_1728 = arith.constant 9 : i32
    %swap3A_1729 = arith.index_cast %swap3A_1727 : i32 to index
    %swap3A_1730 = arith.index_cast %swap3A_1728 : i32 to index
    %swap3A_1731 = arith.constant 80 : index
    %swap3A_1732 = tpu.vector_load %arg8[%swap3A_1729, %swap3A_1730, %swap3A_1731] {strides = array<i32>} : memref<2x80x128xf32, #tpu.memory_space<vmem>>, vector<1x1x16xf32>,
    %swap3A_1733 = vector.shape_cast %swap3A_1732 : vector<1x1x16xf32> to vector<16xf32>
    %swap3A_1734 = vector.shape_cast %broadcast_in_dim3A_1110 : vector<16xf32> to vector<1x1x16xf32>
    tpu.vector_store %arg8[%swap3A_1729, %swap3A_1730, %swap3A_1731], %swap3A_1734 {strides = array<i32>} : memref<2x80x128xf32, #tpu.memory_space<vmem>>, vector<1x1x16xf32>,
    %swap3A_1735 = arith.constant 0 : i32
    %swap3A_1736 = arith.constant 9 : i32
    %swap3A_1737 = arith.index_cast %swap3A_1735 : i32 to index
    %swap3A_1738 = arith.index_cast %swap3A_1736 : i32 to index
    %swap3A_1739 = arith.constant 96 : index
    %swap3A_1740 = tpu.vector_load %arg8[%swap3A_1737, %swap3A_1738, %swap3A_1739] {strides = array<i32>} : memref<2x80x128xf32, #tpu.memory_space<vmem>>, vector<1x1x16xf32>,
    %swap3A_1741 = vector.shape_cast %swap3A_1740 : vector<1x1x16xf32> to vector<16xf32>
    %swap3A_1742 = vector.shape_cast %broadcast_in_dim3A_1110 : vector<16xf32> to vector<1x1x16xf32>
    tpu.vector_store %arg8[%swap3A_1737, %swap3A_1738, %swap3A_1739], %swap3A_1742 {strides = array<i32>} : memref<2x80x128xf32, #tpu.memory_space<vmem>>, vector<1x1x16xf32>,
    %swap3A_1743 = arith.constant 0 : i32
    %swap3A_1744 = arith.constant 9 : i32
    %swap3A_1745 = arith.index_cast %swap3A_1743 : i32 to index
    %swap3A_1746 = arith.index_cast %swap3A_1744 : i32 to index
    %swap3A_1747 = arith.constant 112 : index
    %swap3A_1748 = tpu.vector_load %arg8[%swap3A_1745, %swap3A_1746, %swap3A_1747] {strides = array<i32>} : memref<2x80x128xf32, #tpu.memory_space<vmem>>, vector<1x1x16xf32>,
    %swap3A_1749 = vector.shape_cast %swap3A_1748 : vector<1x1x16xf32> to vector<16xf32>
    %swap3A_1750 = vector.shape_cast %broadcast_in_dim3A_1110 : vector<16xf32> to vector<1x1x16xf32>
    tpu.vector_store %arg8[%swap3A_1745, %swap3A_1746, %swap3A_1747], %swap3A_1750 {strides = array<i32>} : memref<2x80x128xf32, #tpu.memory_space<vmem>>, vector<1x1x16xf32>,
    %swap3A_1751 = arith.constant 0 : i32
    %swap3A_1752 = arith.constant 10 : i32
    %swap3A_1753 = arith.index_cast %swap3A_1751 : i32 to index
    %swap3A_1754 = arith.index_cast %swap3A_1752 : i32 to index
    %swap3A_1755 = arith.constant 0 : index
    %swap3A_1756 = tpu.vector_load %arg8[%swap3A_1753, %swap3A_1754, %swap3A_1755] {strides = array<i32>} : memref<2x80x128xf32, #tpu.memory_space<vmem>>, vector<1x1x16xf32>,
    %swap3A_1757 = vector.shape_cast %swap3A_1756 : vector<1x1x16xf32> to vector<16xf32>
    %swap3A_1758 = vector.shape_cast %broadcast_in_dim3A_1110 : vector<16xf32> to vector<1x1x16xf32>
    tpu.vector_store %arg8[%swap3A_1753, %swap3A_1754, %swap3A_1755], %swap3A_1758 {strides = array<i32>} : memref<2x80x128xf32, #tpu.memory_space<vmem>>, vector<1x1x16xf32>,
    %swap3A_1759 = arith.constant 0 : i32
    %swap3A_1760 = arith.constant 10 : i32
    %swap3A_1761 = arith.index_cast %swap3A_1759 : i32 to index
    %swap3A_1762 = arith.index_cast %swap3A_1760 : i32 to index
    %swap3A_1763 = arith.constant 16 : index
    %swap3A_1764 = tpu.vector_load %arg8[%swap3A_1761, %swap3A_1762, %swap3A_1763] {strides = array<i32>} : memref<2x80x128xf32, #tpu.memory_space<vmem>>, vector<1x1x16xf32>,
    %swap3A_1765 = vector.shape_cast %swap3A_1764 : vector<1x1x16xf32> to vector<16xf32>
    %swap3A_1766 = vector.shape_cast %broadcast_in_dim3A_1110 : vector<16xf32> to vector<1x1x16xf32>
    tpu.vector_store %arg8[%swap3A_1761, %swap3A_1762, %swap3A_1763], %swap3A_1766 {strides = array<i32>} : memref<2x80x128xf32, #tpu.memory_space<vmem>>, vector<1x1x16xf32>,
    %swap3A_1767 = arith.constant 0 : i32
    %swap3A_1768 = arith.constant 10 : i32
    %swap3A_1769 = arith.index_cast %swap3A_1767 : i32 to index
    %swap3A_1770 = arith.index_cast %swap3A_1768 : i32 to index
    %swap3A_1771 = arith.constant 32 : index
    %swap3A_1772 = tpu.vector_load %arg8[%swap3A_1769, %swap3A_1770, %swap3A_1771] {strides = array<i32>} : memref<2x80x128xf32, #tpu.memory_space<vmem>>, vector<1x1x16xf32>,
    %swap3A_1773 = vector.shape_cast %swap3A_1772 : vector<1x1x16xf32> to vector<16xf32>
    %swap3A_1774 = vector.shape_cast %broadcast_in_dim3A_1110 : vector<16xf32> to vector<1x1x16xf32>
    tpu.vector_store %arg8[%swap3A_1769, %swap3A_1770, %swap3A_1771], %swap3A_1774 {strides = array<i32>} : memref<2x80x128xf32, #tpu.memory_space<vmem>>, vector<1x1x16xf32>,
    %swap3A_1775 = arith.constant 0 : i32
    %swap3A_1776 = arith.constant 10 : i32
    %swap3A_1777 = arith.index_cast %swap3A_1775 : i32 to index
    %swap3A_1778 = arith.index_cast %swap3A_1776 : i32 to index
    %swap3A_1779 = arith.constant 48 : index
    %swap3A_1780 = tpu.vector_load %arg8[%swap3A_1777, %swap3A_1778, %swap3A_1779] {strides = array<i32>} : memref<2x80x128xf32, #tpu.memory_space<vmem>>, vector<1x1x16xf32>,
    %swap3A_1781 = vector.shape_cast %swap3A_1780 : vector<1x1x16xf32> to vector<16xf32>
    %swap3A_1782 = vector.shape_cast %broadcast_in_dim3A_1110 : vector<16xf32> to vector<1x1x16xf32>
    tpu.vector_store %arg8[%swap3A_1777, %swap3A_1778, %swap3A_1779], %swap3A_1782 {strides = array<i32>} : memref<2x80x128xf32, #tpu.memory_space<vmem>>, vector<1x1x16xf32>,
    %swap3A_1783 = arith.constant 0 : i32
    %swap3A_1784 = arith.constant 10 : i32
    %swap3A_1785 = arith.index_cast %swap3A_1783 : i32 to index
    %swap3A_1786 = arith.index_cast %swap3A_1784 : i32 to index
    %swap3A_1787 = arith.constant 64 : index
    %swap3A_1788 = tpu.vector_load %arg8[%swap3A_1785, %swap3A_1786, %swap3A_1787] {strides = array<i32>} : memref<2x80x128xf32, #tpu.memory_space<vmem>>, vector<1x1x16xf32>,
    %swap3A_1789 = vector.shape_cast %swap3A_1788 : vector<1x1x16xf32> to vector<16xf32>
    %swap3A_1790 = vector.shape_cast %broadcast_in_dim3A_1110 : vector<16xf32> to vector<1x1x16xf32>
    tpu.vector_store %arg8[%swap3A_1785, %swap3A_1786, %swap3A_1787], %swap3A_1790 {strides = array<i32>} : memref<2x80x128xf32, #tpu.memory_space<vmem>>, vector<1x1x16xf32>,
    %swap3A_1791 = arith.constant 0 : i32
    %swap3A_1792 = arith.constant 10 : i32
    %swap3A_1793 = arith.index_cast %swap3A_1791 : i32 to index
    %swap3A_1794 = arith.index_cast %swap3A_1792 : i32 to index
    %swap3A_1795 = arith.constant 80 : index
    %swap3A_1796 = tpu.vector_load %arg8[%swap3A_1793, %swap3A_1794, %swap3A_1795] {strides = array<i32>} : memref<2x80x128xf32, #tpu.memory_space<vmem>>, vector<1x1x16xf32>,
    %swap3A_1797 = vector.shape_cast %swap3A_1796 : vector<1x1x16xf32> to vector<16xf32>
    %swap3A_1798 = vector.shape_cast %broadcast_in_dim3A_1110 : vector<16xf32> to vector<1x1x16xf32>
    tpu.vector_store %arg8[%swap3A_1793, %swap3A_1794, %swap3A_1795], %swap3A_1798 {strides = array<i32>} : memref<2x80x128xf32, #tpu.memory_space<vmem>>, vector<1x1x16xf32>,
    %swap3A_1799 = arith.constant 0 : i32
    %swap3A_1800 = arith.constant 10 : i32
    %swap3A_1801 = arith.index_cast %swap3A_1799 : i32 to index
    %swap3A_1802 = arith.index_cast %swap3A_1800 : i32 to index
    %swap3A_1803 = arith.constant 96 : index
    %swap3A_1804 = tpu.vector_load %arg8[%swap3A_1801, %swap3A_1802, %swap3A_1803] {strides = array<i32>} : memref<2x80x128xf32, #tpu.memory_space<vmem>>, vector<1x1x16xf32>,
    %swap3A_1805 = vector.shape_cast %swap3A_1804 : vector<1x1x16xf32> to vector<16xf32>
    %swap3A_1806 = vector.shape_cast %broadcast_in_dim3A_1110 : vector<16xf32> to vector<1x1x16xf32>
    tpu.vector_store %arg8[%swap3A_1801, %swap3A_1802, %swap3A_1803], %swap3A_1806 {strides = array<i32>} : memref<2x80x128xf32, #tpu.memory_space<vmem>>, vector<1x1x16xf32>,
    %swap3A_1807 = arith.constant 0 : i32
    %swap3A_1808 = arith.constant 10 : i32
    %swap3A_1809 = arith.index_cast %swap3A_1807 : i32 to index
    %swap3A_1810 = arith.index_cast %swap3A_1808 : i32 to index
    %swap3A_1811 = arith.constant 112 : index
    %swap3A_1812 = tpu.vector_load %arg8[%swap3A_1809, %swap3A_1810, %swap3A_1811] {strides = array<i32>} : memref<2x80x128xf32, #tpu.memory_space<vmem>>, vector<1x1x16xf32>,
    %swap3A_1813 = vector.shape_cast %swap3A_1812 : vector<1x1x16xf32> to vector<16xf32>
    %swap3A_1814 = vector.shape_cast %broadcast_in_dim3A_1110 : vector<16xf32> to vector<1x1x16xf32>
    tpu.vector_store %arg8[%swap3A_1809, %swap3A_1810, %swap3A_1811], %swap3A_1814 {strides = array<i32>} : memref<2x80x128xf32, #tpu.memory_space<vmem>>, vector<1x1x16xf32>,
    %swap3A_1815 = arith.constant 0 : i32
    %swap3A_1816 = arith.constant 11 : i32
    %swap3A_1817 = arith.index_cast %swap3A_1815 : i32 to index
    %swap3A_1818 = arith.index_cast %swap3A_1816 : i32 to index
    %swap3A_1819 = arith.constant 0 : index
    %swap3A_1820 = tpu.vector_load %arg8[%swap3A_1817, %swap3A_1818, %swap3A_1819] {strides = array<i32>} : memref<2x80x128xf32, #tpu.memory_space<vmem>>, vector<1x1x16xf32>,
    %swap3A_1821 = vector.shape_cast %swap3A_1820 : vector<1x1x16xf32> to vector<16xf32>
    %swap3A_1822 = vector.shape_cast %broadcast_in_dim3A_1110 : vector<16xf32> to vector<1x1x16xf32>
    tpu.vector_store %arg8[%swap3A_1817, %swap3A_1818, %swap3A_1819], %swap3A_1822 {strides = array<i32>} : memref<2x80x128xf32, #tpu.memory_space<vmem>>, vector<1x1x16xf32>,
    %swap3A_1823 = arith.constant 0 : i32
    %swap3A_1824 = arith.constant 11 : i32
    %swap3A_1825 = arith.index_cast %swap3A_1823 : i32 to index
    %swap3A_1826 = arith.index_cast %swap3A_1824 : i32 to index
    %swap3A_1827 = arith.constant 16 : index
    %swap3A_1828 = tpu.vector_load %arg8[%swap3A_1825, %swap3A_1826, %swap3A_1827] {strides = array<i32>} : memref<2x80x128xf32, #tpu.memory_space<vmem>>, vector<1x1x16xf32>,
    %swap3A_1829 = vector.shape_cast %swap3A_1828 : vector<1x1x16xf32> to vector<16xf32>
    %swap3A_1830 = vector.shape_cast %broadcast_in_dim3A_1110 : vector<16xf32> to vector<1x1x16xf32>
    tpu.vector_store %arg8[%swap3A_1825, %swap3A_1826, %swap3A_1827], %swap3A_1830 {strides = array<i32>} : memref<2x80x128xf32, #tpu.memory_space<vmem>>, vector<1x1x16xf32>,
    %swap3A_1831 = arith.constant 0 : i32
    %swap3A_1832 = arith.constant 11 : i32
    %swap3A_1833 = arith.index_cast %swap3A_1831 : i32 to index
    %swap3A_1834 = arith.index_cast %swap3A_1832 : i32 to index
    %swap3A_1835 = arith.constant 32 : index
    %swap3A_1836 = tpu.vector_load %arg8[%swap3A_1833, %swap3A_1834, %swap3A_1835] {strides = array<i32>} : memref<2x80x128xf32, #tpu.memory_space<vmem>>, vector<1x1x16xf32>,
    %swap3A_1837 = vector.shape_cast %swap3A_1836 : vector<1x1x16xf32> to vector<16xf32>
    %swap3A_1838 = vector.shape_cast %broadcast_in_dim3A_1110 : vector<16xf32> to vector<1x1x16xf32>
    tpu.vector_store %arg8[%swap3A_1833, %swap3A_1834, %swap3A_1835], %swap3A_1838 {strides = array<i32>} : memref<2x80x128xf32, #tpu.memory_space<vmem>>, vector<1x1x16xf32>,
    %swap3A_1839 = arith.constant 0 : i32
    %swap3A_1840 = arith.constant 11 : i32
    %swap3A_1841 = arith.index_cast %swap3A_1839 : i32 to index
    %swap3A_1842 = arith.index_cast %swap3A_1840 : i32 to index
    %swap3A_1843 = arith.constant 48 : index
    %swap3A_1844 = tpu.vector_load %arg8[%swap3A_1841, %swap3A_1842, %swap3A_1843] {strides = array<i32>} : memref<2x80x128xf32, #tpu.memory_space<vmem>>, vector<1x1x16xf32>,
    %swap3A_1845 = vector.shape_cast %swap3A_1844 : vector<1x1x16xf32> to vector<16xf32>
    %swap3A_1846 = vector.shape_cast %broadcast_in_dim3A_1110 : vector<16xf32> to vector<1x1x16xf32>
    tpu.vector_store %arg8[%swap3A_1841, %swap3A_1842, %swap3A_1843], %swap3A_1846 {strides = array<i32>} : memref<2x80x128xf32, #tpu.memory_space<vmem>>, vector<1x1x16xf32>,
    %swap3A_1847 = arith.constant 0 : i32
    %swap3A_1848 = arith.constant 11 : i32
    %swap3A_1849 = arith.index_cast %swap3A_1847 : i32 to index
    %swap3A_1850 = arith.index_cast %swap3A_1848 : i32 to index
    %swap3A_1851 = arith.constant 64 : index
    %swap3A_1852 = tpu.vector_load %arg8[%swap3A_1849, %swap3A_1850, %swap3A_1851] {strides = array<i32>} : memref<2x80x128xf32, #tpu.memory_space<vmem>>, vector<1x1x16xf32>,
    %swap3A_1853 = vector.shape_cast %swap3A_1852 : vector<1x1x16xf32> to vector<16xf32>
    %swap3A_1854 = vector.shape_cast %broadcast_in_dim3A_1110 : vector<16xf32> to vector<1x1x16xf32>
    tpu.vector_store %arg8[%swap3A_1849, %swap3A_1850, %swap3A_1851], %swap3A_1854 {strides = array<i32>} : memref<2x80x128xf32, #tpu.memory_space<vmem>>, vector<1x1x16xf32>,
    %swap3A_1855 = arith.constant 0 : i32
    %swap3A_1856 = arith.constant 11 : i32
    %swap3A_1857 = arith.index_cast %swap3A_1855 : i32 to index
    %swap3A_1858 = arith.index_cast %swap3A_1856 : i32 to index
    %swap3A_1859 = arith.constant 80 : index
    %swap3A_1860 = tpu.vector_load %arg8[%swap3A_1857, %swap3A_1858, %swap3A_1859] {strides = array<i32>} : memref<2x80x128xf32, #tpu.memory_space<vmem>>, vector<1x1x16xf32>,
    %swap3A_1861 = vector.shape_cast %swap3A_1860 : vector<1x1x16xf32> to vector<16xf32>
    %swap3A_1862 = vector.shape_cast %broadcast_in_dim3A_1110 : vector<16xf32> to vector<1x1x16xf32>
    tpu.vector_store %arg8[%swap3A_1857, %swap3A_1858, %swap3A_1859], %swap3A_1862 {strides = array<i32>} : memref<2x80x128xf32, #tpu.memory_space<vmem>>, vector<1x1x16xf32>,
    %swap3A_1863 = arith.constant 0 : i32
    %swap3A_1864 = arith.constant 11 : i32
    %swap3A_1865 = arith.index_cast %swap3A_1863 : i32 to index
    %swap3A_1866 = arith.index_cast %swap3A_1864 : i32 to index
    %swap3A_1867 = arith.constant 96 : index
    %swap3A_1868 = tpu.vector_load %arg8[%swap3A_1865, %swap3A_1866, %swap3A_1867] {strides = array<i32>} : memref<2x80x128xf32, #tpu.memory_space<vmem>>, vector<1x1x16xf32>,
    %swap3A_1869 = vector.shape_cast %swap3A_1868 : vector<1x1x16xf32> to vector<16xf32>
    %swap3A_1870 = vector.shape_cast %broadcast_in_dim3A_1110 : vector<16xf32> to vector<1x1x16xf32>
    tpu.vector_store %arg8[%swap3A_1865, %swap3A_1866, %swap3A_1867], %swap3A_1870 {strides = array<i32>} : memref<2x80x128xf32, #tpu.memory_space<vmem>>, vector<1x1x16xf32>,
    %swap3A_1871 = arith.constant 0 : i32
    %swap3A_1872 = arith.constant 11 : i32
    %swap3A_1873 = arith.index_cast %swap3A_1871 : i32 to index
    %swap3A_1874 = arith.index_cast %swap3A_1872 : i32 to index
    %swap3A_1875 = arith.constant 112 : index
    %swap3A_1876 = tpu.vector_load %arg8[%swap3A_1873, %swap3A_1874, %swap3A_1875] {strides = array<i32>} : memref<2x80x128xf32, #tpu.memory_space<vmem>>, vector<1x1x16xf32>,
    %swap3A_1877 = vector.shape_cast %swap3A_1876 : vector<1x1x16xf32> to vector<16xf32>
    %swap3A_1878 = vector.shape_cast %broadcast_in_dim3A_1110 : vector<16xf32> to vector<1x1x16xf32>
    tpu.vector_store %arg8[%swap3A_1873, %swap3A_1874, %swap3A_1875], %swap3A_1878 {strides = array<i32>} : memref<2x80x128xf32, #tpu.memory_space<vmem>>, vector<1x1x16xf32>,
    %swap3A_1879 = arith.constant 0 : i32
    %swap3A_1880 = arith.constant 12 : i32
    %swap3A_1881 = arith.index_cast %swap3A_1879 : i32 to index
    %swap3A_1882 = arith.index_cast %swap3A_1880 : i32 to index
    %swap3A_1883 = arith.constant 0 : index
    %swap3A_1884 = tpu.vector_load %arg8[%swap3A_1881, %swap3A_1882, %swap3A_1883] {strides = array<i32>} : memref<2x80x128xf32, #tpu.memory_space<vmem>>, vector<1x1x16xf32>,
    %swap3A_1885 = vector.shape_cast %swap3A_1884 : vector<1x1x16xf32> to vector<16xf32>
    %swap3A_1886 = vector.shape_cast %broadcast_in_dim3A_1110 : vector<16xf32> to vector<1x1x16xf32>
    tpu.vector_store %arg8[%swap3A_1881, %swap3A_1882, %swap3A_1883], %swap3A_1886 {strides = array<i32>} : memref<2x80x128xf32, #tpu.memory_space<vmem>>, vector<1x1x16xf32>,
    %swap3A_1887 = arith.constant 0 : i32
    %swap3A_1888 = arith.constant 12 : i32
    %swap3A_1889 = arith.index_cast %swap3A_1887 : i32 to index
    %swap3A_1890 = arith.index_cast %swap3A_1888 : i32 to index
    %swap3A_1891 = arith.constant 16 : index
    %swap3A_1892 = tpu.vector_load %arg8[%swap3A_1889, %swap3A_1890, %swap3A_1891] {strides = array<i32>} : memref<2x80x128xf32, #tpu.memory_space<vmem>>, vector<1x1x16xf32>,
    %swap3A_1893 = vector.shape_cast %swap3A_1892 : vector<1x1x16xf32> to vector<16xf32>
    %swap3A_1894 = vector.shape_cast %broadcast_in_dim3A_1110 : vector<16xf32> to vector<1x1x16xf32>
    tpu.vector_store %arg8[%swap3A_1889, %swap3A_1890, %swap3A_1891], %swap3A_1894 {strides = array<i32>} : memref<2x80x128xf32, #tpu.memory_space<vmem>>, vector<1x1x16xf32>,
    %swap3A_1895 = arith.constant 0 : i32
    %swap3A_1896 = arith.constant 12 : i32
    %swap3A_1897 = arith.index_cast %swap3A_1895 : i32 to index
    %swap3A_1898 = arith.index_cast %swap3A_1896 : i32 to index
    %swap3A_1899 = arith.constant 32 : index
    %swap3A_1900 = tpu.vector_load %arg8[%swap3A_1897, %swap3A_1898, %swap3A_1899] {strides = array<i32>} : memref<2x80x128xf32, #tpu.memory_space<vmem>>, vector<1x1x16xf32>,
    %swap3A_1901 = vector.shape_cast %swap3A_1900 : vector<1x1x16xf32> to vector<16xf32>
    %swap3A_1902 = vector.shape_cast %broadcast_in_dim3A_1110 : vector<16xf32> to vector<1x1x16xf32>
    tpu.vector_store %arg8[%swap3A_1897, %swap3A_1898, %swap3A_1899], %swap3A_1902 {strides = array<i32>} : memref<2x80x128xf32, #tpu.memory_space<vmem>>, vector<1x1x16xf32>,
    %swap3A_1903 = arith.constant 0 : i32
    %swap3A_1904 = arith.constant 12 : i32
    %swap3A_1905 = arith.index_cast %swap3A_1903 : i32 to index
    %swap3A_1906 = arith.index_cast %swap3A_1904 : i32 to index
    %swap3A_1907 = arith.constant 48 : index
    %swap3A_1908 = tpu.vector_load %arg8[%swap3A_1905, %swap3A_1906, %swap3A_1907] {strides = array<i32>} : memref<2x80x128xf32, #tpu.memory_space<vmem>>, vector<1x1x16xf32>,
    %swap3A_1909 = vector.shape_cast %swap3A_1908 : vector<1x1x16xf32> to vector<16xf32>
    %swap3A_1910 = vector.shape_cast %broadcast_in_dim3A_1110 : vector<16xf32> to vector<1x1x16xf32>
    tpu.vector_store %arg8[%swap3A_1905, %swap3A_1906, %swap3A_1907], %swap3A_1910 {strides = array<i32>} : memref<2x80x128xf32, #tpu.memory_space<vmem>>, vector<1x1x16xf32>,
    %swap3A_1911 = arith.constant 0 : i32
    %swap3A_1912 = arith.constant 12 : i32
    %swap3A_1913 = arith.index_cast %swap3A_1911 : i32 to index
    %swap3A_1914 = arith.index_cast %swap3A_1912 : i32 to index
    %swap3A_1915 = arith.constant 64 : index
    %swap3A_1916 = tpu.vector_load %arg8[%swap3A_1913, %swap3A_1914, %swap3A_1915] {strides = array<i32>} : memref<2x80x128xf32, #tpu.memory_space<vmem>>, vector<1x1x16xf32>,
    %swap3A_1917 = vector.shape_cast %swap3A_1916 : vector<1x1x16xf32> to vector<16xf32>
    %swap3A_1918 = vector.shape_cast %broadcast_in_dim3A_1110 : vector<16xf32> to vector<1x1x16xf32>
    tpu.vector_store %arg8[%swap3A_1913, %swap3A_1914, %swap3A_1915], %swap3A_1918 {strides = array<i32>} : memref<2x80x128xf32, #tpu.memory_space<vmem>>, vector<1x1x16xf32>,
    %swap3A_1919 = arith.constant 0 : i32
    %swap3A_1920 = arith.constant 12 : i32
    %swap3A_1921 = arith.index_cast %swap3A_1919 : i32 to index
    %swap3A_1922 = arith.index_cast %swap3A_1920 : i32 to index
    %swap3A_1923 = arith.constant 80 : index
    %swap3A_1924 = tpu.vector_load %arg8[%swap3A_1921, %swap3A_1922, %swap3A_1923] {strides = array<i32>} : memref<2x80x128xf32, #tpu.memory_space<vmem>>, vector<1x1x16xf32>,
    %swap3A_1925 = vector.shape_cast %swap3A_1924 : vector<1x1x16xf32> to vector<16xf32>
    %swap3A_1926 = vector.shape_cast %broadcast_in_dim3A_1110 : vector<16xf32> to vector<1x1x16xf32>
    tpu.vector_store %arg8[%swap3A_1921, %swap3A_1922, %swap3A_1923], %swap3A_1926 {strides = array<i32>} : memref<2x80x128xf32, #tpu.memory_space<vmem>>, vector<1x1x16xf32>,
    %swap3A_1927 = arith.constant 0 : i32
    %swap3A_1928 = arith.constant 12 : i32
    %swap3A_1929 = arith.index_cast %swap3A_1927 : i32 to index
    %swap3A_1930 = arith.index_cast %swap3A_1928 : i32 to index
    %swap3A_1931 = arith.constant 96 : index
    %swap3A_1932 = tpu.vector_load %arg8[%swap3A_1929, %swap3A_1930, %swap3A_1931] {strides = array<i32>} : memref<2x80x128xf32, #tpu.memory_space<vmem>>, vector<1x1x16xf32>,
    %swap3A_1933 = vector.shape_cast %swap3A_1932 : vector<1x1x16xf32> to vector<16xf32>
    %swap3A_1934 = vector.shape_cast %broadcast_in_dim3A_1110 : vector<16xf32> to vector<1x1x16xf32>
    tpu.vector_store %arg8[%swap3A_1929, %swap3A_1930, %swap3A_1931], %swap3A_1934 {strides = array<i32>} : memref<2x80x128xf32, #tpu.memory_space<vmem>>, vector<1x1x16xf32>,
    %swap3A_1935 = arith.constant 0 : i32
    %swap3A_1936 = arith.constant 12 : i32
    %swap3A_1937 = arith.index_cast %swap3A_1935 : i32 to index
    %swap3A_1938 = arith.index_cast %swap3A_1936 : i32 to index
    %swap3A_1939 = arith.constant 112 : index
    %swap3A_1940 = tpu.vector_load %arg8[%swap3A_1937, %swap3A_1938, %swap3A_1939] {strides = array<i32>} : memref<2x80x128xf32, #tpu.memory_space<vmem>>, vector<1x1x16xf32>,
    %swap3A_1941 = vector.shape_cast %swap3A_1940 : vector<1x1x16xf32> to vector<16xf32>
    %swap3A_1942 = vector.shape_cast %broadcast_in_dim3A_1110 : vector<16xf32> to vector<1x1x16xf32>
    tpu.vector_store %arg8[%swap3A_1937, %swap3A_1938, %swap3A_1939], %swap3A_1942 {strides = array<i32>} : memref<2x80x128xf32, #tpu.memory_space<vmem>>, vector<1x1x16xf32>,
    %swap3A_1943 = arith.constant 0 : i32
    %swap3A_1944 = arith.constant 13 : i32
    %swap3A_1945 = arith.index_cast %swap3A_1943 : i32 to index
    %swap3A_1946 = arith.index_cast %swap3A_1944 : i32 to index
    %swap3A_1947 = arith.constant 0 : index
    %swap3A_1948 = tpu.vector_load %arg8[%swap3A_1945, %swap3A_1946, %swap3A_1947] {strides = array<i32>} : memref<2x80x128xf32, #tpu.memory_space<vmem>>, vector<1x1x16xf32>,
    %swap3A_1949 = vector.shape_cast %swap3A_1948 : vector<1x1x16xf32> to vector<16xf32>
    %swap3A_1950 = vector.shape_cast %broadcast_in_dim3A_1110 : vector<16xf32> to vector<1x1x16xf32>
    tpu.vector_store %arg8[%swap3A_1945, %swap3A_1946, %swap3A_1947], %swap3A_1950 {strides = array<i32>} : memref<2x80x128xf32, #tpu.memory_space<vmem>>, vector<1x1x16xf32>,
    %swap3A_1951 = arith.constant 0 : i32
    %swap3A_1952 = arith.constant 13 : i32
    %swap3A_1953 = arith.index_cast %swap3A_1951 : i32 to index
    %swap3A_1954 = arith.index_cast %swap3A_1952 : i32 to index
    %swap3A_1955 = arith.constant 16 : index
    %swap3A_1956 = tpu.vector_load %arg8[%swap3A_1953, %swap3A_1954, %swap3A_1955] {strides = array<i32>} : memref<2x80x128xf32, #tpu.memory_space<vmem>>, vector<1x1x16xf32>,
    %swap3A_1957 = vector.shape_cast %swap3A_1956 : vector<1x1x16xf32> to vector<16xf32>
    %swap3A_1958 = vector.shape_cast %broadcast_in_dim3A_1110 : vector<16xf32> to vector<1x1x16xf32>
    tpu.vector_store %arg8[%swap3A_1953, %swap3A_1954, %swap3A_1955], %swap3A_1958 {strides = array<i32>} : memref<2x80x128xf32, #tpu.memory_space<vmem>>, vector<1x1x16xf32>,
    %swap3A_1959 = arith.constant 0 : i32
    %swap3A_1960 = arith.constant 13 : i32
    %swap3A_1961 = arith.index_cast %swap3A_1959 : i32 to index
    %swap3A_1962 = arith.index_cast %swap3A_1960 : i32 to index
    %swap3A_1963 = arith.constant 32 : index
    %swap3A_1964 = tpu.vector_load %arg8[%swap3A_1961, %swap3A_1962, %swap3A_1963] {strides = array<i32>} : memref<2x80x128xf32, #tpu.memory_space<vmem>>, vector<1x1x16xf32>,
    %swap3A_1965 = vector.shape_cast %swap3A_1964 : vector<1x1x16xf32> to vector<16xf32>
    %swap3A_1966 = vector.shape_cast %broadcast_in_dim3A_1110 : vector<16xf32> to vector<1x1x16xf32>
    tpu.vector_store %arg8[%swap3A_1961, %swap3A_1962, %swap3A_1963], %swap3A_1966 {strides = array<i32>} : memref<2x80x128xf32, #tpu.memory_space<vmem>>, vector<1x1x16xf32>,
    %swap3A_1967 = arith.constant 0 : i32
    %swap3A_1968 = arith.constant 13 : i32
    %swap3A_1969 = arith.index_cast %swap3A_1967 : i32 to index
    %swap3A_1970 = arith.index_cast %swap3A_1968 : i32 to index
    %swap3A_1971 = arith.constant 48 : index
    %swap3A_1972 = tpu.vector_load %arg8[%swap3A_1969, %swap3A_1970, %swap3A_1971] {strides = array<i32>} : memref<2x80x128xf32, #tpu.memory_space<vmem>>, vector<1x1x16xf32>,
    %swap3A_1973 = vector.shape_cast %swap3A_1972 : vector<1x1x16xf32> to vector<16xf32>
    %swap3A_1974 = vector.shape_cast %broadcast_in_dim3A_1110 : vector<16xf32> to vector<1x1x16xf32>
    tpu.vector_store %arg8[%swap3A_1969, %swap3A_1970, %swap3A_1971], %swap3A_1974 {strides = array<i32>} : memref<2x80x128xf32, #tpu.memory_space<vmem>>, vector<1x1x16xf32>,
    %swap3A_1975 = arith.constant 0 : i32
    %swap3A_1976 = arith.constant 13 : i32
    %swap3A_1977 = arith.index_cast %swap3A_1975 : i32 to index
    %swap3A_1978 = arith.index_cast %swap3A_1976 : i32 to index
    %swap3A_1979 = arith.constant 64 : index
    %swap3A_1980 = tpu.vector_load %arg8[%swap3A_1977, %swap3A_1978, %swap3A_1979] {strides = array<i32>} : memref<2x80x128xf32, #tpu.memory_space<vmem>>, vector<1x1x16xf32>,
    %swap3A_1981 = vector.shape_cast %swap3A_1980 : vector<1x1x16xf32> to vector<16xf32>
    %swap3A_1982 = vector.shape_cast %broadcast_in_dim3A_1110 : vector<16xf32> to vector<1x1x16xf32>
    tpu.vector_store %arg8[%swap3A_1977, %swap3A_1978, %swap3A_1979], %swap3A_1982 {strides = array<i32>} : memref<2x80x128xf32, #tpu.memory_space<vmem>>, vector<1x1x16xf32>,
    %swap3A_1983 = arith.constant 0 : i32
    %swap3A_1984 = arith.constant 13 : i32
    %swap3A_1985 = arith.index_cast %swap3A_1983 : i32 to index
    %swap3A_1986 = arith.index_cast %swap3A_1984 : i32 to index
    %swap3A_1987 = arith.constant 80 : index
    %swap3A_1988 = tpu.vector_load %arg8[%swap3A_1985, %swap3A_1986, %swap3A_1987] {strides = array<i32>} : memref<2x80x128xf32, #tpu.memory_space<vmem>>, vector<1x1x16xf32>,
    %swap3A_1989 = vector.shape_cast %swap3A_1988 : vector<1x1x16xf32> to vector<16xf32>
    %swap3A_1990 = vector.shape_cast %broadcast_in_dim3A_1110 : vector<16xf32> to vector<1x1x16xf32>
    tpu.vector_store %arg8[%swap3A_1985, %swap3A_1986, %swap3A_1987], %swap3A_1990 {strides = array<i32>} : memref<2x80x128xf32, #tpu.memory_space<vmem>>, vector<1x1x16xf32>,
    %swap3A_1991 = arith.constant 0 : i32
    %swap3A_1992 = arith.constant 13 : i32
    %swap3A_1993 = arith.index_cast %swap3A_1991 : i32 to index
    %swap3A_1994 = arith.index_cast %swap3A_1992 : i32 to index
    %swap3A_1995 = arith.constant 96 : index
    %swap3A_1996 = tpu.vector_load %arg8[%swap3A_1993, %swap3A_1994, %swap3A_1995] {strides = array<i32>} : memref<2x80x128xf32, #tpu.memory_space<vmem>>, vector<1x1x16xf32>,
    %swap3A_1997 = vector.shape_cast %swap3A_1996 : vector<1x1x16xf32> to vector<16xf32>
    %swap3A_1998 = vector.shape_cast %broadcast_in_dim3A_1110 : vector<16xf32> to vector<1x1x16xf32>
    tpu.vector_store %arg8[%swap3A_1993, %swap3A_1994, %swap3A_1995], %swap3A_1998 {strides = array<i32>} : memref<2x80x128xf32, #tpu.memory_space<vmem>>, vector<1x1x16xf32>,
    %swap3A_1999 = arith.constant 0 : i32
    %swap3A_2000 = arith.constant 13 : i32
    %swap3A_2001 = arith.index_cast %swap3A_1999 : i32 to index
    %swap3A_2002 = arith.index_cast %swap3A_2000 : i32 to index
    %swap3A_2003 = arith.constant 112 : index
    %swap3A_2004 = tpu.vector_load %arg8[%swap3A_2001, %swap3A_2002, %swap3A_2003] {strides = array<i32>} : memref<2x80x128xf32, #tpu.memory_space<vmem>>, vector<1x1x16xf32>,
    %swap3A_2005 = vector.shape_cast %swap3A_2004 : vector<1x1x16xf32> to vector<16xf32>
    %swap3A_2006 = vector.shape_cast %broadcast_in_dim3A_1110 : vector<16xf32> to vector<1x1x16xf32>
    tpu.vector_store %arg8[%swap3A_2001, %swap3A_2002, %swap3A_2003], %swap3A_2006 {strides = array<i32>} : memref<2x80x128xf32, #tpu.memory_space<vmem>>, vector<1x1x16xf32>,
    %swap3A_2007 = arith.constant 0 : i32
    %swap3A_2008 = arith.constant 14 : i32
    %swap3A_2009 = arith.index_cast %swap3A_2007 : i32 to index
    %swap3A_2010 = arith.index_cast %swap3A_2008 : i32 to index
    %swap3A_2011 = arith.constant 0 : index
    %swap3A_2012 = tpu.vector_load %arg8[%swap3A_2009, %swap3A_2010, %swap3A_2011] {strides = array<i32>} : memref<2x80x128xf32, #tpu.memory_space<vmem>>, vector<1x1x16xf32>,
    %swap3A_2013 = vector.shape_cast %swap3A_2012 : vector<1x1x16xf32> to vector<16xf32>
    %swap3A_2014 = vector.shape_cast %broadcast_in_dim3A_1110 : vector<16xf32> to vector<1x1x16xf32>
    tpu.vector_store %arg8[%swap3A_2009, %swap3A_2010, %swap3A_2011], %swap3A_2014 {strides = array<i32>} : memref<2x80x128xf32, #tpu.memory_space<vmem>>, vector<1x1x16xf32>,
    %swap3A_2015 = arith.constant 0 : i32
    %swap3A_2016 = arith.constant 14 : i32
    %swap3A_2017 = arith.index_cast %swap3A_2015 : i32 to index
    %swap3A_2018 = arith.index_cast %swap3A_2016 : i32 to index
    %swap3A_2019 = arith.constant 16 : index
    %swap3A_2020 = tpu.vector_load %arg8[%swap3A_2017, %swap3A_2018, %swap3A_2019] {strides = array<i32>} : memref<2x80x128xf32, #tpu.memory_space<vmem>>, vector<1x1x16xf32>,
    %swap3A_2021 = vector.shape_cast %swap3A_2020 : vector<1x1x16xf32> to vector<16xf32>
    %swap3A_2022 = vector.shape_cast %broadcast_in_dim3A_1110 : vector<16xf32> to vector<1x1x16xf32>
    tpu.vector_store %arg8[%swap3A_2017, %swap3A_2018, %swap3A_2019], %swap3A_2022 {strides = array<i32>} : memref<2x80x128xf32, #tpu.memory_space<vmem>>, vector<1x1x16xf32>,
    %swap3A_2023 = arith.constant 0 : i32
    %swap3A_2024 = arith.constant 14 : i32
    %swap3A_2025 = arith.index_cast %swap3A_2023 : i32 to index
    %swap3A_2026 = arith.index_cast %swap3A_2024 : i32 to index
    %swap3A_2027 = arith.constant 32 : index
    %swap3A_2028 = tpu.vector_load %arg8[%swap3A_2025, %swap3A_2026, %swap3A_2027] {strides = array<i32>} : memref<2x80x128xf32, #tpu.memory_space<vmem>>, vector<1x1x16xf32>,
    %swap3A_2029 = vector.shape_cast %swap3A_2028 : vector<1x1x16xf32> to vector<16xf32>
    %swap3A_2030 = vector.shape_cast %broadcast_in_dim3A_1110 : vector<16xf32> to vector<1x1x16xf32>
    tpu.vector_store %arg8[%swap3A_2025, %swap3A_2026, %swap3A_2027], %swap3A_2030 {strides = array<i32>} : memref<2x80x128xf32, #tpu.memory_space<vmem>>, vector<1x1x16xf32>,
    %swap3A_2031 = arith.constant 0 : i32
    %swap3A_2032 = arith.constant 14 : i32
    %swap3A_2033 = arith.index_cast %swap3A_2031 : i32 to index
    %swap3A_2034 = arith.index_cast %swap3A_2032 : i32 to index
    %swap3A_2035 = arith.constant 48 : index
    %swap3A_2036 = tpu.vector_load %arg8[%swap3A_2033, %swap3A_2034, %swap3A_2035] {strides = array<i32>} : memref<2x80x128xf32, #tpu.memory_space<vmem>>, vector<1x1x16xf32>,
    %swap3A_2037 = vector.shape_cast %swap3A_2036 : vector<1x1x16xf32> to vector<16xf32>
    %swap3A_2038 = vector.shape_cast %broadcast_in_dim3A_1110 : vector<16xf32> to vector<1x1x16xf32>
    tpu.vector_store %arg8[%swap3A_2033, %swap3A_2034, %swap3A_2035], %swap3A_2038 {strides = array<i32>} : memref<2x80x128xf32, #tpu.memory_space<vmem>>, vector<1x1x16xf32>,
    %swap3A_2039 = arith.constant 0 : i32
    %swap3A_2040 = arith.constant 14 : i32
    %swap3A_2041 = arith.index_cast %swap3A_2039 : i32 to index
    %swap3A_2042 = arith.index_cast %swap3A_2040 : i32 to index
    %swap3A_2043 = arith.constant 64 : index
    %swap3A_2044 = tpu.vector_load %arg8[%swap3A_2041, %swap3A_2042, %swap3A_2043] {strides = array<i32>} : memref<2x80x128xf32, #tpu.memory_space<vmem>>, vector<1x1x16xf32>,
    %swap3A_2045 = vector.shape_cast %swap3A_2044 : vector<1x1x16xf32> to vector<16xf32>
    %swap3A_2046 = vector.shape_cast %broadcast_in_dim3A_1110 : vector<16xf32> to vector<1x1x16xf32>
    tpu.vector_store %arg8[%swap3A_2041, %swap3A_2042, %swap3A_2043], %swap3A_2046 {strides = array<i32>} : memref<2x80x128xf32, #tpu.memory_space<vmem>>, vector<1x1x16xf32>,
    %swap3A_2047 = arith.constant 0 : i32
    %swap3A_2048 = arith.constant 14 : i32
    %swap3A_2049 = arith.index_cast %swap3A_2047 : i32 to index
    %swap3A_2050 = arith.index_cast %swap3A_2048 : i32 to index
    %swap3A_2051 = arith.constant 80 : index
    %swap3A_2052 = tpu.vector_load %arg8[%swap3A_2049, %swap3A_2050, %swap3A_2051] {strides = array<i32>} : memref<2x80x128xf32, #tpu.memory_space<vmem>>, vector<1x1x16xf32>,
    %swap3A_2053 = vector.shape_cast %swap3A_2052 : vector<1x1x16xf32> to vector<16xf32>
    %swap3A_2054 = vector.shape_cast %broadcast_in_dim3A_1110 : vector<16xf32> to vector<1x1x16xf32>
    tpu.vector_store %arg8[%swap3A_2049, %swap3A_2050, %swap3A_2051], %swap3A_2054 {strides = array<i32>} : memref<2x80x128xf32, #tpu.memory_space<vmem>>, vector<1x1x16xf32>,
    %swap3A_2055 = arith.constant 0 : i32
    %swap3A_2056 = arith.constant 14 : i32
    %swap3A_2057 = arith.index_cast %swap3A_2055 : i32 to index
    %swap3A_2058 = arith.index_cast %swap3A_2056 : i32 to index
    %swap3A_2059 = arith.constant 96 : index
    %swap3A_2060 = tpu.vector_load %arg8[%swap3A_2057, %swap3A_2058, %swap3A_2059] {strides = array<i32>} : memref<2x80x128xf32, #tpu.memory_space<vmem>>, vector<1x1x16xf32>,
    %swap3A_2061 = vector.shape_cast %swap3A_2060 : vector<1x1x16xf32> to vector<16xf32>
    %swap3A_2062 = vector.shape_cast %broadcast_in_dim3A_1110 : vector<16xf32> to vector<1x1x16xf32>
    tpu.vector_store %arg8[%swap3A_2057, %swap3A_2058, %swap3A_2059], %swap3A_2062 {strides = array<i32>} : memref<2x80x128xf32, #tpu.memory_space<vmem>>, vector<1x1x16xf32>,
    %swap3A_2063 = arith.constant 0 : i32
    %swap3A_2064 = arith.constant 14 : i32
    %swap3A_2065 = arith.index_cast %swap3A_2063 : i32 to index
    %swap3A_2066 = arith.index_cast %swap3A_2064 : i32 to index
    %swap3A_2067 = arith.constant 112 : index
    %swap3A_2068 = tpu.vector_load %arg8[%swap3A_2065, %swap3A_2066, %swap3A_2067] {strides = array<i32>} : memref<2x80x128xf32, #tpu.memory_space<vmem>>, vector<1x1x16xf32>,
    %swap3A_2069 = vector.shape_cast %swap3A_2068 : vector<1x1x16xf32> to vector<16xf32>
    %swap3A_2070 = vector.shape_cast %broadcast_in_dim3A_1110 : vector<16xf32> to vector<1x1x16xf32>
    tpu.vector_store %arg8[%swap3A_2065, %swap3A_2066, %swap3A_2067], %swap3A_2070 {strides = array<i32>} : memref<2x80x128xf32, #tpu.memory_space<vmem>>, vector<1x1x16xf32>,
    %swap3A_2071 = arith.constant 0 : i32
    %swap3A_2072 = arith.constant 15 : i32
    %swap3A_2073 = arith.index_cast %swap3A_2071 : i32 to index
    %swap3A_2074 = arith.index_cast %swap3A_2072 : i32 to index
    %swap3A_2075 = arith.constant 0 : index
    %swap3A_2076 = tpu.vector_load %arg8[%swap3A_2073, %swap3A_2074, %swap3A_2075] {strides = array<i32>} : memref<2x80x128xf32, #tpu.memory_space<vmem>>, vector<1x1x16xf32>,
    %swap3A_2077 = vector.shape_cast %swap3A_2076 : vector<1x1x16xf32> to vector<16xf32>
    %swap3A_2078 = vector.shape_cast %broadcast_in_dim3A_1110 : vector<16xf32> to vector<1x1x16xf32>
    tpu.vector_store %arg8[%swap3A_2073, %swap3A_2074, %swap3A_2075], %swap3A_2078 {strides = array<i32>} : memref<2x80x128xf32, #tpu.memory_space<vmem>>, vector<1x1x16xf32>,
    %swap3A_2079 = arith.constant 0 : i32
    %swap3A_2080 = arith.constant 15 : i32
    %swap3A_2081 = arith.index_cast %swap3A_2079 : i32 to index
    %swap3A_2082 = arith.index_cast %swap3A_2080 : i32 to index
    %swap3A_2083 = arith.constant 16 : index
    %swap3A_2084 = tpu.vector_load %arg8[%swap3A_2081, %swap3A_2082, %swap3A_2083] {strides = array<i32>} : memref<2x80x128xf32, #tpu.memory_space<vmem>>, vector<1x1x16xf32>,
    %swap3A_2085 = vector.shape_cast %swap3A_2084 : vector<1x1x16xf32> to vector<16xf32>
    %swap3A_2086 = vector.shape_cast %broadcast_in_dim3A_1110 : vector<16xf32> to vector<1x1x16xf32>
    tpu.vector_store %arg8[%swap3A_2081, %swap3A_2082, %swap3A_2083], %swap3A_2086 {strides = array<i32>} : memref<2x80x128xf32, #tpu.memory_space<vmem>>, vector<1x1x16xf32>,
    %swap3A_2087 = arith.constant 0 : i32
    %swap3A_2088 = arith.constant 15 : i32
    %swap3A_2089 = arith.index_cast %swap3A_2087 : i32 to index
    %swap3A_2090 = arith.index_cast %swap3A_2088 : i32 to index
    %swap3A_2091 = arith.constant 32 : index
    %swap3A_2092 = tpu.vector_load %arg8[%swap3A_2089, %swap3A_2090, %swap3A_2091] {strides = array<i32>} : memref<2x80x128xf32, #tpu.memory_space<vmem>>, vector<1x1x16xf32>,
    %swap3A_2093 = vector.shape_cast %swap3A_2092 : vector<1x1x16xf32> to vector<16xf32>
    %swap3A_2094 = vector.shape_cast %broadcast_in_dim3A_1110 : vector<16xf32> to vector<1x1x16xf32>
    tpu.vector_store %arg8[%swap3A_2089, %swap3A_2090, %swap3A_2091], %swap3A_2094 {strides = array<i32>} : memref<2x80x128xf32, #tpu.memory_space<vmem>>, vector<1x1x16xf32>,
    %swap3A_2095 = arith.constant 0 : i32
    %swap3A_2096 = arith.constant 15 : i32
    %swap3A_2097 = arith.index_cast %swap3A_2095 : i32 to index
    %swap3A_2098 = arith.index_cast %swap3A_2096 : i32 to index
    %swap3A_2099 = arith.constant 48 : index
    %swap3A_2100 = tpu.vector_load %arg8[%swap3A_2097, %swap3A_2098, %swap3A_2099] {strides = array<i32>} : memref<2x80x128xf32, #tpu.memory_space<vmem>>, vector<1x1x16xf32>,
    %swap3A_2101 = vector.shape_cast %swap3A_2100 : vector<1x1x16xf32> to vector<16xf32>
    %swap3A_2102 = vector.shape_cast %broadcast_in_dim3A_1110 : vector<16xf32> to vector<1x1x16xf32>
    tpu.vector_store %arg8[%swap3A_2097, %swap3A_2098, %swap3A_2099], %swap3A_2102 {strides = array<i32>} : memref<2x80x128xf32, #tpu.memory_space<vmem>>, vector<1x1x16xf32>,
    %swap3A_2103 = arith.constant 0 : i32
    %swap3A_2104 = arith.constant 15 : i32
    %swap3A_2105 = arith.index_cast %swap3A_2103 : i32 to index
    %swap3A_2106 = arith.index_cast %swap3A_2104 : i32 to index
    %swap3A_2107 = arith.constant 64 : index
    %swap3A_2108 = tpu.vector_load %arg8[%swap3A_2105, %swap3A_2106, %swap3A_2107] {strides = array<i32>} : memref<2x80x128xf32, #tpu.memory_space<vmem>>, vector<1x1x16xf32>,
    %swap3A_2109 = vector.shape_cast %swap3A_2108 : vector<1x1x16xf32> to vector<16xf32>
    %swap3A_2110 = vector.shape_cast %broadcast_in_dim3A_1110 : vector<16xf32> to vector<1x1x16xf32>
    tpu.vector_store %arg8[%swap3A_2105, %swap3A_2106, %swap3A_2107], %swap3A_2110 {strides = array<i32>} : memref<2x80x128xf32, #tpu.memory_space<vmem>>, vector<1x1x16xf32>,
    %swap3A_2111 = arith.constant 0 : i32
    %swap3A_2112 = arith.constant 15 : i32
    %swap3A_2113 = arith.index_cast %swap3A_2111 : i32 to index
    %swap3A_2114 = arith.index_cast %swap3A_2112 : i32 to index
    %swap3A_2115 = arith.constant 80 : index
    %swap3A_2116 = tpu.vector_load %arg8[%swap3A_2113, %swap3A_2114, %swap3A_2115] {strides = array<i32>} : memref<2x80x128xf32, #tpu.memory_space<vmem>>, vector<1x1x16xf32>,
    %swap3A_2117 = vector.shape_cast %swap3A_2116 : vector<1x1x16xf32> to vector<16xf32>
    %swap3A_2118 = vector.shape_cast %broadcast_in_dim3A_1110 : vector<16xf32> to vector<1x1x16xf32>
    tpu.vector_store %arg8[%swap3A_2113, %swap3A_2114, %swap3A_2115], %swap3A_2118 {strides = array<i32>} : memref<2x80x128xf32, #tpu.memory_space<vmem>>, vector<1x1x16xf32>,
    %swap3A_2119 = arith.constant 0 : i32
    %swap3A_2120 = arith.constant 15 : i32
    %swap3A_2121 = arith.index_cast %swap3A_2119 : i32 to index
    %swap3A_2122 = arith.index_cast %swap3A_2120 : i32 to index
    %swap3A_2123 = arith.constant 96 : index
    %swap3A_2124 = tpu.vector_load %arg8[%swap3A_2121, %swap3A_2122, %swap3A_2123] {strides = array<i32>} : memref<2x80x128xf32, #tpu.memory_space<vmem>>, vector<1x1x16xf32>,
    %swap3A_2125 = vector.shape_cast %swap3A_2124 : vector<1x1x16xf32> to vector<16xf32>
    %swap3A_2126 = vector.shape_cast %broadcast_in_dim3A_1110 : vector<16xf32> to vector<1x1x16xf32>
    tpu.vector_store %arg8[%swap3A_2121, %swap3A_2122, %swap3A_2123], %swap3A_2126 {strides = array<i32>} : memref<2x80x128xf32, #tpu.memory_space<vmem>>, vector<1x1x16xf32>,
    %swap3A_2127 = arith.constant 0 : i32
    %swap3A_2128 = arith.constant 15 : i32
    %swap3A_2129 = arith.index_cast %swap3A_2127 : i32 to index
    %swap3A_2130 = arith.index_cast %swap3A_2128 : i32 to index
    %swap3A_2131 = arith.constant 112 : index
    %swap3A_2132 = tpu.vector_load %arg8[%swap3A_2129, %swap3A_2130, %swap3A_2131] {strides = array<i32>} : memref<2x80x128xf32, #tpu.memory_space<vmem>>, vector<1x1x16xf32>,
    %swap3A_2133 = vector.shape_cast %swap3A_2132 : vector<1x1x16xf32> to vector<16xf32>
    %swap3A_2134 = vector.shape_cast %broadcast_in_dim3A_1110 : vector<16xf32> to vector<1x1x16xf32>
    tpu.vector_store %arg8[%swap3A_2129, %swap3A_2130, %swap3A_2131], %swap3A_2134 {strides = array<i32>} : memref<2x80x128xf32, #tpu.memory_space<vmem>>, vector<1x1x16xf32>,
    %scan3A_2135 = arith.constant 0 : i32
    %scan3A_2136 = arith.constant 40 : i32
    %scan3A_2137 = arith.addi %scan3A_2135, %scan3A_2136 : i32
    %scan3A_2138 = arith.constant 1 : i32
    scf.for %scan3A_2217 = %scan3A_2135 to %scan3A_2137 step %scan3A_2138  : i32 {
      %mul3A_2218 = arith.constant 16 : i32
      %mul3A_2219 = arith.muli %scan3A_2217, %mul3A_2218 : i32
      %add3A_2220 = arith.constant 0 : i32
      %add3A_2221 = arith.addi %add3A_2220, %mul3A_2219 : i32
      %mul3A_2222 = arith.constant 640 : i32
      %mul3A_2223 = arith.muli %arg1, %mul3A_2222 : i32
      %add3A_2224 = arith.addi %mul3A_2223, %add3A_2221 : i32
      %run_scoped3A = arith.constant 0 : i32
      "tpu.region"() ({
        %run_scoped3A_2225 = tpu.sem_alloc : memref<!tpu.dma_semaphore, #tpu.memory_space<semaphore_mem>>
        %dma_start3A_2226 = arith.constant 0 : i32
        %dma_start3A_2227 = arith.constant 0 : i32
        %dma_start3A_2228 = tpu.memref_slice %arg8[%run_scoped3A, %dma_start3A_2226, %dma_start3A_2227] : memref<2x80x128xf32, #tpu.memory_space<vmem>> -> memref<1x80x128xf32, #tpu.memory_space<vmem>>
        %dma_start3A_2229 = tpu.memref_squeeze %dma_start3A_2228 : memref<1x80x128xf32, #tpu.memory_space<vmem>> -> memref<80x128xf32, #tpu.memory_space<vmem>>
        %dma_start3A_2230 = arith.constant 0 : i32
        %dma_start3A_2231 = arith.constant 0 : i32
        %dma_start3A_2232 = tpu.memref_slice %dma_start3A_2229[%dma_start3A_2230, %dma_start3A_2231] : memref<80x128xf32, #tpu.memory_space<vmem>> -> memref<16x128xf32, #tpu.memory_space<vmem>>
        %dma_start3A_2233 = arith.constant 0 : i32
        %dma_start3A_2234 = tpu.memref_slice %arg9[%add3A_2224, %dma_start3A_2233] : memref<10240x128xf32, #tpu.memory_space<vmem_shared>> -> memref<16x128xf32, #tpu.memory_space<vmem_shared>>
        %dma_start3A_2235 = arith.constant 0 : i32
        %dma_start3A_2236 = tpu.memref_slice %arg9[%add3A_2224, %dma_start3A_2235] : memref<10240x128xf32, #tpu.memory_space<vmem_shared>> -> memref<16x128xf32, #tpu.memory_space<vmem_shared>>
        %dma_start3A_2237 = arith.constant 0 : i32
        %dma_start3A_2238 = arith.constant 0 : i32
        %dma_start3A_2239 = tpu.memref_slice %arg8[%run_scoped3A, %dma_start3A_2237, %dma_start3A_2238] : memref<2x80x128xf32, #tpu.memory_space<vmem>> -> memref<1x80x128xf32, #tpu.memory_space<vmem>>
        %dma_start3A_2240 = tpu.memref_squeeze %dma_start3A_2239 : memref<1x80x128xf32, #tpu.memory_space<vmem>> -> memref<80x128xf32, #tpu.memory_space<vmem>>
        %dma_start3A_2241 = arith.constant 0 : i32
        %dma_start3A_2242 = arith.constant 0 : i32
        %dma_start3A_2243 = tpu.memref_slice %dma_start3A_2240[%dma_start3A_2241, %dma_start3A_2242] : memref<80x128xf32, #tpu.memory_space<vmem>> -> memref<16x128xf32, #tpu.memory_space<vmem>>
        tpu.enqueue_dma source(%dma_start3A_2243 : memref<16x128xf32, #tpu.memory_space<vmem>>) target(%dma_start3A_2236 : memref<16x128xf32, #tpu.memory_space<vmem_shared>>) target_semaphore(%run_scoped3A_2225 : memref<!tpu.dma_semaphore, #tpu.memory_space<semaphore_mem>>)
        %dma_wait3A_2244 = arith.constant 0 : i32
        %dma_wait3A_2245 = arith.constant 0 : i32
        %dma_wait3A_2246 = tpu.memref_slice %arg8[%run_scoped3A, %dma_wait3A_2244, %dma_wait3A_2245] : memref<2x80x128xf32, #tpu.memory_space<vmem>> -> memref<1x80x128xf32, #tpu.memory_space<vmem>>
        %dma_wait3A_2247 = tpu.memref_squeeze %dma_wait3A_2246 : memref<1x80x128xf32, #tpu.memory_space<vmem>> -> memref<80x128xf32, #tpu.memory_space<vmem>>
        %dma_wait3A_2248 = arith.constant 0 : i32
        %dma_wait3A_2249 = arith.constant 0 : i32
        %dma_wait3A_2250 = tpu.memref_slice %dma_wait3A_2247[%dma_wait3A_2248, %dma_wait3A_2249] : memref<80x128xf32, #tpu.memory_space<vmem>> -> memref<16x128xf32, #tpu.memory_space<vmem>>
        %dma_wait3A_2251 = arith.constant 0 : i32
        %dma_wait3A_2252 = tpu.memref_slice %arg9[%add3A_2224, %dma_wait3A_2251] : memref<10240x128xf32, #tpu.memory_space<vmem_shared>> -> memref<16x128xf32, #tpu.memory_space<vmem_shared>>
        %dma_wait3A_2253 = arith.constant 0 : i32
        %dma_wait3A_2254 = tpu.memref_slice %arg9[%add3A_2224, %dma_wait3A_2253] : memref<10240x128xf32, #tpu.memory_space<vmem_shared>> -> memref<16x128xf32, #tpu.memory_space<vmem_shared>>
        %dma_wait3A_2255 = arith.constant 0 : i32
        %dma_wait3A_2256 = arith.constant 0 : i32
        %dma_wait3A_2257 = tpu.memref_slice %arg8[%run_scoped3A, %dma_wait3A_2255, %dma_wait3A_2256] : memref<2x80x128xf32, #tpu.memory_space<vmem>> -> memref<1x80x128xf32, #tpu.memory_space<vmem>>
        %dma_wait3A_2258 = tpu.memref_squeeze %dma_wait3A_2257 : memref<1x80x128xf32, #tpu.memory_space<vmem>> -> memref<80x128xf32, #tpu.memory_space<vmem>>
        %dma_wait3A_2259 = arith.constant 0 : i32
        %dma_wait3A_2260 = arith.constant 0 : i32
        %dma_wait3A_2261 = tpu.memref_slice %dma_wait3A_2258[%dma_wait3A_2259, %dma_wait3A_2260] : memref<80x128xf32, #tpu.memory_space<vmem>> -> memref<16x128xf32, #tpu.memory_space<vmem>>
        tpu.wait_dma2 semaphore(%run_scoped3A_2225 : memref<!tpu.dma_semaphore, #tpu.memory_space<semaphore_mem>>) src(%dma_wait3A_2261 : memref<16x128xf32, #tpu.memory_space<vmem>>) dst(%dma_wait3A_2254 : memref<16x128xf32, #tpu.memory_space<vmem_shared>>)
        tpu.yield
      }) : () -> ()
    }
    %scan3A_2139 = arith.constant 40 : i32
    %barrier3A_2140 = arith.constant 0 : index
    tpu.barrier barrier_id(%barrier3A_2140)
    %dma_start3A_2141 = arith.constant 0 : i32
    %dma_start3A_2142 = arith.constant 0 : i32
    %dma_start3A_2143 = arith.constant 0 : i32
    %dma_start3A_2144 = tpu.memref_slice %arg8[%dma_start3A_2141, %dma_start3A_2142, %dma_start3A_2143] : memref<2x80x128xf32, #tpu.memory_space<vmem>> -> memref<1x80x128xf32, #tpu.memory_space<vmem>>
    %dma_start3A_2145 = tpu.memref_squeeze %dma_start3A_2144 : memref<1x80x128xf32, #tpu.memory_space<vmem>> -> memref<80x128xf32, #tpu.memory_space<vmem>>
    %dma_start3A_2146 = arith.constant 0 : i32
    %dma_start3A_2147 = tpu.memref_slice %arg6[%dma_start3A_2146] : memref<10000xi32, #tpu.memory_space<vmem>> -> memref<80xi32, #tpu.memory_space<vmem>>
    %dma_start3A_2148 = arith.constant 0 : i32
    %dma_start3A_2149 = arith.constant 0 : i32
    %dma_start3A_2150 = tpu.memref_slice %arg2[%add3A_1108, %dma_start3A_2148, %dma_start3A_2149] : memref<4x10000x128xf32, #tpu.memory_space<hbm>> -> memref<1x10000x128xf32, #tpu.memory_space<hbm>>
    %dma_start3A_2151 = tpu.memref_squeeze %dma_start3A_2150 : memref<1x10000x128xf32, #tpu.memory_space<hbm>> -> memref<10000x128xf32, #tpu.memory_space<hbm>>
    %dma_start3A_2152 = arith.constant 0 : i32
    %dma_start3A_2153 = arith.constant 0 : i32
    %dma_start3A_2154 = tpu.memref_slice %dma_start3A_2151[%dma_start3A_2152, %dma_start3A_2153] : memref<10000x128xf32, #tpu.memory_space<hbm>> -> memref<10000x128xf32, #tpu.memory_space<hbm>>
    tpu.enqueue_indirect_dma source(%dma_start3A_2154 : memref<10000x128xf32, #tpu.memory_space<hbm>>) target(%dma_start3A_2145 : memref<80x128xf32, #tpu.memory_space<vmem>>) offsets(%dma_start3A_2147 : memref<80xi32, #tpu.memory_space<vmem>>) semaphore(%arg10 : memref<!tpu.dma_semaphore, #tpu.memory_space<semaphore_mem>>)
    %dma_start3A_2155 = arith.constant 1 : i32
    %dma_start3A_2156 = arith.constant 0 : i32
    %dma_start3A_2157 = arith.constant 0 : i32
    %dma_start3A_2158 = tpu.memref_slice %arg8[%dma_start3A_2155, %dma_start3A_2156, %dma_start3A_2157] : memref<2x80x128xf32, #tpu.memory_space<vmem>> -> memref<1x80x128xf32, #tpu.memory_space<vmem>>
    %dma_start3A_2159 = tpu.memref_squeeze %dma_start3A_2158 : memref<1x80x128xf32, #tpu.memory_space<vmem>> -> memref<80x128xf32, #tpu.memory_space<vmem>>
    %dma_start3A_2160 = arith.constant 80 : i32
    %dma_start3A_2161 = tpu.memref_slice %arg6[%dma_start3A_2160] : memref<10000xi32, #tpu.memory_space<vmem>> -> memref<80xi32, #tpu.memory_space<vmem>>
    %dma_start3A_2162 = arith.constant 0 : i32
    %dma_start3A_2163 = arith.constant 0 : i32
    %dma_start3A_2164 = tpu.memref_slice %arg2[%add3A_1108, %dma_start3A_2162, %dma_start3A_2163] : memref<4x10000x128xf32, #tpu.memory_space<hbm>> -> memref<1x10000x128xf32, #tpu.memory_space<hbm>>
    %dma_start3A_2165 = tpu.memref_squeeze %dma_start3A_2164 : memref<1x10000x128xf32, #tpu.memory_space<hbm>> -> memref<10000x128xf32, #tpu.memory_space<hbm>>
    %dma_start3A_2166 = arith.constant 0 : i32
    %dma_start3A_2167 = arith.constant 0 : i32
    %dma_start3A_2168 = tpu.memref_slice %dma_start3A_2165[%dma_start3A_2166, %dma_start3A_2167] : memref<10000x128xf32, #tpu.memory_space<hbm>> -> memref<10000x128xf32, #tpu.memory_space<hbm>>
    tpu.enqueue_indirect_dma source(%dma_start3A_2168 : memref<10000x128xf32, #tpu.memory_space<hbm>>) target(%dma_start3A_2159 : memref<80x128xf32, #tpu.memory_space<vmem>>) offsets(%dma_start3A_2161 : memref<80xi32, #tpu.memory_space<vmem>>) semaphore(%arg11 : memref<!tpu.dma_semaphore, #tpu.memory_space<semaphore_mem>>)
    %scan3A_2169 = arith.constant 0 : i32
    %scan3A_2170 = arith.constant 62 : i32
    %scan3A_2171 = arith.addi %scan3A_2169, %scan3A_2170 : i32
    %scan3A_2172 = arith.constant 1 : i32
    scf.for %scan3A_2217 = %scan3A_2169 to %scan3A_2171 step %scan3A_2172  : i32 {
      %mul3A_2218 = arith.constant 1 : i32
      %mul3A_2219 = arith.muli %scan3A_2217, %mul3A_2218 : i32
      %add3A_2220 = arith.constant 0 : i32
      %add3A_2221 = arith.addi %add3A_2220, %mul3A_2219 : i32
      %mul3A_2222 = arith.constant 2 : i32
      %mul3A_2223 = arith.muli %add3A_2221, %mul3A_2222 : i32
      %add3A_2224 = arith.constant 0 : i32
      %add3A_2225 = arith.addi %mul3A_2223, %add3A_2224 : i32
      %mul3A_2226 = arith.constant 80 : i32
      %mul3A_2227 = arith.muli %add3A_2225, %mul3A_2226 : i32
      %dma_wait3A_2228 = arith.constant 0 : i32
      %dma_wait3A_2229 = arith.constant 0 : i32
      %dma_wait3A_2230 = arith.constant 0 : i32
      %dma_wait3A_2231 = tpu.memref_slice %arg8[%dma_wait3A_2228, %dma_wait3A_2229, %dma_wait3A_2230] : memref<2x80x128xf32, #tpu.memory_space<vmem>> -> memref<1x80x128xf32, #tpu.memory_space<vmem>>
      %dma_wait3A_2232 = tpu.memref_squeeze %dma_wait3A_2231 : memref<1x80x128xf32, #tpu.memory_space<vmem>> -> memref<80x128xf32, #tpu.memory_space<vmem>>
      %dma_wait3A_2233 = tpu.memref_slice %arg6[%mul3A_2227] : memref<10000xi32, #tpu.memory_space<vmem>> -> memref<80xi32, #tpu.memory_space<vmem>>
      %dma_wait3A_2234 = arith.constant 0 : i32
      %dma_wait3A_2235 = arith.constant 0 : i32
      %dma_wait3A_2236 = tpu.memref_slice %arg2[%add3A_1108, %dma_wait3A_2234, %dma_wait3A_2235] : memref<4x10000x128xf32, #tpu.memory_space<hbm>> -> memref<1x10000x128xf32, #tpu.memory_space<hbm>>
      %dma_wait3A_2237 = tpu.memref_squeeze %dma_wait3A_2236 : memref<1x10000x128xf32, #tpu.memory_space<hbm>> -> memref<10000x128xf32, #tpu.memory_space<hbm>>
      %dma_wait3A_2238 = arith.constant 0 : i32
      %dma_wait3A_2239 = arith.constant 0 : i32
      %dma_wait3A_2240 = tpu.memref_slice %dma_wait3A_2237[%dma_wait3A_2238, %dma_wait3A_2239] : memref<10000x128xf32, #tpu.memory_space<hbm>> -> memref<10000x128xf32, #tpu.memory_space<hbm>>
      tpu.wait_indirect_dma semaphore(%arg10 : memref<!tpu.dma_semaphore, #tpu.memory_space<semaphore_mem>>) src(%dma_wait3A_2240 : memref<10000x128xf32, #tpu.memory_space<hbm>>) dst(%dma_wait3A_2232 : memref<80x128xf32, #tpu.memory_space<vmem>>)
      %dma_start3A_2241 = arith.constant 0 : i32
      %dma_start3A_2242 = arith.constant 0 : i32
      %dma_start3A_2243 = arith.constant 0 : i32
      %dma_start3A_2244 = tpu.memref_slice %arg8[%dma_start3A_2241, %dma_start3A_2242, %dma_start3A_2243] : memref<2x80x128xf32, #tpu.memory_space<vmem>> -> memref<1x80x128xf32, #tpu.memory_space<vmem>>
      %dma_start3A_2245 = tpu.memref_squeeze %dma_start3A_2244 : memref<1x80x128xf32, #tpu.memory_space<vmem>> -> memref<80x128xf32, #tpu.memory_space<vmem>>
      %dma_start3A_2246 = arith.constant 0 : i32
      %dma_start3A_2247 = tpu.memref_slice %arg7[%add3A_2225, %dma_start3A_2246] : memref<125x80xi32, #tpu.memory_space<vmem>> -> memref<1x80xi32, #tpu.memory_space<vmem>>
      %dma_start3A_2248 = tpu.memref_squeeze %dma_start3A_2247 : memref<1x80xi32, #tpu.memory_space<vmem>> -> memref<80xi32, #tpu.memory_space<vmem>>
      %dma_start3A_2249 = arith.constant 0 : i32
      %dma_start3A_2250 = arith.constant 0 : i32
      %dma_start3A_2251 = tpu.memref_slice %arg9[%dma_start3A_2249, %dma_start3A_2250] : memref<10240x128xf32, #tpu.memory_space<vmem_shared>> -> memref<10240x128xf32, #tpu.memory_space<vmem_shared>>
      tpu.enqueue_indirect_dma source(%dma_start3A_2245 : memref<80x128xf32, #tpu.memory_space<vmem>>) target(%dma_start3A_2251 : memref<10240x128xf32, #tpu.memory_space<vmem_shared>>) offsets(%dma_start3A_2248 : memref<80xi32, #tpu.memory_space<vmem>>) semaphore(%arg12 : memref<!tpu.dma_semaphore, #tpu.memory_space<semaphore_mem>>) {add = true}
      %dma_wait3A_2252 = arith.constant 0 : i32
      %dma_wait3A_2253 = arith.constant 0 : i32
      %dma_wait3A_2254 = arith.constant 0 : i32
      %dma_wait3A_2255 = tpu.memref_slice %arg8[%dma_wait3A_2252, %dma_wait3A_2253, %dma_wait3A_2254] : memref<2x80x128xf32, #tpu.memory_space<vmem>> -> memref<1x80x128xf32, #tpu.memory_space<vmem>>
      %dma_wait3A_2256 = tpu.memref_squeeze %dma_wait3A_2255 : memref<1x80x128xf32, #tpu.memory_space<vmem>> -> memref<80x128xf32, #tpu.memory_space<vmem>>
      %dma_wait3A_2257 = arith.constant 0 : i32
      %dma_wait3A_2258 = tpu.memref_slice %arg7[%add3A_2225, %dma_wait3A_2257] : memref<125x80xi32, #tpu.memory_space<vmem>> -> memref<1x80xi32, #tpu.memory_space<vmem>>
      %dma_wait3A_2259 = tpu.memref_squeeze %dma_wait3A_2258 : memref<1x80xi32, #tpu.memory_space<vmem>> -> memref<80xi32, #tpu.memory_space<vmem>>
      %dma_wait3A_2260 = arith.constant 0 : i32
      %dma_wait3A_2261 = arith.constant 0 : i32
      %dma_wait3A_2262 = tpu.memref_slice %arg9[%dma_wait3A_2260, %dma_wait3A_2261] : memref<10240x128xf32, #tpu.memory_space<vmem_shared>> -> memref<10240x128xf32, #tpu.memory_space<vmem_shared>>
      tpu.wait_indirect_dma semaphore(%arg12 : memref<!tpu.dma_semaphore, #tpu.memory_space<semaphore_mem>>) src(%dma_wait3A_2256 : memref<80x128xf32, #tpu.memory_space<vmem>>) dst(%dma_wait3A_2262 : memref<10240x128xf32, #tpu.memory_space<vmem_shared>>)
      %add3A_2263 = arith.constant 2 : i32
      %add3A_2264 = arith.addi %add3A_2225, %add3A_2263 : i32
      %lt3A = arith.constant 125 : i32
      %lt3A_2265 = arith.cmpi slt, %add3A_2264, %lt3A : i32
      %convert_element_type3A = arith.extui %lt3A_2265 : i1 to i32
      %cond3A = arith.constant 0 : i32
      %cond3A_2266 = arith.cmpi ne, %convert_element_type3A, %cond3A : i32
      scf.if %cond3A_2266 {
        %add3A_2315 = arith.constant 2 : i32
        %add3A_2316 = arith.addi %add3A_2225, %add3A_2315 : i32
        %mul3A_2317 = arith.constant 80 : i32
        %mul3A_2318 = arith.muli %add3A_2316, %mul3A_2317 : i32
        %dma_start3A_2319 = arith.constant 0 : i32
        %dma_start3A_2320 = arith.constant 0 : i32
        %dma_start3A_2321 = arith.constant 0 : i32
        %dma_start3A_2322 = tpu.memref_slice %arg8[%dma_start3A_2319, %dma_start3A_2320, %dma_start3A_2321] : memref<2x80x128xf32, #tpu.memory_space<vmem>> -> memref<1x80x128xf32, #tpu.memory_space<vmem>>
        %dma_start3A_2323 = tpu.memref_squeeze %dma_start3A_2322 : memref<1x80x128xf32, #tpu.memory_space<vmem>> -> memref<80x128xf32, #tpu.memory_space<vmem>>
        %dma_start3A_2324 = tpu.memref_slice %arg6[%mul3A_2318] : memref<10000xi32, #tpu.memory_space<vmem>> -> memref<80xi32, #tpu.memory_space<vmem>>
        %dma_start3A_2325 = arith.constant 0 : i32
        %dma_start3A_2326 = arith.constant 0 : i32
        %dma_start3A_2327 = tpu.memref_slice %arg2[%add3A_1108, %dma_start3A_2325, %dma_start3A_2326] : memref<4x10000x128xf32, #tpu.memory_space<hbm>> -> memref<1x10000x128xf32, #tpu.memory_space<hbm>>
        %dma_start3A_2328 = tpu.memref_squeeze %dma_start3A_2327 : memref<1x10000x128xf32, #tpu.memory_space<hbm>> -> memref<10000x128xf32, #tpu.memory_space<hbm>>
        %dma_start3A_2329 = arith.constant 0 : i32
        %dma_start3A_2330 = arith.constant 0 : i32
        %dma_start3A_2331 = tpu.memref_slice %dma_start3A_2328[%dma_start3A_2329, %dma_start3A_2330] : memref<10000x128xf32, #tpu.memory_space<hbm>> -> memref<10000x128xf32, #tpu.memory_space<hbm>>
        tpu.enqueue_indirect_dma source(%dma_start3A_2331 : memref<10000x128xf32, #tpu.memory_space<hbm>>) target(%dma_start3A_2323 : memref<80x128xf32, #tpu.memory_space<vmem>>) offsets(%dma_start3A_2324 : memref<80xi32, #tpu.memory_space<vmem>>) semaphore(%arg10 : memref<!tpu.dma_semaphore, #tpu.memory_space<semaphore_mem>>)
      } else {
      }
      %mul3A_2267 = arith.constant 2 : i32
      %mul3A_2268 = arith.muli %add3A_2221, %mul3A_2267 : i32
      %add3A_2269 = arith.constant 1 : i32
      %add3A_2270 = arith.addi %mul3A_2268, %add3A_2269 : i32
      %mul3A_2271 = arith.constant 80 : i32
      %mul3A_2272 = arith.muli %add3A_2270, %mul3A_2271 : i32
      %dma_wait3A_2273 = arith.constant 1 : i32
      %dma_wait3A_2274 = arith.constant 0 : i32
      %dma_wait3A_2275 = arith.constant 0 : i32
      %dma_wait3A_2276 = tpu.memref_slice %arg8[%dma_wait3A_2273, %dma_wait3A_2274, %dma_wait3A_2275] : memref<2x80x128xf32, #tpu.memory_space<vmem>> -> memref<1x80x128xf32, #tpu.memory_space<vmem>>
      %dma_wait3A_2277 = tpu.memref_squeeze %dma_wait3A_2276 : memref<1x80x128xf32, #tpu.memory_space<vmem>> -> memref<80x128xf32, #tpu.memory_space<vmem>>
      %dma_wait3A_2278 = tpu.memref_slice %arg6[%mul3A_2272] : memref<10000xi32, #tpu.memory_space<vmem>> -> memref<80xi32, #tpu.memory_space<vmem>>
      %dma_wait3A_2279 = arith.constant 0 : i32
      %dma_wait3A_2280 = arith.constant 0 : i32
      %dma_wait3A_2281 = tpu.memref_slice %arg2[%add3A_1108, %dma_wait3A_2279, %dma_wait3A_2280] : memref<4x10000x128xf32, #tpu.memory_space<hbm>> -> memref<1x10000x128xf32, #tpu.memory_space<hbm>>
      %dma_wait3A_2282 = tpu.memref_squeeze %dma_wait3A_2281 : memref<1x10000x128xf32, #tpu.memory_space<hbm>> -> memref<10000x128xf32, #tpu.memory_space<hbm>>
      %dma_wait3A_2283 = arith.constant 0 : i32
      %dma_wait3A_2284 = arith.constant 0 : i32
      %dma_wait3A_2285 = tpu.memref_slice %dma_wait3A_2282[%dma_wait3A_2283, %dma_wait3A_2284] : memref<10000x128xf32, #tpu.memory_space<hbm>> -> memref<10000x128xf32, #tpu.memory_space<hbm>>
      tpu.wait_indirect_dma semaphore(%arg11 : memref<!tpu.dma_semaphore, #tpu.memory_space<semaphore_mem>>) src(%dma_wait3A_2285 : memref<10000x128xf32, #tpu.memory_space<hbm>>) dst(%dma_wait3A_2277 : memref<80x128xf32, #tpu.memory_space<vmem>>)
      %dma_start3A_2286 = arith.constant 1 : i32
      %dma_start3A_2287 = arith.constant 0 : i32
      %dma_start3A_2288 = arith.constant 0 : i32
      %dma_start3A_2289 = tpu.memref_slice %arg8[%dma_start3A_2286, %dma_start3A_2287, %dma_start3A_2288] : memref<2x80x128xf32, #tpu.memory_space<vmem>> -> memref<1x80x128xf32, #tpu.memory_space<vmem>>
      %dma_start3A_2290 = tpu.memref_squeeze %dma_start3A_2289 : memref<1x80x128xf32, #tpu.memory_space<vmem>> -> memref<80x128xf32, #tpu.memory_space<vmem>>
      %dma_start3A_2291 = arith.constant 0 : i32
      %dma_start3A_2292 = tpu.memref_slice %arg7[%add3A_2270, %dma_start3A_2291] : memref<125x80xi32, #tpu.memory_space<vmem>> -> memref<1x80xi32, #tpu.memory_space<vmem>>
      %dma_start3A_2293 = tpu.memref_squeeze %dma_start3A_2292 : memref<1x80xi32, #tpu.memory_space<vmem>> -> memref<80xi32, #tpu.memory_space<vmem>>
      %dma_start3A_2294 = arith.constant 0 : i32
      %dma_start3A_2295 = arith.constant 0 : i32
      %dma_start3A_2296 = tpu.memref_slice %arg9[%dma_start3A_2294, %dma_start3A_2295] : memref<10240x128xf32, #tpu.memory_space<vmem_shared>> -> memref<10240x128xf32, #tpu.memory_space<vmem_shared>>
      tpu.enqueue_indirect_dma source(%dma_start3A_2290 : memref<80x128xf32, #tpu.memory_space<vmem>>) target(%dma_start3A_2296 : memref<10240x128xf32, #tpu.memory_space<vmem_shared>>) offsets(%dma_start3A_2293 : memref<80xi32, #tpu.memory_space<vmem>>) semaphore(%arg13 : memref<!tpu.dma_semaphore, #tpu.memory_space<semaphore_mem>>) {add = true}
      %dma_wait3A_2297 = arith.constant 1 : i32
      %dma_wait3A_2298 = arith.constant 0 : i32
      %dma_wait3A_2299 = arith.constant 0 : i32
      %dma_wait3A_2300 = tpu.memref_slice %arg8[%dma_wait3A_2297, %dma_wait3A_2298, %dma_wait3A_2299] : memref<2x80x128xf32, #tpu.memory_space<vmem>> -> memref<1x80x128xf32, #tpu.memory_space<vmem>>
      %dma_wait3A_2301 = tpu.memref_squeeze %dma_wait3A_2300 : memref<1x80x128xf32, #tpu.memory_space<vmem>> -> memref<80x128xf32, #tpu.memory_space<vmem>>
      %dma_wait3A_2302 = arith.constant 0 : i32
      %dma_wait3A_2303 = tpu.memref_slice %arg7[%add3A_2270, %dma_wait3A_2302] : memref<125x80xi32, #tpu.memory_space<vmem>> -> memref<1x80xi32, #tpu.memory_space<vmem>>
      %dma_wait3A_2304 = tpu.memref_squeeze %dma_wait3A_2303 : memref<1x80xi32, #tpu.memory_space<vmem>> -> memref<80xi32, #tpu.memory_space<vmem>>
      %dma_wait3A_2305 = arith.constant 0 : i32
      %dma_wait3A_2306 = arith.constant 0 : i32
      %dma_wait3A_2307 = tpu.memref_slice %arg9[%dma_wait3A_2305, %dma_wait3A_2306] : memref<10240x128xf32, #tpu.memory_space<vmem_shared>> -> memref<10240x128xf32, #tpu.memory_space<vmem_shared>>
      tpu.wait_indirect_dma semaphore(%arg13 : memref<!tpu.dma_semaphore, #tpu.memory_space<semaphore_mem>>) src(%dma_wait3A_2301 : memref<80x128xf32, #tpu.memory_space<vmem>>) dst(%dma_wait3A_2307 : memref<10240x128xf32, #tpu.memory_space<vmem_shared>>)
      %add3A_2308 = arith.constant 2 : i32
      %add3A_2309 = arith.addi %add3A_2270, %add3A_2308 : i32
      %lt3A_2310 = arith.constant 125 : i32
      %lt3A_2311 = arith.cmpi slt, %add3A_2309, %lt3A_2310 : i32
      %convert_element_type3A_2312 = arith.extui %lt3A_2311 : i1 to i32
      %cond3A_2313 = arith.constant 0 : i32
      %cond3A_2314 = arith.cmpi ne, %convert_element_type3A_2312, %cond3A_2313 : i32
      scf.if %cond3A_2314 {
        %add3A_2315 = arith.constant 2 : i32
        %add3A_2316 = arith.addi %add3A_2270, %add3A_2315 : i32
        %mul3A_2317 = arith.constant 80 : i32
        %mul3A_2318 = arith.muli %add3A_2316, %mul3A_2317 : i32
        %dma_start3A_2319 = arith.constant 1 : i32
        %dma_start3A_2320 = arith.constant 0 : i32
        %dma_start3A_2321 = arith.constant 0 : i32
        %dma_start3A_2322 = tpu.memref_slice %arg8[%dma_start3A_2319, %dma_start3A_2320, %dma_start3A_2321] : memref<2x80x128xf32, #tpu.memory_space<vmem>> -> memref<1x80x128xf32, #tpu.memory_space<vmem>>
        %dma_start3A_2323 = tpu.memref_squeeze %dma_start3A_2322 : memref<1x80x128xf32, #tpu.memory_space<vmem>> -> memref<80x128xf32, #tpu.memory_space<vmem>>
        %dma_start3A_2324 = tpu.memref_slice %arg6[%mul3A_2318] : memref<10000xi32, #tpu.memory_space<vmem>> -> memref<80xi32, #tpu.memory_space<vmem>>
        %dma_start3A_2325 = arith.constant 0 : i32
        %dma_start3A_2326 = arith.constant 0 : i32
        %dma_start3A_2327 = tpu.memref_slice %arg2[%add3A_1108, %dma_start3A_2325, %dma_start3A_2326] : memref<4x10000x128xf32, #tpu.memory_space<hbm>> -> memref<1x10000x128xf32, #tpu.memory_space<hbm>>
        %dma_start3A_2328 = tpu.memref_squeeze %dma_start3A_2327 : memref<1x10000x128xf32, #tpu.memory_space<hbm>> -> memref<10000x128xf32, #tpu.memory_space<hbm>>
        %dma_start3A_2329 = arith.constant 0 : i32
        %dma_start3A_2330 = arith.constant 0 : i32
        %dma_start3A_2331 = tpu.memref_slice %dma_start3A_2328[%dma_start3A_2329, %dma_start3A_2330] : memref<10000x128xf32, #tpu.memory_space<hbm>> -> memref<10000x128xf32, #tpu.memory_space<hbm>>
        tpu.enqueue_indirect_dma source(%dma_start3A_2331 : memref<10000x128xf32, #tpu.memory_space<hbm>>) target(%dma_start3A_2323 : memref<80x128xf32, #tpu.memory_space<vmem>>) offsets(%dma_start3A_2324 : memref<80xi32, #tpu.memory_space<vmem>>) semaphore(%arg11 : memref<!tpu.dma_semaphore, #tpu.memory_space<semaphore_mem>>)
      } else {
      }
    }
    %scan3A_2173 = arith.constant 62 : i32
    %dma_wait3A_2174 = arith.constant 0 : i32
    %dma_wait3A_2175 = arith.constant 0 : i32
    %dma_wait3A_2176 = arith.constant 0 : i32
    %dma_wait3A_2177 = tpu.memref_slice %arg8[%dma_wait3A_2174, %dma_wait3A_2175, %dma_wait3A_2176] : memref<2x80x128xf32, #tpu.memory_space<vmem>> -> memref<1x80x128xf32, #tpu.memory_space<vmem>>
    %dma_wait3A_2178 = tpu.memref_squeeze %dma_wait3A_2177 : memref<1x80x128xf32, #tpu.memory_space<vmem>> -> memref<80x128xf32, #tpu.memory_space<vmem>>
    %dma_wait3A_2179 = arith.constant 9920 : i32
    %dma_wait3A_2180 = tpu.memref_slice %arg6[%dma_wait3A_2179] : memref<10000xi32, #tpu.memory_space<vmem>> -> memref<80xi32, #tpu.memory_space<vmem>>
    %dma_wait3A_2181 = arith.constant 0 : i32
    %dma_wait3A_2182 = arith.constant 0 : i32
    %dma_wait3A_2183 = tpu.memref_slice %arg2[%add3A_1108, %dma_wait3A_2181, %dma_wait3A_2182] : memref<4x10000x128xf32, #tpu.memory_space<hbm>> -> memref<1x10000x128xf32, #tpu.memory_space<hbm>>
    %dma_wait3A_2184 = tpu.memref_squeeze %dma_wait3A_2183 : memref<1x10000x128xf32, #tpu.memory_space<hbm>> -> memref<10000x128xf32, #tpu.memory_space<hbm>>
    %dma_wait3A_2185 = arith.constant 0 : i32
    %dma_wait3A_2186 = arith.constant 0 : i32
    %dma_wait3A_2187 = tpu.memref_slice %dma_wait3A_2184[%dma_wait3A_2185, %dma_wait3A_2186] : memref<10000x128xf32, #tpu.memory_space<hbm>> -> memref<10000x128xf32, #tpu.memory_space<hbm>>
    tpu.wait_indirect_dma semaphore(%arg10 : memref<!tpu.dma_semaphore, #tpu.memory_space<semaphore_mem>>) src(%dma_wait3A_2187 : memref<10000x128xf32, #tpu.memory_space<hbm>>) dst(%dma_wait3A_2178 : memref<80x128xf32, #tpu.memory_space<vmem>>)
    %dma_start3A_2188 = arith.constant 0 : i32
    %dma_start3A_2189 = arith.constant 124 : i32
    %dma_start3A_2190 = arith.constant 0 : i32
    %dma_start3A_2191 = arith.constant 0 : i32
    %dma_start3A_2192 = tpu.memref_slice %arg8[%dma_start3A_2188, %dma_start3A_2190, %dma_start3A_2191] : memref<2x80x128xf32, #tpu.memory_space<vmem>> -> memref<1x80x128xf32, #tpu.memory_space<vmem>>
    %dma_start3A_2193 = tpu.memref_squeeze %dma_start3A_2192 : memref<1x80x128xf32, #tpu.memory_space<vmem>> -> memref<80x128xf32, #tpu.memory_space<vmem>>
    %dma_start3A_2194 = arith.constant 0 : i32
    %dma_start3A_2195 = tpu.memref_slice %arg7[%dma_start3A_2189, %dma_start3A_2194] : memref<125x80xi32, #tpu.memory_space<vmem>> -> memref<1x80xi32, #tpu.memory_space<vmem>>
    %dma_start3A_2196 = tpu.memref_squeeze %dma_start3A_2195 : memref<1x80xi32, #tpu.memory_space<vmem>> -> memref<80xi32, #tpu.memory_space<vmem>>
    %dma_start3A_2197 = arith.constant 0 : i32
    %dma_start3A_2198 = arith.constant 0 : i32
    %dma_start3A_2199 = tpu.memref_slice %arg9[%dma_start3A_2197, %dma_start3A_2198] : memref<10240x128xf32, #tpu.memory_space<vmem_shared>> -> memref<10240x128xf32, #tpu.memory_space<vmem_shared>>
    tpu.enqueue_indirect_dma source(%dma_start3A_2193 : memref<80x128xf32, #tpu.memory_space<vmem>>) target(%dma_start3A_2199 : memref<10240x128xf32, #tpu.memory_space<vmem_shared>>) offsets(%dma_start3A_2196 : memref<80xi32, #tpu.memory_space<vmem>>) semaphore(%arg12 : memref<!tpu.dma_semaphore, #tpu.memory_space<semaphore_mem>>) {add = true}
    %dma_wait3A_2200 = arith.constant 0 : i32
    %dma_wait3A_2201 = arith.constant 124 : i32
    %dma_wait3A_2202 = arith.constant 0 : i32
    %dma_wait3A_2203 = arith.constant 0 : i32
    %dma_wait3A_2204 = tpu.memref_slice %arg8[%dma_wait3A_2200, %dma_wait3A_2202, %dma_wait3A_2203] : memref<2x80x128xf32, #tpu.memory_space<vmem>> -> memref<1x80x128xf32, #tpu.memory_space<vmem>>
    %dma_wait3A_2205 = tpu.memref_squeeze %dma_wait3A_2204 : memref<1x80x128xf32, #tpu.memory_space<vmem>> -> memref<80x128xf32, #tpu.memory_space<vmem>>
    %dma_wait3A_2206 = arith.constant 0 : i32
    %dma_wait3A_2207 = tpu.memref_slice %arg7[%dma_wait3A_2201, %dma_wait3A_2206] : memref<125x80xi32, #tpu.memory_space<vmem>> -> memref<1x80xi32, #tpu.memory_space<vmem>>
    %dma_wait3A_2208 = tpu.memref_squeeze %dma_wait3A_2207 : memref<1x80xi32, #tpu.memory_space<vmem>> -> memref<80xi32, #tpu.memory_space<vmem>>
    %dma_wait3A_2209 = arith.constant 0 : i32
    %dma_wait3A_2210 = arith.constant 0 : i32
    %dma_wait3A_2211 = tpu.memref_slice %arg9[%dma_wait3A_2209, %dma_wait3A_2210] : memref<10240x128xf32, #tpu.memory_space<vmem_shared>> -> memref<10240x128xf32, #tpu.memory_space<vmem_shared>>
    tpu.wait_indirect_dma semaphore(%arg12 : memref<!tpu.dma_semaphore, #tpu.memory_space<semaphore_mem>>) src(%dma_wait3A_2205 : memref<80x128xf32, #tpu.memory_space<vmem>>) dst(%dma_wait3A_2211 : memref<10240x128xf32, #tpu.memory_space<vmem_shared>>)
    %barrier3A_2212 = arith.constant 0 : index
    tpu.barrier barrier_id(%barrier3A_2212)
    %mul3A_2213 = arith.constant 640 : i32
    %mul3A_2214 = arith.muli %arg1, %mul3A_2213 : i32
    %mul3A_2215 = arith.constant 640 : i32
    %mul3A_2216 = arith.muli %arg1, %mul3A_2215 : i32
    "tpu.region"() ({
      %run_scoped3A = tpu.sem_alloc : memref<!tpu.dma_semaphore, #tpu.memory_space<semaphore_mem>>
      %dma_start3A_2217 = arith.constant 0 : i32
      %dma_start3A_2218 = arith.constant 0 : i32
      %dma_start3A_2219 = tpu.memref_slice %arg5[%add3A_1108, %dma_start3A_2217, %dma_start3A_2218] : memref<4x10240x128xf32, #tpu.memory_space<hbm>> -> memref<1x10240x128xf32, #tpu.memory_space<hbm>>
      %dma_start3A_2220 = tpu.memref_squeeze %dma_start3A_2219 : memref<1x10240x128xf32, #tpu.memory_space<hbm>> -> memref<10240x128xf32, #tpu.memory_space<hbm>>
      %dma_start3A_2221 = arith.constant 0 : i32
      %dma_start3A_2222 = tpu.memref_slice %dma_start3A_2220[%mul3A_2216, %dma_start3A_2221] : memref<10240x128xf32, #tpu.memory_space<hbm>> -> memref<640x128xf32, #tpu.memory_space<hbm>>
      %dma_start3A_2223 = arith.constant 0 : i32
      %dma_start3A_2224 = tpu.memref_slice %arg9[%mul3A_2214, %dma_start3A_2223] : memref<10240x128xf32, #tpu.memory_space<vmem_shared>> -> memref<640x128xf32, #tpu.memory_space<vmem_shared>>
      tpu.enqueue_dma source(%dma_start3A_2224 : memref<640x128xf32, #tpu.memory_space<vmem_shared>>) target(%dma_start3A_2222 : memref<640x128xf32, #tpu.memory_space<hbm>>) target_semaphore(%run_scoped3A : memref<!tpu.dma_semaphore, #tpu.memory_space<semaphore_mem>>)
      %dma_wait3A_2225 = arith.constant 0 : i32
      %dma_wait3A_2226 = arith.constant 0 : i32
      %dma_wait3A_2227 = tpu.memref_slice %arg5[%add3A_1108, %dma_wait3A_2225, %dma_wait3A_2226] : memref<4x10240x128xf32, #tpu.memory_space<hbm>> -> memref<1x10240x128xf32, #tpu.memory_space<hbm>>
      %dma_wait3A_2228 = tpu.memref_squeeze %dma_wait3A_2227 : memref<1x10240x128xf32, #tpu.memory_space<hbm>> -> memref<10240x128xf32, #tpu.memory_space<hbm>>
      %dma_wait3A_2229 = arith.constant 0 : i32
      %dma_wait3A_2230 = tpu.memref_slice %dma_wait3A_2228[%mul3A_2216, %dma_wait3A_2229] : memref<10240x128xf32, #tpu.memory_space<hbm>> -> memref<640x128xf32, #tpu.memory_space<hbm>>
      %dma_wait3A_2231 = arith.constant 0 : i32
      %dma_wait3A_2232 = tpu.memref_slice %arg9[%mul3A_2214, %dma_wait3A_2231] : memref<10240x128xf32, #tpu.memory_space<vmem_shared>> -> memref<640x128xf32, #tpu.memory_space<vmem_shared>>
      tpu.wait_dma2 semaphore(%run_scoped3A : memref<!tpu.dma_semaphore, #tpu.memory_space<semaphore_mem>>) src(%dma_wait3A_2232 : memref<640x128xf32, #tpu.memory_space<vmem_shared>>) dst(%dma_wait3A_2230 : memref<640x128xf32, #tpu.memory_space<hbm>>)
      tpu.yield
    }) : () -> ()
    return
  }
}

module attributes {stable_mosaic.version = 14 : i64} {
  func.func @body(%arg0: i32, %arg1: memref<1000x256xf32, #tpu.memory_space<vmem>>, %arg2: memref<2x1000x128xf32, #tpu.memory_space<vmem>>, %arg3: memref<256x512xf32, #tpu.memory_space<vmem>>, %arg4: memref<1x512xf32, #tpu.memory_space<vmem>>, %arg5: memref<512x512xf32, #tpu.memory_space<vmem>>, %arg6: memref<1x512xf32, #tpu.memory_space<vmem>>, %arg7: memref<4x1000x128xf32, #tpu.memory_space<vmem>>) attributes {dimension_semantics = [#tpu.dimension_semantics<arbitrary>], iteration_bounds = array<i64: 10>, scalar_prefetch = 0 : i64, scratch_operands = 0 : i64, tpu.core_type = #tpu.core_type<tc>, window_params = [{transform_indices = @transform_0, window_bounds = array<i64: 1000, 256>}, {transform_indices = @transform_1, window_bounds = array<i64: 2, 1000, 128>}, {pipeline_mode = #tpu.pipeline_mode<synchronous>, transform_indices = @transform_2, window_bounds = array<i64: 256, 512>}, {pipeline_mode = #tpu.pipeline_mode<synchronous>, transform_indices = @transform_3, window_bounds = array<i64: 1, 512>}, {pipeline_mode = #tpu.pipeline_mode<synchronous>, transform_indices = @transform_4, window_bounds = array<i64: 512, 512>}, {pipeline_mode = #tpu.pipeline_mode<synchronous>, transform_indices = @transform_5, window_bounds = array<i64: 1, 512>}, {transform_indices = @transform_6, window_bounds = array<i64: 4, 1000, 128>}]} {
    %get3A = arith.constant 0 : index
    %get3A_0 = arith.constant 0 : index
    %get3A_1 = vector.load %arg1[%get3A, %get3A_0] : memref<1000x256xf32, #tpu.memory_space<vmem>>, vector<1000x256xf32>
    %get3A_2 = arith.constant 0 : index
    %get3A_3 = arith.constant 0 : index
    %get3A_4 = arith.constant 0 : index
    %get3A_5 = vector.load %arg2[%get3A_2, %get3A_3, %get3A_4] : memref<2x1000x128xf32, #tpu.memory_space<vmem>>, vector<1x1000x128xf32>
    %get3A_6 = vector.shape_cast %get3A_5 : vector<1x1000x128xf32> to vector<1000x128xf32>
    %get3A_7 = arith.constant 1 : index
    %get3A_8 = arith.constant 0 : index
    %get3A_9 = arith.constant 0 : index
    %get3A_10 = vector.load %arg2[%get3A_7, %get3A_8, %get3A_9] : memref<2x1000x128xf32, #tpu.memory_space<vmem>>, vector<1x1000x128xf32>
    %get3A_11 = vector.shape_cast %get3A_10 : vector<1x1000x128xf32> to vector<1000x128xf32>
    %concatenate3A = tpu.concatenate %get3A_6, %get3A_11 in 1 : vector<1000x128xf32>, vector<1000x128xf32> -> vector<1000x256xf32>
    %add3A = arith.addf %get3A_1, %concatenate3A : vector<1000x256xf32>
    %get3A_12 = arith.constant 0 : index
    %get3A_13 = arith.constant 0 : index
    %get3A_14 = vector.load %arg3[%get3A_12, %get3A_13] : memref<256x512xf32, #tpu.memory_space<vmem>>, vector<256x512xf32>
    %dot_general3A = arith.constant dense<0.000000e+00> : vector<1000x512xf32>
    %dot_general3A_15 = tpu.matmul %add3A, %get3A_14, %dot_general3A {dimension_numbers = #tpu.dot_dimension_numbers<[1], [0], [0], [1], [0, 0, 1, 1], [], []>, transpose_lhs_hint = false} : vector<1000x256xf32>, vector<256x512xf32>, vector<1000x512xf32> -> vector<1000x512xf32>
    %get3A_16 = arith.constant 0 : index
    %get3A_17 = arith.constant 0 : index
    %get3A_18 = vector.load %arg4[%get3A_16, %get3A_17] : memref<1x512xf32, #tpu.memory_space<vmem>>, vector<1x512xf32>
    %add3A_19 = vector.broadcast %get3A_18 : vector<1x512xf32> to vector<1000x512xf32>
    %add3A_20 = arith.addf %dot_general3A_15, %add3A_19 : vector<1000x512xf32>
    %max3A = arith.constant 0.000000e+00 : f32
    %max3A_21 = vector.broadcast %max3A : f32 to vector<1000x512xf32>
    %max3A_22 = arith.maximumf %add3A_20, %max3A_21 : vector<1000x512xf32>
    %get3A_23 = arith.constant 0 : index
    %get3A_24 = arith.constant 0 : index
    %get3A_25 = vector.load %arg5[%get3A_23, %get3A_24] : memref<512x512xf32, #tpu.memory_space<vmem>>, vector<512x512xf32>
    %dot_general3A_26 = arith.constant dense<0.000000e+00> : vector<1000x512xf32>
    %dot_general3A_27 = tpu.matmul %max3A_22, %get3A_25, %dot_general3A_26 {dimension_numbers = #tpu.dot_dimension_numbers<[1], [0], [0], [1], [0, 0, 1, 1], [], []>, transpose_lhs_hint = false} : vector<1000x512xf32>, vector<512x512xf32>, vector<1000x512xf32> -> vector<1000x512xf32>
    %get3A_28 = arith.constant 0 : index
    %get3A_29 = arith.constant 0 : index
    %get3A_30 = vector.load %arg6[%get3A_28, %get3A_29] : memref<1x512xf32, #tpu.memory_space<vmem>>, vector<1x512xf32>
    %add3A_31 = vector.broadcast %get3A_30 : vector<1x512xf32> to vector<1000x512xf32>
    %add3A_32 = arith.addf %dot_general3A_27, %add3A_31 : vector<1000x512xf32>
    %max3A_33 = arith.constant 0.000000e+00 : f32
    %max3A_34 = vector.broadcast %max3A_33 : f32 to vector<1000x512xf32>
    %max3A_35 = arith.maximumf %add3A_32, %max3A_34 : vector<1000x512xf32>
    %slice3A = vector.extract_strided_slice %max3A_35 {offsets = [0, 0], sizes = [1000, 128], strides = [1, 1]} : vector<1000x512xf32> to vector<1000x128xf32>
    %swap3A = arith.constant 0 : index
    %swap3A_36 = arith.constant 0 : index
    %swap3A_37 = arith.constant 0 : index
    %swap3A_38 = vector.load %arg7[%swap3A, %swap3A_36, %swap3A_37] : memref<4x1000x128xf32, #tpu.memory_space<vmem>>, vector<1x1000x128xf32>
    %swap3A_39 = vector.shape_cast %swap3A_38 : vector<1x1000x128xf32> to vector<1000x128xf32>
    %swap3A_40 = vector.shape_cast %slice3A : vector<1000x128xf32> to vector<1x1000x128xf32>
    tpu.vector_store %arg7[%swap3A, %swap3A_36, %swap3A_37], %swap3A_40 {strides = array<i32>} : memref<4x1000x128xf32, #tpu.memory_space<vmem>>, vector<1x1000x128xf32>,
    %slice3A_41 = vector.extract_strided_slice %max3A_35 {offsets = [0, 128], sizes = [1000, 128], strides = [1, 1]} : vector<1000x512xf32> to vector<1000x128xf32>
    %swap3A_42 = arith.constant 1 : index
    %swap3A_43 = arith.constant 0 : index
    %swap3A_44 = arith.constant 0 : index
    %swap3A_45 = vector.load %arg7[%swap3A_42, %swap3A_43, %swap3A_44] : memref<4x1000x128xf32, #tpu.memory_space<vmem>>, vector<1x1000x128xf32>
    %swap3A_46 = vector.shape_cast %swap3A_45 : vector<1x1000x128xf32> to vector<1000x128xf32>
    %swap3A_47 = vector.shape_cast %slice3A_41 : vector<1000x128xf32> to vector<1x1000x128xf32>
    tpu.vector_store %arg7[%swap3A_42, %swap3A_43, %swap3A_44], %swap3A_47 {strides = array<i32>} : memref<4x1000x128xf32, #tpu.memory_space<vmem>>, vector<1x1000x128xf32>,
    %slice3A_48 = vector.extract_strided_slice %max3A_35 {offsets = [0, 256], sizes = [1000, 128], strides = [1, 1]} : vector<1000x512xf32> to vector<1000x128xf32>
    %swap3A_49 = arith.constant 2 : index
    %swap3A_50 = arith.constant 0 : index
    %swap3A_51 = arith.constant 0 : index
    %swap3A_52 = vector.load %arg7[%swap3A_49, %swap3A_50, %swap3A_51] : memref<4x1000x128xf32, #tpu.memory_space<vmem>>, vector<1x1000x128xf32>
    %swap3A_53 = vector.shape_cast %swap3A_52 : vector<1x1000x128xf32> to vector<1000x128xf32>
    %swap3A_54 = vector.shape_cast %slice3A_48 : vector<1000x128xf32> to vector<1x1000x128xf32>
    tpu.vector_store %arg7[%swap3A_49, %swap3A_50, %swap3A_51], %swap3A_54 {strides = array<i32>} : memref<4x1000x128xf32, #tpu.memory_space<vmem>>, vector<1x1000x128xf32>,
    %slice3A_55 = vector.extract_strided_slice %max3A_35 {offsets = [0, 384], sizes = [1000, 128], strides = [1, 1]} : vector<1000x512xf32> to vector<1000x128xf32>
    %swap3A_56 = arith.constant 3 : index
    %swap3A_57 = arith.constant 0 : index
    %swap3A_58 = arith.constant 0 : index
    %swap3A_59 = vector.load %arg7[%swap3A_56, %swap3A_57, %swap3A_58] : memref<4x1000x128xf32, #tpu.memory_space<vmem>>, vector<1x1000x128xf32>
    %swap3A_60 = vector.shape_cast %swap3A_59 : vector<1x1000x128xf32> to vector<1000x128xf32>
    %swap3A_61 = vector.shape_cast %slice3A_55 : vector<1000x128xf32> to vector<1x1000x128xf32>
    tpu.vector_store %arg7[%swap3A_56, %swap3A_57, %swap3A_58], %swap3A_61 {strides = array<i32>} : memref<4x1000x128xf32, #tpu.memory_space<vmem>>, vector<1x1000x128xf32>,
    return
  }
  func.func @transform_0(%arg0: i32) -> (i32, i32) {
    %c0_i32 = arith.constant 0 : i32
    %c0_i32_0 = arith.constant 0 : i32
    return %arg0, %c0_i32 : i32, i32
  }
  func.func @transform_1(%arg0: i32) -> (i32, i32, i32) {
    %c0_i32 = arith.constant 0 : i32
    %c0_i32_0 = arith.constant 0 : i32
    %c0_i32_1 = arith.constant 0 : i32
    return %c0_i32, %arg0, %c0_i32_0 : i32, i32, i32
  }
  func.func @transform_2(%arg0: i32) -> (i32, i32) {
    %c0_i32 = arith.constant 0 : i32
    %c0_i32_0 = arith.constant 0 : i32
    %c0_i32_1 = arith.constant 0 : i32
    return %c0_i32, %c0_i32_0 : i32, i32
  }
  func.func @transform_3(%arg0: i32) -> (i32, i32) {
    %c0_i32 = arith.constant 0 : i32
    %c0_i32_0 = arith.constant 0 : i32
    %c0_i32_1 = arith.constant 0 : i32
    return %c0_i32, %c0_i32_0 : i32, i32
  }
  func.func @transform_4(%arg0: i32) -> (i32, i32) {
    %c0_i32 = arith.constant 0 : i32
    %c0_i32_0 = arith.constant 0 : i32
    %c0_i32_1 = arith.constant 0 : i32
    return %c0_i32, %c0_i32_0 : i32, i32
  }
  func.func @transform_5(%arg0: i32) -> (i32, i32) {
    %c0_i32 = arith.constant 0 : i32
    %c0_i32_0 = arith.constant 0 : i32
    %c0_i32_1 = arith.constant 0 : i32
    return %c0_i32, %c0_i32_0 : i32, i32
  }
  func.func @transform_6(%arg0: i32) -> (i32, i32, i32) {
    %c0_i32 = arith.constant 0 : i32
    %c0_i32_0 = arith.constant 0 : i32
    %c0_i32_1 = arith.constant 0 : i32
    return %c0_i32, %arg0, %c0_i32_0 : i32, i32, i32
  }
}

module attributes {stable_mosaic.version = 14 : i64} {
  func.func @body(%arg0: i32, %arg1: memref<4x1000x128xf32, #tpu.memory_space<vmem>>, %arg2: memref<4x1000x128xf32, #tpu.memory_space<vmem>>, %arg3: memref<512x512xf32, #tpu.memory_space<vmem>>, %arg4: memref<1x512xf32, #tpu.memory_space<vmem>>, %arg5: memref<512x512xf32, #tpu.memory_space<vmem>>, %arg6: memref<1x512xf32, #tpu.memory_space<vmem>>, %arg7: memref<512x256xf32, #tpu.memory_space<vmem>>, %arg8: memref<1x256xf32, #tpu.memory_space<vmem>>, %arg9: memref<1x256xf32, #tpu.memory_space<vmem>>, %arg10: memref<1x512xf32, #tpu.memory_space<vmem>>) attributes {dimension_semantics = [#tpu.dimension_semantics<arbitrary>], iteration_bounds = array<i64: 10>, scalar_prefetch = 0 : i64, scratch_operands = 1 : i64, tpu.core_type = #tpu.core_type<tc>, window_params = [{transform_indices = @transform_0, window_bounds = array<i64: 4, 1000, 128>}, {transform_indices = @transform_1, window_bounds = array<i64: 4, 1000, 128>}, {pipeline_mode = #tpu.pipeline_mode<synchronous>, transform_indices = @transform_2, window_bounds = array<i64: 512, 512>}, {pipeline_mode = #tpu.pipeline_mode<synchronous>, transform_indices = @transform_3, window_bounds = array<i64: 1, 512>}, {pipeline_mode = #tpu.pipeline_mode<synchronous>, transform_indices = @transform_4, window_bounds = array<i64: 512, 512>}, {pipeline_mode = #tpu.pipeline_mode<synchronous>, transform_indices = @transform_5, window_bounds = array<i64: 1, 512>}, {pipeline_mode = #tpu.pipeline_mode<synchronous>, transform_indices = @transform_6, window_bounds = array<i64: 512, 256>}, {pipeline_mode = #tpu.pipeline_mode<synchronous>, transform_indices = @transform_7, window_bounds = array<i64: 1, 256>}, {pipeline_mode = #tpu.pipeline_mode<synchronous>, transform_indices = @transform_8, window_bounds = array<i64: 1, 256>}]} {
    %get3A = arith.constant 0 : index
    %get3A_0 = arith.constant 0 : index
    %get3A_1 = arith.constant 0 : index
    %get3A_2 = vector.load %arg1[%get3A, %get3A_0, %get3A_1] : memref<4x1000x128xf32, #tpu.memory_space<vmem>>, vector<1x1000x128xf32>
    %get3A_3 = vector.shape_cast %get3A_2 : vector<1x1000x128xf32> to vector<1000x128xf32>
    %get3A_4 = arith.constant 1 : index
    %get3A_5 = arith.constant 0 : index
    %get3A_6 = arith.constant 0 : index
    %get3A_7 = vector.load %arg1[%get3A_4, %get3A_5, %get3A_6] : memref<4x1000x128xf32, #tpu.memory_space<vmem>>, vector<1x1000x128xf32>
    %get3A_8 = vector.shape_cast %get3A_7 : vector<1x1000x128xf32> to vector<1000x128xf32>
    %get3A_9 = arith.constant 2 : index
    %get3A_10 = arith.constant 0 : index
    %get3A_11 = arith.constant 0 : index
    %get3A_12 = vector.load %arg1[%get3A_9, %get3A_10, %get3A_11] : memref<4x1000x128xf32, #tpu.memory_space<vmem>>, vector<1x1000x128xf32>
    %get3A_13 = vector.shape_cast %get3A_12 : vector<1x1000x128xf32> to vector<1000x128xf32>
    %get3A_14 = arith.constant 3 : index
    %get3A_15 = arith.constant 0 : index
    %get3A_16 = arith.constant 0 : index
    %get3A_17 = vector.load %arg1[%get3A_14, %get3A_15, %get3A_16] : memref<4x1000x128xf32, #tpu.memory_space<vmem>>, vector<1x1000x128xf32>
    %get3A_18 = vector.shape_cast %get3A_17 : vector<1x1000x128xf32> to vector<1000x128xf32>
    %concatenate3A = tpu.concatenate %get3A_3, %get3A_8, %get3A_13, %get3A_18 in 1 : vector<1000x128xf32>, vector<1000x128xf32>, vector<1000x128xf32>, vector<1000x128xf32> -> vector<1000x512xf32>
    %get3A_19 = arith.constant 0 : index
    %get3A_20 = arith.constant 0 : index
    %get3A_21 = arith.constant 0 : index
    %get3A_22 = vector.load %arg2[%get3A_19, %get3A_20, %get3A_21] : memref<4x1000x128xf32, #tpu.memory_space<vmem>>, vector<1x1000x128xf32>
    %get3A_23 = vector.shape_cast %get3A_22 : vector<1x1000x128xf32> to vector<1000x128xf32>
    %get3A_24 = arith.constant 1 : index
    %get3A_25 = arith.constant 0 : index
    %get3A_26 = arith.constant 0 : index
    %get3A_27 = vector.load %arg2[%get3A_24, %get3A_25, %get3A_26] : memref<4x1000x128xf32, #tpu.memory_space<vmem>>, vector<1x1000x128xf32>
    %get3A_28 = vector.shape_cast %get3A_27 : vector<1x1000x128xf32> to vector<1000x128xf32>
    %get3A_29 = arith.constant 2 : index
    %get3A_30 = arith.constant 0 : index
    %get3A_31 = arith.constant 0 : index
    %get3A_32 = vector.load %arg2[%get3A_29, %get3A_30, %get3A_31] : memref<4x1000x128xf32, #tpu.memory_space<vmem>>, vector<1x1000x128xf32>
    %get3A_33 = vector.shape_cast %get3A_32 : vector<1x1000x128xf32> to vector<1000x128xf32>
    %get3A_34 = arith.constant 3 : index
    %get3A_35 = arith.constant 0 : index
    %get3A_36 = arith.constant 0 : index
    %get3A_37 = vector.load %arg2[%get3A_34, %get3A_35, %get3A_36] : memref<4x1000x128xf32, #tpu.memory_space<vmem>>, vector<1x1000x128xf32>
    %get3A_38 = vector.shape_cast %get3A_37 : vector<1x1000x128xf32> to vector<1000x128xf32>
    %concatenate3A_39 = tpu.concatenate %get3A_23, %get3A_28, %get3A_33, %get3A_38 in 1 : vector<1000x128xf32>, vector<1000x128xf32>, vector<1000x128xf32>, vector<1000x128xf32> -> vector<1000x512xf32>
    %add3A = arith.addf %concatenate3A, %concatenate3A_39 : vector<1000x512xf32>
    %get3A_40 = arith.constant 0 : index
    %get3A_41 = arith.constant 0 : index
    %get3A_42 = vector.load %arg3[%get3A_40, %get3A_41] : memref<512x512xf32, #tpu.memory_space<vmem>>, vector<512x512xf32>
    %dot_general3A = arith.constant dense<0.000000e+00> : vector<1000x512xf32>
    %dot_general3A_43 = tpu.matmul %add3A, %get3A_42, %dot_general3A {dimension_numbers = #tpu.dot_dimension_numbers<[1], [0], [0], [1], [0, 0, 1, 1], [], []>, transpose_lhs_hint = false} : vector<1000x512xf32>, vector<512x512xf32>, vector<1000x512xf32> -> vector<1000x512xf32>
    %get3A_44 = arith.constant 0 : index
    %get3A_45 = arith.constant 0 : index
    %get3A_46 = vector.load %arg4[%get3A_44, %get3A_45] : memref<1x512xf32, #tpu.memory_space<vmem>>, vector<1x512xf32>
    %add3A_47 = vector.broadcast %get3A_46 : vector<1x512xf32> to vector<1000x512xf32>
    %add3A_48 = arith.addf %dot_general3A_43, %add3A_47 : vector<1000x512xf32>
    %max3A = arith.constant 0.000000e+00 : f32
    %max3A_49 = vector.broadcast %max3A : f32 to vector<1000x512xf32>
    %max3A_50 = arith.maximumf %add3A_48, %max3A_49 : vector<1000x512xf32>
    %get3A_51 = arith.constant 0 : index
    %get3A_52 = arith.constant 0 : index
    %get3A_53 = vector.load %arg5[%get3A_51, %get3A_52] : memref<512x512xf32, #tpu.memory_space<vmem>>, vector<512x512xf32>
    %dot_general3A_54 = arith.constant dense<0.000000e+00> : vector<1000x512xf32>
    %dot_general3A_55 = tpu.matmul %max3A_50, %get3A_53, %dot_general3A_54 {dimension_numbers = #tpu.dot_dimension_numbers<[1], [0], [0], [1], [0, 0, 1, 1], [], []>, transpose_lhs_hint = false} : vector<1000x512xf32>, vector<512x512xf32>, vector<1000x512xf32> -> vector<1000x512xf32>
    %get3A_56 = arith.constant 0 : index
    %get3A_57 = arith.constant 0 : index
    %get3A_58 = vector.load %arg6[%get3A_56, %get3A_57] : memref<1x512xf32, #tpu.memory_space<vmem>>, vector<1x512xf32>
    %add3A_59 = vector.broadcast %get3A_58 : vector<1x512xf32> to vector<1000x512xf32>
    %add3A_60 = arith.addf %dot_general3A_55, %add3A_59 : vector<1000x512xf32>
    %max3A_61 = arith.constant 0.000000e+00 : f32
    %max3A_62 = vector.broadcast %max3A_61 : f32 to vector<1000x512xf32>
    %max3A_63 = arith.maximumf %add3A_60, %max3A_62 : vector<1000x512xf32>
    %reduce_sum3A = arith.constant dense<0.000000e+00> : vector<512xf32>
    %reduce_sum3A_64 = vector.multi_reduction <add>, %max3A_63, %reduce_sum3A [0] : vector<1000x512xf32> to vector<512xf32>
    %broadcast_in_dim3A = vector.shape_cast %reduce_sum3A_64 : vector<512xf32> to vector<1x512xf32>
    %eq3A = arith.constant 0 : i32
    %eq3A_65 = arith.cmpi eq, %arg0, %eq3A : i32
    %convert_element_type3A = arith.extui %eq3A_65 : i1 to i32
    %cond3A = arith.constant 0 : i32
    %cond3A_66 = arith.cmpi ne, %convert_element_type3A, %cond3A : i32
    scf.if %cond3A_66 {
      %swap3A = arith.constant 0 : index
      %swap3A_76 = arith.constant 0 : index
      %swap3A_77 = vector.load %arg10[%swap3A, %swap3A_76] : memref<1x512xf32, #tpu.memory_space<vmem>>, vector<1x512xf32>
      tpu.vector_store %arg10[%swap3A, %swap3A_76], %broadcast_in_dim3A {strides = array<i32>} : memref<1x512xf32, #tpu.memory_space<vmem>>, vector<1x512xf32>,
    } else {
    }
    %gt3A = arith.constant 0 : i32
    %gt3A_67 = arith.cmpi sgt, %arg0, %gt3A : i32
    %convert_element_type3A_68 = arith.extui %gt3A_67 : i1 to i32
    %cond3A_69 = arith.constant 0 : i32
    %cond3A_70 = arith.cmpi ne, %convert_element_type3A_68, %cond3A_69 : i32
    scf.if %cond3A_70 {
      %get3A_76 = arith.constant 0 : index
      %get3A_77 = arith.constant 0 : index
      %get3A_78 = vector.load %arg10[%get3A_76, %get3A_77] : memref<1x512xf32, #tpu.memory_space<vmem>>, vector<1x512xf32>
      %add3A_79 = arith.addf %get3A_78, %broadcast_in_dim3A : vector<1x512xf32>
      %swap3A = arith.constant 0 : index
      %swap3A_80 = arith.constant 0 : index
      %swap3A_81 = vector.load %arg10[%swap3A, %swap3A_80] : memref<1x512xf32, #tpu.memory_space<vmem>>, vector<1x512xf32>
      tpu.vector_store %arg10[%swap3A, %swap3A_80], %add3A_79 {strides = array<i32>} : memref<1x512xf32, #tpu.memory_space<vmem>>, vector<1x512xf32>,
    } else {
    }
    %eq3A_71 = arith.constant 9 : i32
    %eq3A_72 = arith.cmpi eq, %arg0, %eq3A_71 : i32
    %convert_element_type3A_73 = arith.extui %eq3A_72 : i1 to i32
    %cond3A_74 = arith.constant 0 : i32
    %cond3A_75 = arith.cmpi ne, %convert_element_type3A_73, %cond3A_74 : i32
    scf.if %cond3A_75 {
      %get3A_76 = arith.constant 0 : index
      %get3A_77 = arith.constant 0 : index
      %get3A_78 = vector.load %arg10[%get3A_76, %get3A_77] : memref<1x512xf32, #tpu.memory_space<vmem>>, vector<1x512xf32>
      %get3A_79 = arith.constant 0 : index
      %get3A_80 = arith.constant 0 : index
      %get3A_81 = vector.load %arg7[%get3A_79, %get3A_80] : memref<512x256xf32, #tpu.memory_space<vmem>>, vector<512x256xf32>
      %dot_general3A_82 = arith.constant dense<0.000000e+00> : vector<1x256xf32>
      %dot_general3A_83 = tpu.matmul %get3A_78, %get3A_81, %dot_general3A_82 {dimension_numbers = #tpu.dot_dimension_numbers<[1], [0], [0], [1], [0, 0, 1, 1], [], []>, transpose_lhs_hint = false} : vector<1x512xf32>, vector<512x256xf32>, vector<1x256xf32> -> vector<1x256xf32>
      %get3A_84 = arith.constant 0 : index
      %get3A_85 = arith.constant 0 : index
      %get3A_86 = vector.load %arg8[%get3A_84, %get3A_85] : memref<1x256xf32, #tpu.memory_space<vmem>>, vector<1x256xf32>
      %add3A_87 = arith.addf %dot_general3A_83, %get3A_86 : vector<1x256xf32>
      %swap3A = arith.constant 0 : index
      %swap3A_88 = arith.constant 0 : index
      %swap3A_89 = vector.load %arg9[%swap3A, %swap3A_88] : memref<1x256xf32, #tpu.memory_space<vmem>>, vector<1x256xf32>
      tpu.vector_store %arg9[%swap3A, %swap3A_88], %add3A_87 {strides = array<i32>} : memref<1x256xf32, #tpu.memory_space<vmem>>, vector<1x256xf32>,
    } else {
    }
    return
  }
  func.func @transform_0(%arg0: i32) -> (i32, i32, i32) {
    %c0_i32 = arith.constant 0 : i32
    %c0_i32_0 = arith.constant 0 : i32
    %c0_i32_1 = arith.constant 0 : i32
    return %c0_i32, %arg0, %c0_i32_0 : i32, i32, i32
  }
  func.func @transform_1(%arg0: i32) -> (i32, i32, i32) {
    %c0_i32 = arith.constant 0 : i32
    %c0_i32_0 = arith.constant 0 : i32
    %c0_i32_1 = arith.constant 0 : i32
    return %c0_i32, %arg0, %c0_i32_0 : i32, i32, i32
  }
  func.func @transform_2(%arg0: i32) -> (i32, i32) {
    %c0_i32 = arith.constant 0 : i32
    %c0_i32_0 = arith.constant 0 : i32
    %c0_i32_1 = arith.constant 0 : i32
    return %c0_i32, %c0_i32_0 : i32, i32
  }
  func.func @transform_3(%arg0: i32) -> (i32, i32) {
    %c0_i32 = arith.constant 0 : i32
    %c0_i32_0 = arith.constant 0 : i32
    %c0_i32_1 = arith.constant 0 : i32
    return %c0_i32, %c0_i32_0 : i32, i32
  }
  func.func @transform_4(%arg0: i32) -> (i32, i32) {
    %c0_i32 = arith.constant 0 : i32
    %c0_i32_0 = arith.constant 0 : i32
    %c0_i32_1 = arith.constant 0 : i32
    return %c0_i32, %c0_i32_0 : i32, i32
  }
  func.func @transform_5(%arg0: i32) -> (i32, i32) {
    %c0_i32 = arith.constant 0 : i32
    %c0_i32_0 = arith.constant 0 : i32
    %c0_i32_1 = arith.constant 0 : i32
    return %c0_i32, %c0_i32_0 : i32, i32
  }
  func.func @transform_6(%arg0: i32) -> (i32, i32) {
    %c0_i32 = arith.constant 0 : i32
    %c0_i32_0 = arith.constant 0 : i32
    %c0_i32_1 = arith.constant 0 : i32
    return %c0_i32, %c0_i32_0 : i32, i32
  }
  func.func @transform_7(%arg0: i32) -> (i32, i32) {
    %c0_i32 = arith.constant 0 : i32
    %c0_i32_0 = arith.constant 0 : i32
    %c0_i32_1 = arith.constant 0 : i32
    return %c0_i32, %c0_i32_0 : i32, i32
  }
  func.func @transform_8(%arg0: i32) -> (i32, i32) {
    %c0_i32 = arith.constant 0 : i32
    %c0_i32_0 = arith.constant 0 : i32
    %c0_i32_1 = arith.constant 0 : i32
    return %c0_i32, %c0_i32_0 : i32, i32
  }
}

</mosaic_0001>

<sc_bundles>
// kernel: kernel.6.cloned.1.call-start
scs
__scs_entry_jumppad:
0x0: {  	(pc) =	sbr.rel $0x88, $3  }
0x1: {  	(tag) =	ssettag $0x0;
	lr =	simm.s32 $0x1  }
0x2: {  	[smem:$0x3F95] =	sst lr;
	_ =	strace $0xD0000000  }
0x3: {  	_ = 	snop  }
0x4: {  	_ = 	snop  }
0x5: {  	_ = 	snop  }
0x6: {  	_ = 	snop  }
0x7: {  	_ = 	snop  }
__scs_overlays_trampoline_lowered:
0x8: {  	[smem:$0x3FA4] =	sst s0  }
0x9: {  	[smem:$0x3FA5] =	sst s1  }
0xa: {  	[smem:$0x3FA6] =	sst s2  }
0xb: {  	[smem:$0x3FA7] =	sst s3  }
0xc: {  	[smem:$0x3FA8] =	sst s4  }
0xd: {  	[smem:$0x3FA9] =	sst s5  }
0xe: {  	[smem:$0x3FAA] =	sst s6  }
0xf: {  	[smem:$0x3FAB] =	sst s7  }
0x10: {  	[smem:$0x3FAC] =	sst s8  }
0x11: {  	[smem:$0x3FAD] =	sst s9;
	s0 =	simm.s32 @!p0 $0x0  }
0x12: {  	s1 =	sld [smem:$0x3F93];
	s0 =	simm.s32 @p0 $0x1  }
0x13: {  	[smem:$0x3FAE] =	sst s0;
	s0 =	simm.s32 @!p1 $0x0  }
0x14: {  	s2 =	sld [smem:$0x3F92];
	s0 =	simm.s32 @p1 $0x1  }
0x15: {  	[smem:$0x3FAF] =	sst s0;
	s0 =	simm.s32 @!p2 $0x0  }
0x16: {  	s3 =	sld [smem:$0x3FDB];
	s0 =	simm.s32 @p2 $0x1  }
0x17: {  	s4 =	simm.s32 $0x1BF5;
	[smem:$0x3FB1] =	sst s0  }
0x18: {  	s0 =	sld [smem:$0x3F94];
	_ =	swait.ge [sflag:s4], $0x0  }
0x19: {  	s7 =	sld [smem:$0x3F95]  }
0x1a: {  	s8 =	sadd.s32 $0xFFFFE003, lr  }
0x1b: {  	s9 =	sadd.s32 $0xFFFFFEF7, lr;
	s5 =	simm.s32 $0xFFFFFFFF;
	p2 =	slt.u32 s8, $0xFFFFF086  }
0x1c: {  	p1 =	slt.u32 s9, $0xF7A;
	s5 =	simm.s32 @!p2 $0x0  }
0x1d: {  	s5 =	simm.s32 @p1 $0x1;
	p0 =	seq.s32 s7, s2  }
0x1e: {  	s7 =	smul.u32 @!p0 $0xF7A, s2;
	p2 =	seq.s32 @!p0 s5, $0x0  }
0x1f: {  	s9 =	smul.u32 $0xF7A, s1;
	s8 =	simm.s32 @!p0 $0x1BF5;
	p2 =	por !p2, p0  }
0x20: {  	[sflag:s8] =	ssyncset.s32 @!p0 $0xFFFFF086;
	s6 =	sadd.s32 @!p0 s3, s7;
	s7 =	simm.s32 @!p0 $0x108  }
0x21: {  	s3 =	sadd.s32 s3, s9;
	s6 =	sadd.s32 @!p0 $0x88, s6;
	s7 =	simm.s32 @p2 $0x1082  }
0x22: {  	[simem:s7], [sflag:s8] =	dma.local @!p0 [hbm:s6], $0xF7A  }
0x23: {  	s9 =	sor.u32 $0xD0000000, s2;
	s6 =	simm.s32 $0x108;
	_ =	swait.ge @!p0 [sflag:s8], $0x0  }
0x24: {  	s3 =	sadd.s32 $0x88, s3;
	s6 =	simm.s32 @!p1 $0x1082;
	[sflag:s4] =	ssyncset.s32 $0xFFFFF086  }
0x25: {  	[simem:s6], [sflag:s4] =	dma.local [hbm:s3], $0xF7A  }
0x26: {  	[smem:$0x3F95] =	sst s1;
	(tag) =	ssettag s2;
	_ =	strace s9  }
0x27: {  	s1 =	sld [smem:$0x3FA5]  }
0x28: {  	s2 =	sld [smem:$0x3FA6]  }
0x29: {  	s4 =	sld [smem:$0x3FA8]  }
0x2a: {  	p0 =	seq.s32 s5, $0x0;
	s5 =	sld [smem:$0x3FA9]  }
0x2b: {  	s6 =	sld [smem:$0x3FAA]  }
0x2c: {  	s7 =	sld [smem:$0x3FAB]  }
0x2d: {  	s3 =	simm.s32 $0x108;
	s8 =	sld [smem:$0x3FAC]  }
0x2e: {  	s3 =	simm.s32 @!p0 $0x1082;
	s9 =	sld [smem:$0x3FAD]  }
0x2f: {  	lr =	sadd.s32 s0, s3;
	s0 =	sld [smem:$0x3FA4]  }
0x30: {  	s3 =	sld [smem:$0x3FA7]  }
0x31: {  	[smem:$0x3FB0] =	sst s10  }
0x32: {  	s10 =	sld [smem:$0x3FAE];
	_ =	sdelay $0x3  }
0x33: {  	p0 =	seq.s32 s10, $0x1;
	s10 =	sld [smem:$0x3FB0];
	_ =	sdelay $0x3  }
0x34: {  	[smem:$0x3FB0] =	sst s10  }
0x35: {  	s10 =	sld [smem:$0x3FAF];
	_ =	sdelay $0x3  }
0x36: {  	p1 =	seq.s32 s10, $0x1;
	s10 =	sld [smem:$0x3FB0];
	_ =	sdelay $0x3  }
0x37: {  	[smem:$0x3FB0] =	sst s10  }
0x38: {  	s10 =	sld [smem:$0x3FB1]  }
0x39: {  	_ = 	snop;
	(pc) =	sbr.ind lr, $3  }
0x3a: {  	_ = 	snop  }
0x3b: {  	_ = 	snop  }
0x3c: {  	p2 =	seq.s32 s10, $0x1;
	s10 =	sld [smem:$0x3FB0]  }
0x3d: {  	_ =	shalt  }
0x3e: {  	_ =	shalt  }
0x3f: {  	_ =	shalt  }
0x40: {  	_ =	shalt  }
0x41: {  	_ =	shalt  }
0x42: {  	_ =	shalt  }
0x43: {  	_ =	shalt  }
0x44: {  	_ =	shalt  }
0x45: {  	_ =	shalt  }
0x46: {  	_ =	shalt  }
0x47: {  	_ =	shalt  }
0x48: {  	_ =	shalt  }
0x49: {  	_ =	shalt  }
0x4a: {  	_ =	shalt  }
0x4b: {  	_ =	shalt  }
0x4c: {  	_ =	shalt  }
0x4d: {  	_ =	shalt  }
0x4e: {  	_ =	shalt  }
0x4f: {  	_ =	shalt  }
0x50: {  	_ =	shalt  }
0x51: {  	_ =	shalt  }
0x52: {  	_ =	shalt  }
0x53: {  	_ =	shalt  }
0x54: {  	_ =	shalt  }
0x55: {  	_ =	shalt  }
0x56: {  	_ =	shalt  }
0x57: {  	_ =	shalt  }
0x58: {  	_ =	shalt  }
0x59: {  	_ =	shalt  }
0x5a: {  	_ =	shalt  }
0x5b: {  	_ =	shalt  }
0x5c: {  	_ =	shalt  }
0x5d: {  	_ =	shalt  }
0x5e: {  	_ =	shalt  }
0x5f: {  	_ =	shalt  }
0x60: {  	_ =	shalt  }
0x61: {  	_ =	shalt  }
0x62: {  	_ =	shalt  }
0x63: {  	_ =	shalt  }
0x64: {  	_ =	shalt  }
0x65: {  	_ =	shalt  }
0x66: {  	_ =	shalt  }
0x67: {  	_ =	shalt  }
0x68: {  	_ =	shalt  }
0x69: {  	_ =	shalt  }
0x6a: {  	_ =	shalt  }
0x6b: {  	_ =	shalt  }
0x6c: {  	_ =	shalt  }
0x6d: {  	_ =	shalt  }
0x6e: {  	_ =	shalt  }
0x6f: {  	_ =	shalt  }
0x70: {  	_ =	shalt  }
0x71: {  	_ =	shalt  }
0x72: {  	_ =	shalt  }
0x73: {  	_ =	shalt  }
0x74: {  	_ =	shalt  }
0x75: {  	_ =	shalt  }
0x76: {  	_ =	shalt  }
0x77: {  	_ =	shalt  }
0x78: {  	_ =	shalt  }
0x79: {  	_ =	shalt  }
0x7a: {  	_ =	shalt  }
0x7b: {  	_ =	shalt  }
0x7c: {  	_ =	shalt  }
0x7d: {  	_ =	shalt  }
0x7e: {  	_ =	shalt  }
0x7f: {  	_ =	shalt  }
0x80: {  	_ =	shalt  }
0x81: {  	_ =	shalt  }
0x82: {  	_ =	shalt  }
0x83: {  	_ =	shalt  }
0x84: {  	_ =	shalt  }
0x85: {  	_ =	shalt  }
0x86: {  	_ =	shalt  }
0x87: {  	_ =	shalt  }
.Lfunc_end0:
.L_simem_size_0:
called_computation_lowered:
.L_overlay_start_0:
0x88: {  	s2 =	sld [smem:$0x3FD9]  }
0x89: {  	s3 =	sld [smem:$0x3FFE];
	_ =	sdelay $0x1  }
0x8a: {  	s1 =	srdreg.scid  }
0x8b: {  	s0 =	sand.u32 $0x1, s1  }
0x8c: {  	s16 =	sshll.u32 s0, $0xA;
	s2 =	sadd.s32 s3, s2  }
0x8d: {  	s2 =	sadd.s32 s2, s16  }
0x8e: {  	[smem:$0x3FBC] =	sst s2  }
0x8f: {  	_ = 	snop  }
0x90: {  	(tm) =	ssettm $0x1  }
0x91: {  	s17 =	sld [smem:$0x3FFB];
	_ =	sdelay $0x3  }
0x92: {  	_ =	strace s17  }
0x93: {  	s2 =	sld [smem:$0x3FFC];
	_ =	sdelay $0x3  }
0x94: {  	_ =	strace s2  }
0x95: {  	s2 =	sld [smem:$0x3FFD];
	_ =	sdelay $0x3  }
0x96: {  	_ =	strace s2  }
0x97: {  	_ =	strace $0x8FFFFFFF  }
0x98: {  	s18 =	sld [smem:$0x3FDB];
	_ =	sdelay $0x1  }
0x99: {  	s19 =	simm.s32 $_scs_section_size  }
0x9a: {  	s4 =	simm.s32 $_size__tile_overlayer_lowered;
	s5 =	simm.s32 $_tile_overlayer_lowered  }
0x9b: {  	s22 =	simm.s32 $0x1BFF;
	s21 =	sshll.u32 s5, $0x1;
	s2 =	sadd.s32 s19, s18  }
0x9c: {  	s6 =	simm.s32 $0x0;
	s20 =	sshll.u32 s4, $0x1;
	s4 =	sadd.s32 s21, s2  }
0x9d: {  	[timem:s6], [sflag:s22] =	dma.local [hbm:s4], s20  }
0x9e: {  	_ =	swait.ge [sflag:s22], s20  }
0x9f: {  	s3 =	ssub.s32 $0x0, s20;
	[sflag:s22] =	ssyncset.done $0x0  }
0xa0: {  	[sflag:s22] =	ssyncadd.s32 s3;
	_ =	sdelay $0x1  }
0xa1: {  	s23 =	simm.s32 $0x1B8B  }
0xa2: {  	_ =	swait.ge [sflag:s23], $0x1  }
0xa3: {  	[sflag:s23] =	ssyncset.done $0x0  }
0xa4: {  	s25 =	simm.s32 $0x1B8E;
	s24 =	sld [smem:$0x3FFE];
	[sflag:s23] =	ssyncadd.s32 $0xFFFFFFFF  }
0xa5: {  	s26 =	simm.s32 $execute0_lowered;
	[smem:$0x3FD2] =	sst s25  }
0xa6: {  	s4 =	sshll.u32 s26, $0x1;
	_ =	strace $0x80000046;
	[dreg:$0x1] =	wrdreg $0xFFFFFFFF  }
0xa7: {  	s28 =	simm.s32 $_size_execute0_lowered;
	s2 =	sadd.s32 s2, s4;
	[dreg:$0x0] =	wrdreg $0x0  }
0xa8: {  	s4 =	sshll.u32 s28, $0x1;
	[dreg:$0x2] =	wrdreg s2  }
0xa9: {  	[dreg:$0x3] =	wrdreg s4  }
0xaa: {  	[dreg:$0x4] =	wrdreg $0xC0  }
0xab: {  	_ =	task [dreg:s6], $0x5FFFF  }
0xac: {  	[dreg:$0x1] =	wrdreg $0xFFFFFFFF  }
0xad: {  	[dreg:$0x0] =	wrdreg $0x60  }
0xae: {  	[dreg:$0x2] =	wrdreg s24  }
0xaf: {  	[dreg:$0x3] =	wrdreg $0xB7800  }
0xb0: {  	[dreg:$0x4] =	wrdreg $0x9  }
0xb1: {  	_ =	task.clear_ibuf [dreg:s6], $0x5FFFF;
	_ =	strace $0x90000046  }
0xb2: {  	s29 =	simm.s32 $0x9;
	_ =	strace $0x80000048  }
0xb3: {  	_ =	swait.ge [sflag:s29], $0x1  }
0xb4: {  	[sflag:s29] =	ssyncadd.s32 $0xFFFFFFFF  }
0xb5: {  	_ =	strace $0x90000048  }
0xb6: {  	_ =	sfence  }
0xb7: {  	s30 =	sld [smem:$0x0];
	_ =	sdelay $0x2  }
0xb8: {  	s31 =	sshll.u32 s1, $0xD;
	s1 =	sshrl.u32 s1, $0x2  }
0xb9: {  	s3 =	sand.u32 $0x4000, s31;
	s1 =	sadd.s32 s1, s30  }
0xba: {  	s0 =	sor.u32 s3, s0;
	s1 =	sshll.u32 s1, $0x11  }
0xbb: {  	s0 =	sor.u32 s1, s0  }
0xbc: {  	s0 =	sadd.s32 $0x8F2B, s0  }
0xbd: {  	[sflag:s0] =	ssyncadd.remote.s32 $0x1  }
0xbe: {  	_ =	sfence.sel $0xFFFF  }
0xbf: {  	[dreg:$0x0] =	wrdreg $0xFFFFFFFF;
	(pc) =	sbr.abs _section_cstart, $3  }
0xc0: {  	[dreg:$0x1] =	wrdreg $0xFFFFFFFF  }
0xc1: {  	_ =	task.clear_ibuf [dreg:s6], $0x2FFFF;
	_ =	strace $0x9FFFFFFF  }
0xc2: {  	(tm) =	ssettm $0x7FFFFFFF  }
0xc3: {  	_ =	shalt  }
tec
execute0_lowered:
.L_overlay_start_1:
0x0: {  	(tag) =	ssettag $0x1  }
0x1: {  	s4 =	rddreg [dreg:$0x0]  }
0x2: {  	s2 =	rddreg [dreg:$0x1]  }
0x3: {  	s0 =	rddreg [dreg:$0x2]  }
0x4: {  	s1 =	stileid.u32;
	s3 =	simm.s32 $0x0;
	s5 =	srdreg.scid  }
0x5: {  	s12 =	simm.s32 $0x2780;
	s13 =	simm.s32 $0x6780;
	s14 =	simm.s32 $0x50  }
0x6: {  	s15 =	simm.s32 $0x8F80;
	s16 =	simm.s32 $0x1;
	s17 =	simm.s32 $0x3  }
0x7: {  	s18 =	simm.s32 $0x2;
	s19 =	simm.s32 $0x4;
	s20 =	simm.s32 $0x6480  }
0x8: {  	s21 =	simm.s32 $0x26C0;
	s22 =	simm.s32 $0x6500;
	s10 =	smul.u32 $0x50000, s1  }
0x9: {  	s23 =	simm.s32 $0x6580;
	s6 =	sshrl.u32 s1, $0x3;
	s25 =	smul.u32 $0x2800, s1  }
0xa: {  	s5 =	sand.u32 $0x1, s5;
	s7 =	sshll.u32 s1, $0x7;
	s6 =	smul.u32 $0x13C00, s6  }
0xb: {  	[smem:$0x7FF] =	sst s3;
	s9 =	sshll.u32 s1, $0xB;
	s8 =	smul.u32 $0x27100, s5  }
0xc: {  	s7 =	sand.u32 $0x380, s7;
	s31 =	smul.u32 $0x28000, s5;
	s5 =	ssub.s32 $0x2, s5  }
0xd: {  	_ =	strace $0x80000047;
	s9 =	sadd.s32 s9, s4;
	s11 =	sshrl.u32 s5, $0x1  }
0xe: {  	s10 =	sshrl.u32 s10, $0x2;
	s6 =	sor.u32 s7, s6;
	s30 =	sadd.s32 s8, s4  }
0xf: {  	s8 =	sadd.s32 s31, s4;
	s11 =	ssub.s32 s5, s11;
	s5 =	sadd.s32 $0x2200, s9  }
0x10: {  	s9 =	simm.s32 $0x80;
	s6 =	sshrl.u32 s6, $0x3;
	s7 =	sadd.s32 $0xF200, s30  }
0x11: {  	s24 =	sadd.s32 $0x5D400, s8;
	s8 =	smax.u32 s11, $0x1;
	s11 =	simm.s32 $0x5  }
0x12: {  	s6 =	sadd.s32 s6, s4;
	s24 =	sadd.s32 s25, s24;
	s25 =	simm.s32 $0x0  }
0x13: {  	v0 =	vimm.f32 $0.0e+00;
	s4 =	sadd.s32 $0xA200, s6;
	s6 =	sadd.s32 s10, s2;
	s10 =	simm.s32 $0x400  }
.LBB2_1:
0x14: {  	[tilespmem:s3], [sflag:$0x5] =	stream.strided.gather [hbm4b:s4+s9], $0x2780, s10, s9, $0x38;
	[tilespmem:$0x1F780] =	vst v63  }
0x15: {  	_ =	swait.ge [sflag:s11], $0x2780  }
0x16: {  	[sflag:s11] =	ssyncset.done $0x0  }
0x17: {  	[sflag:s11] =	ssyncadd.s32 $0xFFFFD880  }
0x18: {  	[tilespmem:s12], [sflag:$0x5] =	stream.linear.gather [hbm4b:s5+s3], $0x3E80, $0x38;
	[tilespmem:$0x1F780] =	vst v63  }
0x19: {  	_ =	swait.ge [sflag:s11], $0x3E80  }
0x1a: {  	[sflag:s11] =	ssyncset.done $0x0  }
0x1b: {  	[sflag:s11] =	ssyncadd.s32 $0xFFFFC180  }
0x1c: {  	[tilespmem:$0x6780] =	vst v0  }
0x1d: {  	[tilespmem:$0x6790] =	vst v0  }
0x1e: {  	[tilespmem:$0x67A0] =	vst v0  }
0x1f: {  	[tilespmem:$0x67B0] =	vst v0  }
0x20: {  	[tilespmem:$0x67C0] =	vst v0  }
0x21: {  	[tilespmem:$0x67D0] =	vst v0  }
0x22: {  	[tilespmem:$0x67E0] =	vst v0  }
0x23: {  	[tilespmem:$0x67F0] =	vst v0  }
0x24: {  	[tilespmem:$0x6800] =	vst v0  }
0x25: {  	[tilespmem:$0x6810] =	vst v0  }
0x26: {  	[tilespmem:$0x6820] =	vst v0  }
0x27: {  	[tilespmem:$0x6830] =	vst v0  }
0x28: {  	[tilespmem:$0x6840] =	vst v0  }
0x29: {  	[tilespmem:$0x6850] =	vst v0  }
0x2a: {  	[tilespmem:$0x6860] =	vst v0  }
0x2b: {  	[tilespmem:$0x6870] =	vst v0  }
0x2c: {  	[tilespmem:$0x6880] =	vst v0  }
0x2d: {  	[tilespmem:$0x6890] =	vst v0  }
0x2e: {  	[tilespmem:$0x68A0] =	vst v0  }
0x2f: {  	[tilespmem:$0x68B0] =	vst v0  }
0x30: {  	[tilespmem:$0x68C0] =	vst v0  }
0x31: {  	[tilespmem:$0x68D0] =	vst v0  }
0x32: {  	[tilespmem:$0x68E0] =	vst v0  }
0x33: {  	[tilespmem:$0x68F0] =	vst v0  }
0x34: {  	[tilespmem:$0x6900] =	vst v0  }
0x35: {  	[tilespmem:$0x6910] =	vst v0  }
0x36: {  	[tilespmem:$0x6920] =	vst v0  }
0x37: {  	[tilespmem:$0x6930] =	vst v0  }
0x38: {  	[tilespmem:$0x6940] =	vst v0  }
0x39: {  	[tilespmem:$0x6950] =	vst v0  }
0x3a: {  	[tilespmem:$0x6960] =	vst v0  }
0x3b: {  	[tilespmem:$0x6970] =	vst v0  }
0x3c: {  	[tilespmem:$0x6980] =	vst v0  }
0x3d: {  	[tilespmem:$0x6990] =	vst v0  }
0x3e: {  	[tilespmem:$0x69A0] =	vst v0  }
0x3f: {  	[tilespmem:$0x69B0] =	vst v0  }
0x40: {  	[tilespmem:$0x69C0] =	vst v0  }
0x41: {  	[tilespmem:$0x69D0] =	vst v0  }
0x42: {  	[tilespmem:$0x69E0] =	vst v0  }
0x43: {  	[tilespmem:$0x69F0] =	vst v0  }
0x44: {  	[tilespmem:$0x6A00] =	vst v0  }
0x45: {  	[tilespmem:$0x6A10] =	vst v0  }
0x46: {  	[tilespmem:$0x6A20] =	vst v0  }
0x47: {  	[tilespmem:$0x6A30] =	vst v0  }
0x48: {  	[tilespmem:$0x6A40] =	vst v0  }
0x49: {  	[tilespmem:$0x6A50] =	vst v0  }
0x4a: {  	[tilespmem:$0x6A60] =	vst v0  }
0x4b: {  	[tilespmem:$0x6A70] =	vst v0  }
0x4c: {  	[tilespmem:$0x6A80] =	vst v0  }
0x4d: {  	[tilespmem:$0x6A90] =	vst v0  }
0x4e: {  	[tilespmem:$0x6AA0] =	vst v0  }
0x4f: {  	[tilespmem:$0x6AB0] =	vst v0  }
0x50: {  	[tilespmem:$0x6AC0] =	vst v0  }
0x51: {  	[tilespmem:$0x6AD0] =	vst v0  }
0x52: {  	[tilespmem:$0x6AE0] =	vst v0  }
0x53: {  	[tilespmem:$0x6AF0] =	vst v0  }
0x54: {  	[tilespmem:$0x6B00] =	vst v0  }
0x55: {  	[tilespmem:$0x6B10] =	vst v0  }
0x56: {  	[tilespmem:$0x6B20] =	vst v0  }
0x57: {  	[tilespmem:$0x6B30] =	vst v0  }
0x58: {  	[tilespmem:$0x6B40] =	vst v0  }
0x59: {  	[tilespmem:$0x6B50] =	vst v0  }
0x5a: {  	[tilespmem:$0x6B60] =	vst v0  }
0x5b: {  	[tilespmem:$0x6B70] =	vst v0  }
0x5c: {  	[tilespmem:$0x6B80] =	vst v0  }
0x5d: {  	[tilespmem:$0x6B90] =	vst v0  }
0x5e: {  	[tilespmem:$0x6BA0] =	vst v0  }
0x5f: {  	[tilespmem:$0x6BB0] =	vst v0  }
0x60: {  	[tilespmem:$0x6BC0] =	vst v0  }
0x61: {  	[tilespmem:$0x6BD0] =	vst v0  }
0x62: {  	[tilespmem:$0x6BE0] =	vst v0  }
0x63: {  	[tilespmem:$0x6BF0] =	vst v0  }
0x64: {  	[tilespmem:$0x6C00] =	vst v0  }
0x65: {  	[tilespmem:$0x6C10] =	vst v0  }
0x66: {  	[tilespmem:$0x6C20] =	vst v0  }
0x67: {  	[tilespmem:$0x6C30] =	vst v0  }
0x68: {  	[tilespmem:$0x6C40] =	vst v0  }
0x69: {  	[tilespmem:$0x6C50] =	vst v0  }
0x6a: {  	[tilespmem:$0x6C60] =	vst v0  }
0x6b: {  	[tilespmem:$0x6C70] =	vst v0  }
0x6c: {  	[tilespmem:$0x6C80] =	vst v0  }
0x6d: {  	[tilespmem:$0x6C90] =	vst v0  }
0x6e: {  	[tilespmem:$0x6CA0] =	vst v0  }
0x6f: {  	[tilespmem:$0x6CB0] =	vst v0  }
0x70: {  	[tilespmem:$0x6CC0] =	vst v0  }
0x71: {  	[tilespmem:$0x6CD0] =	vst v0  }
0x72: {  	[tilespmem:$0x6CE0] =	vst v0  }
0x73: {  	[tilespmem:$0x6CF0] =	vst v0  }
0x74: {  	[tilespmem:$0x6D00] =	vst v0  }
0x75: {  	[tilespmem:$0x6D10] =	vst v0  }
0x76: {  	[tilespmem:$0x6D20] =	vst v0  }
0x77: {  	[tilespmem:$0x6D30] =	vst v0  }
0x78: {  	[tilespmem:$0x6D40] =	vst v0  }
0x79: {  	[tilespmem:$0x6D50] =	vst v0  }
0x7a: {  	[tilespmem:$0x6D60] =	vst v0  }
0x7b: {  	[tilespmem:$0x6D70] =	vst v0  }
0x7c: {  	[tilespmem:$0x6D80] =	vst v0  }
0x7d: {  	[tilespmem:$0x6D90] =	vst v0  }
0x7e: {  	[tilespmem:$0x6DA0] =	vst v0  }
0x7f: {  	[tilespmem:$0x6DB0] =	vst v0  }
0x80: {  	[tilespmem:$0x6DC0] =	vst v0  }
0x81: {  	[tilespmem:$0x6DD0] =	vst v0  }
0x82: {  	[tilespmem:$0x6DE0] =	vst v0  }
0x83: {  	[tilespmem:$0x6DF0] =	vst v0  }
0x84: {  	[tilespmem:$0x6E00] =	vst v0  }
0x85: {  	[tilespmem:$0x6E10] =	vst v0  }
0x86: {  	[tilespmem:$0x6E20] =	vst v0  }
0x87: {  	[tilespmem:$0x6E30] =	vst v0  }
0x88: {  	[tilespmem:$0x6E40] =	vst v0  }
0x89: {  	[tilespmem:$0x6E50] =	vst v0  }
0x8a: {  	[tilespmem:$0x6E60] =	vst v0  }
0x8b: {  	[tilespmem:$0x6E70] =	vst v0  }
0x8c: {  	[tilespmem:$0x6E80] =	vst v0  }
0x8d: {  	[tilespmem:$0x6E90] =	vst v0  }
0x8e: {  	[tilespmem:$0x6EA0] =	vst v0  }
0x8f: {  	[tilespmem:$0x6EB0] =	vst v0  }
0x90: {  	[tilespmem:$0x6EC0] =	vst v0  }
0x91: {  	[tilespmem:$0x6ED0] =	vst v0  }
0x92: {  	[tilespmem:$0x6EE0] =	vst v0  }
0x93: {  	[tilespmem:$0x6EF0] =	vst v0  }
0x94: {  	[tilespmem:$0x6F00] =	vst v0  }
0x95: {  	[tilespmem:$0x6F10] =	vst v0  }
0x96: {  	[tilespmem:$0x6F20] =	vst v0  }
0x97: {  	[tilespmem:$0x6F30] =	vst v0  }
0x98: {  	[tilespmem:$0x6F40] =	vst v0  }
0x99: {  	[tilespmem:$0x6F50] =	vst v0  }
0x9a: {  	[tilespmem:$0x6F60] =	vst v0  }
0x9b: {  	s26 =	sadd.s32 $0x0, s6;
	[tilespmem:$0x6F70] =	vst v0  }
0x9c: {  	[spmem:s26] =	stream.linear.scatter [tilespmem:s13], [sflag:$0x5], $0x800, $0x38;
	[tilespmem:$0x1F780] =	vst v63  }
0x9d: {  	s26 =	simm.s32 $0x2000;
	_ =	swait.ge [sflag:s11], $0x800  }
.LBB2_2:
0x9e: {  	s28 =	sshra.s32 s26, $0x2;
	[sflag:s11] =	ssyncset.done $0x0;
	p0 =	sne.s32 s26, $0x4E000  }
.Ltmp0:
0x9f: {  	s28 =	sadd.s32 s28, s6;
	[sflag:s11] =	ssyncadd.s32 $0xFFFFF800;
	(pc) =	sbr.rel @p0 .LBB2_2-.Ltmp0, $3  }
0xa0: {  	[spmem:s28] =	stream.linear.scatter [tilespmem:s13], [sflag:$0x5], $0x800, $0x38;
	[tilespmem:$0x1F780] =	vst v63  }
0xa1: {  	s26 =	sadd.s32 $0x2000, s26;
	_ =	sdelay $0x1  }
0xa2: {  	_ =	swait.ge [sflag:s11], $0x800  }
0xa3: {  	[sflag:s11] =	ssyncset.done $0x0  }
0xa4: {  	[sflag:s11] =	ssyncadd.s32 $0xFFFFF800  }
0xa5: {  	s26 =	simm.s32 $0x0;
	[bflag:$0x0] =	sbarrier.arrive $0xFFFF  }
0xa6: {  	[tilespmem:s13], [sflag:$0x1] =	stream.indirect.gather [hbm4b:s7+s14], $0x80, s26, s14, $0xb8;
	[tilespmem:$0x1F780] =	vst v63  }
0xa7: {  	_ = 	snop  }
0xa8: {  	[tilespmem:s15], [sflag:$0x2] =	stream.indirect.gather [hbm4b:s7+s14], $0x80, s14, s14, $0xb8;
	[tilespmem:$0x1F780] =	vst v63  }
0xa9: {  	_ =	swait.ge [sflag:s16], $0x2800  }
0xaa: {  	[sflag:s16] =	ssyncset.done $0x0  }
0xab: {  	s31 =	simm.s32 $0x2780;
	[sflag:s16] =	ssyncadd.s32 $0xFFFFD800  }
0xac: {  	[spmem:s2] =	stream.indirect.scatter.add.f32 [tilespmem:s13], [sflag:$0x3], $0x80, s31, s14, $0xb8;
	[tilespmem:$0x1F780] =	vst v63  }
0xad: {  	_ =	swait.ge [sflag:s17], $0x2800  }
0xae: {  	[sflag:s17] =	ssyncset.done $0x0  }
0xaf: {  	s30 =	simm.s32 $0xA0;
	[sflag:s17] =	ssyncadd.s32 $0xFFFFD800  }
0xb0: {  	[tilespmem:s13], [sflag:$0x1] =	stream.indirect.gather [hbm4b:s7+s14], $0x80, s30, s14, $0xb8;
	[tilespmem:$0x1F780] =	vst v63  }
0xb1: {  	_ =	swait.ge [sflag:s18], $0x2800  }
0xb2: {  	[sflag:s18] =	ssyncset.done $0x0  }
0xb3: {  	s31 =	simm.s32 $0x2800;
	[sflag:s18] =	ssyncadd.s32 $0xFFFFD800  }
0xb4: {  	[spmem:s2] =	stream.indirect.scatter.add.f32 [tilespmem:s15], [sflag:$0x4], $0x80, s31, s14, $0xb8;
	[tilespmem:$0x1F780] =	vst v63  }
0xb5: {  	_ =	swait.ge [sflag:s19], $0x2800  }
0xb6: {  	s28 =	simm.s32 $0x400;
	[sflag:s19] =	ssyncset.done $0x0  }
0xb7: {  	s29 =	simm.s32 $0x190;
	s26 =	simm.s32 $0xF0;
	[sflag:s19] =	ssyncadd.s32 $0xFFFFD800  }
.LBB2_4:
0xb8: {  	[tilespmem:s15], [sflag:$0x2] =	stream.indirect.gather [hbm4b:s7+s14], $0x80, s26, s14, $0xb8;
	[tilespmem:$0x1F780] =	vst v63  }
0xb9: {  	s30 =	smov.u32 s28;
	s26 =	smov.u32 s29  }
0xba: {  	p0 =	sne.s32 s28, $0xF000;
	s28 =	sadd.s32 $0x400, s28;
	_ =	swait.ge [sflag:s16], $0x2800  }
0xbb: {  	s30 =	sshra.s32 s30, $0x2;
	[sflag:s16] =	ssyncset.done $0x0  }
0xbc: {  	s31 =	sadd.s32 $0x2780, s30;
	[sflag:s16] =	ssyncadd.s32 $0xFFFFD800  }
0xbd: {  	[spmem:s2] =	stream.indirect.scatter.add.f32 [tilespmem:s13], [sflag:$0x3], $0x80, s31, s14, $0xb8;
	[tilespmem:$0x1F780] =	vst v63  }
0xbe: {  	_ =	swait.ge [sflag:s17], $0x2800  }
0xbf: {  	[sflag:s17] =	ssyncset.done $0x0  }
0xc0: {  	s31 =	sadd.s32 $0xFFFFFFB0, s29;
	[sflag:s17] =	ssyncadd.s32 $0xFFFFD800  }
0xc1: {  	[tilespmem:s13], [sflag:$0x1] =	stream.indirect.gather [hbm4b:s7+s14], $0x80, s31, s14, $0xb8;
	[tilespmem:$0x1F780] =	vst v63  }
0xc2: {  	_ =	swait.ge [sflag:s18], $0x2800  }
0xc3: {  	[sflag:s18] =	ssyncset.done $0x0  }
.Ltmp1:
0xc4: {  	s30 =	sadd.s32 $0x2800, s30;
	[sflag:s18] =	ssyncadd.s32 $0xFFFFD800;
	(pc) =	sbr.rel @p0 .LBB2_4-.Ltmp1, $4  }
0xc5: {  	[spmem:s2] =	stream.indirect.scatter.add.f32 [tilespmem:s15], [sflag:$0x4], $0x80, s30, s14, $0xb8;
	[tilespmem:$0x1F780] =	vst v63  }
0xc6: {  	_ =	swait.ge [sflag:s19], $0x2800  }
0xc7: {  	[sflag:s19] =	ssyncset.done $0x0  }
0xc8: {  	s29 =	sadd.s32 $0xA0, s29;
	[sflag:s19] =	ssyncadd.s32 $0xFFFFD800  }
0xc9: {  	[tilespmem:s15], [sflag:$0x2] =	stream.indirect.gather [hbm4b:s7+s14], $0x80, s26, s14, $0xb8;
	[tilespmem:$0x1F780] =	vst v63  }
0xca: {  	_ =	swait.ge [sflag:s16], $0x2800  }
0xcb: {  	[sflag:s16] =	ssyncset.done $0x0  }
0xcc: {  	[sflag:s16] =	ssyncadd.s32 $0xFFFFD800  }
0xcd: {  	[spmem:s2] =	stream.indirect.scatter.add.f32 [tilespmem:s13], [sflag:$0x3], $0x80, s20, s14, $0xb8;
	[tilespmem:$0x1F780] =	vst v63  }
0xce: {  	_ =	swait.ge [sflag:s17], $0x2800  }
0xcf: {  	[sflag:s17] =	ssyncset.done $0x0  }
0xd0: {  	[sflag:s17] =	ssyncadd.s32 $0xFFFFD800  }
0xd1: {  	[tilespmem:s13], [sflag:$0x1] =	stream.indirect.gather [hbm4b:s7+s14], $0x80, s21, s14, $0xb8;
	[tilespmem:$0x1F780] =	vst v63  }
0xd2: {  	_ =	swait.ge [sflag:s18], $0x2800  }
0xd3: {  	[sflag:s18] =	ssyncset.done $0x0  }
0xd4: {  	[sflag:s18] =	ssyncadd.s32 $0xFFFFD800  }
0xd5: {  	[spmem:s2] =	stream.indirect.scatter.add.f32 [tilespmem:s15], [sflag:$0x4], $0x80, s22, s14, $0xb8;
	[tilespmem:$0x1F780] =	vst v63  }
0xd6: {  	_ =	swait.ge [sflag:s19], $0x2800  }
0xd7: {  	[sflag:s19] =	ssyncset.done $0x0  }
0xd8: {  	[sflag:s19] =	ssyncadd.s32 $0xFFFFD800  }
0xd9: {  	_ =	swait.ge [sflag:s16], $0x2800  }
0xda: {  	[sflag:s16] =	ssyncset.done $0x0  }
0xdb: {  	[sflag:s16] =	ssyncadd.s32 $0xFFFFD800  }
0xdc: {  	[spmem:s2] =	stream.indirect.scatter.add.f32 [tilespmem:s13], [sflag:$0x3], $0x80, s23, s14, $0xb8;
	[tilespmem:$0x1F780] =	vst v63  }
0xdd: {  	_ =	swait.ge [sflag:s17], $0x2800  }
0xde: {  	s31 =	sshll.u32 s1, $0x6;
	s25 =	sadd.s32 $0x1, s25;
	[sflag:s17] =	ssyncset.done $0x0  }
0xdf: {  	s28 =	sshrl.u32 s6, $0x3;
	p0 =	sne.s32 s25, s8;
	[sflag:s17] =	ssyncadd.s32 $0xFFFFD800  }
.Ltmp2:
0xe0: {  	s26 =	sor.u32 $0x1C05, s31;
	[bflag:$0x0] =	sbarrier.arrive $0xFFFF;
	(pc) =	sbr.rel @p0 .LBB2_1-.Ltmp2, $4  }
0xe1: {  	[hbm:s24], [sflag:s26] =	dma.local [spmem:s28], $0x2800  }
0xe2: {  	_ =	swait.ge [sflag:s11], $0x2800  }
0xe3: {  	[sflag:s11] =	ssyncset.done $0x0  }
0xe4: {  	[sflag:s11] =	ssyncadd.s32 $0xFFFFD800  }
0xe5: {  	_ =	sfence.sel $0x180000  }
0xe6: {  	[bflag:$0x0] =	sbarrier.arrive $0xFFFF  }
0xe7: {  	p0 =	sne.s32 s1, $0x0;
	_ =	strace $0x90000047  }
0xe8: {  	s0 =	sadd.s32 @!p0 $0x100000, s0;
	[bflag:$0x2] =	sbarrier.arrive $0xFFFF  }
0xe9: {  	[sflag:s0] =	ssyncadd.tile.s32 @!p0 $0x1;
	_ =	shalt  }
.Lfunc_end2:
_tile_overlayer_lowered:
.L_overlay_start_2:
0xea: {  	(tag) =	ssettag $0x2  }
0xeb: {  	s0 =	rddreg [dreg:$0x0];
	s2 =	stileid.u32  }
0xec: {  	s1 =	rddreg [dreg:$0x1];
	p0 =	sne.s32 s2, $0x0  }
0xed: {  	s3 =	rddreg [dreg:$0x2];
	[bflag:$0x3] =	sbarrier.arrive $0xFFFF;
	s2 =	simm.s32 @!p0 $0x1C05  }
0xee: {  	[timem:s3], [sflag:s2] =	dma.local @!p0 [hbm:s0], s1  }
0xef: {  	s0 =	simm.s32 @!p0 $0x5  }
0xf0: {  	_ =	swait.ge @!p0 [sflag:s0], s1  }
0xf1: {  	s1 =	ssub.s32 @!p0 $0x0, s1;
	[sflag:s0] =	ssyncset.done @!p0 $0x0  }
0xf2: {  	[sflag:s0] =	ssyncadd.s32 @!p0 s1  }
0xf3: {  	[bflag:$0x3] =	sbarrier.arrive $0xFFFF  }
0xf4: {  	_ =	shalt  }

// kernel: kernel.9.cloned.1.call-start
scs
__scs_entry_jumppad:
0x0: {  	(pc) =	sbr.rel $0x88, $3  }
0x1: {  	(tag) =	ssettag $0x0;
	lr =	simm.s32 $0x1  }
0x2: {  	[smem:$0x3F95] =	sst lr;
	_ =	strace $0xD0000000  }
0x3: {  	_ = 	snop  }
0x4: {  	_ = 	snop  }
0x5: {  	_ = 	snop  }
0x6: {  	_ = 	snop  }
0x7: {  	_ = 	snop  }
__scs_overlays_trampoline_lowered:
0x8: {  	[smem:$0x3FA4] =	sst s0  }
0x9: {  	[smem:$0x3FA5] =	sst s1  }
0xa: {  	[smem:$0x3FA6] =	sst s2  }
0xb: {  	[smem:$0x3FA7] =	sst s3  }
0xc: {  	[smem:$0x3FA8] =	sst s4  }
0xd: {  	[smem:$0x3FA9] =	sst s5  }
0xe: {  	[smem:$0x3FAA] =	sst s6  }
0xf: {  	[smem:$0x3FAB] =	sst s7  }
0x10: {  	[smem:$0x3FAC] =	sst s8  }
0x11: {  	[smem:$0x3FAD] =	sst s9;
	s0 =	simm.s32 @!p0 $0x0  }
0x12: {  	s1 =	sld [smem:$0x3F93];
	s0 =	simm.s32 @p0 $0x1  }
0x13: {  	[smem:$0x3FAE] =	sst s0;
	s0 =	simm.s32 @!p1 $0x0  }
0x14: {  	s2 =	sld [smem:$0x3F92];
	s0 =	simm.s32 @p1 $0x1  }
0x15: {  	[smem:$0x3FAF] =	sst s0;
	s0 =	simm.s32 @!p2 $0x0  }
0x16: {  	s3 =	sld [smem:$0x3FDB];
	s0 =	simm.s32 @p2 $0x1  }
0x17: {  	s4 =	simm.s32 $0x1BF5;
	[smem:$0x3FB1] =	sst s0  }
0x18: {  	s0 =	sld [smem:$0x3F94];
	_ =	swait.ge [sflag:s4], $0x0  }
0x19: {  	s7 =	sld [smem:$0x3F95]  }
0x1a: {  	s8 =	sadd.s32 $0xFFFFE003, lr  }
0x1b: {  	s9 =	sadd.s32 $0xFFFFFEF7, lr;
	s5 =	simm.s32 $0xFFFFFFFF;
	p2 =	slt.u32 s8, $0xFFFFF086  }
0x1c: {  	p1 =	slt.u32 s9, $0xF7A;
	s5 =	simm.s32 @!p2 $0x0  }
0x1d: {  	s5 =	simm.s32 @p1 $0x1;
	p0 =	seq.s32 s7, s2  }
0x1e: {  	s7 =	smul.u32 @!p0 $0xF7A, s2;
	p2 =	seq.s32 @!p0 s5, $0x0  }
0x1f: {  	s9 =	smul.u32 $0xF7A, s1;
	s8 =	simm.s32 @!p0 $0x1BF5;
	p2 =	por !p2, p0  }
0x20: {  	[sflag:s8] =	ssyncset.s32 @!p0 $0xFFFFF086;
	s6 =	sadd.s32 @!p0 s3, s7;
	s7 =	simm.s32 @!p0 $0x108  }
0x21: {  	s3 =	sadd.s32 s3, s9;
	s6 =	sadd.s32 @!p0 $0x88, s6;
	s7 =	simm.s32 @p2 $0x1082  }
0x22: {  	[simem:s7], [sflag:s8] =	dma.local @!p0 [hbm:s6], $0xF7A  }
0x23: {  	s9 =	sor.u32 $0xD0000000, s2;
	s6 =	simm.s32 $0x108;
	_ =	swait.ge @!p0 [sflag:s8], $0x0  }
0x24: {  	s3 =	sadd.s32 $0x88, s3;
	s6 =	simm.s32 @!p1 $0x1082;
	[sflag:s4] =	ssyncset.s32 $0xFFFFF086  }
0x25: {  	[simem:s6], [sflag:s4] =	dma.local [hbm:s3], $0xF7A  }
0x26: {  	[smem:$0x3F95] =	sst s1;
	(tag) =	ssettag s2;
	_ =	strace s9  }
0x27: {  	s1 =	sld [smem:$0x3FA5]  }
0x28: {  	s2 =	sld [smem:$0x3FA6]  }
0x29: {  	s4 =	sld [smem:$0x3FA8]  }
0x2a: {  	p0 =	seq.s32 s5, $0x0;
	s5 =	sld [smem:$0x3FA9]  }
0x2b: {  	s6 =	sld [smem:$0x3FAA]  }
0x2c: {  	s7 =	sld [smem:$0x3FAB]  }
0x2d: {  	s3 =	simm.s32 $0x108;
	s8 =	sld [smem:$0x3FAC]  }
0x2e: {  	s3 =	simm.s32 @!p0 $0x1082;
	s9 =	sld [smem:$0x3FAD]  }
0x2f: {  	lr =	sadd.s32 s0, s3;
	s0 =	sld [smem:$0x3FA4]  }
0x30: {  	s3 =	sld [smem:$0x3FA7]  }
0x31: {  	[smem:$0x3FB0] =	sst s10  }
0x32: {  	s10 =	sld [smem:$0x3FAE];
	_ =	sdelay $0x3  }
0x33: {  	p0 =	seq.s32 s10, $0x1;
	s10 =	sld [smem:$0x3FB0];
	_ =	sdelay $0x3  }
0x34: {  	[smem:$0x3FB0] =	sst s10  }
0x35: {  	s10 =	sld [smem:$0x3FAF];
	_ =	sdelay $0x3  }
0x36: {  	p1 =	seq.s32 s10, $0x1;
	s10 =	sld [smem:$0x3FB0];
	_ =	sdelay $0x3  }
0x37: {  	[smem:$0x3FB0] =	sst s10  }
0x38: {  	s10 =	sld [smem:$0x3FB1]  }
0x39: {  	_ = 	snop;
	(pc) =	sbr.ind lr, $3  }
0x3a: {  	_ = 	snop  }
0x3b: {  	_ = 	snop  }
0x3c: {  	p2 =	seq.s32 s10, $0x1;
	s10 =	sld [smem:$0x3FB0]  }
0x3d: {  	_ =	shalt  }
0x3e: {  	_ =	shalt  }
0x3f: {  	_ =	shalt  }
0x40: {  	_ =	shalt  }
0x41: {  	_ =	shalt  }
0x42: {  	_ =	shalt  }
0x43: {  	_ =	shalt  }
0x44: {  	_ =	shalt  }
0x45: {  	_ =	shalt  }
0x46: {  	_ =	shalt  }
0x47: {  	_ =	shalt  }
0x48: {  	_ =	shalt  }
0x49: {  	_ =	shalt  }
0x4a: {  	_ =	shalt  }
0x4b: {  	_ =	shalt  }
0x4c: {  	_ =	shalt  }
0x4d: {  	_ =	shalt  }
0x4e: {  	_ =	shalt  }
0x4f: {  	_ =	shalt  }
0x50: {  	_ =	shalt  }
0x51: {  	_ =	shalt  }
0x52: {  	_ =	shalt  }
0x53: {  	_ =	shalt  }
0x54: {  	_ =	shalt  }
0x55: {  	_ =	shalt  }
0x56: {  	_ =	shalt  }
0x57: {  	_ =	shalt  }
0x58: {  	_ =	shalt  }
0x59: {  	_ =	shalt  }
0x5a: {  	_ =	shalt  }
0x5b: {  	_ =	shalt  }
0x5c: {  	_ =	shalt  }
0x5d: {  	_ =	shalt  }
0x5e: {  	_ =	shalt  }
0x5f: {  	_ =	shalt  }
0x60: {  	_ =	shalt  }
0x61: {  	_ =	shalt  }
0x62: {  	_ =	shalt  }
0x63: {  	_ =	shalt  }
0x64: {  	_ =	shalt  }
0x65: {  	_ =	shalt  }
0x66: {  	_ =	shalt  }
0x67: {  	_ =	shalt  }
0x68: {  	_ =	shalt  }
0x69: {  	_ =	shalt  }
0x6a: {  	_ =	shalt  }
0x6b: {  	_ =	shalt  }
0x6c: {  	_ =	shalt  }
0x6d: {  	_ =	shalt  }
0x6e: {  	_ =	shalt  }
0x6f: {  	_ =	shalt  }
0x70: {  	_ =	shalt  }
0x71: {  	_ =	shalt  }
0x72: {  	_ =	shalt  }
0x73: {  	_ =	shalt  }
0x74: {  	_ =	shalt  }
0x75: {  	_ =	shalt  }
0x76: {  	_ =	shalt  }
0x77: {  	_ =	shalt  }
0x78: {  	_ =	shalt  }
0x79: {  	_ =	shalt  }
0x7a: {  	_ =	shalt  }
0x7b: {  	_ =	shalt  }
0x7c: {  	_ =	shalt  }
0x7d: {  	_ =	shalt  }
0x7e: {  	_ =	shalt  }
0x7f: {  	_ =	shalt  }
0x80: {  	_ =	shalt  }
0x81: {  	_ =	shalt  }
0x82: {  	_ =	shalt  }
0x83: {  	_ =	shalt  }
0x84: {  	_ =	shalt  }
0x85: {  	_ =	shalt  }
0x86: {  	_ =	shalt  }
0x87: {  	_ =	shalt  }
.Lfunc_end0:
.L_simem_size_0:
called_computation.1_lowered:
.L_overlay_start_0:
0x88: {  	s2 =	sld [smem:$0x3FD9]  }
0x89: {  	s3 =	sld [smem:$0x3FFE];
	_ =	sdelay $0x1  }
0x8a: {  	s1 =	srdreg.scid  }
0x8b: {  	s0 =	sand.u32 $0x1, s1  }
0x8c: {  	s16 =	sshll.u32 s0, $0xA;
	s2 =	sadd.s32 s3, s2  }
0x8d: {  	s2 =	sadd.s32 s2, s16  }
0x8e: {  	[smem:$0x3FBC] =	sst s2  }
0x8f: {  	_ = 	snop  }
0x90: {  	(tm) =	ssettm $0x1  }
0x91: {  	s17 =	sld [smem:$0x3FFB];
	_ =	sdelay $0x3  }
0x92: {  	_ =	strace s17  }
0x93: {  	s2 =	sld [smem:$0x3FFC];
	_ =	sdelay $0x3  }
0x94: {  	_ =	strace s2  }
0x95: {  	s2 =	sld [smem:$0x3FFD];
	_ =	sdelay $0x3  }
0x96: {  	_ =	strace s2  }
0x97: {  	_ =	strace $0x8FFFFFFF  }
0x98: {  	s18 =	sld [smem:$0x3FDB];
	_ =	sdelay $0x1  }
0x99: {  	s19 =	simm.s32 $_scs_section_size  }
0x9a: {  	s4 =	simm.s32 $_size__tile_overlayer_lowered;
	s5 =	simm.s32 $_tile_overlayer_lowered  }
0x9b: {  	s22 =	simm.s32 $0x1BFF;
	s21 =	sshll.u32 s5, $0x1;
	s2 =	sadd.s32 s19, s18  }
0x9c: {  	s6 =	simm.s32 $0x0;
	s20 =	sshll.u32 s4, $0x1;
	s4 =	sadd.s32 s21, s2  }
0x9d: {  	[timem:s6], [sflag:s22] =	dma.local [hbm:s4], s20  }
0x9e: {  	_ =	swait.ge [sflag:s22], s20  }
0x9f: {  	s3 =	ssub.s32 $0x0, s20;
	[sflag:s22] =	ssyncset.done $0x0  }
0xa0: {  	[sflag:s22] =	ssyncadd.s32 s3;
	_ =	sdelay $0x1  }
0xa1: {  	s23 =	simm.s32 $0x1B8B  }
0xa2: {  	_ =	swait.ge [sflag:s23], $0x1  }
0xa3: {  	[sflag:s23] =	ssyncset.done $0x0  }
0xa4: {  	s25 =	simm.s32 $0x1B8E;
	s24 =	sld [smem:$0x3FFE];
	[sflag:s23] =	ssyncadd.s32 $0xFFFFFFFF  }
0xa5: {  	s26 =	simm.s32 $execute0_lowered;
	[smem:$0x3FD2] =	sst s25  }
0xa6: {  	s4 =	sshll.u32 s26, $0x1;
	_ =	strace $0x80000049;
	[dreg:$0x1] =	wrdreg $0xFFFFFFFF  }
0xa7: {  	s28 =	simm.s32 $_size_execute0_lowered;
	s2 =	sadd.s32 s2, s4;
	[dreg:$0x0] =	wrdreg $0x0  }
0xa8: {  	s4 =	sshll.u32 s28, $0x1;
	[dreg:$0x2] =	wrdreg s2  }
0xa9: {  	[dreg:$0x3] =	wrdreg s4  }
0xaa: {  	[dreg:$0x4] =	wrdreg $0xC0  }
0xab: {  	_ =	task [dreg:s6], $0x5FFFF  }
0xac: {  	[dreg:$0x1] =	wrdreg $0xFFFFFFFF  }
0xad: {  	[dreg:$0x0] =	wrdreg $0x60  }
0xae: {  	[dreg:$0x2] =	wrdreg s24  }
0xaf: {  	[dreg:$0x3] =	wrdreg $0xB7800  }
0xb0: {  	[dreg:$0x4] =	wrdreg $0x9  }
0xb1: {  	_ =	task.clear_ibuf [dreg:s6], $0x5FFFF;
	_ =	strace $0x90000049  }
0xb2: {  	s29 =	simm.s32 $0x9;
	_ =	strace $0x8000004B  }
0xb3: {  	_ =	swait.ge [sflag:s29], $0x1  }
0xb4: {  	[sflag:s29] =	ssyncadd.s32 $0xFFFFFFFF  }
0xb5: {  	_ =	strace $0x9000004B  }
0xb6: {  	_ =	sfence  }
0xb7: {  	s30 =	sld [smem:$0x0];
	_ =	sdelay $0x2  }
0xb8: {  	s31 =	sshll.u32 s1, $0xD;
	s1 =	sshrl.u32 s1, $0x2  }
0xb9: {  	s3 =	sand.u32 $0x4000, s31;
	s1 =	sadd.s32 s1, s30  }
0xba: {  	s0 =	sor.u32 s3, s0;
	s1 =	sshll.u32 s1, $0x11  }
0xbb: {  	s0 =	sor.u32 s1, s0  }
0xbc: {  	s0 =	sadd.s32 $0x8F2B, s0  }
0xbd: {  	[sflag:s0] =	ssyncadd.remote.s32 $0x1  }
0xbe: {  	_ =	sfence.sel $0xFFFF  }
0xbf: {  	[dreg:$0x0] =	wrdreg $0xFFFFFFFF;
	(pc) =	sbr.abs _section_cstart, $3  }
0xc0: {  	[dreg:$0x1] =	wrdreg $0xFFFFFFFF  }
0xc1: {  	_ =	task.clear_ibuf [dreg:s6], $0x2FFFF;
	_ =	strace $0x9FFFFFFF  }
0xc2: {  	(tm) =	ssettm $0x7FFFFFFF  }
0xc3: {  	_ =	shalt  }
tec
execute0_lowered:
.L_overlay_start_1:
0x0: {  	(tag) =	ssettag $0x1  }
0x1: {  	s0 =	rddreg [dreg:$0x0]  }
0x2: {  	s2 =	rddreg [dreg:$0x1]  }
0x3: {  	s1 =	stileid.u32;
	s3 =	simm.s32 $0x0;
	s29 =	srdreg.scid  }
0x4: {  	s14 =	simm.s32 $0x6780;
	s15 =	simm.s32 $0x50;
	s16 =	simm.s32 $0x8F80  }
0x5: {  	s17 =	simm.s32 $0x1;
	s18 =	simm.s32 $0x3;
	s19 =	simm.s32 $0x2  }
0x6: {  	s20 =	simm.s32 $0x4;
	s21 =	simm.s32 $0x6480;
	s22 =	simm.s32 $0x26C0  }
0x7: {  	s25 =	simm.s32 $0x6500;
	s26 =	simm.s32 $0x6580;
	s28 =	simm.s32 $0x0  }
0x8: {  	s4 =	sshrl.u32 s1, $0x3;
	s5 =	sshll.u32 s1, $0x7;
	s9 =	smul.u32 $0x50000, s1  }
0x9: {  	[smem:$0x7FF] =	sst s3;
	s8 =	sadd.s32 $0xF200, s0;
	s4 =	smul.u32 $0x13C00, s4  }
0xa: {  	s6 =	sshll.u32 s1, $0xB;
	s24 =	smul.u32 $0x2800, s1;
	s5 =	sand.u32 $0x380, s5  }
0xb: {  	_ =	strace $0x8000004A;
	s4 =	sor.u32 s5, s4;
	s5 =	sand.u32 $0x1, s29  }
0xc: {  	s6 =	sadd.s32 s6, s0;
	s9 =	sshrl.u32 s9, $0x2;
	s11 =	smul.u32 $0x4E200, s5  }
0xd: {  	s4 =	sshrl.u32 s4, $0x3;
	s7 =	ssub.s32 $0x2, s5;
	s12 =	smul.u32 $0x50000, s5  }
0xe: {  	s30 =	sshllo.u32 s5, $0x1;
	s5 =	sadd.s32 $0x2200, s6;
	s6 =	sadd.s32 s9, s2  }
0xf: {  	s4 =	sadd.s32 s4, s0;
	s10 =	sshrl.u32 s7, $0x1;
	s13 =	smul.u32 $0x27100, s30  }
0x10: {  	s0 =	sadd.s32 $0xAB600, s0;
	s31 =	smul.u32 $0x28000, s30;
	s10 =	ssub.s32 s7, s10  }
0x11: {  	s4 =	sadd.s32 $0xA200, s4;
	s7 =	sadd.s32 s8, s11;
	s23 =	sadd.s32 s0, s12  }
0x12: {  	s12 =	simm.s32 $0x5;
	s8 =	sadd.s32 s8, s13;
	s0 =	sadd.s32 s0, s31  }
0x13: {  	v0 =	vimm.f32 $0.0e+00;
	s9 =	smax.u32 s10, $0x1;
	s23 =	sadd.s32 s24, s23;
	s24 =	sadd.s32 s24, s0  }
.LBB2_1:
0x14: {  	s0 =	simm.s32 $0x80;
	s10 =	simm.s32 $0x400  }
0x15: {  	[tilespmem:s3], [sflag:$0x5] =	stream.strided.gather [hbm4b:s4+s0], $0x2780, s10, s0, $0x38;
	[tilespmem:$0x1F780] =	vst v63  }
0x16: {  	_ =	swait.ge [sflag:s12], $0x2780  }
0x17: {  	[sflag:s12] =	ssyncset.done $0x0  }
0x18: {  	s30 =	simm.s32 $0x2780;
	[sflag:s12] =	ssyncadd.s32 $0xFFFFD880  }
0x19: {  	[tilespmem:s30], [sflag:$0x5] =	stream.linear.gather [hbm4b:s5+s3], $0x3E80, $0x38;
	[tilespmem:$0x1F780] =	vst v63  }
0x1a: {  	_ =	swait.ge [sflag:s12], $0x3E80  }
0x1b: {  	[sflag:s12] =	ssyncset.done $0x0  }
0x1c: {  	[sflag:s12] =	ssyncadd.s32 $0xFFFFC180  }
0x1d: {  	[tilespmem:$0x6780] =	vst v0  }
0x1e: {  	[tilespmem:$0x6790] =	vst v0  }
0x1f: {  	[tilespmem:$0x67A0] =	vst v0  }
0x20: {  	[tilespmem:$0x67B0] =	vst v0  }
0x21: {  	[tilespmem:$0x67C0] =	vst v0  }
0x22: {  	[tilespmem:$0x67D0] =	vst v0  }
0x23: {  	[tilespmem:$0x67E0] =	vst v0  }
0x24: {  	[tilespmem:$0x67F0] =	vst v0  }
0x25: {  	[tilespmem:$0x6800] =	vst v0  }
0x26: {  	[tilespmem:$0x6810] =	vst v0  }
0x27: {  	[tilespmem:$0x6820] =	vst v0  }
0x28: {  	[tilespmem:$0x6830] =	vst v0  }
0x29: {  	[tilespmem:$0x6840] =	vst v0  }
0x2a: {  	[tilespmem:$0x6850] =	vst v0  }
0x2b: {  	[tilespmem:$0x6860] =	vst v0  }
0x2c: {  	[tilespmem:$0x6870] =	vst v0  }
0x2d: {  	[tilespmem:$0x6880] =	vst v0  }
0x2e: {  	[tilespmem:$0x6890] =	vst v0  }
0x2f: {  	[tilespmem:$0x68A0] =	vst v0  }
0x30: {  	[tilespmem:$0x68B0] =	vst v0  }
0x31: {  	[tilespmem:$0x68C0] =	vst v0  }
0x32: {  	[tilespmem:$0x68D0] =	vst v0  }
0x33: {  	[tilespmem:$0x68E0] =	vst v0  }
0x34: {  	[tilespmem:$0x68F0] =	vst v0  }
0x35: {  	[tilespmem:$0x6900] =	vst v0  }
0x36: {  	[tilespmem:$0x6910] =	vst v0  }
0x37: {  	[tilespmem:$0x6920] =	vst v0  }
0x38: {  	[tilespmem:$0x6930] =	vst v0  }
0x39: {  	[tilespmem:$0x6940] =	vst v0  }
0x3a: {  	[tilespmem:$0x6950] =	vst v0  }
0x3b: {  	[tilespmem:$0x6960] =	vst v0  }
0x3c: {  	[tilespmem:$0x6970] =	vst v0  }
0x3d: {  	[tilespmem:$0x6980] =	vst v0  }
0x3e: {  	[tilespmem:$0x6990] =	vst v0  }
0x3f: {  	[tilespmem:$0x69A0] =	vst v0  }
0x40: {  	[tilespmem:$0x69B0] =	vst v0  }
0x41: {  	[tilespmem:$0x69C0] =	vst v0  }
0x42: {  	[tilespmem:$0x69D0] =	vst v0  }
0x43: {  	[tilespmem:$0x69E0] =	vst v0  }
0x44: {  	[tilespmem:$0x69F0] =	vst v0  }
0x45: {  	[tilespmem:$0x6A00] =	vst v0  }
0x46: {  	[tilespmem:$0x6A10] =	vst v0  }
0x47: {  	[tilespmem:$0x6A20] =	vst v0  }
0x48: {  	[tilespmem:$0x6A30] =	vst v0  }
0x49: {  	[tilespmem:$0x6A40] =	vst v0  }
0x4a: {  	[tilespmem:$0x6A50] =	vst v0  }
0x4b: {  	[tilespmem:$0x6A60] =	vst v0  }
0x4c: {  	[tilespmem:$0x6A70] =	vst v0  }
0x4d: {  	[tilespmem:$0x6A80] =	vst v0  }
0x4e: {  	[tilespmem:$0x6A90] =	vst v0  }
0x4f: {  	[tilespmem:$0x6AA0] =	vst v0  }
0x50: {  	[tilespmem:$0x6AB0] =	vst v0  }
0x51: {  	[tilespmem:$0x6AC0] =	vst v0  }
0x52: {  	[tilespmem:$0x6AD0] =	vst v0  }
0x53: {  	[tilespmem:$0x6AE0] =	vst v0  }
0x54: {  	[tilespmem:$0x6AF0] =	vst v0  }
0x55: {  	[tilespmem:$0x6B00] =	vst v0  }
0x56: {  	[tilespmem:$0x6B10] =	vst v0  }
0x57: {  	[tilespmem:$0x6B20] =	vst v0  }
0x58: {  	[tilespmem:$0x6B30] =	vst v0  }
0x59: {  	[tilespmem:$0x6B40] =	vst v0  }
0x5a: {  	[tilespmem:$0x6B50] =	vst v0  }
0x5b: {  	[tilespmem:$0x6B60] =	vst v0  }
0x5c: {  	[tilespmem:$0x6B70] =	vst v0  }
0x5d: {  	[tilespmem:$0x6B80] =	vst v0  }
0x5e: {  	[tilespmem:$0x6B90] =	vst v0  }
0x5f: {  	[tilespmem:$0x6BA0] =	vst v0  }
0x60: {  	[tilespmem:$0x6BB0] =	vst v0  }
0x61: {  	[tilespmem:$0x6BC0] =	vst v0  }
0x62: {  	[tilespmem:$0x6BD0] =	vst v0  }
0x63: {  	[tilespmem:$0x6BE0] =	vst v0  }
0x64: {  	[tilespmem:$0x6BF0] =	vst v0  }
0x65: {  	[tilespmem:$0x6C00] =	vst v0  }
0x66: {  	[tilespmem:$0x6C10] =	vst v0  }
0x67: {  	[tilespmem:$0x6C20] =	vst v0  }
0x68: {  	[tilespmem:$0x6C30] =	vst v0  }
0x69: {  	[tilespmem:$0x6C40] =	vst v0  }
0x6a: {  	[tilespmem:$0x6C50] =	vst v0  }
0x6b: {  	[tilespmem:$0x6C60] =	vst v0  }
0x6c: {  	[tilespmem:$0x6C70] =	vst v0  }
0x6d: {  	[tilespmem:$0x6C80] =	vst v0  }
0x6e: {  	[tilespmem:$0x6C90] =	vst v0  }
0x6f: {  	[tilespmem:$0x6CA0] =	vst v0  }
0x70: {  	[tilespmem:$0x6CB0] =	vst v0  }
0x71: {  	[tilespmem:$0x6CC0] =	vst v0  }
0x72: {  	[tilespmem:$0x6CD0] =	vst v0  }
0x73: {  	[tilespmem:$0x6CE0] =	vst v0  }
0x74: {  	[tilespmem:$0x6CF0] =	vst v0  }
0x75: {  	[tilespmem:$0x6D00] =	vst v0  }
0x76: {  	[tilespmem:$0x6D10] =	vst v0  }
0x77: {  	[tilespmem:$0x6D20] =	vst v0  }
0x78: {  	[tilespmem:$0x6D30] =	vst v0  }
0x79: {  	[tilespmem:$0x6D40] =	vst v0  }
0x7a: {  	[tilespmem:$0x6D50] =	vst v0  }
0x7b: {  	[tilespmem:$0x6D60] =	vst v0  }
0x7c: {  	[tilespmem:$0x6D70] =	vst v0  }
0x7d: {  	[tilespmem:$0x6D80] =	vst v0  }
0x7e: {  	[tilespmem:$0x6D90] =	vst v0  }
0x7f: {  	[tilespmem:$0x6DA0] =	vst v0  }
0x80: {  	[tilespmem:$0x6DB0] =	vst v0  }
0x81: {  	[tilespmem:$0x6DC0] =	vst v0  }
0x82: {  	[tilespmem:$0x6DD0] =	vst v0  }
0x83: {  	[tilespmem:$0x6DE0] =	vst v0  }
0x84: {  	[tilespmem:$0x6DF0] =	vst v0  }
0x85: {  	[tilespmem:$0x6E00] =	vst v0  }
0x86: {  	[tilespmem:$0x6E10] =	vst v0  }
0x87: {  	[tilespmem:$0x6E20] =	vst v0  }
0x88: {  	[tilespmem:$0x6E30] =	vst v0  }
0x89: {  	[tilespmem:$0x6E40] =	vst v0  }
0x8a: {  	[tilespmem:$0x6E50] =	vst v0  }
0x8b: {  	[tilespmem:$0x6E60] =	vst v0  }
0x8c: {  	[tilespmem:$0x6E70] =	vst v0  }
0x8d: {  	[tilespmem:$0x6E80] =	vst v0  }
0x8e: {  	[tilespmem:$0x6E90] =	vst v0  }
0x8f: {  	[tilespmem:$0x6EA0] =	vst v0  }
0x90: {  	[tilespmem:$0x6EB0] =	vst v0  }
0x91: {  	[tilespmem:$0x6EC0] =	vst v0  }
0x92: {  	[tilespmem:$0x6ED0] =	vst v0  }
0x93: {  	[tilespmem:$0x6EE0] =	vst v0  }
0x94: {  	[tilespmem:$0x6EF0] =	vst v0  }
0x95: {  	[tilespmem:$0x6F00] =	vst v0  }
0x96: {  	[tilespmem:$0x6F10] =	vst v0  }
0x97: {  	[tilespmem:$0x6F20] =	vst v0  }
0x98: {  	[tilespmem:$0x6F30] =	vst v0  }
0x99: {  	[tilespmem:$0x6F40] =	vst v0  }
0x9a: {  	[tilespmem:$0x6F50] =	vst v0  }
0x9b: {  	[tilespmem:$0x6F60] =	vst v0  }
0x9c: {  	s31 =	sadd.s32 $0x0, s6;
	[tilespmem:$0x6F70] =	vst v0  }
0x9d: {  	[spmem:s31] =	stream.linear.scatter [tilespmem:s14], [sflag:$0x5], $0x800, $0x38;
	[tilespmem:$0x1F780] =	vst v63  }
0x9e: {  	s0 =	simm.s32 $0x2000;
	_ =	swait.ge [sflag:s12], $0x800  }
.LBB2_2:
0x9f: {  	s10 =	sshra.s32 s0, $0x2;
	[sflag:s12] =	ssyncset.done $0x0;
	p0 =	sne.s32 s0, $0x4E000  }
.Ltmp0:
0xa0: {  	s10 =	sadd.s32 s10, s6;
	[sflag:s12] =	ssyncadd.s32 $0xFFFFF800;
	(pc) =	sbr.rel @p0 .LBB2_2-.Ltmp0, $3  }
0xa1: {  	[spmem:s10] =	stream.linear.scatter [tilespmem:s14], [sflag:$0x5], $0x800, $0x38;
	[tilespmem:$0x1F780] =	vst v63  }
0xa2: {  	s0 =	sadd.s32 $0x2000, s0;
	_ =	sdelay $0x1  }
0xa3: {  	_ =	swait.ge [sflag:s12], $0x800  }
0xa4: {  	[sflag:s12] =	ssyncset.done $0x0  }
0xa5: {  	[sflag:s12] =	ssyncadd.s32 $0xFFFFF800  }
0xa6: {  	s0 =	simm.s32 $0x0;
	[bflag:$0x0] =	sbarrier.arrive $0xFFFF  }
0xa7: {  	[tilespmem:s14], [sflag:$0x1] =	stream.indirect.gather [hbm4b:s7+s15], $0x80, s0, s15, $0xb8;
	[tilespmem:$0x1F780] =	vst v63  }
0xa8: {  	_ = 	snop  }
0xa9: {  	[tilespmem:s16], [sflag:$0x2] =	stream.indirect.gather [hbm4b:s7+s15], $0x80, s15, s15, $0xb8;
	[tilespmem:$0x1F780] =	vst v63  }
0xaa: {  	_ =	swait.ge [sflag:s17], $0x2800  }
0xab: {  	[sflag:s17] =	ssyncset.done $0x0  }
0xac: {  	s11 =	simm.s32 $0x2780;
	[sflag:s17] =	ssyncadd.s32 $0xFFFFD800  }
0xad: {  	[spmem:s2] =	stream.indirect.scatter.add.f32 [tilespmem:s14], [sflag:$0x3], $0x80, s11, s15, $0xb8;
	[tilespmem:$0x1F780] =	vst v63  }
0xae: {  	_ =	swait.ge [sflag:s18], $0x2800  }
0xaf: {  	[sflag:s18] =	ssyncset.done $0x0  }
0xb0: {  	s13 =	simm.s32 $0xA0;
	[sflag:s18] =	ssyncadd.s32 $0xFFFFD800  }
0xb1: {  	[tilespmem:s14], [sflag:$0x1] =	stream.indirect.gather [hbm4b:s7+s15], $0x80, s13, s15, $0xb8;
	[tilespmem:$0x1F780] =	vst v63  }
0xb2: {  	_ =	swait.ge [sflag:s19], $0x2800  }
0xb3: {  	[sflag:s19] =	ssyncset.done $0x0  }
0xb4: {  	s31 =	simm.s32 $0x2800;
	[sflag:s19] =	ssyncadd.s32 $0xFFFFD800  }
0xb5: {  	[spmem:s2] =	stream.indirect.scatter.add.f32 [tilespmem:s16], [sflag:$0x4], $0x80, s31, s15, $0xb8;
	[tilespmem:$0x1F780] =	vst v63  }
0xb6: {  	_ =	swait.ge [sflag:s20], $0x2800  }
0xb7: {  	s29 =	simm.s32 $0xF0;
	[sflag:s20] =	ssyncset.done $0x0  }
0xb8: {  	s30 =	simm.s32 $0x400;
	s0 =	simm.s32 $0x190;
	[sflag:s20] =	ssyncadd.s32 $0xFFFFD800  }
.LBB2_4:
0xb9: {  	[tilespmem:s16], [sflag:$0x2] =	stream.indirect.gather [hbm4b:s7+s15], $0x80, s29, s15, $0xb8;
	[tilespmem:$0x1F780] =	vst v63  }
0xba: {  	s10 =	smov.u32 s30;
	s29 =	smov.u32 s0  }
0xbb: {  	p0 =	sne.s32 s30, $0xF000;
	s30 =	sadd.s32 $0x400, s30;
	_ =	swait.ge [sflag:s17], $0x2800  }
0xbc: {  	s10 =	sshra.s32 s10, $0x2;
	[sflag:s17] =	ssyncset.done $0x0  }
0xbd: {  	s31 =	sadd.s32 $0x2780, s10;
	[sflag:s17] =	ssyncadd.s32 $0xFFFFD800  }
0xbe: {  	[spmem:s2] =	stream.indirect.scatter.add.f32 [tilespmem:s14], [sflag:$0x3], $0x80, s31, s15, $0xb8;
	[tilespmem:$0x1F780] =	vst v63  }
0xbf: {  	_ =	swait.ge [sflag:s18], $0x2800  }
0xc0: {  	[sflag:s18] =	ssyncset.done $0x0  }
0xc1: {  	s31 =	sadd.s32 $0xFFFFFFB0, s0;
	[sflag:s18] =	ssyncadd.s32 $0xFFFFD800  }
0xc2: {  	[tilespmem:s14], [sflag:$0x1] =	stream.indirect.gather [hbm4b:s7+s15], $0x80, s31, s15, $0xb8;
	[tilespmem:$0x1F780] =	vst v63  }
0xc3: {  	_ =	swait.ge [sflag:s19], $0x2800  }
0xc4: {  	[sflag:s19] =	ssyncset.done $0x0  }
.Ltmp1:
0xc5: {  	s10 =	sadd.s32 $0x2800, s10;
	[sflag:s19] =	ssyncadd.s32 $0xFFFFD800;
	(pc) =	sbr.rel @p0 .LBB2_4-.Ltmp1, $4  }
0xc6: {  	[spmem:s2] =	stream.indirect.scatter.add.f32 [tilespmem:s16], [sflag:$0x4], $0x80, s10, s15, $0xb8;
	[tilespmem:$0x1F780] =	vst v63  }
0xc7: {  	_ =	swait.ge [sflag:s20], $0x2800  }
0xc8: {  	[sflag:s20] =	ssyncset.done $0x0  }
0xc9: {  	s0 =	sadd.s32 $0xA0, s0;
	[sflag:s20] =	ssyncadd.s32 $0xFFFFD800  }
0xca: {  	[tilespmem:s16], [sflag:$0x2] =	stream.indirect.gather [hbm4b:s7+s15], $0x80, s29, s15, $0xb8;
	[tilespmem:$0x1F780] =	vst v63  }
0xcb: {  	_ =	swait.ge [sflag:s17], $0x2800  }
0xcc: {  	[sflag:s17] =	ssyncset.done $0x0  }
0xcd: {  	[sflag:s17] =	ssyncadd.s32 $0xFFFFD800  }
0xce: {  	[spmem:s2] =	stream.indirect.scatter.add.f32 [tilespmem:s14], [sflag:$0x3], $0x80, s21, s15, $0xb8;
	[tilespmem:$0x1F780] =	vst v63  }
0xcf: {  	_ =	swait.ge [sflag:s18], $0x2800  }
0xd0: {  	[sflag:s18] =	ssyncset.done $0x0  }
0xd1: {  	[sflag:s18] =	ssyncadd.s32 $0xFFFFD800  }
0xd2: {  	[tilespmem:s14], [sflag:$0x1] =	stream.indirect.gather [hbm4b:s7+s15], $0x80, s22, s15, $0xb8;
	[tilespmem:$0x1F780] =	vst v63  }
0xd3: {  	_ =	swait.ge [sflag:s19], $0x2800  }
0xd4: {  	[sflag:s19] =	ssyncset.done $0x0  }
0xd5: {  	[sflag:s19] =	ssyncadd.s32 $0xFFFFD800  }
0xd6: {  	[spmem:s2] =	stream.indirect.scatter.add.f32 [tilespmem:s16], [sflag:$0x4], $0x80, s25, s15, $0xb8;
	[tilespmem:$0x1F780] =	vst v63  }
0xd7: {  	_ =	swait.ge [sflag:s20], $0x2800  }
0xd8: {  	[sflag:s20] =	ssyncset.done $0x0  }
0xd9: {  	[sflag:s20] =	ssyncadd.s32 $0xFFFFD800  }
0xda: {  	_ =	swait.ge [sflag:s17], $0x2800  }
0xdb: {  	[sflag:s17] =	ssyncset.done $0x0  }
0xdc: {  	[sflag:s17] =	ssyncadd.s32 $0xFFFFD800  }
0xdd: {  	[spmem:s2] =	stream.indirect.scatter.add.f32 [tilespmem:s14], [sflag:$0x3], $0x80, s26, s15, $0xb8;
	[tilespmem:$0x1F780] =	vst v63  }
0xde: {  	_ =	swait.ge [sflag:s18], $0x2800  }
0xdf: {  	[sflag:s18] =	ssyncset.done $0x0  }
0xe0: {  	s0 =	sshll.u32 s1, $0x6;
	[sflag:s18] =	ssyncadd.s32 $0xFFFFD800  }
0xe1: {  	s30 =	sshrl.u32 s6, $0x3;
	s29 =	sor.u32 $0x1C05, s0;
	[bflag:$0x0] =	sbarrier.arrive $0xFFFF  }
0xe2: {  	[hbm:s23], [sflag:s29] =	dma.local [spmem:s30], $0x2800  }
0xe3: {  	_ =	swait.ge [sflag:s12], $0x2800  }
0xe4: {  	[sflag:s12] =	ssyncset.done $0x0  }
0xe5: {  	[sflag:s12] =	ssyncadd.s32 $0xFFFFD800  }
0xe6: {  	[bflag:$0x0] =	sbarrier.arrive $0xFFFF  }
0xe7: {  	[tilespmem:$0x6780] =	vst v0  }
0xe8: {  	[tilespmem:$0x6790] =	vst v0  }
0xe9: {  	[tilespmem:$0x67A0] =	vst v0  }
0xea: {  	[tilespmem:$0x67B0] =	vst v0  }
0xeb: {  	[tilespmem:$0x67C0] =	vst v0  }
0xec: {  	[tilespmem:$0x67D0] =	vst v0  }
0xed: {  	[tilespmem:$0x67E0] =	vst v0  }
0xee: {  	[tilespmem:$0x67F0] =	vst v0  }
0xef: {  	[tilespmem:$0x6800] =	vst v0  }
0xf0: {  	[tilespmem:$0x6810] =	vst v0  }
0xf1: {  	[tilespmem:$0x6820] =	vst v0  }
0xf2: {  	[tilespmem:$0x6830] =	vst v0  }
0xf3: {  	[tilespmem:$0x6840] =	vst v0  }
0xf4: {  	[tilespmem:$0x6850] =	vst v0  }
0xf5: {  	[tilespmem:$0x6860] =	vst v0  }
0xf6: {  	[tilespmem:$0x6870] =	vst v0  }
0xf7: {  	[tilespmem:$0x6880] =	vst v0  }
0xf8: {  	[tilespmem:$0x6890] =	vst v0  }
0xf9: {  	[tilespmem:$0x68A0] =	vst v0  }
0xfa: {  	[tilespmem:$0x68B0] =	vst v0  }
0xfb: {  	[tilespmem:$0x68C0] =	vst v0  }
0xfc: {  	[tilespmem:$0x68D0] =	vst v0  }
0xfd: {  	[tilespmem:$0x68E0] =	vst v0  }
0xfe: {  	[tilespmem:$0x68F0] =	vst v0  }
0xff: {  	[tilespmem:$0x6900] =	vst v0  }
0x100: {  	[tilespmem:$0x6910] =	vst v0  }
0x101: {  	[tilespmem:$0x6920] =	vst v0  }
0x102: {  	[tilespmem:$0x6930] =	vst v0  }
0x103: {  	[tilespmem:$0x6940] =	vst v0  }
0x104: {  	[tilespmem:$0x6950] =	vst v0  }
0x105: {  	[tilespmem:$0x6960] =	vst v0  }
0x106: {  	[tilespmem:$0x6970] =	vst v0  }
0x107: {  	[tilespmem:$0x6980] =	vst v0  }
0x108: {  	[tilespmem:$0x6990] =	vst v0  }
0x109: {  	[tilespmem:$0x69A0] =	vst v0  }
0x10a: {  	[tilespmem:$0x69B0] =	vst v0  }
0x10b: {  	[tilespmem:$0x69C0] =	vst v0  }
0x10c: {  	[tilespmem:$0x69D0] =	vst v0  }
0x10d: {  	[tilespmem:$0x69E0] =	vst v0  }
0x10e: {  	[tilespmem:$0x69F0] =	vst v0  }
0x10f: {  	[tilespmem:$0x6A00] =	vst v0  }
0x110: {  	[tilespmem:$0x6A10] =	vst v0  }
0x111: {  	[tilespmem:$0x6A20] =	vst v0  }
0x112: {  	[tilespmem:$0x6A30] =	vst v0  }
0x113: {  	[tilespmem:$0x6A40] =	vst v0  }
0x114: {  	[tilespmem:$0x6A50] =	vst v0  }
0x115: {  	[tilespmem:$0x6A60] =	vst v0  }
0x116: {  	[tilespmem:$0x6A70] =	vst v0  }
0x117: {  	[tilespmem:$0x6A80] =	vst v0  }
0x118: {  	[tilespmem:$0x6A90] =	vst v0  }
0x119: {  	[tilespmem:$0x6AA0] =	vst v0  }
0x11a: {  	[tilespmem:$0x6AB0] =	vst v0  }
0x11b: {  	[tilespmem:$0x6AC0] =	vst v0  }
0x11c: {  	[tilespmem:$0x6AD0] =	vst v0  }
0x11d: {  	[tilespmem:$0x6AE0] =	vst v0  }
0x11e: {  	[tilespmem:$0x6AF0] =	vst v0  }
0x11f: {  	[tilespmem:$0x6B00] =	vst v0  }
0x120: {  	[tilespmem:$0x6B10] =	vst v0  }
0x121: {  	[tilespmem:$0x6B20] =	vst v0  }
0x122: {  	[tilespmem:$0x6B30] =	vst v0  }
0x123: {  	[tilespmem:$0x6B40] =	vst v0  }
0x124: {  	[tilespmem:$0x6B50] =	vst v0  }
0x125: {  	[tilespmem:$0x6B60] =	vst v0  }
0x126: {  	[tilespmem:$0x6B70] =	vst v0  }
0x127: {  	[tilespmem:$0x6B80] =	vst v0  }
0x128: {  	[tilespmem:$0x6B90] =	vst v0  }
0x129: {  	[tilespmem:$0x6BA0] =	vst v0  }
0x12a: {  	[tilespmem:$0x6BB0] =	vst v0  }
0x12b: {  	[tilespmem:$0x6BC0] =	vst v0  }
0x12c: {  	[tilespmem:$0x6BD0] =	vst v0  }
0x12d: {  	[tilespmem:$0x6BE0] =	vst v0  }
0x12e: {  	[tilespmem:$0x6BF0] =	vst v0  }
0x12f: {  	[tilespmem:$0x6C00] =	vst v0  }
0x130: {  	[tilespmem:$0x6C10] =	vst v0  }
0x131: {  	[tilespmem:$0x6C20] =	vst v0  }
0x132: {  	[tilespmem:$0x6C30] =	vst v0  }
0x133: {  	[tilespmem:$0x6C40] =	vst v0  }
0x134: {  	[tilespmem:$0x6C50] =	vst v0  }
0x135: {  	[tilespmem:$0x6C60] =	vst v0  }
0x136: {  	[tilespmem:$0x6C70] =	vst v0  }
0x137: {  	[tilespmem:$0x6C80] =	vst v0  }
0x138: {  	[tilespmem:$0x6C90] =	vst v0  }
0x139: {  	[tilespmem:$0x6CA0] =	vst v0  }
0x13a: {  	[tilespmem:$0x6CB0] =	vst v0  }
0x13b: {  	[tilespmem:$0x6CC0] =	vst v0  }
0x13c: {  	[tilespmem:$0x6CD0] =	vst v0  }
0x13d: {  	[tilespmem:$0x6CE0] =	vst v0  }
0x13e: {  	[tilespmem:$0x6CF0] =	vst v0  }
0x13f: {  	[tilespmem:$0x6D00] =	vst v0  }
0x140: {  	[tilespmem:$0x6D10] =	vst v0  }
0x141: {  	[tilespmem:$0x6D20] =	vst v0  }
0x142: {  	[tilespmem:$0x6D30] =	vst v0  }
0x143: {  	[tilespmem:$0x6D40] =	vst v0  }
0x144: {  	[tilespmem:$0x6D50] =	vst v0  }
0x145: {  	[tilespmem:$0x6D60] =	vst v0  }
0x146: {  	[tilespmem:$0x6D70] =	vst v0  }
0x147: {  	[tilespmem:$0x6D80] =	vst v0  }
0x148: {  	[tilespmem:$0x6D90] =	vst v0  }
0x149: {  	[tilespmem:$0x6DA0] =	vst v0  }
0x14a: {  	[tilespmem:$0x6DB0] =	vst v0  }
0x14b: {  	[tilespmem:$0x6DC0] =	vst v0  }
0x14c: {  	[tilespmem:$0x6DD0] =	vst v0  }
0x14d: {  	[tilespmem:$0x6DE0] =	vst v0  }
0x14e: {  	[tilespmem:$0x6DF0] =	vst v0  }
0x14f: {  	[tilespmem:$0x6E00] =	vst v0  }
0x150: {  	[tilespmem:$0x6E10] =	vst v0  }
0x151: {  	[tilespmem:$0x6E20] =	vst v0  }
0x152: {  	[tilespmem:$0x6E30] =	vst v0  }
0x153: {  	[tilespmem:$0x6E40] =	vst v0  }
0x154: {  	[tilespmem:$0x6E50] =	vst v0  }
0x155: {  	[tilespmem:$0x6E60] =	vst v0  }
0x156: {  	[tilespmem:$0x6E70] =	vst v0  }
0x157: {  	[tilespmem:$0x6E80] =	vst v0  }
0x158: {  	[tilespmem:$0x6E90] =	vst v0  }
0x159: {  	[tilespmem:$0x6EA0] =	vst v0  }
0x15a: {  	[tilespmem:$0x6EB0] =	vst v0  }
0x15b: {  	[tilespmem:$0x6EC0] =	vst v0  }
0x15c: {  	[tilespmem:$0x6ED0] =	vst v0  }
0x15d: {  	[tilespmem:$0x6EE0] =	vst v0  }
0x15e: {  	[tilespmem:$0x6EF0] =	vst v0  }
0x15f: {  	[tilespmem:$0x6F00] =	vst v0  }
0x160: {  	[tilespmem:$0x6F10] =	vst v0  }
0x161: {  	[tilespmem:$0x6F20] =	vst v0  }
0x162: {  	[tilespmem:$0x6F30] =	vst v0  }
0x163: {  	[tilespmem:$0x6F40] =	vst v0  }
0x164: {  	[tilespmem:$0x6F50] =	vst v0  }
0x165: {  	[tilespmem:$0x6F60] =	vst v0  }
0x166: {  	s31 =	sadd.s32 $0x0, s6;
	[tilespmem:$0x6F70] =	vst v0  }
0x167: {  	[spmem:s31] =	stream.linear.scatter [tilespmem:s14], [sflag:$0x5], $0x800, $0x38;
	[tilespmem:$0x1F780] =	vst v63  }
0x168: {  	s0 =	simm.s32 $0x2000;
	_ =	swait.ge [sflag:s12], $0x800  }
.LBB2_6:
0x169: {  	s10 =	sshra.s32 s0, $0x2;
	[sflag:s12] =	ssyncset.done $0x0;
	p0 =	sne.s32 s0, $0x4E000  }
.Ltmp2:
0x16a: {  	s10 =	sadd.s32 s10, s6;
	[sflag:s12] =	ssyncadd.s32 $0xFFFFF800;
	(pc) =	sbr.rel @p0 .LBB2_6-.Ltmp2, $3  }
0x16b: {  	[spmem:s10] =	stream.linear.scatter [tilespmem:s14], [sflag:$0x5], $0x800, $0x38;
	[tilespmem:$0x1F780] =	vst v63  }
0x16c: {  	s0 =	sadd.s32 $0x2000, s0;
	_ =	sdelay $0x1  }
0x16d: {  	_ =	swait.ge [sflag:s12], $0x800  }
0x16e: {  	[sflag:s12] =	ssyncset.done $0x0  }
0x16f: {  	[sflag:s12] =	ssyncadd.s32 $0xFFFFF800  }
0x170: {  	s0 =	simm.s32 $0x0;
	[bflag:$0x0] =	sbarrier.arrive $0xFFFF  }
0x171: {  	[tilespmem:s14], [sflag:$0x1] =	stream.indirect.gather [hbm4b:s8+s15], $0x80, s0, s15, $0xb8;
	[tilespmem:$0x1F780] =	vst v63  }
0x172: {  	_ = 	snop  }
0x173: {  	[tilespmem:s16], [sflag:$0x2] =	stream.indirect.gather [hbm4b:s8+s15], $0x80, s15, s15, $0xb8;
	[tilespmem:$0x1F780] =	vst v63  }
0x174: {  	_ =	swait.ge [sflag:s17], $0x2800  }
0x175: {  	[sflag:s17] =	ssyncset.done $0x0  }
0x176: {  	s10 =	simm.s32 $0x2780;
	[sflag:s17] =	ssyncadd.s32 $0xFFFFD800  }
0x177: {  	[spmem:s2] =	stream.indirect.scatter.add.f32 [tilespmem:s14], [sflag:$0x3], $0x80, s10, s15, $0xb8;
	[tilespmem:$0x1F780] =	vst v63  }
0x178: {  	_ =	swait.ge [sflag:s18], $0x2800  }
0x179: {  	[sflag:s18] =	ssyncset.done $0x0  }
0x17a: {  	s11 =	simm.s32 $0xA0;
	[sflag:s18] =	ssyncadd.s32 $0xFFFFD800  }
0x17b: {  	[tilespmem:s14], [sflag:$0x1] =	stream.indirect.gather [hbm4b:s8+s15], $0x80, s11, s15, $0xb8;
	[tilespmem:$0x1F780] =	vst v63  }
0x17c: {  	_ =	swait.ge [sflag:s19], $0x2800  }
0x17d: {  	[sflag:s19] =	ssyncset.done $0x0  }
0x17e: {  	s13 =	simm.s32 $0x2800;
	[sflag:s19] =	ssyncadd.s32 $0xFFFFD800  }
0x17f: {  	[spmem:s2] =	stream.indirect.scatter.add.f32 [tilespmem:s16], [sflag:$0x4], $0x80, s13, s15, $0xb8;
	[tilespmem:$0x1F780] =	vst v63  }
0x180: {  	_ =	swait.ge [sflag:s20], $0x2800  }
0x181: {  	s31 =	simm.s32 $0xF0;
	[sflag:s20] =	ssyncset.done $0x0  }
0x182: {  	s0 =	simm.s32 $0x400;
	s10 =	simm.s32 $0x190;
	[sflag:s20] =	ssyncadd.s32 $0xFFFFD800  }
.LBB2_8:
0x183: {  	[tilespmem:s16], [sflag:$0x2] =	stream.indirect.gather [hbm4b:s8+s15], $0x80, s31, s15, $0xb8;
	[tilespmem:$0x1F780] =	vst v63  }
0x184: {  	s11 =	smov.u32 s0;
	s31 =	smov.u32 s10  }
0x185: {  	p0 =	sne.s32 s0, $0xF000;
	s0 =	sadd.s32 $0x400, s0;
	_ =	swait.ge [sflag:s17], $0x2800  }
0x186: {  	s11 =	sshra.s32 s11, $0x2;
	[sflag:s17] =	ssyncset.done $0x0  }
0x187: {  	s13 =	sadd.s32 $0x2780, s11;
	[sflag:s17] =	ssyncadd.s32 $0xFFFFD800  }
0x188: {  	[spmem:s2] =	stream.indirect.scatter.add.f32 [tilespmem:s14], [sflag:$0x3], $0x80, s13, s15, $0xb8;
	[tilespmem:$0x1F780] =	vst v63  }
0x189: {  	_ =	swait.ge [sflag:s18], $0x2800  }
0x18a: {  	[sflag:s18] =	ssyncset.done $0x0  }
0x18b: {  	s13 =	sadd.s32 $0xFFFFFFB0, s10;
	[sflag:s18] =	ssyncadd.s32 $0xFFFFD800  }
0x18c: {  	[tilespmem:s14], [sflag:$0x1] =	stream.indirect.gather [hbm4b:s8+s15], $0x80, s13, s15, $0xb8;
	[tilespmem:$0x1F780] =	vst v63  }
0x18d: {  	_ =	swait.ge [sflag:s19], $0x2800  }
0x18e: {  	[sflag:s19] =	ssyncset.done $0x0  }
.Ltmp3:
0x18f: {  	s11 =	sadd.s32 $0x2800, s11;
	[sflag:s19] =	ssyncadd.s32 $0xFFFFD800;
	(pc) =	sbr.rel @p0 .LBB2_8-.Ltmp3, $4  }
0x190: {  	[spmem:s2] =	stream.indirect.scatter.add.f32 [tilespmem:s16], [sflag:$0x4], $0x80, s11, s15, $0xb8;
	[tilespmem:$0x1F780] =	vst v63  }
0x191: {  	_ =	swait.ge [sflag:s20], $0x2800  }
0x192: {  	[sflag:s20] =	ssyncset.done $0x0  }
0x193: {  	s10 =	sadd.s32 $0xA0, s10;
	[sflag:s20] =	ssyncadd.s32 $0xFFFFD800  }
0x194: {  	[tilespmem:s16], [sflag:$0x2] =	stream.indirect.gather [hbm4b:s8+s15], $0x80, s31, s15, $0xb8;
	[tilespmem:$0x1F780] =	vst v63  }
0x195: {  	_ =	swait.ge [sflag:s17], $0x2800  }
0x196: {  	[sflag:s17] =	ssyncset.done $0x0  }
0x197: {  	[sflag:s17] =	ssyncadd.s32 $0xFFFFD800  }
0x198: {  	[spmem:s2] =	stream.indirect.scatter.add.f32 [tilespmem:s14], [sflag:$0x3], $0x80, s21, s15, $0xb8;
	[tilespmem:$0x1F780] =	vst v63  }
0x199: {  	_ =	swait.ge [sflag:s18], $0x2800  }
0x19a: {  	[sflag:s18] =	ssyncset.done $0x0  }
0x19b: {  	[sflag:s18] =	ssyncadd.s32 $0xFFFFD800  }
0x19c: {  	[tilespmem:s14], [sflag:$0x1] =	stream.indirect.gather [hbm4b:s8+s15], $0x80, s22, s15, $0xb8;
	[tilespmem:$0x1F780] =	vst v63  }
0x19d: {  	_ =	swait.ge [sflag:s19], $0x2800  }
0x19e: {  	[sflag:s19] =	ssyncset.done $0x0  }
0x19f: {  	[sflag:s19] =	ssyncadd.s32 $0xFFFFD800  }
0x1a0: {  	[spmem:s2] =	stream.indirect.scatter.add.f32 [tilespmem:s16], [sflag:$0x4], $0x80, s25, s15, $0xb8;
	[tilespmem:$0x1F780] =	vst v63  }
0x1a1: {  	_ =	swait.ge [sflag:s20], $0x2800  }
0x1a2: {  	[sflag:s20] =	ssyncset.done $0x0  }
0x1a3: {  	[sflag:s20] =	ssyncadd.s32 $0xFFFFD800  }
0x1a4: {  	_ =	swait.ge [sflag:s17], $0x2800  }
0x1a5: {  	[sflag:s17] =	ssyncset.done $0x0  }
0x1a6: {  	[sflag:s17] =	ssyncadd.s32 $0xFFFFD800  }
0x1a7: {  	[spmem:s2] =	stream.indirect.scatter.add.f32 [tilespmem:s14], [sflag:$0x3], $0x80, s26, s15, $0xb8;
	[tilespmem:$0x1F780] =	vst v63  }
0x1a8: {  	_ =	swait.ge [sflag:s18], $0x2800  }
0x1a9: {  	s28 =	sadd.s32 $0x1, s28;
	[sflag:s18] =	ssyncset.done $0x0  }
0x1aa: {  	p0 =	sne.s32 s28, s9;
	[sflag:s18] =	ssyncadd.s32 $0xFFFFD800  }
.Ltmp4:
0x1ab: {  	[bflag:$0x0] =	sbarrier.arrive $0xFFFF;
	(pc) =	sbr.rel @p0 .LBB2_1-.Ltmp4, $4  }
0x1ac: {  	[hbm:s24], [sflag:s29] =	dma.local [spmem:s30], $0x2800  }
0x1ad: {  	_ =	swait.ge [sflag:s12], $0x2800  }
0x1ae: {  	[sflag:s12] =	ssyncset.done $0x0  }
0x1af: {  	[sflag:s12] =	ssyncadd.s32 $0xFFFFD800  }
0x1b0: {  	_ =	sfence.sel $0x180000  }
0x1b1: {  	[bflag:$0x0] =	sbarrier.arrive $0xFFFF  }
0x1b2: {  	_ =	strace $0x9000004A  }
0x1b3: {  	[bflag:$0x2] =	sbarrier.arrive $0xFFFF  }
0x1b4: {  	p0 =	sne.s32 s1, $0x0;
	s0 =	rddreg [dreg:$0x2]  }
0x1b5: {  	s0 =	sadd.s32 @!p0 $0x100000, s0  }
0x1b6: {  	[sflag:s0] =	ssyncadd.tile.s32 @!p0 $0x1;
	_ =	shalt  }
.Lfunc_end2:
_tile_overlayer_lowered:
.L_overlay_start_2:
0x1b7: {  	(tag) =	ssettag $0x2  }
0x1b8: {  	s0 =	rddreg [dreg:$0x0];
	s2 =	stileid.u32  }
0x1b9: {  	s1 =	rddreg [dreg:$0x1];
	p0 =	sne.s32 s2, $0x0  }
0x1ba: {  	s3 =	rddreg [dreg:$0x2];
	[bflag:$0x3] =	sbarrier.arrive $0xFFFF;
	s2 =	simm.s32 @!p0 $0x1C05  }
0x1bb: {  	[timem:s3], [sflag:s2] =	dma.local @!p0 [hbm:s0], s1  }
0x1bc: {  	s0 =	simm.s32 @!p0 $0x5  }
0x1bd: {  	_ =	swait.ge @!p0 [sflag:s0], s1  }
0x1be: {  	s1 =	ssub.s32 @!p0 $0x0, s1;
	[sflag:s0] =	ssyncset.done @!p0 $0x0  }
0x1bf: {  	[sflag:s0] =	ssyncadd.s32 @!p0 s1  }
0x1c0: {  	[bflag:$0x3] =	sbarrier.arrive $0xFFFF  }
0x1c1: {  	_ =	shalt  }

</sc_bundles>
